<compile_context>
chip_gen: v7x
topology: tpu7x:2x2x1
jax: 0.10.2.dev20260603
libtpu: 0.0.44.dev20260713+nightly
codegen_flags: <defaults>
</compile_context>

<pallas_src>
import functools

import jax
import jax.numpy as jnp
from jax import lax
from jax.experimental import pallas as pl
from jax.experimental.pallas import tpu as pltpu
from jax.experimental.pallas import tpu_sc as plsc

N_ATOMS = 110000
D = 128
PER_DEG = 10000
MAX_DEG = 10

NC = 2
NS = 16
NW = NC * NS

CHUNK = 320
NLANE = 16
NSLOT = D // NLANE

STAGES = ((1, 2, 3), (4, 5, 6, 7), (8, 9, 10))


def _make_sc_body(degs):
    n_cols = sum(degs)
    col_of = {}
    run = 0
    for d in degs:
        col_of[d] = run
        run += d

    def body(table, *rest):
        idxs = dict(zip(degs, rest[:len(degs)]))
        out = rest[len(degs)]
        idx_v = rest[len(degs) + 1:len(degs) + 1 + n_cols]
        acc_v, sem_idx, sem_add0, sem_add1 = rest[len(degs) + 1 + n_cols:]
        sem_add = (sem_add0, sem_add1)

        w = lax.axis_index("s") * NC + lax.axis_index("c")
        base = pl.multiple_of(
            jnp.where(w == NW - 1, PER_DEG - CHUNK, w * CHUNK), 8)

        idx_cps = []
        for d in degs:
            for j in range(d):
                idx_cps.append(pltpu.async_copy(
                    idxs[d].at[pl.ds(pl.multiple_of(j * PER_DEG + base, 8), CHUNK)],
                    idx_v[col_of[d] + j],
                    sem_idx,
                ))

        def zero_acc(p):
            zeros = jnp.zeros((NLANE,), jnp.float32)

            def zrow(i, _):
                for s in range(NSLOT):
                    acc_v[p, i, pl.ds(s * NLANE, NLANE)] = zeros
                return 0

            lax.fori_loop(0, CHUNK, zrow, 0)

        def fire_adds(p, d):
            return [
                pltpu.async_copy(
                    table.at[idx_v[col_of[d] + j]], acc_v.at[p], sem_add[p],
                    add=True)
                for j in range(d)
            ]

        def store(p, q):
            dst = pl.multiple_of(q * PER_DEG + base, 8)
            pltpu.sync_copy(acc_v.at[p], out.at[pl.ds(dst, CHUNK)])

        for cp in idx_cps:
            cp.wait()
        pending = [None, None]
        for q in range(min(2, len(degs))):
            zero_acc(q)
            pending[q] = fire_adds(q, degs[q])
        for q in range(2, len(degs)):
            p = q % 2
            for cp in pending[p]:
                cp.wait()
            store(p, q - 2)
            zero_acc(p)
            pending[p] = fire_adds(p, degs[q])
        for q in range(max(0, len(degs) - 2), len(degs)):
            p = q % 2
            for cp in pending[p]:
                cp.wait()
            store(p, q)

    return body, n_cols


def _sc_gather_sum(atom_features, idx_cols, degs):
    body, n_cols = _make_sc_body(degs)
    mesh = plsc.VectorSubcoreMesh(
        core_axis_name="c", subcore_axis_name="s", num_cores=NC, num_subcores=NS
    )
    fn = pl.kernel(
        body,
        out_type=jax.ShapeDtypeStruct((len(degs) * PER_DEG, D), jnp.float32),
        mesh=mesh,
        scratch_types=(
            [pltpu.VMEM((CHUNK,), jnp.int32)] * n_cols
            + [
                pltpu.VMEM((2, CHUNK, D), jnp.float32),
                pltpu.SemaphoreType.DMA,
                pltpu.SemaphoreType.DMA,
                pltpu.SemaphoreType.DMA,
            ]
        ),
    )
    return fn(atom_features, *[idx_cols[d - 1] for d in degs])


ROWS_PER_TILE = PER_DEG


def _tc_body(atom_ref, summed_ref, ws_ref, wr_ref, bs_ref, br_ref, out_ref,
             *, first_bucket):
    bucket = pl.program_id(0) + first_bucket
    acc = jnp.dot(atom_ref[...], ws_ref[0], preferred_element_type=jnp.float32)
    rel = jnp.dot(summed_ref[...], wr_ref[0], preferred_element_type=jnp.float32)
    rel = jnp.where(bucket == 0, 0.0, rel + br_ref[0])
    out_ref[...] = acc + rel + bs_ref[0]


def _tc_body_alias(atom_ref, summed_ref, ws_ref, wr_ref, bs_ref, br_ref,
                   alias_ref, out_ref, *, first_bucket):
    _tc_body(atom_ref, summed_ref, ws_ref, wr_ref, bs_ref, br_ref, out_ref,
             first_bucket=first_bucket)


def _weight_maps(first_bucket):
    def self_idx(i):
        bkt = i + first_bucket
        return jnp.where(bkt == 0, 2 * MAX_DEG, 2 * bkt - 1)

    def rel_idx(i):
        bkt = i + first_bucket
        return jnp.where(bkt == 0, 0, 2 * bkt - 2)

    return self_idx, rel_idx


def _tc_matmul(atom_features, summed, W, b3, first_bucket, n_buckets,
               partial_out=None):
    self_idx, rel_idx = _weight_maps(first_bucket)
    fb = first_bucket
    if fb == 0:
        summed_map = lambda i: (jnp.maximum(i - 1, 0), 0)
    else:
        summed_map = lambda i: (i, 0)
    in_specs = [
        pl.BlockSpec((ROWS_PER_TILE, D), lambda i: (i + fb, 0)),
        pl.BlockSpec((ROWS_PER_TILE, D), summed_map),
        pl.BlockSpec((1, D, D), lambda i: (self_idx(i), 0, 0)),
        pl.BlockSpec((1, D, D), lambda i: (rel_idx(i), 0, 0)),
        pl.BlockSpec((1, 1, D), lambda i: (self_idx(i), 0, 0)),
        pl.BlockSpec((1, 1, D), lambda i: (rel_idx(i), 0, 0)),
    ]
    args = [atom_features, summed, W, W, b3, b3]
    kw = {}
    if partial_out is None:
        body = functools.partial(_tc_body, first_bucket=fb)
    else:
        body = functools.partial(_tc_body_alias, first_bucket=fb)
        in_specs.append(pl.BlockSpec(memory_space=pl.ANY))
        args.append(partial_out)
        kw["input_output_aliases"] = {6: 0}
    return pl.pallas_call(
        body,
        grid=(n_buckets,),
        in_specs=in_specs,
        out_specs=pl.BlockSpec((ROWS_PER_TILE, D), lambda i: (i + fb, 0)),
        out_shape=jax.ShapeDtypeStruct((N_ATOMS, D), jnp.float32),
        **kw,
    )(*args)


def kernel(atom_features, deg_slice, membership, deg_adj_1, deg_adj_2,
           deg_adj_3, deg_adj_4, deg_adj_5, deg_adj_6, deg_adj_7, deg_adj_8,
           deg_adj_9, deg_adj_10, W, b):
    adjs = [deg_adj_1, deg_adj_2, deg_adj_3, deg_adj_4, deg_adj_5,
            deg_adj_6, deg_adj_7, deg_adj_8, deg_adj_9, deg_adj_10]
    idx_cols = [a.T.reshape(-1) for a in adjs]
    b3 = b.reshape(2 * MAX_DEG + 1, 1, D)
    summed = [_sc_gather_sum(atom_features, idx_cols, degs) for degs in STAGES]
    out = None
    fb = 0
    for si, degs in enumerate(STAGES):
        nb = len(degs) + (1 if si == 0 else 0)
        out = _tc_matmul(atom_features, summed[si], W, b3, fb, nb,
                         partial_out=out)
        fb += nb
    return out

# --- scband reference (transcript-rebuilt; emitter-appended) ---
"""Pipeline reference for scband-graph-conv-29746943492199 (READ-ONLY COPY).

The authoritative reference and input builder live on the scoring server;
editing this copy changes nothing except your own understanding.
"""

import jax, jax.numpy as jnp
import numpy as np

N_ATOMS = 110000
D_IN = 128
D_OUT = 128
MAX_DEG = 10
MIN_DEG = 0
PER_DEG = 10000
NUM_DEG = 2 * MAX_DEG + (1 - MIN_DEG)  # 21 weight/bias pairs, all consumed


def setup_inputs(seed: int = 0) -> dict:
    key = jax.random.key(seed)
    ks = jax.random.split(key, MAX_DEG + 4)
    inp = {}
    inp["atom_features"] = jax.random.normal(ks[0], (N_ATOMS, D_IN), dtype=jnp.float32)
    # atoms are laid out sorted by degree: bucket for degree d occupies rows [d*PER_DEG, (d+1)*PER_DEG)
    inp["deg_slice"] = jnp.array([[d * PER_DEG, PER_DEG] for d in range(MAX_DEG + 1)], dtype=jnp.int32)
    inp["membership"] = jnp.zeros((N_ATOMS,), dtype=jnp.int32)  # inputs[2] in original, unused by call
    for deg in range(1, MAX_DEG + 1):
        inp["deg_adj_%d" % deg] = jax.random.randint(ks[deg], (PER_DEG, deg), 0, N_ATOMS, dtype=jnp.int32)
    inp["W"] = jax.random.normal(ks[MAX_DEG + 1], (NUM_DEG, D_IN, D_OUT), dtype=jnp.float32) * 0.05
    inp["b"] = jnp.zeros((NUM_DEG, D_OUT), dtype=jnp.float32)
    return inp


def reference(atom_features, deg_slice, membership, deg_adj_1, deg_adj_2, deg_adj_3, deg_adj_4, deg_adj_5, deg_adj_6, deg_adj_7, deg_adj_8, deg_adj_9, deg_adj_10, W, b):
    deg_adj_lists = [deg_adj_1, deg_adj_2, deg_adj_3, deg_adj_4, deg_adj_5, deg_adj_6, deg_adj_7, deg_adj_8, deg_adj_9, deg_adj_10]
    # sum_neigh: gather neighbor features per degree bucket and sum over neighbors
    deg_summed = []
    for deg in range(1, MAX_DEG + 1):
        gathered = jnp.take(atom_features, deg_adj_lists[deg - 1], axis=0)  # [PER_DEG, deg, D_IN]
        deg_summed.append(jnp.sum(gathered, axis=1))  # [PER_DEG, D_IN]
    w_idx = 0
    outs = [None] * (MAX_DEG + 1 - MIN_DEG)
    for deg in range(1, MAX_DEG + 1):
        rel_atoms = deg_summed[deg - 1]
        start = deg_slice[deg - MIN_DEG, 0]
        size = deg_adj_lists[deg - 1].shape[0]
        self_atoms = jax.lax.dynamic_slice(atom_features, (start, 0), (size, atom_features.shape[1]))
        rel_out = rel_atoms @ W[w_idx] + b[w_idx]
        w_idx += 1
        self_out = self_atoms @ W[w_idx] + b[w_idx]
        w_idx += 1
        outs[deg - MIN_DEG] = rel_out + self_out
    # degree 0 (min_degree == 0)
    start = deg_slice[0 - MIN_DEG, 0]
    size = deg_adj_1.shape[0]
    self_atoms = jax.lax.dynamic_slice(atom_features, (start, 0), (size, atom_features.shape[1]))
    outs[0 - MIN_DEG] = self_atoms @ W[w_idx] + b[w_idx]
    atom_features_out = jnp.concatenate(outs, axis=0)
    # activation_fn is None -> identity
    return atom_features_out

if __name__ == "__main__":
    import jax
    _d = setup_inputs()
    print(jax.jit(kernel)(*tuple(_d.values())))

</pallas_src>

<mosaic_0001>
#map = affine_map<(d0, d1) -> (0, 0)>
#map1 = affine_map<(d0, d1) -> (0)>
module attributes {stable_mosaic.version = 14 : i64} {
  func.func @body(%arg0: i32, %arg1: i32, %arg2: memref<110000x128xf32, #tpu.memory_space<hbm>>, %arg3: memref<40000xi32, #tpu.memory_space<hbm>>, %arg4: memref<50000xi32, #tpu.memory_space<hbm>>, %arg5: memref<60000xi32, #tpu.memory_space<hbm>>, %arg6: memref<70000xi32, #tpu.memory_space<hbm>>, %arg7: memref<40000x128xf32, #tpu.memory_space<hbm>>, %arg8: memref<320xi32, #tpu.memory_space<vmem>>, %arg9: memref<320xi32, #tpu.memory_space<vmem>>, %arg10: memref<320xi32, #tpu.memory_space<vmem>>, %arg11: memref<320xi32, #tpu.memory_space<vmem>>, %arg12: memref<320xi32, #tpu.memory_space<vmem>>, %arg13: memref<320xi32, #tpu.memory_space<vmem>>, %arg14: memref<320xi32, #tpu.memory_space<vmem>>, %arg15: memref<320xi32, #tpu.memory_space<vmem>>, %arg16: memref<320xi32, #tpu.memory_space<vmem>>, %arg17: memref<320xi32, #tpu.memory_space<vmem>>, %arg18: memref<320xi32, #tpu.memory_space<vmem>>, %arg19: memref<320xi32, #tpu.memory_space<vmem>>, %arg20: memref<320xi32, #tpu.memory_space<vmem>>, %arg21: memref<320xi32, #tpu.memory_space<vmem>>, %arg22: memref<320xi32, #tpu.memory_space<vmem>>, %arg23: memref<320xi32, #tpu.memory_space<vmem>>, %arg24: memref<320xi32, #tpu.memory_space<vmem>>, %arg25: memref<320xi32, #tpu.memory_space<vmem>>, %arg26: memref<320xi32, #tpu.memory_space<vmem>>, %arg27: memref<320xi32, #tpu.memory_space<vmem>>, %arg28: memref<320xi32, #tpu.memory_space<vmem>>, %arg29: memref<320xi32, #tpu.memory_space<vmem>>, %arg30: memref<2x320x128xf32, #tpu.memory_space<vmem>>, %arg31: memref<!tpu.dma_semaphore, #tpu.memory_space<semaphore_mem>>, %arg32: memref<!tpu.dma_semaphore, #tpu.memory_space<semaphore_mem>>, %arg33: memref<!tpu.dma_semaphore, #tpu.memory_space<semaphore_mem>>) attributes {dimension_semantics = [#tpu.dimension_semantics<core_parallel>, #tpu.dimension_semantics<subcore_parallel>], iteration_bounds = array<i64: 2, 16>, scalar_prefetch = 0 : i64, scratch_operands = 26 : i64, tpu.core_type = #tpu.core_type<sc_vector_subcore>, window_params = [{transform_indices = #map}, {transform_indices = #map1}, {transform_indices = #map1}, {transform_indices = #map1}, {transform_indices = #map1}, {transform_indices = #map}]} {
    %mul3A = arith.constant 2 : i32
    %mul3A_0 = arith.muli %arg1, %mul3A : i32
    %add3A = arith.addi %mul3A_0, %arg0 : i32
    %eq3A = arith.constant 31 : i32
    %eq3A_1 = arith.cmpi eq, %add3A, %eq3A : i32
    %mul3A_2 = arith.constant 320 : i32
    %mul3A_3 = arith.muli %add3A, %mul3A_2 : i32
    %jit3A = arith.constant 9680 : i32
    %select_n3A = arith.select %eq3A_1, %jit3A, %mul3A_3 : i32
    %multiple_of3A = tpu.assume_multiple %select_n3A, 8 : i32
    %add3A_4 = arith.constant 0 : i32
    %add3A_5 = arith.addi %add3A_4, %multiple_of3A : i32
    %multiple_of3A_6 = tpu.assume_multiple %add3A_5, 8 : i32
    %dma_start3A = tpu.memref_slice %arg3[%multiple_of3A_6] : memref<40000xi32, #tpu.memory_space<hbm>> -> memref<320xi32, #tpu.memory_space<hbm>>
    %dma_start3A_7 = tpu.memref_slice %arg3[%multiple_of3A_6] : memref<40000xi32, #tpu.memory_space<hbm>> -> memref<320xi32, #tpu.memory_space<hbm>>
    tpu.enqueue_dma source(%dma_start3A_7 : memref<320xi32, #tpu.memory_space<hbm>>) target(%arg8 : memref<320xi32, #tpu.memory_space<vmem>>) target_semaphore(%arg31 : memref<!tpu.dma_semaphore, #tpu.memory_space<semaphore_mem>>)
    %add3A_8 = arith.constant 10000 : i32
    %add3A_9 = arith.addi %add3A_8, %multiple_of3A : i32
    %multiple_of3A_10 = tpu.assume_multiple %add3A_9, 8 : i32
    %dma_start3A_11 = tpu.memref_slice %arg3[%multiple_of3A_10] : memref<40000xi32, #tpu.memory_space<hbm>> -> memref<320xi32, #tpu.memory_space<hbm>>
    %dma_start3A_12 = tpu.memref_slice %arg3[%multiple_of3A_10] : memref<40000xi32, #tpu.memory_space<hbm>> -> memref<320xi32, #tpu.memory_space<hbm>>
    tpu.enqueue_dma source(%dma_start3A_12 : memref<320xi32, #tpu.memory_space<hbm>>) target(%arg9 : memref<320xi32, #tpu.memory_space<vmem>>) target_semaphore(%arg31 : memref<!tpu.dma_semaphore, #tpu.memory_space<semaphore_mem>>)
    %add3A_13 = arith.constant 20000 : i32
    %add3A_14 = arith.addi %add3A_13, %multiple_of3A : i32
    %multiple_of3A_15 = tpu.assume_multiple %add3A_14, 8 : i32
    %dma_start3A_16 = tpu.memref_slice %arg3[%multiple_of3A_15] : memref<40000xi32, #tpu.memory_space<hbm>> -> memref<320xi32, #tpu.memory_space<hbm>>
    %dma_start3A_17 = tpu.memref_slice %arg3[%multiple_of3A_15] : memref<40000xi32, #tpu.memory_space<hbm>> -> memref<320xi32, #tpu.memory_space<hbm>>
    tpu.enqueue_dma source(%dma_start3A_17 : memref<320xi32, #tpu.memory_space<hbm>>) target(%arg10 : memref<320xi32, #tpu.memory_space<vmem>>) target_semaphore(%arg31 : memref<!tpu.dma_semaphore, #tpu.memory_space<semaphore_mem>>)
    %add3A_18 = arith.constant 30000 : i32
    %add3A_19 = arith.addi %add3A_18, %multiple_of3A : i32
    %multiple_of3A_20 = tpu.assume_multiple %add3A_19, 8 : i32
    %dma_start3A_21 = tpu.memref_slice %arg3[%multiple_of3A_20] : memref<40000xi32, #tpu.memory_space<hbm>> -> memref<320xi32, #tpu.memory_space<hbm>>
    %dma_start3A_22 = tpu.memref_slice %arg3[%multiple_of3A_20] : memref<40000xi32, #tpu.memory_space<hbm>> -> memref<320xi32, #tpu.memory_space<hbm>>
    tpu.enqueue_dma source(%dma_start3A_22 : memref<320xi32, #tpu.memory_space<hbm>>) target(%arg11 : memref<320xi32, #tpu.memory_space<vmem>>) target_semaphore(%arg31 : memref<!tpu.dma_semaphore, #tpu.memory_space<semaphore_mem>>)
    %add3A_23 = arith.constant 0 : i32
    %add3A_24 = arith.addi %add3A_23, %multiple_of3A : i32
    %multiple_of3A_25 = tpu.assume_multiple %add3A_24, 8 : i32
    %dma_start3A_26 = tpu.memref_slice %arg4[%multiple_of3A_25] : memref<50000xi32, #tpu.memory_space<hbm>> -> memref<320xi32, #tpu.memory_space<hbm>>
    %dma_start3A_27 = tpu.memref_slice %arg4[%multiple_of3A_25] : memref<50000xi32, #tpu.memory_space<hbm>> -> memref<320xi32, #tpu.memory_space<hbm>>
    tpu.enqueue_dma source(%dma_start3A_27 : memref<320xi32, #tpu.memory_space<hbm>>) target(%arg12 : memref<320xi32, #tpu.memory_space<vmem>>) target_semaphore(%arg31 : memref<!tpu.dma_semaphore, #tpu.memory_space<semaphore_mem>>)
    %add3A_28 = arith.constant 10000 : i32
    %add3A_29 = arith.addi %add3A_28, %multiple_of3A : i32
    %multiple_of3A_30 = tpu.assume_multiple %add3A_29, 8 : i32
    %dma_start3A_31 = tpu.memref_slice %arg4[%multiple_of3A_30] : memref<50000xi32, #tpu.memory_space<hbm>> -> memref<320xi32, #tpu.memory_space<hbm>>
    %dma_start3A_32 = tpu.memref_slice %arg4[%multiple_of3A_30] : memref<50000xi32, #tpu.memory_space<hbm>> -> memref<320xi32, #tpu.memory_space<hbm>>
    tpu.enqueue_dma source(%dma_start3A_32 : memref<320xi32, #tpu.memory_space<hbm>>) target(%arg13 : memref<320xi32, #tpu.memory_space<vmem>>) target_semaphore(%arg31 : memref<!tpu.dma_semaphore, #tpu.memory_space<semaphore_mem>>)
    %add3A_33 = arith.constant 20000 : i32
    %add3A_34 = arith.addi %add3A_33, %multiple_of3A : i32
    %multiple_of3A_35 = tpu.assume_multiple %add3A_34, 8 : i32
    %dma_start3A_36 = tpu.memref_slice %arg4[%multiple_of3A_35] : memref<50000xi32, #tpu.memory_space<hbm>> -> memref<320xi32, #tpu.memory_space<hbm>>
    %dma_start3A_37 = tpu.memref_slice %arg4[%multiple_of3A_35] : memref<50000xi32, #tpu.memory_space<hbm>> -> memref<320xi32, #tpu.memory_space<hbm>>
    tpu.enqueue_dma source(%dma_start3A_37 : memref<320xi32, #tpu.memory_space<hbm>>) target(%arg14 : memref<320xi32, #tpu.memory_space<vmem>>) target_semaphore(%arg31 : memref<!tpu.dma_semaphore, #tpu.memory_space<semaphore_mem>>)
    %add3A_38 = arith.constant 30000 : i32
    %add3A_39 = arith.addi %add3A_38, %multiple_of3A : i32
    %multiple_of3A_40 = tpu.assume_multiple %add3A_39, 8 : i32
    %dma_start3A_41 = tpu.memref_slice %arg4[%multiple_of3A_40] : memref<50000xi32, #tpu.memory_space<hbm>> -> memref<320xi32, #tpu.memory_space<hbm>>
    %dma_start3A_42 = tpu.memref_slice %arg4[%multiple_of3A_40] : memref<50000xi32, #tpu.memory_space<hbm>> -> memref<320xi32, #tpu.memory_space<hbm>>
    tpu.enqueue_dma source(%dma_start3A_42 : memref<320xi32, #tpu.memory_space<hbm>>) target(%arg15 : memref<320xi32, #tpu.memory_space<vmem>>) target_semaphore(%arg31 : memref<!tpu.dma_semaphore, #tpu.memory_space<semaphore_mem>>)
    %add3A_43 = arith.constant 40000 : i32
    %add3A_44 = arith.addi %add3A_43, %multiple_of3A : i32
    %multiple_of3A_45 = tpu.assume_multiple %add3A_44, 8 : i32
    %dma_start3A_46 = tpu.memref_slice %arg4[%multiple_of3A_45] : memref<50000xi32, #tpu.memory_space<hbm>> -> memref<320xi32, #tpu.memory_space<hbm>>
    %dma_start3A_47 = tpu.memref_slice %arg4[%multiple_of3A_45] : memref<50000xi32, #tpu.memory_space<hbm>> -> memref<320xi32, #tpu.memory_space<hbm>>
    tpu.enqueue_dma source(%dma_start3A_47 : memref<320xi32, #tpu.memory_space<hbm>>) target(%arg16 : memref<320xi32, #tpu.memory_space<vmem>>) target_semaphore(%arg31 : memref<!tpu.dma_semaphore, #tpu.memory_space<semaphore_mem>>)
    %add3A_48 = arith.constant 0 : i32
    %add3A_49 = arith.addi %add3A_48, %multiple_of3A : i32
    %multiple_of3A_50 = tpu.assume_multiple %add3A_49, 8 : i32
    %dma_start3A_51 = tpu.memref_slice %arg5[%multiple_of3A_50] : memref<60000xi32, #tpu.memory_space<hbm>> -> memref<320xi32, #tpu.memory_space<hbm>>
    %dma_start3A_52 = tpu.memref_slice %arg5[%multiple_of3A_50] : memref<60000xi32, #tpu.memory_space<hbm>> -> memref<320xi32, #tpu.memory_space<hbm>>
    tpu.enqueue_dma source(%dma_start3A_52 : memref<320xi32, #tpu.memory_space<hbm>>) target(%arg17 : memref<320xi32, #tpu.memory_space<vmem>>) target_semaphore(%arg31 : memref<!tpu.dma_semaphore, #tpu.memory_space<semaphore_mem>>)
    %add3A_53 = arith.constant 10000 : i32
    %add3A_54 = arith.addi %add3A_53, %multiple_of3A : i32
    %multiple_of3A_55 = tpu.assume_multiple %add3A_54, 8 : i32
    %dma_start3A_56 = tpu.memref_slice %arg5[%multiple_of3A_55] : memref<60000xi32, #tpu.memory_space<hbm>> -> memref<320xi32, #tpu.memory_space<hbm>>
    %dma_start3A_57 = tpu.memref_slice %arg5[%multiple_of3A_55] : memref<60000xi32, #tpu.memory_space<hbm>> -> memref<320xi32, #tpu.memory_space<hbm>>
    tpu.enqueue_dma source(%dma_start3A_57 : memref<320xi32, #tpu.memory_space<hbm>>) target(%arg18 : memref<320xi32, #tpu.memory_space<vmem>>) target_semaphore(%arg31 : memref<!tpu.dma_semaphore, #tpu.memory_space<semaphore_mem>>)
    %add3A_58 = arith.constant 20000 : i32
    %add3A_59 = arith.addi %add3A_58, %multiple_of3A : i32
    %multiple_of3A_60 = tpu.assume_multiple %add3A_59, 8 : i32
    %dma_start3A_61 = tpu.memref_slice %arg5[%multiple_of3A_60] : memref<60000xi32, #tpu.memory_space<hbm>> -> memref<320xi32, #tpu.memory_space<hbm>>
    %dma_start3A_62 = tpu.memref_slice %arg5[%multiple_of3A_60] : memref<60000xi32, #tpu.memory_space<hbm>> -> memref<320xi32, #tpu.memory_space<hbm>>
    tpu.enqueue_dma source(%dma_start3A_62 : memref<320xi32, #tpu.memory_space<hbm>>) target(%arg19 : memref<320xi32, #tpu.memory_space<vmem>>) target_semaphore(%arg31 : memref<!tpu.dma_semaphore, #tpu.memory_space<semaphore_mem>>)
    %add3A_63 = arith.constant 30000 : i32
    %add3A_64 = arith.addi %add3A_63, %multiple_of3A : i32
    %multiple_of3A_65 = tpu.assume_multiple %add3A_64, 8 : i32
    %dma_start3A_66 = tpu.memref_slice %arg5[%multiple_of3A_65] : memref<60000xi32, #tpu.memory_space<hbm>> -> memref<320xi32, #tpu.memory_space<hbm>>
    %dma_start3A_67 = tpu.memref_slice %arg5[%multiple_of3A_65] : memref<60000xi32, #tpu.memory_space<hbm>> -> memref<320xi32, #tpu.memory_space<hbm>>
    tpu.enqueue_dma source(%dma_start3A_67 : memref<320xi32, #tpu.memory_space<hbm>>) target(%arg20 : memref<320xi32, #tpu.memory_space<vmem>>) target_semaphore(%arg31 : memref<!tpu.dma_semaphore, #tpu.memory_space<semaphore_mem>>)
    %add3A_68 = arith.constant 40000 : i32
    %add3A_69 = arith.addi %add3A_68, %multiple_of3A : i32
    %multiple_of3A_70 = tpu.assume_multiple %add3A_69, 8 : i32
    %dma_start3A_71 = tpu.memref_slice %arg5[%multiple_of3A_70] : memref<60000xi32, #tpu.memory_space<hbm>> -> memref<320xi32, #tpu.memory_space<hbm>>
    %dma_start3A_72 = tpu.memref_slice %arg5[%multiple_of3A_70] : memref<60000xi32, #tpu.memory_space<hbm>> -> memref<320xi32, #tpu.memory_space<hbm>>
    tpu.enqueue_dma source(%dma_start3A_72 : memref<320xi32, #tpu.memory_space<hbm>>) target(%arg21 : memref<320xi32, #tpu.memory_space<vmem>>) target_semaphore(%arg31 : memref<!tpu.dma_semaphore, #tpu.memory_space<semaphore_mem>>)
    %add3A_73 = arith.constant 50000 : i32
    %add3A_74 = arith.addi %add3A_73, %multiple_of3A : i32
    %multiple_of3A_75 = tpu.assume_multiple %add3A_74, 8 : i32
    %dma_start3A_76 = tpu.memref_slice %arg5[%multiple_of3A_75] : memref<60000xi32, #tpu.memory_space<hbm>> -> memref<320xi32, #tpu.memory_space<hbm>>
    %dma_start3A_77 = tpu.memref_slice %arg5[%multiple_of3A_75] : memref<60000xi32, #tpu.memory_space<hbm>> -> memref<320xi32, #tpu.memory_space<hbm>>
    tpu.enqueue_dma source(%dma_start3A_77 : memref<320xi32, #tpu.memory_space<hbm>>) target(%arg22 : memref<320xi32, #tpu.memory_space<vmem>>) target_semaphore(%arg31 : memref<!tpu.dma_semaphore, #tpu.memory_space<semaphore_mem>>)
    %add3A_78 = arith.constant 0 : i32
    %add3A_79 = arith.addi %add3A_78, %multiple_of3A : i32
    %multiple_of3A_80 = tpu.assume_multiple %add3A_79, 8 : i32
    %dma_start3A_81 = tpu.memref_slice %arg6[%multiple_of3A_80] : memref<70000xi32, #tpu.memory_space<hbm>> -> memref<320xi32, #tpu.memory_space<hbm>>
    %dma_start3A_82 = tpu.memref_slice %arg6[%multiple_of3A_80] : memref<70000xi32, #tpu.memory_space<hbm>> -> memref<320xi32, #tpu.memory_space<hbm>>
    tpu.enqueue_dma source(%dma_start3A_82 : memref<320xi32, #tpu.memory_space<hbm>>) target(%arg23 : memref<320xi32, #tpu.memory_space<vmem>>) target_semaphore(%arg31 : memref<!tpu.dma_semaphore, #tpu.memory_space<semaphore_mem>>)
    %add3A_83 = arith.constant 10000 : i32
    %add3A_84 = arith.addi %add3A_83, %multiple_of3A : i32
    %multiple_of3A_85 = tpu.assume_multiple %add3A_84, 8 : i32
    %dma_start3A_86 = tpu.memref_slice %arg6[%multiple_of3A_85] : memref<70000xi32, #tpu.memory_space<hbm>> -> memref<320xi32, #tpu.memory_space<hbm>>
    %dma_start3A_87 = tpu.memref_slice %arg6[%multiple_of3A_85] : memref<70000xi32, #tpu.memory_space<hbm>> -> memref<320xi32, #tpu.memory_space<hbm>>
    tpu.enqueue_dma source(%dma_start3A_87 : memref<320xi32, #tpu.memory_space<hbm>>) target(%arg24 : memref<320xi32, #tpu.memory_space<vmem>>) target_semaphore(%arg31 : memref<!tpu.dma_semaphore, #tpu.memory_space<semaphore_mem>>)
    %add3A_88 = arith.constant 20000 : i32
    %add3A_89 = arith.addi %add3A_88, %multiple_of3A : i32
    %multiple_of3A_90 = tpu.assume_multiple %add3A_89, 8 : i32
    %dma_start3A_91 = tpu.memref_slice %arg6[%multiple_of3A_90] : memref<70000xi32, #tpu.memory_space<hbm>> -> memref<320xi32, #tpu.memory_space<hbm>>
    %dma_start3A_92 = tpu.memref_slice %arg6[%multiple_of3A_90] : memref<70000xi32, #tpu.memory_space<hbm>> -> memref<320xi32, #tpu.memory_space<hbm>>
    tpu.enqueue_dma source(%dma_start3A_92 : memref<320xi32, #tpu.memory_space<hbm>>) target(%arg25 : memref<320xi32, #tpu.memory_space<vmem>>) target_semaphore(%arg31 : memref<!tpu.dma_semaphore, #tpu.memory_space<semaphore_mem>>)
    %add3A_93 = arith.constant 30000 : i32
    %add3A_94 = arith.addi %add3A_93, %multiple_of3A : i32
    %multiple_of3A_95 = tpu.assume_multiple %add3A_94, 8 : i32
    %dma_start3A_96 = tpu.memref_slice %arg6[%multiple_of3A_95] : memref<70000xi32, #tpu.memory_space<hbm>> -> memref<320xi32, #tpu.memory_space<hbm>>
    %dma_start3A_97 = tpu.memref_slice %arg6[%multiple_of3A_95] : memref<70000xi32, #tpu.memory_space<hbm>> -> memref<320xi32, #tpu.memory_space<hbm>>
    tpu.enqueue_dma source(%dma_start3A_97 : memref<320xi32, #tpu.memory_space<hbm>>) target(%arg26 : memref<320xi32, #tpu.memory_space<vmem>>) target_semaphore(%arg31 : memref<!tpu.dma_semaphore, #tpu.memory_space<semaphore_mem>>)
    %add3A_98 = arith.constant 40000 : i32
    %add3A_99 = arith.addi %add3A_98, %multiple_of3A : i32
    %multiple_of3A_100 = tpu.assume_multiple %add3A_99, 8 : i32
    %dma_start3A_101 = tpu.memref_slice %arg6[%multiple_of3A_100] : memref<70000xi32, #tpu.memory_space<hbm>> -> memref<320xi32, #tpu.memory_space<hbm>>
    %dma_start3A_102 = tpu.memref_slice %arg6[%multiple_of3A_100] : memref<70000xi32, #tpu.memory_space<hbm>> -> memref<320xi32, #tpu.memory_space<hbm>>
    tpu.enqueue_dma source(%dma_start3A_102 : memref<320xi32, #tpu.memory_space<hbm>>) target(%arg27 : memref<320xi32, #tpu.memory_space<vmem>>) target_semaphore(%arg31 : memref<!tpu.dma_semaphore, #tpu.memory_space<semaphore_mem>>)
    %add3A_103 = arith.constant 50000 : i32
    %add3A_104 = arith.addi %add3A_103, %multiple_of3A : i32
    %multiple_of3A_105 = tpu.assume_multiple %add3A_104, 8 : i32
    %dma_start3A_106 = tpu.memref_slice %arg6[%multiple_of3A_105] : memref<70000xi32, #tpu.memory_space<hbm>> -> memref<320xi32, #tpu.memory_space<hbm>>
    %dma_start3A_107 = tpu.memref_slice %arg6[%multiple_of3A_105] : memref<70000xi32, #tpu.memory_space<hbm>> -> memref<320xi32, #tpu.memory_space<hbm>>
    tpu.enqueue_dma source(%dma_start3A_107 : memref<320xi32, #tpu.memory_space<hbm>>) target(%arg28 : memref<320xi32, #tpu.memory_space<vmem>>) target_semaphore(%arg31 : memref<!tpu.dma_semaphore, #tpu.memory_space<semaphore_mem>>)
    %add3A_108 = arith.constant 60000 : i32
    %add3A_109 = arith.addi %add3A_108, %multiple_of3A : i32
    %multiple_of3A_110 = tpu.assume_multiple %add3A_109, 8 : i32
    %dma_start3A_111 = tpu.memref_slice %arg6[%multiple_of3A_110] : memref<70000xi32, #tpu.memory_space<hbm>> -> memref<320xi32, #tpu.memory_space<hbm>>
    %dma_start3A_112 = tpu.memref_slice %arg6[%multiple_of3A_110] : memref<70000xi32, #tpu.memory_space<hbm>> -> memref<320xi32, #tpu.memory_space<hbm>>
    tpu.enqueue_dma source(%dma_start3A_112 : memref<320xi32, #tpu.memory_space<hbm>>) target(%arg29 : memref<320xi32, #tpu.memory_space<vmem>>) target_semaphore(%arg31 : memref<!tpu.dma_semaphore, #tpu.memory_space<semaphore_mem>>)
    %dma_wait3A = tpu.memref_slice %arg3[%multiple_of3A_6] : memref<40000xi32, #tpu.memory_space<hbm>> -> memref<320xi32, #tpu.memory_space<hbm>>
    %dma_wait3A_113 = tpu.memref_slice %arg3[%multiple_of3A_6] : memref<40000xi32, #tpu.memory_space<hbm>> -> memref<320xi32, #tpu.memory_space<hbm>>
    tpu.wait_dma2 semaphore(%arg31 : memref<!tpu.dma_semaphore, #tpu.memory_space<semaphore_mem>>) src(%dma_wait3A_113 : memref<320xi32, #tpu.memory_space<hbm>>) dst(%arg8 : memref<320xi32, #tpu.memory_space<vmem>>)
    %dma_wait3A_114 = tpu.memref_slice %arg3[%multiple_of3A_10] : memref<40000xi32, #tpu.memory_space<hbm>> -> memref<320xi32, #tpu.memory_space<hbm>>
    %dma_wait3A_115 = tpu.memref_slice %arg3[%multiple_of3A_10] : memref<40000xi32, #tpu.memory_space<hbm>> -> memref<320xi32, #tpu.memory_space<hbm>>
    tpu.wait_dma2 semaphore(%arg31 : memref<!tpu.dma_semaphore, #tpu.memory_space<semaphore_mem>>) src(%dma_wait3A_115 : memref<320xi32, #tpu.memory_space<hbm>>) dst(%arg9 : memref<320xi32, #tpu.memory_space<vmem>>)
    %dma_wait3A_116 = tpu.memref_slice %arg3[%multiple_of3A_15] : memref<40000xi32, #tpu.memory_space<hbm>> -> memref<320xi32, #tpu.memory_space<hbm>>
    %dma_wait3A_117 = tpu.memref_slice %arg3[%multiple_of3A_15] : memref<40000xi32, #tpu.memory_space<hbm>> -> memref<320xi32, #tpu.memory_space<hbm>>
    tpu.wait_dma2 semaphore(%arg31 : memref<!tpu.dma_semaphore, #tpu.memory_space<semaphore_mem>>) src(%dma_wait3A_117 : memref<320xi32, #tpu.memory_space<hbm>>) dst(%arg10 : memref<320xi32, #tpu.memory_space<vmem>>)
    %dma_wait3A_118 = tpu.memref_slice %arg3[%multiple_of3A_20] : memref<40000xi32, #tpu.memory_space<hbm>> -> memref<320xi32, #tpu.memory_space<hbm>>
    %dma_wait3A_119 = tpu.memref_slice %arg3[%multiple_of3A_20] : memref<40000xi32, #tpu.memory_space<hbm>> -> memref<320xi32, #tpu.memory_space<hbm>>
    tpu.wait_dma2 semaphore(%arg31 : memref<!tpu.dma_semaphore, #tpu.memory_space<semaphore_mem>>) src(%dma_wait3A_119 : memref<320xi32, #tpu.memory_space<hbm>>) dst(%arg11 : memref<320xi32, #tpu.memory_space<vmem>>)
    %dma_wait3A_120 = tpu.memref_slice %arg4[%multiple_of3A_25] : memref<50000xi32, #tpu.memory_space<hbm>> -> memref<320xi32, #tpu.memory_space<hbm>>
    %dma_wait3A_121 = tpu.memref_slice %arg4[%multiple_of3A_25] : memref<50000xi32, #tpu.memory_space<hbm>> -> memref<320xi32, #tpu.memory_space<hbm>>
    tpu.wait_dma2 semaphore(%arg31 : memref<!tpu.dma_semaphore, #tpu.memory_space<semaphore_mem>>) src(%dma_wait3A_121 : memref<320xi32, #tpu.memory_space<hbm>>) dst(%arg12 : memref<320xi32, #tpu.memory_space<vmem>>)
    %dma_wait3A_122 = tpu.memref_slice %arg4[%multiple_of3A_30] : memref<50000xi32, #tpu.memory_space<hbm>> -> memref<320xi32, #tpu.memory_space<hbm>>
    %dma_wait3A_123 = tpu.memref_slice %arg4[%multiple_of3A_30] : memref<50000xi32, #tpu.memory_space<hbm>> -> memref<320xi32, #tpu.memory_space<hbm>>
    tpu.wait_dma2 semaphore(%arg31 : memref<!tpu.dma_semaphore, #tpu.memory_space<semaphore_mem>>) src(%dma_wait3A_123 : memref<320xi32, #tpu.memory_space<hbm>>) dst(%arg13 : memref<320xi32, #tpu.memory_space<vmem>>)
    %dma_wait3A_124 = tpu.memref_slice %arg4[%multiple_of3A_35] : memref<50000xi32, #tpu.memory_space<hbm>> -> memref<320xi32, #tpu.memory_space<hbm>>
    %dma_wait3A_125 = tpu.memref_slice %arg4[%multiple_of3A_35] : memref<50000xi32, #tpu.memory_space<hbm>> -> memref<320xi32, #tpu.memory_space<hbm>>
    tpu.wait_dma2 semaphore(%arg31 : memref<!tpu.dma_semaphore, #tpu.memory_space<semaphore_mem>>) src(%dma_wait3A_125 : memref<320xi32, #tpu.memory_space<hbm>>) dst(%arg14 : memref<320xi32, #tpu.memory_space<vmem>>)
    %dma_wait3A_126 = tpu.memref_slice %arg4[%multiple_of3A_40] : memref<50000xi32, #tpu.memory_space<hbm>> -> memref<320xi32, #tpu.memory_space<hbm>>
    %dma_wait3A_127 = tpu.memref_slice %arg4[%multiple_of3A_40] : memref<50000xi32, #tpu.memory_space<hbm>> -> memref<320xi32, #tpu.memory_space<hbm>>
    tpu.wait_dma2 semaphore(%arg31 : memref<!tpu.dma_semaphore, #tpu.memory_space<semaphore_mem>>) src(%dma_wait3A_127 : memref<320xi32, #tpu.memory_space<hbm>>) dst(%arg15 : memref<320xi32, #tpu.memory_space<vmem>>)
    %dma_wait3A_128 = tpu.memref_slice %arg4[%multiple_of3A_45] : memref<50000xi32, #tpu.memory_space<hbm>> -> memref<320xi32, #tpu.memory_space<hbm>>
    %dma_wait3A_129 = tpu.memref_slice %arg4[%multiple_of3A_45] : memref<50000xi32, #tpu.memory_space<hbm>> -> memref<320xi32, #tpu.memory_space<hbm>>
    tpu.wait_dma2 semaphore(%arg31 : memref<!tpu.dma_semaphore, #tpu.memory_space<semaphore_mem>>) src(%dma_wait3A_129 : memref<320xi32, #tpu.memory_space<hbm>>) dst(%arg16 : memref<320xi32, #tpu.memory_space<vmem>>)
    %dma_wait3A_130 = tpu.memref_slice %arg5[%multiple_of3A_50] : memref<60000xi32, #tpu.memory_space<hbm>> -> memref<320xi32, #tpu.memory_space<hbm>>
    %dma_wait3A_131 = tpu.memref_slice %arg5[%multiple_of3A_50] : memref<60000xi32, #tpu.memory_space<hbm>> -> memref<320xi32, #tpu.memory_space<hbm>>
    tpu.wait_dma2 semaphore(%arg31 : memref<!tpu.dma_semaphore, #tpu.memory_space<semaphore_mem>>) src(%dma_wait3A_131 : memref<320xi32, #tpu.memory_space<hbm>>) dst(%arg17 : memref<320xi32, #tpu.memory_space<vmem>>)
    %dma_wait3A_132 = tpu.memref_slice %arg5[%multiple_of3A_55] : memref<60000xi32, #tpu.memory_space<hbm>> -> memref<320xi32, #tpu.memory_space<hbm>>
    %dma_wait3A_133 = tpu.memref_slice %arg5[%multiple_of3A_55] : memref<60000xi32, #tpu.memory_space<hbm>> -> memref<320xi32, #tpu.memory_space<hbm>>
    tpu.wait_dma2 semaphore(%arg31 : memref<!tpu.dma_semaphore, #tpu.memory_space<semaphore_mem>>) src(%dma_wait3A_133 : memref<320xi32, #tpu.memory_space<hbm>>) dst(%arg18 : memref<320xi32, #tpu.memory_space<vmem>>)
    %dma_wait3A_134 = tpu.memref_slice %arg5[%multiple_of3A_60] : memref<60000xi32, #tpu.memory_space<hbm>> -> memref<320xi32, #tpu.memory_space<hbm>>
    %dma_wait3A_135 = tpu.memref_slice %arg5[%multiple_of3A_60] : memref<60000xi32, #tpu.memory_space<hbm>> -> memref<320xi32, #tpu.memory_space<hbm>>
    tpu.wait_dma2 semaphore(%arg31 : memref<!tpu.dma_semaphore, #tpu.memory_space<semaphore_mem>>) src(%dma_wait3A_135 : memref<320xi32, #tpu.memory_space<hbm>>) dst(%arg19 : memref<320xi32, #tpu.memory_space<vmem>>)
    %dma_wait3A_136 = tpu.memref_slice %arg5[%multiple_of3A_65] : memref<60000xi32, #tpu.memory_space<hbm>> -> memref<320xi32, #tpu.memory_space<hbm>>
    %dma_wait3A_137 = tpu.memref_slice %arg5[%multiple_of3A_65] : memref<60000xi32, #tpu.memory_space<hbm>> -> memref<320xi32, #tpu.memory_space<hbm>>
    tpu.wait_dma2 semaphore(%arg31 : memref<!tpu.dma_semaphore, #tpu.memory_space<semaphore_mem>>) src(%dma_wait3A_137 : memref<320xi32, #tpu.memory_space<hbm>>) dst(%arg20 : memref<320xi32, #tpu.memory_space<vmem>>)
    %dma_wait3A_138 = tpu.memref_slice %arg5[%multiple_of3A_70] : memref<60000xi32, #tpu.memory_space<hbm>> -> memref<320xi32, #tpu.memory_space<hbm>>
    %dma_wait3A_139 = tpu.memref_slice %arg5[%multiple_of3A_70] : memref<60000xi32, #tpu.memory_space<hbm>> -> memref<320xi32, #tpu.memory_space<hbm>>
    tpu.wait_dma2 semaphore(%arg31 : memref<!tpu.dma_semaphore, #tpu.memory_space<semaphore_mem>>) src(%dma_wait3A_139 : memref<320xi32, #tpu.memory_space<hbm>>) dst(%arg21 : memref<320xi32, #tpu.memory_space<vmem>>)
    %dma_wait3A_140 = tpu.memref_slice %arg5[%multiple_of3A_75] : memref<60000xi32, #tpu.memory_space<hbm>> -> memref<320xi32, #tpu.memory_space<hbm>>
    %dma_wait3A_141 = tpu.memref_slice %arg5[%multiple_of3A_75] : memref<60000xi32, #tpu.memory_space<hbm>> -> memref<320xi32, #tpu.memory_space<hbm>>
    tpu.wait_dma2 semaphore(%arg31 : memref<!tpu.dma_semaphore, #tpu.memory_space<semaphore_mem>>) src(%dma_wait3A_141 : memref<320xi32, #tpu.memory_space<hbm>>) dst(%arg22 : memref<320xi32, #tpu.memory_space<vmem>>)
    %dma_wait3A_142 = tpu.memref_slice %arg6[%multiple_of3A_80] : memref<70000xi32, #tpu.memory_space<hbm>> -> memref<320xi32, #tpu.memory_space<hbm>>
    %dma_wait3A_143 = tpu.memref_slice %arg6[%multiple_of3A_80] : memref<70000xi32, #tpu.memory_space<hbm>> -> memref<320xi32, #tpu.memory_space<hbm>>
    tpu.wait_dma2 semaphore(%arg31 : memref<!tpu.dma_semaphore, #tpu.memory_space<semaphore_mem>>) src(%dma_wait3A_143 : memref<320xi32, #tpu.memory_space<hbm>>) dst(%arg23 : memref<320xi32, #tpu.memory_space<vmem>>)
    %dma_wait3A_144 = tpu.memref_slice %arg6[%multiple_of3A_85] : memref<70000xi32, #tpu.memory_space<hbm>> -> memref<320xi32, #tpu.memory_space<hbm>>
    %dma_wait3A_145 = tpu.memref_slice %arg6[%multiple_of3A_85] : memref<70000xi32, #tpu.memory_space<hbm>> -> memref<320xi32, #tpu.memory_space<hbm>>
    tpu.wait_dma2 semaphore(%arg31 : memref<!tpu.dma_semaphore, #tpu.memory_space<semaphore_mem>>) src(%dma_wait3A_145 : memref<320xi32, #tpu.memory_space<hbm>>) dst(%arg24 : memref<320xi32, #tpu.memory_space<vmem>>)
    %dma_wait3A_146 = tpu.memref_slice %arg6[%multiple_of3A_90] : memref<70000xi32, #tpu.memory_space<hbm>> -> memref<320xi32, #tpu.memory_space<hbm>>
    %dma_wait3A_147 = tpu.memref_slice %arg6[%multiple_of3A_90] : memref<70000xi32, #tpu.memory_space<hbm>> -> memref<320xi32, #tpu.memory_space<hbm>>
    tpu.wait_dma2 semaphore(%arg31 : memref<!tpu.dma_semaphore, #tpu.memory_space<semaphore_mem>>) src(%dma_wait3A_147 : memref<320xi32, #tpu.memory_space<hbm>>) dst(%arg25 : memref<320xi32, #tpu.memory_space<vmem>>)
    %dma_wait3A_148 = tpu.memref_slice %arg6[%multiple_of3A_95] : memref<70000xi32, #tpu.memory_space<hbm>> -> memref<320xi32, #tpu.memory_space<hbm>>
    %dma_wait3A_149 = tpu.memref_slice %arg6[%multiple_of3A_95] : memref<70000xi32, #tpu.memory_space<hbm>> -> memref<320xi32, #tpu.memory_space<hbm>>
    tpu.wait_dma2 semaphore(%arg31 : memref<!tpu.dma_semaphore, #tpu.memory_space<semaphore_mem>>) src(%dma_wait3A_149 : memref<320xi32, #tpu.memory_space<hbm>>) dst(%arg26 : memref<320xi32, #tpu.memory_space<vmem>>)
    %dma_wait3A_150 = tpu.memref_slice %arg6[%multiple_of3A_100] : memref<70000xi32, #tpu.memory_space<hbm>> -> memref<320xi32, #tpu.memory_space<hbm>>
    %dma_wait3A_151 = tpu.memref_slice %arg6[%multiple_of3A_100] : memref<70000xi32, #tpu.memory_space<hbm>> -> memref<320xi32, #tpu.memory_space<hbm>>
    tpu.wait_dma2 semaphore(%arg31 : memref<!tpu.dma_semaphore, #tpu.memory_space<semaphore_mem>>) src(%dma_wait3A_151 : memref<320xi32, #tpu.memory_space<hbm>>) dst(%arg27 : memref<320xi32, #tpu.memory_space<vmem>>)
    %dma_wait3A_152 = tpu.memref_slice %arg6[%multiple_of3A_105] : memref<70000xi32, #tpu.memory_space<hbm>> -> memref<320xi32, #tpu.memory_space<hbm>>
    %dma_wait3A_153 = tpu.memref_slice %arg6[%multiple_of3A_105] : memref<70000xi32, #tpu.memory_space<hbm>> -> memref<320xi32, #tpu.memory_space<hbm>>
    tpu.wait_dma2 semaphore(%arg31 : memref<!tpu.dma_semaphore, #tpu.memory_space<semaphore_mem>>) src(%dma_wait3A_153 : memref<320xi32, #tpu.memory_space<hbm>>) dst(%arg28 : memref<320xi32, #tpu.memory_space<vmem>>)
    %dma_wait3A_154 = tpu.memref_slice %arg6[%multiple_of3A_110] : memref<70000xi32, #tpu.memory_space<hbm>> -> memref<320xi32, #tpu.memory_space<hbm>>
    %dma_wait3A_155 = tpu.memref_slice %arg6[%multiple_of3A_110] : memref<70000xi32, #tpu.memory_space<hbm>> -> memref<320xi32, #tpu.memory_space<hbm>>
    tpu.wait_dma2 semaphore(%arg31 : memref<!tpu.dma_semaphore, #tpu.memory_space<semaphore_mem>>) src(%dma_wait3A_155 : memref<320xi32, #tpu.memory_space<hbm>>) dst(%arg29 : memref<320xi32, #tpu.memory_space<vmem>>)
    %broadcast_in_dim3A = arith.constant 0.000000e+00 : f32
    %broadcast_in_dim3A_156 = vector.broadcast %broadcast_in_dim3A : f32 to vector<16xf32>
    %scan3A = arith.constant 0 : i32
    %scan3A_157 = arith.constant 0 : i32
    %scan3A_158 = arith.constant 320 : i32
    %scan3A_159 = arith.addi %scan3A_157, %scan3A_158 : i32
    %scan3A_160 = arith.constant 1 : i32
    %scan3A_161 = scf.for %scan3A_557 = %scan3A_157 to %scan3A_159 step %scan3A_160 iter_args(%scan3A_558 = %scan3A) -> (i32)  : i32 {
      %swap3A = arith.constant 0 : i32
      %swap3A_559 = arith.index_cast %swap3A : i32 to index
      %swap3A_560 = arith.index_cast %scan3A_557 : i32 to index
      %swap3A_561 = arith.constant 0 : index
      %swap3A_562 = tpu.vector_load %arg30[%swap3A_559, %swap3A_560, %swap3A_561] {strides = array<i32>} : memref<2x320x128xf32, #tpu.memory_space<vmem>>, vector<1x1x16xf32>,
      %swap3A_563 = vector.shape_cast %swap3A_562 : vector<1x1x16xf32> to vector<16xf32>
      %swap3A_564 = vector.shape_cast %broadcast_in_dim3A_156 : vector<16xf32> to vector<1x1x16xf32>
      tpu.vector_store %arg30[%swap3A_559, %swap3A_560, %swap3A_561], %swap3A_564 {strides = array<i32>} : memref<2x320x128xf32, #tpu.memory_space<vmem>>, vector<1x1x16xf32>,
      %swap3A_565 = arith.constant 0 : i32
      %swap3A_566 = arith.index_cast %swap3A_565 : i32 to index
      %swap3A_567 = arith.index_cast %scan3A_557 : i32 to index
      %swap3A_568 = arith.constant 16 : index
      %swap3A_569 = tpu.vector_load %arg30[%swap3A_566, %swap3A_567, %swap3A_568] {strides = array<i32>} : memref<2x320x128xf32, #tpu.memory_space<vmem>>, vector<1x1x16xf32>,
      %swap3A_570 = vector.shape_cast %swap3A_569 : vector<1x1x16xf32> to vector<16xf32>
      %swap3A_571 = vector.shape_cast %broadcast_in_dim3A_156 : vector<16xf32> to vector<1x1x16xf32>
      tpu.vector_store %arg30[%swap3A_566, %swap3A_567, %swap3A_568], %swap3A_571 {strides = array<i32>} : memref<2x320x128xf32, #tpu.memory_space<vmem>>, vector<1x1x16xf32>,
      %swap3A_572 = arith.constant 0 : i32
      %swap3A_573 = arith.index_cast %swap3A_572 : i32 to index
      %swap3A_574 = arith.index_cast %scan3A_557 : i32 to index
      %swap3A_575 = arith.constant 32 : index
      %swap3A_576 = tpu.vector_load %arg30[%swap3A_573, %swap3A_574, %swap3A_575] {strides = array<i32>} : memref<2x320x128xf32, #tpu.memory_space<vmem>>, vector<1x1x16xf32>,
      %swap3A_577 = vector.shape_cast %swap3A_576 : vector<1x1x16xf32> to vector<16xf32>
      %swap3A_578 = vector.shape_cast %broadcast_in_dim3A_156 : vector<16xf32> to vector<1x1x16xf32>
      tpu.vector_store %arg30[%swap3A_573, %swap3A_574, %swap3A_575], %swap3A_578 {strides = array<i32>} : memref<2x320x128xf32, #tpu.memory_space<vmem>>, vector<1x1x16xf32>,
      %swap3A_579 = arith.constant 0 : i32
      %swap3A_580 = arith.index_cast %swap3A_579 : i32 to index
      %swap3A_581 = arith.index_cast %scan3A_557 : i32 to index
      %swap3A_582 = arith.constant 48 : index
      %swap3A_583 = tpu.vector_load %arg30[%swap3A_580, %swap3A_581, %swap3A_582] {strides = array<i32>} : memref<2x320x128xf32, #tpu.memory_space<vmem>>, vector<1x1x16xf32>,
      %swap3A_584 = vector.shape_cast %swap3A_583 : vector<1x1x16xf32> to vector<16xf32>
      %swap3A_585 = vector.shape_cast %broadcast_in_dim3A_156 : vector<16xf32> to vector<1x1x16xf32>
      tpu.vector_store %arg30[%swap3A_580, %swap3A_581, %swap3A_582], %swap3A_585 {strides = array<i32>} : memref<2x320x128xf32, #tpu.memory_space<vmem>>, vector<1x1x16xf32>,
      %swap3A_586 = arith.constant 0 : i32
      %swap3A_587 = arith.index_cast %swap3A_586 : i32 to index
      %swap3A_588 = arith.index_cast %scan3A_557 : i32 to index
      %swap3A_589 = arith.constant 64 : index
      %swap3A_590 = tpu.vector_load %arg30[%swap3A_587, %swap3A_588, %swap3A_589] {strides = array<i32>} : memref<2x320x128xf32, #tpu.memory_space<vmem>>, vector<1x1x16xf32>,
      %swap3A_591 = vector.shape_cast %swap3A_590 : vector<1x1x16xf32> to vector<16xf32>
      %swap3A_592 = vector.shape_cast %broadcast_in_dim3A_156 : vector<16xf32> to vector<1x1x16xf32>
      tpu.vector_store %arg30[%swap3A_587, %swap3A_588, %swap3A_589], %swap3A_592 {strides = array<i32>} : memref<2x320x128xf32, #tpu.memory_space<vmem>>, vector<1x1x16xf32>,
      %swap3A_593 = arith.constant 0 : i32
      %swap3A_594 = arith.index_cast %swap3A_593 : i32 to index
      %swap3A_595 = arith.index_cast %scan3A_557 : i32 to index
      %swap3A_596 = arith.constant 80 : index
      %swap3A_597 = tpu.vector_load %arg30[%swap3A_594, %swap3A_595, %swap3A_596] {strides = array<i32>} : memref<2x320x128xf32, #tpu.memory_space<vmem>>, vector<1x1x16xf32>,
      %swap3A_598 = vector.shape_cast %swap3A_597 : vector<1x1x16xf32> to vector<16xf32>
      %swap3A_599 = vector.shape_cast %broadcast_in_dim3A_156 : vector<16xf32> to vector<1x1x16xf32>
      tpu.vector_store %arg30[%swap3A_594, %swap3A_595, %swap3A_596], %swap3A_599 {strides = array<i32>} : memref<2x320x128xf32, #tpu.memory_space<vmem>>, vector<1x1x16xf32>,
      %swap3A_600 = arith.constant 0 : i32
      %swap3A_601 = arith.index_cast %swap3A_600 : i32 to index
      %swap3A_602 = arith.index_cast %scan3A_557 : i32 to index
      %swap3A_603 = arith.constant 96 : index
      %swap3A_604 = tpu.vector_load %arg30[%swap3A_601, %swap3A_602, %swap3A_603] {strides = array<i32>} : memref<2x320x128xf32, #tpu.memory_space<vmem>>, vector<1x1x16xf32>,
      %swap3A_605 = vector.shape_cast %swap3A_604 : vector<1x1x16xf32> to vector<16xf32>
      %swap3A_606 = vector.shape_cast %broadcast_in_dim3A_156 : vector<16xf32> to vector<1x1x16xf32>
      tpu.vector_store %arg30[%swap3A_601, %swap3A_602, %swap3A_603], %swap3A_606 {strides = array<i32>} : memref<2x320x128xf32, #tpu.memory_space<vmem>>, vector<1x1x16xf32>,
      %swap3A_607 = arith.constant 0 : i32
      %swap3A_608 = arith.index_cast %swap3A_607 : i32 to index
      %swap3A_609 = arith.index_cast %scan3A_557 : i32 to index
      %swap3A_610 = arith.constant 112 : index
      %swap3A_611 = tpu.vector_load %arg30[%swap3A_608, %swap3A_609, %swap3A_610] {strides = array<i32>} : memref<2x320x128xf32, #tpu.memory_space<vmem>>, vector<1x1x16xf32>,
      %swap3A_612 = vector.shape_cast %swap3A_611 : vector<1x1x16xf32> to vector<16xf32>
      %swap3A_613 = vector.shape_cast %broadcast_in_dim3A_156 : vector<16xf32> to vector<1x1x16xf32>
      tpu.vector_store %arg30[%swap3A_608, %swap3A_609, %swap3A_610], %swap3A_613 {strides = array<i32>} : memref<2x320x128xf32, #tpu.memory_space<vmem>>, vector<1x1x16xf32>,
      %scan3A_614 = arith.constant 0 : i32
      scf.yield %scan3A_614 : i32
    }
    %scan3A_162 = arith.constant 320 : i32
    %dma_start3A_163 = arith.constant 0 : i32
    %dma_start3A_164 = arith.constant 0 : i32
    %dma_start3A_165 = arith.constant 0 : i32
    %dma_start3A_166 = tpu.memref_slice %arg30[%dma_start3A_163, %dma_start3A_164, %dma_start3A_165] : memref<2x320x128xf32, #tpu.memory_space<vmem>> -> memref<1x320x128xf32, #tpu.memory_space<vmem>>
    %dma_start3A_167 = tpu.memref_squeeze %dma_start3A_166 : memref<1x320x128xf32, #tpu.memory_space<vmem>> -> memref<320x128xf32, #tpu.memory_space<vmem>>
    %dma_start3A_168 = arith.constant 0 : i32
    %dma_start3A_169 = arith.constant 0 : i32
    %dma_start3A_170 = tpu.memref_slice %arg2[%dma_start3A_168, %dma_start3A_169] : memref<110000x128xf32, #tpu.memory_space<hbm>> -> memref<110000x128xf32, #tpu.memory_space<hbm>>
    tpu.enqueue_indirect_dma source(%dma_start3A_170 : memref<110000x128xf32, #tpu.memory_space<hbm>>) target(%dma_start3A_167 : memref<320x128xf32, #tpu.memory_space<vmem>>) offsets(%arg8 : memref<320xi32, #tpu.memory_space<vmem>>) semaphore(%arg32 : memref<!tpu.dma_semaphore, #tpu.memory_space<semaphore_mem>>) {add = true}
    %dma_start3A_171 = arith.constant 0 : i32
    %dma_start3A_172 = arith.constant 0 : i32
    %dma_start3A_173 = arith.constant 0 : i32
    %dma_start3A_174 = tpu.memref_slice %arg30[%dma_start3A_171, %dma_start3A_172, %dma_start3A_173] : memref<2x320x128xf32, #tpu.memory_space<vmem>> -> memref<1x320x128xf32, #tpu.memory_space<vmem>>
    %dma_start3A_175 = tpu.memref_squeeze %dma_start3A_174 : memref<1x320x128xf32, #tpu.memory_space<vmem>> -> memref<320x128xf32, #tpu.memory_space<vmem>>
    %dma_start3A_176 = arith.constant 0 : i32
    %dma_start3A_177 = arith.constant 0 : i32
    %dma_start3A_178 = tpu.memref_slice %arg2[%dma_start3A_176, %dma_start3A_177] : memref<110000x128xf32, #tpu.memory_space<hbm>> -> memref<110000x128xf32, #tpu.memory_space<hbm>>
    tpu.enqueue_indirect_dma source(%dma_start3A_178 : memref<110000x128xf32, #tpu.memory_space<hbm>>) target(%dma_start3A_175 : memref<320x128xf32, #tpu.memory_space<vmem>>) offsets(%arg9 : memref<320xi32, #tpu.memory_space<vmem>>) semaphore(%arg32 : memref<!tpu.dma_semaphore, #tpu.memory_space<semaphore_mem>>) {add = true}
    %dma_start3A_179 = arith.constant 0 : i32
    %dma_start3A_180 = arith.constant 0 : i32
    %dma_start3A_181 = arith.constant 0 : i32
    %dma_start3A_182 = tpu.memref_slice %arg30[%dma_start3A_179, %dma_start3A_180, %dma_start3A_181] : memref<2x320x128xf32, #tpu.memory_space<vmem>> -> memref<1x320x128xf32, #tpu.memory_space<vmem>>
    %dma_start3A_183 = tpu.memref_squeeze %dma_start3A_182 : memref<1x320x128xf32, #tpu.memory_space<vmem>> -> memref<320x128xf32, #tpu.memory_space<vmem>>
    %dma_start3A_184 = arith.constant 0 : i32
    %dma_start3A_185 = arith.constant 0 : i32
    %dma_start3A_186 = tpu.memref_slice %arg2[%dma_start3A_184, %dma_start3A_185] : memref<110000x128xf32, #tpu.memory_space<hbm>> -> memref<110000x128xf32, #tpu.memory_space<hbm>>
    tpu.enqueue_indirect_dma source(%dma_start3A_186 : memref<110000x128xf32, #tpu.memory_space<hbm>>) target(%dma_start3A_183 : memref<320x128xf32, #tpu.memory_space<vmem>>) offsets(%arg10 : memref<320xi32, #tpu.memory_space<vmem>>) semaphore(%arg32 : memref<!tpu.dma_semaphore, #tpu.memory_space<semaphore_mem>>) {add = true}
    %dma_start3A_187 = arith.constant 0 : i32
    %dma_start3A_188 = arith.constant 0 : i32
    %dma_start3A_189 = arith.constant 0 : i32
    %dma_start3A_190 = tpu.memref_slice %arg30[%dma_start3A_187, %dma_start3A_188, %dma_start3A_189] : memref<2x320x128xf32, #tpu.memory_space<vmem>> -> memref<1x320x128xf32, #tpu.memory_space<vmem>>
    %dma_start3A_191 = tpu.memref_squeeze %dma_start3A_190 : memref<1x320x128xf32, #tpu.memory_space<vmem>> -> memref<320x128xf32, #tpu.memory_space<vmem>>
    %dma_start3A_192 = arith.constant 0 : i32
    %dma_start3A_193 = arith.constant 0 : i32
    %dma_start3A_194 = tpu.memref_slice %arg2[%dma_start3A_192, %dma_start3A_193] : memref<110000x128xf32, #tpu.memory_space<hbm>> -> memref<110000x128xf32, #tpu.memory_space<hbm>>
    tpu.enqueue_indirect_dma source(%dma_start3A_194 : memref<110000x128xf32, #tpu.memory_space<hbm>>) target(%dma_start3A_191 : memref<320x128xf32, #tpu.memory_space<vmem>>) offsets(%arg11 : memref<320xi32, #tpu.memory_space<vmem>>) semaphore(%arg32 : memref<!tpu.dma_semaphore, #tpu.memory_space<semaphore_mem>>) {add = true}
    %broadcast_in_dim3A_195 = arith.constant 0.000000e+00 : f32
    %broadcast_in_dim3A_196 = vector.broadcast %broadcast_in_dim3A_195 : f32 to vector<16xf32>
    %scan3A_197 = arith.constant 0 : i32
    %scan3A_198 = arith.constant 0 : i32
    %scan3A_199 = arith.constant 320 : i32
    %scan3A_200 = arith.addi %scan3A_198, %scan3A_199 : i32
    %scan3A_201 = arith.constant 1 : i32
    %scan3A_202 = scf.for %scan3A_557 = %scan3A_198 to %scan3A_200 step %scan3A_201 iter_args(%scan3A_558 = %scan3A_197) -> (i32)  : i32 {
      %swap3A = arith.constant 1 : i32
      %swap3A_559 = arith.index_cast %swap3A : i32 to index
      %swap3A_560 = arith.index_cast %scan3A_557 : i32 to index
      %swap3A_561 = arith.constant 0 : index
      %swap3A_562 = tpu.vector_load %arg30[%swap3A_559, %swap3A_560, %swap3A_561] {strides = array<i32>} : memref<2x320x128xf32, #tpu.memory_space<vmem>>, vector<1x1x16xf32>,
      %swap3A_563 = vector.shape_cast %swap3A_562 : vector<1x1x16xf32> to vector<16xf32>
      %swap3A_564 = vector.shape_cast %broadcast_in_dim3A_196 : vector<16xf32> to vector<1x1x16xf32>
      tpu.vector_store %arg30[%swap3A_559, %swap3A_560, %swap3A_561], %swap3A_564 {strides = array<i32>} : memref<2x320x128xf32, #tpu.memory_space<vmem>>, vector<1x1x16xf32>,
      %swap3A_565 = arith.constant 1 : i32
      %swap3A_566 = arith.index_cast %swap3A_565 : i32 to index
      %swap3A_567 = arith.index_cast %scan3A_557 : i32 to index
      %swap3A_568 = arith.constant 16 : index
      %swap3A_569 = tpu.vector_load %arg30[%swap3A_566, %swap3A_567, %swap3A_568] {strides = array<i32>} : memref<2x320x128xf32, #tpu.memory_space<vmem>>, vector<1x1x16xf32>,
      %swap3A_570 = vector.shape_cast %swap3A_569 : vector<1x1x16xf32> to vector<16xf32>
      %swap3A_571 = vector.shape_cast %broadcast_in_dim3A_196 : vector<16xf32> to vector<1x1x16xf32>
      tpu.vector_store %arg30[%swap3A_566, %swap3A_567, %swap3A_568], %swap3A_571 {strides = array<i32>} : memref<2x320x128xf32, #tpu.memory_space<vmem>>, vector<1x1x16xf32>,
      %swap3A_572 = arith.constant 1 : i32
      %swap3A_573 = arith.index_cast %swap3A_572 : i32 to index
      %swap3A_574 = arith.index_cast %scan3A_557 : i32 to index
      %swap3A_575 = arith.constant 32 : index
      %swap3A_576 = tpu.vector_load %arg30[%swap3A_573, %swap3A_574, %swap3A_575] {strides = array<i32>} : memref<2x320x128xf32, #tpu.memory_space<vmem>>, vector<1x1x16xf32>,
      %swap3A_577 = vector.shape_cast %swap3A_576 : vector<1x1x16xf32> to vector<16xf32>
      %swap3A_578 = vector.shape_cast %broadcast_in_dim3A_196 : vector<16xf32> to vector<1x1x16xf32>
      tpu.vector_store %arg30[%swap3A_573, %swap3A_574, %swap3A_575], %swap3A_578 {strides = array<i32>} : memref<2x320x128xf32, #tpu.memory_space<vmem>>, vector<1x1x16xf32>,
      %swap3A_579 = arith.constant 1 : i32
      %swap3A_580 = arith.index_cast %swap3A_579 : i32 to index
      %swap3A_581 = arith.index_cast %scan3A_557 : i32 to index
      %swap3A_582 = arith.constant 48 : index
      %swap3A_583 = tpu.vector_load %arg30[%swap3A_580, %swap3A_581, %swap3A_582] {strides = array<i32>} : memref<2x320x128xf32, #tpu.memory_space<vmem>>, vector<1x1x16xf32>,
      %swap3A_584 = vector.shape_cast %swap3A_583 : vector<1x1x16xf32> to vector<16xf32>
      %swap3A_585 = vector.shape_cast %broadcast_in_dim3A_196 : vector<16xf32> to vector<1x1x16xf32>
      tpu.vector_store %arg30[%swap3A_580, %swap3A_581, %swap3A_582], %swap3A_585 {strides = array<i32>} : memref<2x320x128xf32, #tpu.memory_space<vmem>>, vector<1x1x16xf32>,
      %swap3A_586 = arith.constant 1 : i32
      %swap3A_587 = arith.index_cast %swap3A_586 : i32 to index
      %swap3A_588 = arith.index_cast %scan3A_557 : i32 to index
      %swap3A_589 = arith.constant 64 : index
      %swap3A_590 = tpu.vector_load %arg30[%swap3A_587, %swap3A_588, %swap3A_589] {strides = array<i32>} : memref<2x320x128xf32, #tpu.memory_space<vmem>>, vector<1x1x16xf32>,
      %swap3A_591 = vector.shape_cast %swap3A_590 : vector<1x1x16xf32> to vector<16xf32>
      %swap3A_592 = vector.shape_cast %broadcast_in_dim3A_196 : vector<16xf32> to vector<1x1x16xf32>
      tpu.vector_store %arg30[%swap3A_587, %swap3A_588, %swap3A_589], %swap3A_592 {strides = array<i32>} : memref<2x320x128xf32, #tpu.memory_space<vmem>>, vector<1x1x16xf32>,
      %swap3A_593 = arith.constant 1 : i32
      %swap3A_594 = arith.index_cast %swap3A_593 : i32 to index
      %swap3A_595 = arith.index_cast %scan3A_557 : i32 to index
      %swap3A_596 = arith.constant 80 : index
      %swap3A_597 = tpu.vector_load %arg30[%swap3A_594, %swap3A_595, %swap3A_596] {strides = array<i32>} : memref<2x320x128xf32, #tpu.memory_space<vmem>>, vector<1x1x16xf32>,
      %swap3A_598 = vector.shape_cast %swap3A_597 : vector<1x1x16xf32> to vector<16xf32>
      %swap3A_599 = vector.shape_cast %broadcast_in_dim3A_196 : vector<16xf32> to vector<1x1x16xf32>
      tpu.vector_store %arg30[%swap3A_594, %swap3A_595, %swap3A_596], %swap3A_599 {strides = array<i32>} : memref<2x320x128xf32, #tpu.memory_space<vmem>>, vector<1x1x16xf32>,
      %swap3A_600 = arith.constant 1 : i32
      %swap3A_601 = arith.index_cast %swap3A_600 : i32 to index
      %swap3A_602 = arith.index_cast %scan3A_557 : i32 to index
      %swap3A_603 = arith.constant 96 : index
      %swap3A_604 = tpu.vector_load %arg30[%swap3A_601, %swap3A_602, %swap3A_603] {strides = array<i32>} : memref<2x320x128xf32, #tpu.memory_space<vmem>>, vector<1x1x16xf32>,
      %swap3A_605 = vector.shape_cast %swap3A_604 : vector<1x1x16xf32> to vector<16xf32>
      %swap3A_606 = vector.shape_cast %broadcast_in_dim3A_196 : vector<16xf32> to vector<1x1x16xf32>
      tpu.vector_store %arg30[%swap3A_601, %swap3A_602, %swap3A_603], %swap3A_606 {strides = array<i32>} : memref<2x320x128xf32, #tpu.memory_space<vmem>>, vector<1x1x16xf32>,
      %swap3A_607 = arith.constant 1 : i32
      %swap3A_608 = arith.index_cast %swap3A_607 : i32 to index
      %swap3A_609 = arith.index_cast %scan3A_557 : i32 to index
      %swap3A_610 = arith.constant 112 : index
      %swap3A_611 = tpu.vector_load %arg30[%swap3A_608, %swap3A_609, %swap3A_610] {strides = array<i32>} : memref<2x320x128xf32, #tpu.memory_space<vmem>>, vector<1x1x16xf32>,
      %swap3A_612 = vector.shape_cast %swap3A_611 : vector<1x1x16xf32> to vector<16xf32>
      %swap3A_613 = vector.shape_cast %broadcast_in_dim3A_196 : vector<16xf32> to vector<1x1x16xf32>
      tpu.vector_store %arg30[%swap3A_608, %swap3A_609, %swap3A_610], %swap3A_613 {strides = array<i32>} : memref<2x320x128xf32, #tpu.memory_space<vmem>>, vector<1x1x16xf32>,
      %scan3A_614 = arith.constant 0 : i32
      scf.yield %scan3A_614 : i32
    }
    %scan3A_203 = arith.constant 320 : i32
    %dma_start3A_204 = arith.constant 1 : i32
    %dma_start3A_205 = arith.constant 0 : i32
    %dma_start3A_206 = arith.constant 0 : i32
    %dma_start3A_207 = tpu.memref_slice %arg30[%dma_start3A_204, %dma_start3A_205, %dma_start3A_206] : memref<2x320x128xf32, #tpu.memory_space<vmem>> -> memref<1x320x128xf32, #tpu.memory_space<vmem>>
    %dma_start3A_208 = tpu.memref_squeeze %dma_start3A_207 : memref<1x320x128xf32, #tpu.memory_space<vmem>> -> memref<320x128xf32, #tpu.memory_space<vmem>>
    %dma_start3A_209 = arith.constant 0 : i32
    %dma_start3A_210 = arith.constant 0 : i32
    %dma_start3A_211 = tpu.memref_slice %arg2[%dma_start3A_209, %dma_start3A_210] : memref<110000x128xf32, #tpu.memory_space<hbm>> -> memref<110000x128xf32, #tpu.memory_space<hbm>>
    tpu.enqueue_indirect_dma source(%dma_start3A_211 : memref<110000x128xf32, #tpu.memory_space<hbm>>) target(%dma_start3A_208 : memref<320x128xf32, #tpu.memory_space<vmem>>) offsets(%arg12 : memref<320xi32, #tpu.memory_space<vmem>>) semaphore(%arg33 : memref<!tpu.dma_semaphore, #tpu.memory_space<semaphore_mem>>) {add = true}
    %dma_start3A_212 = arith.constant 1 : i32
    %dma_start3A_213 = arith.constant 0 : i32
    %dma_start3A_214 = arith.constant 0 : i32
    %dma_start3A_215 = tpu.memref_slice %arg30[%dma_start3A_212, %dma_start3A_213, %dma_start3A_214] : memref<2x320x128xf32, #tpu.memory_space<vmem>> -> memref<1x320x128xf32, #tpu.memory_space<vmem>>
    %dma_start3A_216 = tpu.memref_squeeze %dma_start3A_215 : memref<1x320x128xf32, #tpu.memory_space<vmem>> -> memref<320x128xf32, #tpu.memory_space<vmem>>
    %dma_start3A_217 = arith.constant 0 : i32
    %dma_start3A_218 = arith.constant 0 : i32
    %dma_start3A_219 = tpu.memref_slice %arg2[%dma_start3A_217, %dma_start3A_218] : memref<110000x128xf32, #tpu.memory_space<hbm>> -> memref<110000x128xf32, #tpu.memory_space<hbm>>
    tpu.enqueue_indirect_dma source(%dma_start3A_219 : memref<110000x128xf32, #tpu.memory_space<hbm>>) target(%dma_start3A_216 : memref<320x128xf32, #tpu.memory_space<vmem>>) offsets(%arg13 : memref<320xi32, #tpu.memory_space<vmem>>) semaphore(%arg33 : memref<!tpu.dma_semaphore, #tpu.memory_space<semaphore_mem>>) {add = true}
    %dma_start3A_220 = arith.constant 1 : i32
    %dma_start3A_221 = arith.constant 0 : i32
    %dma_start3A_222 = arith.constant 0 : i32
    %dma_start3A_223 = tpu.memref_slice %arg30[%dma_start3A_220, %dma_start3A_221, %dma_start3A_222] : memref<2x320x128xf32, #tpu.memory_space<vmem>> -> memref<1x320x128xf32, #tpu.memory_space<vmem>>
    %dma_start3A_224 = tpu.memref_squeeze %dma_start3A_223 : memref<1x320x128xf32, #tpu.memory_space<vmem>> -> memref<320x128xf32, #tpu.memory_space<vmem>>
    %dma_start3A_225 = arith.constant 0 : i32
    %dma_start3A_226 = arith.constant 0 : i32
    %dma_start3A_227 = tpu.memref_slice %arg2[%dma_start3A_225, %dma_start3A_226] : memref<110000x128xf32, #tpu.memory_space<hbm>> -> memref<110000x128xf32, #tpu.memory_space<hbm>>
    tpu.enqueue_indirect_dma source(%dma_start3A_227 : memref<110000x128xf32, #tpu.memory_space<hbm>>) target(%dma_start3A_224 : memref<320x128xf32, #tpu.memory_space<vmem>>) offsets(%arg14 : memref<320xi32, #tpu.memory_space<vmem>>) semaphore(%arg33 : memref<!tpu.dma_semaphore, #tpu.memory_space<semaphore_mem>>) {add = true}
    %dma_start3A_228 = arith.constant 1 : i32
    %dma_start3A_229 = arith.constant 0 : i32
    %dma_start3A_230 = arith.constant 0 : i32
    %dma_start3A_231 = tpu.memref_slice %arg30[%dma_start3A_228, %dma_start3A_229, %dma_start3A_230] : memref<2x320x128xf32, #tpu.memory_space<vmem>> -> memref<1x320x128xf32, #tpu.memory_space<vmem>>
    %dma_start3A_232 = tpu.memref_squeeze %dma_start3A_231 : memref<1x320x128xf32, #tpu.memory_space<vmem>> -> memref<320x128xf32, #tpu.memory_space<vmem>>
    %dma_start3A_233 = arith.constant 0 : i32
    %dma_start3A_234 = arith.constant 0 : i32
    %dma_start3A_235 = tpu.memref_slice %arg2[%dma_start3A_233, %dma_start3A_234] : memref<110000x128xf32, #tpu.memory_space<hbm>> -> memref<110000x128xf32, #tpu.memory_space<hbm>>
    tpu.enqueue_indirect_dma source(%dma_start3A_235 : memref<110000x128xf32, #tpu.memory_space<hbm>>) target(%dma_start3A_232 : memref<320x128xf32, #tpu.memory_space<vmem>>) offsets(%arg15 : memref<320xi32, #tpu.memory_space<vmem>>) semaphore(%arg33 : memref<!tpu.dma_semaphore, #tpu.memory_space<semaphore_mem>>) {add = true}
    %dma_start3A_236 = arith.constant 1 : i32
    %dma_start3A_237 = arith.constant 0 : i32
    %dma_start3A_238 = arith.constant 0 : i32
    %dma_start3A_239 = tpu.memref_slice %arg30[%dma_start3A_236, %dma_start3A_237, %dma_start3A_238] : memref<2x320x128xf32, #tpu.memory_space<vmem>> -> memref<1x320x128xf32, #tpu.memory_space<vmem>>
    %dma_start3A_240 = tpu.memref_squeeze %dma_start3A_239 : memref<1x320x128xf32, #tpu.memory_space<vmem>> -> memref<320x128xf32, #tpu.memory_space<vmem>>
    %dma_start3A_241 = arith.constant 0 : i32
    %dma_start3A_242 = arith.constant 0 : i32
    %dma_start3A_243 = tpu.memref_slice %arg2[%dma_start3A_241, %dma_start3A_242] : memref<110000x128xf32, #tpu.memory_space<hbm>> -> memref<110000x128xf32, #tpu.memory_space<hbm>>
    tpu.enqueue_indirect_dma source(%dma_start3A_243 : memref<110000x128xf32, #tpu.memory_space<hbm>>) target(%dma_start3A_240 : memref<320x128xf32, #tpu.memory_space<vmem>>) offsets(%arg16 : memref<320xi32, #tpu.memory_space<vmem>>) semaphore(%arg33 : memref<!tpu.dma_semaphore, #tpu.memory_space<semaphore_mem>>) {add = true}
    %dma_wait3A_244 = arith.constant 0 : i32
    %dma_wait3A_245 = arith.constant 0 : i32
    %dma_wait3A_246 = arith.constant 0 : i32
    %dma_wait3A_247 = tpu.memref_slice %arg30[%dma_wait3A_244, %dma_wait3A_245, %dma_wait3A_246] : memref<2x320x128xf32, #tpu.memory_space<vmem>> -> memref<1x320x128xf32, #tpu.memory_space<vmem>>
    %dma_wait3A_248 = tpu.memref_squeeze %dma_wait3A_247 : memref<1x320x128xf32, #tpu.memory_space<vmem>> -> memref<320x128xf32, #tpu.memory_space<vmem>>
    %dma_wait3A_249 = arith.constant 0 : i32
    %dma_wait3A_250 = arith.constant 0 : i32
    %dma_wait3A_251 = tpu.memref_slice %arg2[%dma_wait3A_249, %dma_wait3A_250] : memref<110000x128xf32, #tpu.memory_space<hbm>> -> memref<110000x128xf32, #tpu.memory_space<hbm>>
    tpu.wait_indirect_dma semaphore(%arg32 : memref<!tpu.dma_semaphore, #tpu.memory_space<semaphore_mem>>) src(%dma_wait3A_251 : memref<110000x128xf32, #tpu.memory_space<hbm>>) dst(%dma_wait3A_248 : memref<320x128xf32, #tpu.memory_space<vmem>>)
    %dma_wait3A_252 = arith.constant 0 : i32
    %dma_wait3A_253 = arith.constant 0 : i32
    %dma_wait3A_254 = arith.constant 0 : i32
    %dma_wait3A_255 = tpu.memref_slice %arg30[%dma_wait3A_252, %dma_wait3A_253, %dma_wait3A_254] : memref<2x320x128xf32, #tpu.memory_space<vmem>> -> memref<1x320x128xf32, #tpu.memory_space<vmem>>
    %dma_wait3A_256 = tpu.memref_squeeze %dma_wait3A_255 : memref<1x320x128xf32, #tpu.memory_space<vmem>> -> memref<320x128xf32, #tpu.memory_space<vmem>>
    %dma_wait3A_257 = arith.constant 0 : i32
    %dma_wait3A_258 = arith.constant 0 : i32
    %dma_wait3A_259 = tpu.memref_slice %arg2[%dma_wait3A_257, %dma_wait3A_258] : memref<110000x128xf32, #tpu.memory_space<hbm>> -> memref<110000x128xf32, #tpu.memory_space<hbm>>
    tpu.wait_indirect_dma semaphore(%arg32 : memref<!tpu.dma_semaphore, #tpu.memory_space<semaphore_mem>>) src(%dma_wait3A_259 : memref<110000x128xf32, #tpu.memory_space<hbm>>) dst(%dma_wait3A_256 : memref<320x128xf32, #tpu.memory_space<vmem>>)
    %dma_wait3A_260 = arith.constant 0 : i32
    %dma_wait3A_261 = arith.constant 0 : i32
    %dma_wait3A_262 = arith.constant 0 : i32
    %dma_wait3A_263 = tpu.memref_slice %arg30[%dma_wait3A_260, %dma_wait3A_261, %dma_wait3A_262] : memref<2x320x128xf32, #tpu.memory_space<vmem>> -> memref<1x320x128xf32, #tpu.memory_space<vmem>>
    %dma_wait3A_264 = tpu.memref_squeeze %dma_wait3A_263 : memref<1x320x128xf32, #tpu.memory_space<vmem>> -> memref<320x128xf32, #tpu.memory_space<vmem>>
    %dma_wait3A_265 = arith.constant 0 : i32
    %dma_wait3A_266 = arith.constant 0 : i32
    %dma_wait3A_267 = tpu.memref_slice %arg2[%dma_wait3A_265, %dma_wait3A_266] : memref<110000x128xf32, #tpu.memory_space<hbm>> -> memref<110000x128xf32, #tpu.memory_space<hbm>>
    tpu.wait_indirect_dma semaphore(%arg32 : memref<!tpu.dma_semaphore, #tpu.memory_space<semaphore_mem>>) src(%dma_wait3A_267 : memref<110000x128xf32, #tpu.memory_space<hbm>>) dst(%dma_wait3A_264 : memref<320x128xf32, #tpu.memory_space<vmem>>)
    %dma_wait3A_268 = arith.constant 0 : i32
    %dma_wait3A_269 = arith.constant 0 : i32
    %dma_wait3A_270 = arith.constant 0 : i32
    %dma_wait3A_271 = tpu.memref_slice %arg30[%dma_wait3A_268, %dma_wait3A_269, %dma_wait3A_270] : memref<2x320x128xf32, #tpu.memory_space<vmem>> -> memref<1x320x128xf32, #tpu.memory_space<vmem>>
    %dma_wait3A_272 = tpu.memref_squeeze %dma_wait3A_271 : memref<1x320x128xf32, #tpu.memory_space<vmem>> -> memref<320x128xf32, #tpu.memory_space<vmem>>
    %dma_wait3A_273 = arith.constant 0 : i32
    %dma_wait3A_274 = arith.constant 0 : i32
    %dma_wait3A_275 = tpu.memref_slice %arg2[%dma_wait3A_273, %dma_wait3A_274] : memref<110000x128xf32, #tpu.memory_space<hbm>> -> memref<110000x128xf32, #tpu.memory_space<hbm>>
    tpu.wait_indirect_dma semaphore(%arg32 : memref<!tpu.dma_semaphore, #tpu.memory_space<semaphore_mem>>) src(%dma_wait3A_275 : memref<110000x128xf32, #tpu.memory_space<hbm>>) dst(%dma_wait3A_272 : memref<320x128xf32, #tpu.memory_space<vmem>>)
    %add3A_276 = arith.constant 0 : i32
    %add3A_277 = arith.addi %add3A_276, %multiple_of3A : i32
    %multiple_of3A_278 = tpu.assume_multiple %add3A_277, 8 : i32
    %run_scoped3A = arith.constant 0 : i32
    "tpu.region"() ({
      %run_scoped3A_557 = tpu.sem_alloc : memref<!tpu.dma_semaphore, #tpu.memory_space<semaphore_mem>>
      %dma_start3A_558 = arith.constant 0 : i32
      %dma_start3A_559 = arith.constant 0 : i32
      %dma_start3A_560 = tpu.memref_slice %arg30[%run_scoped3A, %dma_start3A_558, %dma_start3A_559] : memref<2x320x128xf32, #tpu.memory_space<vmem>> -> memref<1x320x128xf32, #tpu.memory_space<vmem>>
      %dma_start3A_561 = tpu.memref_squeeze %dma_start3A_560 : memref<1x320x128xf32, #tpu.memory_space<vmem>> -> memref<320x128xf32, #tpu.memory_space<vmem>>
      %dma_start3A_562 = arith.constant 0 : i32
      %dma_start3A_563 = tpu.memref_slice %arg7[%multiple_of3A_278, %dma_start3A_562] : memref<40000x128xf32, #tpu.memory_space<hbm>> -> memref<320x128xf32, #tpu.memory_space<hbm>>
      %dma_start3A_564 = arith.constant 0 : i32
      %dma_start3A_565 = tpu.memref_slice %arg7[%multiple_of3A_278, %dma_start3A_564] : memref<40000x128xf32, #tpu.memory_space<hbm>> -> memref<320x128xf32, #tpu.memory_space<hbm>>
      %dma_start3A_566 = arith.constant 0 : i32
      %dma_start3A_567 = arith.constant 0 : i32
      %dma_start3A_568 = tpu.memref_slice %arg30[%run_scoped3A, %dma_start3A_566, %dma_start3A_567] : memref<2x320x128xf32, #tpu.memory_space<vmem>> -> memref<1x320x128xf32, #tpu.memory_space<vmem>>
      %dma_start3A_569 = tpu.memref_squeeze %dma_start3A_568 : memref<1x320x128xf32, #tpu.memory_space<vmem>> -> memref<320x128xf32, #tpu.memory_space<vmem>>
      tpu.enqueue_dma source(%dma_start3A_569 : memref<320x128xf32, #tpu.memory_space<vmem>>) target(%dma_start3A_565 : memref<320x128xf32, #tpu.memory_space<hbm>>) target_semaphore(%run_scoped3A_557 : memref<!tpu.dma_semaphore, #tpu.memory_space<semaphore_mem>>)
      %dma_wait3A_570 = arith.constant 0 : i32
      %dma_wait3A_571 = arith.constant 0 : i32
      %dma_wait3A_572 = tpu.memref_slice %arg30[%run_scoped3A, %dma_wait3A_570, %dma_wait3A_571] : memref<2x320x128xf32, #tpu.memory_space<vmem>> -> memref<1x320x128xf32, #tpu.memory_space<vmem>>
      %dma_wait3A_573 = tpu.memref_squeeze %dma_wait3A_572 : memref<1x320x128xf32, #tpu.memory_space<vmem>> -> memref<320x128xf32, #tpu.memory_space<vmem>>
      %dma_wait3A_574 = arith.constant 0 : i32
      %dma_wait3A_575 = tpu.memref_slice %arg7[%multiple_of3A_278, %dma_wait3A_574] : memref<40000x128xf32, #tpu.memory_space<hbm>> -> memref<320x128xf32, #tpu.memory_space<hbm>>
      %dma_wait3A_576 = arith.constant 0 : i32
      %dma_wait3A_577 = tpu.memref_slice %arg7[%multiple_of3A_278, %dma_wait3A_576] : memref<40000x128xf32, #tpu.memory_space<hbm>> -> memref<320x128xf32, #tpu.memory_space<hbm>>
      %dma_wait3A_578 = arith.constant 0 : i32
      %dma_wait3A_579 = arith.constant 0 : i32
      %dma_wait3A_580 = tpu.memref_slice %arg30[%run_scoped3A, %dma_wait3A_578, %dma_wait3A_579] : memref<2x320x128xf32, #tpu.memory_space<vmem>> -> memref<1x320x128xf32, #tpu.memory_space<vmem>>
      %dma_wait3A_581 = tpu.memref_squeeze %dma_wait3A_580 : memref<1x320x128xf32, #tpu.memory_space<vmem>> -> memref<320x128xf32, #tpu.memory_space<vmem>>
      tpu.wait_dma2 semaphore(%run_scoped3A_557 : memref<!tpu.dma_semaphore, #tpu.memory_space<semaphore_mem>>) src(%dma_wait3A_581 : memref<320x128xf32, #tpu.memory_space<vmem>>) dst(%dma_wait3A_577 : memref<320x128xf32, #tpu.memory_space<hbm>>)
      tpu.yield
    }) : () -> ()
    %broadcast_in_dim3A_279 = arith.constant 0.000000e+00 : f32
    %broadcast_in_dim3A_280 = vector.broadcast %broadcast_in_dim3A_279 : f32 to vector<16xf32>
    %scan3A_281 = arith.constant 0 : i32
    %scan3A_282 = arith.constant 0 : i32
    %scan3A_283 = arith.constant 320 : i32
    %scan3A_284 = arith.addi %scan3A_282, %scan3A_283 : i32
    %scan3A_285 = arith.constant 1 : i32
    %scan3A_286 = scf.for %scan3A_557 = %scan3A_282 to %scan3A_284 step %scan3A_285 iter_args(%scan3A_558 = %scan3A_281) -> (i32)  : i32 {
      %swap3A = arith.constant 0 : i32
      %swap3A_559 = arith.index_cast %swap3A : i32 to index
      %swap3A_560 = arith.index_cast %scan3A_557 : i32 to index
      %swap3A_561 = arith.constant 0 : index
      %swap3A_562 = tpu.vector_load %arg30[%swap3A_559, %swap3A_560, %swap3A_561] {strides = array<i32>} : memref<2x320x128xf32, #tpu.memory_space<vmem>>, vector<1x1x16xf32>,
      %swap3A_563 = vector.shape_cast %swap3A_562 : vector<1x1x16xf32> to vector<16xf32>
      %swap3A_564 = vector.shape_cast %broadcast_in_dim3A_280 : vector<16xf32> to vector<1x1x16xf32>
      tpu.vector_store %arg30[%swap3A_559, %swap3A_560, %swap3A_561], %swap3A_564 {strides = array<i32>} : memref<2x320x128xf32, #tpu.memory_space<vmem>>, vector<1x1x16xf32>,
      %swap3A_565 = arith.constant 0 : i32
      %swap3A_566 = arith.index_cast %swap3A_565 : i32 to index
      %swap3A_567 = arith.index_cast %scan3A_557 : i32 to index
      %swap3A_568 = arith.constant 16 : index
      %swap3A_569 = tpu.vector_load %arg30[%swap3A_566, %swap3A_567, %swap3A_568] {strides = array<i32>} : memref<2x320x128xf32, #tpu.memory_space<vmem>>, vector<1x1x16xf32>,
      %swap3A_570 = vector.shape_cast %swap3A_569 : vector<1x1x16xf32> to vector<16xf32>
      %swap3A_571 = vector.shape_cast %broadcast_in_dim3A_280 : vector<16xf32> to vector<1x1x16xf32>
      tpu.vector_store %arg30[%swap3A_566, %swap3A_567, %swap3A_568], %swap3A_571 {strides = array<i32>} : memref<2x320x128xf32, #tpu.memory_space<vmem>>, vector<1x1x16xf32>,
      %swap3A_572 = arith.constant 0 : i32
      %swap3A_573 = arith.index_cast %swap3A_572 : i32 to index
      %swap3A_574 = arith.index_cast %scan3A_557 : i32 to index
      %swap3A_575 = arith.constant 32 : index
      %swap3A_576 = tpu.vector_load %arg30[%swap3A_573, %swap3A_574, %swap3A_575] {strides = array<i32>} : memref<2x320x128xf32, #tpu.memory_space<vmem>>, vector<1x1x16xf32>,
      %swap3A_577 = vector.shape_cast %swap3A_576 : vector<1x1x16xf32> to vector<16xf32>
      %swap3A_578 = vector.shape_cast %broadcast_in_dim3A_280 : vector<16xf32> to vector<1x1x16xf32>
      tpu.vector_store %arg30[%swap3A_573, %swap3A_574, %swap3A_575], %swap3A_578 {strides = array<i32>} : memref<2x320x128xf32, #tpu.memory_space<vmem>>, vector<1x1x16xf32>,
      %swap3A_579 = arith.constant 0 : i32
      %swap3A_580 = arith.index_cast %swap3A_579 : i32 to index
      %swap3A_581 = arith.index_cast %scan3A_557 : i32 to index
      %swap3A_582 = arith.constant 48 : index
      %swap3A_583 = tpu.vector_load %arg30[%swap3A_580, %swap3A_581, %swap3A_582] {strides = array<i32>} : memref<2x320x128xf32, #tpu.memory_space<vmem>>, vector<1x1x16xf32>,
      %swap3A_584 = vector.shape_cast %swap3A_583 : vector<1x1x16xf32> to vector<16xf32>
      %swap3A_585 = vector.shape_cast %broadcast_in_dim3A_280 : vector<16xf32> to vector<1x1x16xf32>
      tpu.vector_store %arg30[%swap3A_580, %swap3A_581, %swap3A_582], %swap3A_585 {strides = array<i32>} : memref<2x320x128xf32, #tpu.memory_space<vmem>>, vector<1x1x16xf32>,
      %swap3A_586 = arith.constant 0 : i32
      %swap3A_587 = arith.index_cast %swap3A_586 : i32 to index
      %swap3A_588 = arith.index_cast %scan3A_557 : i32 to index
      %swap3A_589 = arith.constant 64 : index
      %swap3A_590 = tpu.vector_load %arg30[%swap3A_587, %swap3A_588, %swap3A_589] {strides = array<i32>} : memref<2x320x128xf32, #tpu.memory_space<vmem>>, vector<1x1x16xf32>,
      %swap3A_591 = vector.shape_cast %swap3A_590 : vector<1x1x16xf32> to vector<16xf32>
      %swap3A_592 = vector.shape_cast %broadcast_in_dim3A_280 : vector<16xf32> to vector<1x1x16xf32>
      tpu.vector_store %arg30[%swap3A_587, %swap3A_588, %swap3A_589], %swap3A_592 {strides = array<i32>} : memref<2x320x128xf32, #tpu.memory_space<vmem>>, vector<1x1x16xf32>,
      %swap3A_593 = arith.constant 0 : i32
      %swap3A_594 = arith.index_cast %swap3A_593 : i32 to index
      %swap3A_595 = arith.index_cast %scan3A_557 : i32 to index
      %swap3A_596 = arith.constant 80 : index
      %swap3A_597 = tpu.vector_load %arg30[%swap3A_594, %swap3A_595, %swap3A_596] {strides = array<i32>} : memref<2x320x128xf32, #tpu.memory_space<vmem>>, vector<1x1x16xf32>,
      %swap3A_598 = vector.shape_cast %swap3A_597 : vector<1x1x16xf32> to vector<16xf32>
      %swap3A_599 = vector.shape_cast %broadcast_in_dim3A_280 : vector<16xf32> to vector<1x1x16xf32>
      tpu.vector_store %arg30[%swap3A_594, %swap3A_595, %swap3A_596], %swap3A_599 {strides = array<i32>} : memref<2x320x128xf32, #tpu.memory_space<vmem>>, vector<1x1x16xf32>,
      %swap3A_600 = arith.constant 0 : i32
      %swap3A_601 = arith.index_cast %swap3A_600 : i32 to index
      %swap3A_602 = arith.index_cast %scan3A_557 : i32 to index
      %swap3A_603 = arith.constant 96 : index
      %swap3A_604 = tpu.vector_load %arg30[%swap3A_601, %swap3A_602, %swap3A_603] {strides = array<i32>} : memref<2x320x128xf32, #tpu.memory_space<vmem>>, vector<1x1x16xf32>,
      %swap3A_605 = vector.shape_cast %swap3A_604 : vector<1x1x16xf32> to vector<16xf32>
      %swap3A_606 = vector.shape_cast %broadcast_in_dim3A_280 : vector<16xf32> to vector<1x1x16xf32>
      tpu.vector_store %arg30[%swap3A_601, %swap3A_602, %swap3A_603], %swap3A_606 {strides = array<i32>} : memref<2x320x128xf32, #tpu.memory_space<vmem>>, vector<1x1x16xf32>,
      %swap3A_607 = arith.constant 0 : i32
      %swap3A_608 = arith.index_cast %swap3A_607 : i32 to index
      %swap3A_609 = arith.index_cast %scan3A_557 : i32 to index
      %swap3A_610 = arith.constant 112 : index
      %swap3A_611 = tpu.vector_load %arg30[%swap3A_608, %swap3A_609, %swap3A_610] {strides = array<i32>} : memref<2x320x128xf32, #tpu.memory_space<vmem>>, vector<1x1x16xf32>,
      %swap3A_612 = vector.shape_cast %swap3A_611 : vector<1x1x16xf32> to vector<16xf32>
      %swap3A_613 = vector.shape_cast %broadcast_in_dim3A_280 : vector<16xf32> to vector<1x1x16xf32>
      tpu.vector_store %arg30[%swap3A_608, %swap3A_609, %swap3A_610], %swap3A_613 {strides = array<i32>} : memref<2x320x128xf32, #tpu.memory_space<vmem>>, vector<1x1x16xf32>,
      %scan3A_614 = arith.constant 0 : i32
      scf.yield %scan3A_614 : i32
    }
    %scan3A_287 = arith.constant 320 : i32
    %dma_start3A_288 = arith.constant 0 : i32
    %dma_start3A_289 = arith.constant 0 : i32
    %dma_start3A_290 = arith.constant 0 : i32
    %dma_start3A_291 = tpu.memref_slice %arg30[%dma_start3A_288, %dma_start3A_289, %dma_start3A_290] : memref<2x320x128xf32, #tpu.memory_space<vmem>> -> memref<1x320x128xf32, #tpu.memory_space<vmem>>
    %dma_start3A_292 = tpu.memref_squeeze %dma_start3A_291 : memref<1x320x128xf32, #tpu.memory_space<vmem>> -> memref<320x128xf32, #tpu.memory_space<vmem>>
    %dma_start3A_293 = arith.constant 0 : i32
    %dma_start3A_294 = arith.constant 0 : i32
    %dma_start3A_295 = tpu.memref_slice %arg2[%dma_start3A_293, %dma_start3A_294] : memref<110000x128xf32, #tpu.memory_space<hbm>> -> memref<110000x128xf32, #tpu.memory_space<hbm>>
    tpu.enqueue_indirect_dma source(%dma_start3A_295 : memref<110000x128xf32, #tpu.memory_space<hbm>>) target(%dma_start3A_292 : memref<320x128xf32, #tpu.memory_space<vmem>>) offsets(%arg17 : memref<320xi32, #tpu.memory_space<vmem>>) semaphore(%arg32 : memref<!tpu.dma_semaphore, #tpu.memory_space<semaphore_mem>>) {add = true}
    %dma_start3A_296 = arith.constant 0 : i32
    %dma_start3A_297 = arith.constant 0 : i32
    %dma_start3A_298 = arith.constant 0 : i32
    %dma_start3A_299 = tpu.memref_slice %arg30[%dma_start3A_296, %dma_start3A_297, %dma_start3A_298] : memref<2x320x128xf32, #tpu.memory_space<vmem>> -> memref<1x320x128xf32, #tpu.memory_space<vmem>>
    %dma_start3A_300 = tpu.memref_squeeze %dma_start3A_299 : memref<1x320x128xf32, #tpu.memory_space<vmem>> -> memref<320x128xf32, #tpu.memory_space<vmem>>
    %dma_start3A_301 = arith.constant 0 : i32
    %dma_start3A_302 = arith.constant 0 : i32
    %dma_start3A_303 = tpu.memref_slice %arg2[%dma_start3A_301, %dma_start3A_302] : memref<110000x128xf32, #tpu.memory_space<hbm>> -> memref<110000x128xf32, #tpu.memory_space<hbm>>
    tpu.enqueue_indirect_dma source(%dma_start3A_303 : memref<110000x128xf32, #tpu.memory_space<hbm>>) target(%dma_start3A_300 : memref<320x128xf32, #tpu.memory_space<vmem>>) offsets(%arg18 : memref<320xi32, #tpu.memory_space<vmem>>) semaphore(%arg32 : memref<!tpu.dma_semaphore, #tpu.memory_space<semaphore_mem>>) {add = true}
    %dma_start3A_304 = arith.constant 0 : i32
    %dma_start3A_305 = arith.constant 0 : i32
    %dma_start3A_306 = arith.constant 0 : i32
    %dma_start3A_307 = tpu.memref_slice %arg30[%dma_start3A_304, %dma_start3A_305, %dma_start3A_306] : memref<2x320x128xf32, #tpu.memory_space<vmem>> -> memref<1x320x128xf32, #tpu.memory_space<vmem>>
    %dma_start3A_308 = tpu.memref_squeeze %dma_start3A_307 : memref<1x320x128xf32, #tpu.memory_space<vmem>> -> memref<320x128xf32, #tpu.memory_space<vmem>>
    %dma_start3A_309 = arith.constant 0 : i32
    %dma_start3A_310 = arith.constant 0 : i32
    %dma_start3A_311 = tpu.memref_slice %arg2[%dma_start3A_309, %dma_start3A_310] : memref<110000x128xf32, #tpu.memory_space<hbm>> -> memref<110000x128xf32, #tpu.memory_space<hbm>>
    tpu.enqueue_indirect_dma source(%dma_start3A_311 : memref<110000x128xf32, #tpu.memory_space<hbm>>) target(%dma_start3A_308 : memref<320x128xf32, #tpu.memory_space<vmem>>) offsets(%arg19 : memref<320xi32, #tpu.memory_space<vmem>>) semaphore(%arg32 : memref<!tpu.dma_semaphore, #tpu.memory_space<semaphore_mem>>) {add = true}
    %dma_start3A_312 = arith.constant 0 : i32
    %dma_start3A_313 = arith.constant 0 : i32
    %dma_start3A_314 = arith.constant 0 : i32
    %dma_start3A_315 = tpu.memref_slice %arg30[%dma_start3A_312, %dma_start3A_313, %dma_start3A_314] : memref<2x320x128xf32, #tpu.memory_space<vmem>> -> memref<1x320x128xf32, #tpu.memory_space<vmem>>
    %dma_start3A_316 = tpu.memref_squeeze %dma_start3A_315 : memref<1x320x128xf32, #tpu.memory_space<vmem>> -> memref<320x128xf32, #tpu.memory_space<vmem>>
    %dma_start3A_317 = arith.constant 0 : i32
    %dma_start3A_318 = arith.constant 0 : i32
    %dma_start3A_319 = tpu.memref_slice %arg2[%dma_start3A_317, %dma_start3A_318] : memref<110000x128xf32, #tpu.memory_space<hbm>> -> memref<110000x128xf32, #tpu.memory_space<hbm>>
    tpu.enqueue_indirect_dma source(%dma_start3A_319 : memref<110000x128xf32, #tpu.memory_space<hbm>>) target(%dma_start3A_316 : memref<320x128xf32, #tpu.memory_space<vmem>>) offsets(%arg20 : memref<320xi32, #tpu.memory_space<vmem>>) semaphore(%arg32 : memref<!tpu.dma_semaphore, #tpu.memory_space<semaphore_mem>>) {add = true}
    %dma_start3A_320 = arith.constant 0 : i32
    %dma_start3A_321 = arith.constant 0 : i32
    %dma_start3A_322 = arith.constant 0 : i32
    %dma_start3A_323 = tpu.memref_slice %arg30[%dma_start3A_320, %dma_start3A_321, %dma_start3A_322] : memref<2x320x128xf32, #tpu.memory_space<vmem>> -> memref<1x320x128xf32, #tpu.memory_space<vmem>>
    %dma_start3A_324 = tpu.memref_squeeze %dma_start3A_323 : memref<1x320x128xf32, #tpu.memory_space<vmem>> -> memref<320x128xf32, #tpu.memory_space<vmem>>
    %dma_start3A_325 = arith.constant 0 : i32
    %dma_start3A_326 = arith.constant 0 : i32
    %dma_start3A_327 = tpu.memref_slice %arg2[%dma_start3A_325, %dma_start3A_326] : memref<110000x128xf32, #tpu.memory_space<hbm>> -> memref<110000x128xf32, #tpu.memory_space<hbm>>
    tpu.enqueue_indirect_dma source(%dma_start3A_327 : memref<110000x128xf32, #tpu.memory_space<hbm>>) target(%dma_start3A_324 : memref<320x128xf32, #tpu.memory_space<vmem>>) offsets(%arg21 : memref<320xi32, #tpu.memory_space<vmem>>) semaphore(%arg32 : memref<!tpu.dma_semaphore, #tpu.memory_space<semaphore_mem>>) {add = true}
    %dma_start3A_328 = arith.constant 0 : i32
    %dma_start3A_329 = arith.constant 0 : i32
    %dma_start3A_330 = arith.constant 0 : i32
    %dma_start3A_331 = tpu.memref_slice %arg30[%dma_start3A_328, %dma_start3A_329, %dma_start3A_330] : memref<2x320x128xf32, #tpu.memory_space<vmem>> -> memref<1x320x128xf32, #tpu.memory_space<vmem>>
    %dma_start3A_332 = tpu.memref_squeeze %dma_start3A_331 : memref<1x320x128xf32, #tpu.memory_space<vmem>> -> memref<320x128xf32, #tpu.memory_space<vmem>>
    %dma_start3A_333 = arith.constant 0 : i32
    %dma_start3A_334 = arith.constant 0 : i32
    %dma_start3A_335 = tpu.memref_slice %arg2[%dma_start3A_333, %dma_start3A_334] : memref<110000x128xf32, #tpu.memory_space<hbm>> -> memref<110000x128xf32, #tpu.memory_space<hbm>>
    tpu.enqueue_indirect_dma source(%dma_start3A_335 : memref<110000x128xf32, #tpu.memory_space<hbm>>) target(%dma_start3A_332 : memref<320x128xf32, #tpu.memory_space<vmem>>) offsets(%arg22 : memref<320xi32, #tpu.memory_space<vmem>>) semaphore(%arg32 : memref<!tpu.dma_semaphore, #tpu.memory_space<semaphore_mem>>) {add = true}
    %dma_wait3A_336 = arith.constant 1 : i32
    %dma_wait3A_337 = arith.constant 0 : i32
    %dma_wait3A_338 = arith.constant 0 : i32
    %dma_wait3A_339 = tpu.memref_slice %arg30[%dma_wait3A_336, %dma_wait3A_337, %dma_wait3A_338] : memref<2x320x128xf32, #tpu.memory_space<vmem>> -> memref<1x320x128xf32, #tpu.memory_space<vmem>>
    %dma_wait3A_340 = tpu.memref_squeeze %dma_wait3A_339 : memref<1x320x128xf32, #tpu.memory_space<vmem>> -> memref<320x128xf32, #tpu.memory_space<vmem>>
    %dma_wait3A_341 = arith.constant 0 : i32
    %dma_wait3A_342 = arith.constant 0 : i32
    %dma_wait3A_343 = tpu.memref_slice %arg2[%dma_wait3A_341, %dma_wait3A_342] : memref<110000x128xf32, #tpu.memory_space<hbm>> -> memref<110000x128xf32, #tpu.memory_space<hbm>>
    tpu.wait_indirect_dma semaphore(%arg33 : memref<!tpu.dma_semaphore, #tpu.memory_space<semaphore_mem>>) src(%dma_wait3A_343 : memref<110000x128xf32, #tpu.memory_space<hbm>>) dst(%dma_wait3A_340 : memref<320x128xf32, #tpu.memory_space<vmem>>)
    %dma_wait3A_344 = arith.constant 1 : i32
    %dma_wait3A_345 = arith.constant 0 : i32
    %dma_wait3A_346 = arith.constant 0 : i32
    %dma_wait3A_347 = tpu.memref_slice %arg30[%dma_wait3A_344, %dma_wait3A_345, %dma_wait3A_346] : memref<2x320x128xf32, #tpu.memory_space<vmem>> -> memref<1x320x128xf32, #tpu.memory_space<vmem>>
    %dma_wait3A_348 = tpu.memref_squeeze %dma_wait3A_347 : memref<1x320x128xf32, #tpu.memory_space<vmem>> -> memref<320x128xf32, #tpu.memory_space<vmem>>
    %dma_wait3A_349 = arith.constant 0 : i32
    %dma_wait3A_350 = arith.constant 0 : i32
    %dma_wait3A_351 = tpu.memref_slice %arg2[%dma_wait3A_349, %dma_wait3A_350] : memref<110000x128xf32, #tpu.memory_space<hbm>> -> memref<110000x128xf32, #tpu.memory_space<hbm>>
    tpu.wait_indirect_dma semaphore(%arg33 : memref<!tpu.dma_semaphore, #tpu.memory_space<semaphore_mem>>) src(%dma_wait3A_351 : memref<110000x128xf32, #tpu.memory_space<hbm>>) dst(%dma_wait3A_348 : memref<320x128xf32, #tpu.memory_space<vmem>>)
    %dma_wait3A_352 = arith.constant 1 : i32
    %dma_wait3A_353 = arith.constant 0 : i32
    %dma_wait3A_354 = arith.constant 0 : i32
    %dma_wait3A_355 = tpu.memref_slice %arg30[%dma_wait3A_352, %dma_wait3A_353, %dma_wait3A_354] : memref<2x320x128xf32, #tpu.memory_space<vmem>> -> memref<1x320x128xf32, #tpu.memory_space<vmem>>
    %dma_wait3A_356 = tpu.memref_squeeze %dma_wait3A_355 : memref<1x320x128xf32, #tpu.memory_space<vmem>> -> memref<320x128xf32, #tpu.memory_space<vmem>>
    %dma_wait3A_357 = arith.constant 0 : i32
    %dma_wait3A_358 = arith.constant 0 : i32
    %dma_wait3A_359 = tpu.memref_slice %arg2[%dma_wait3A_357, %dma_wait3A_358] : memref<110000x128xf32, #tpu.memory_space<hbm>> -> memref<110000x128xf32, #tpu.memory_space<hbm>>
    tpu.wait_indirect_dma semaphore(%arg33 : memref<!tpu.dma_semaphore, #tpu.memory_space<semaphore_mem>>) src(%dma_wait3A_359 : memref<110000x128xf32, #tpu.memory_space<hbm>>) dst(%dma_wait3A_356 : memref<320x128xf32, #tpu.memory_space<vmem>>)
    %dma_wait3A_360 = arith.constant 1 : i32
    %dma_wait3A_361 = arith.constant 0 : i32
    %dma_wait3A_362 = arith.constant 0 : i32
    %dma_wait3A_363 = tpu.memref_slice %arg30[%dma_wait3A_360, %dma_wait3A_361, %dma_wait3A_362] : memref<2x320x128xf32, #tpu.memory_space<vmem>> -> memref<1x320x128xf32, #tpu.memory_space<vmem>>
    %dma_wait3A_364 = tpu.memref_squeeze %dma_wait3A_363 : memref<1x320x128xf32, #tpu.memory_space<vmem>> -> memref<320x128xf32, #tpu.memory_space<vmem>>
    %dma_wait3A_365 = arith.constant 0 : i32
    %dma_wait3A_366 = arith.constant 0 : i32
    %dma_wait3A_367 = tpu.memref_slice %arg2[%dma_wait3A_365, %dma_wait3A_366] : memref<110000x128xf32, #tpu.memory_space<hbm>> -> memref<110000x128xf32, #tpu.memory_space<hbm>>
    tpu.wait_indirect_dma semaphore(%arg33 : memref<!tpu.dma_semaphore, #tpu.memory_space<semaphore_mem>>) src(%dma_wait3A_367 : memref<110000x128xf32, #tpu.memory_space<hbm>>) dst(%dma_wait3A_364 : memref<320x128xf32, #tpu.memory_space<vmem>>)
    %dma_wait3A_368 = arith.constant 1 : i32
    %dma_wait3A_369 = arith.constant 0 : i32
    %dma_wait3A_370 = arith.constant 0 : i32
    %dma_wait3A_371 = tpu.memref_slice %arg30[%dma_wait3A_368, %dma_wait3A_369, %dma_wait3A_370] : memref<2x320x128xf32, #tpu.memory_space<vmem>> -> memref<1x320x128xf32, #tpu.memory_space<vmem>>
    %dma_wait3A_372 = tpu.memref_squeeze %dma_wait3A_371 : memref<1x320x128xf32, #tpu.memory_space<vmem>> -> memref<320x128xf32, #tpu.memory_space<vmem>>
    %dma_wait3A_373 = arith.constant 0 : i32
    %dma_wait3A_374 = arith.constant 0 : i32
    %dma_wait3A_375 = tpu.memref_slice %arg2[%dma_wait3A_373, %dma_wait3A_374] : memref<110000x128xf32, #tpu.memory_space<hbm>> -> memref<110000x128xf32, #tpu.memory_space<hbm>>
    tpu.wait_indirect_dma semaphore(%arg33 : memref<!tpu.dma_semaphore, #tpu.memory_space<semaphore_mem>>) src(%dma_wait3A_375 : memref<110000x128xf32, #tpu.memory_space<hbm>>) dst(%dma_wait3A_372 : memref<320x128xf32, #tpu.memory_space<vmem>>)
    %add3A_376 = arith.constant 10000 : i32
    %add3A_377 = arith.addi %add3A_376, %multiple_of3A : i32
    %multiple_of3A_378 = tpu.assume_multiple %add3A_377, 8 : i32
    %run_scoped3A_379 = arith.constant 1 : i32
    "tpu.region"() ({
      %run_scoped3A_557 = tpu.sem_alloc : memref<!tpu.dma_semaphore, #tpu.memory_space<semaphore_mem>>
      %dma_start3A_558 = arith.constant 0 : i32
      %dma_start3A_559 = arith.constant 0 : i32
      %dma_start3A_560 = tpu.memref_slice %arg30[%run_scoped3A_379, %dma_start3A_558, %dma_start3A_559] : memref<2x320x128xf32, #tpu.memory_space<vmem>> -> memref<1x320x128xf32, #tpu.memory_space<vmem>>
      %dma_start3A_561 = tpu.memref_squeeze %dma_start3A_560 : memref<1x320x128xf32, #tpu.memory_space<vmem>> -> memref<320x128xf32, #tpu.memory_space<vmem>>
      %dma_start3A_562 = arith.constant 0 : i32
      %dma_start3A_563 = tpu.memref_slice %arg7[%multiple_of3A_378, %dma_start3A_562] : memref<40000x128xf32, #tpu.memory_space<hbm>> -> memref<320x128xf32, #tpu.memory_space<hbm>>
      %dma_start3A_564 = arith.constant 0 : i32
      %dma_start3A_565 = tpu.memref_slice %arg7[%multiple_of3A_378, %dma_start3A_564] : memref<40000x128xf32, #tpu.memory_space<hbm>> -> memref<320x128xf32, #tpu.memory_space<hbm>>
      %dma_start3A_566 = arith.constant 0 : i32
      %dma_start3A_567 = arith.constant 0 : i32
      %dma_start3A_568 = tpu.memref_slice %arg30[%run_scoped3A_379, %dma_start3A_566, %dma_start3A_567] : memref<2x320x128xf32, #tpu.memory_space<vmem>> -> memref<1x320x128xf32, #tpu.memory_space<vmem>>
      %dma_start3A_569 = tpu.memref_squeeze %dma_start3A_568 : memref<1x320x128xf32, #tpu.memory_space<vmem>> -> memref<320x128xf32, #tpu.memory_space<vmem>>
      tpu.enqueue_dma source(%dma_start3A_569 : memref<320x128xf32, #tpu.memory_space<vmem>>) target(%dma_start3A_565 : memref<320x128xf32, #tpu.memory_space<hbm>>) target_semaphore(%run_scoped3A_557 : memref<!tpu.dma_semaphore, #tpu.memory_space<semaphore_mem>>)
      %dma_wait3A_570 = arith.constant 0 : i32
      %dma_wait3A_571 = arith.constant 0 : i32
      %dma_wait3A_572 = tpu.memref_slice %arg30[%run_scoped3A_379, %dma_wait3A_570, %dma_wait3A_571] : memref<2x320x128xf32, #tpu.memory_space<vmem>> -> memref<1x320x128xf32, #tpu.memory_space<vmem>>
      %dma_wait3A_573 = tpu.memref_squeeze %dma_wait3A_572 : memref<1x320x128xf32, #tpu.memory_space<vmem>> -> memref<320x128xf32, #tpu.memory_space<vmem>>
      %dma_wait3A_574 = arith.constant 0 : i32
      %dma_wait3A_575 = tpu.memref_slice %arg7[%multiple_of3A_378, %dma_wait3A_574] : memref<40000x128xf32, #tpu.memory_space<hbm>> -> memref<320x128xf32, #tpu.memory_space<hbm>>
      %dma_wait3A_576 = arith.constant 0 : i32
      %dma_wait3A_577 = tpu.memref_slice %arg7[%multiple_of3A_378, %dma_wait3A_576] : memref<40000x128xf32, #tpu.memory_space<hbm>> -> memref<320x128xf32, #tpu.memory_space<hbm>>
      %dma_wait3A_578 = arith.constant 0 : i32
      %dma_wait3A_579 = arith.constant 0 : i32
      %dma_wait3A_580 = tpu.memref_slice %arg30[%run_scoped3A_379, %dma_wait3A_578, %dma_wait3A_579] : memref<2x320x128xf32, #tpu.memory_space<vmem>> -> memref<1x320x128xf32, #tpu.memory_space<vmem>>
      %dma_wait3A_581 = tpu.memref_squeeze %dma_wait3A_580 : memref<1x320x128xf32, #tpu.memory_space<vmem>> -> memref<320x128xf32, #tpu.memory_space<vmem>>
      tpu.wait_dma2 semaphore(%run_scoped3A_557 : memref<!tpu.dma_semaphore, #tpu.memory_space<semaphore_mem>>) src(%dma_wait3A_581 : memref<320x128xf32, #tpu.memory_space<vmem>>) dst(%dma_wait3A_577 : memref<320x128xf32, #tpu.memory_space<hbm>>)
      tpu.yield
    }) : () -> ()
    %broadcast_in_dim3A_380 = arith.constant 0.000000e+00 : f32
    %broadcast_in_dim3A_381 = vector.broadcast %broadcast_in_dim3A_380 : f32 to vector<16xf32>
    %scan3A_382 = arith.constant 0 : i32
    %scan3A_383 = arith.constant 0 : i32
    %scan3A_384 = arith.constant 320 : i32
    %scan3A_385 = arith.addi %scan3A_383, %scan3A_384 : i32
    %scan3A_386 = arith.constant 1 : i32
    %scan3A_387 = scf.for %scan3A_557 = %scan3A_383 to %scan3A_385 step %scan3A_386 iter_args(%scan3A_558 = %scan3A_382) -> (i32)  : i32 {
      %swap3A = arith.constant 1 : i32
      %swap3A_559 = arith.index_cast %swap3A : i32 to index
      %swap3A_560 = arith.index_cast %scan3A_557 : i32 to index
      %swap3A_561 = arith.constant 0 : index
      %swap3A_562 = tpu.vector_load %arg30[%swap3A_559, %swap3A_560, %swap3A_561] {strides = array<i32>} : memref<2x320x128xf32, #tpu.memory_space<vmem>>, vector<1x1x16xf32>,
      %swap3A_563 = vector.shape_cast %swap3A_562 : vector<1x1x16xf32> to vector<16xf32>
      %swap3A_564 = vector.shape_cast %broadcast_in_dim3A_381 : vector<16xf32> to vector<1x1x16xf32>
      tpu.vector_store %arg30[%swap3A_559, %swap3A_560, %swap3A_561], %swap3A_564 {strides = array<i32>} : memref<2x320x128xf32, #tpu.memory_space<vmem>>, vector<1x1x16xf32>,
      %swap3A_565 = arith.constant 1 : i32
      %swap3A_566 = arith.index_cast %swap3A_565 : i32 to index
      %swap3A_567 = arith.index_cast %scan3A_557 : i32 to index
      %swap3A_568 = arith.constant 16 : index
      %swap3A_569 = tpu.vector_load %arg30[%swap3A_566, %swap3A_567, %swap3A_568] {strides = array<i32>} : memref<2x320x128xf32, #tpu.memory_space<vmem>>, vector<1x1x16xf32>,
      %swap3A_570 = vector.shape_cast %swap3A_569 : vector<1x1x16xf32> to vector<16xf32>
      %swap3A_571 = vector.shape_cast %broadcast_in_dim3A_381 : vector<16xf32> to vector<1x1x16xf32>
      tpu.vector_store %arg30[%swap3A_566, %swap3A_567, %swap3A_568], %swap3A_571 {strides = array<i32>} : memref<2x320x128xf32, #tpu.memory_space<vmem>>, vector<1x1x16xf32>,
      %swap3A_572 = arith.constant 1 : i32
      %swap3A_573 = arith.index_cast %swap3A_572 : i32 to index
      %swap3A_574 = arith.index_cast %scan3A_557 : i32 to index
      %swap3A_575 = arith.constant 32 : index
      %swap3A_576 = tpu.vector_load %arg30[%swap3A_573, %swap3A_574, %swap3A_575] {strides = array<i32>} : memref<2x320x128xf32, #tpu.memory_space<vmem>>, vector<1x1x16xf32>,
      %swap3A_577 = vector.shape_cast %swap3A_576 : vector<1x1x16xf32> to vector<16xf32>
      %swap3A_578 = vector.shape_cast %broadcast_in_dim3A_381 : vector<16xf32> to vector<1x1x16xf32>
      tpu.vector_store %arg30[%swap3A_573, %swap3A_574, %swap3A_575], %swap3A_578 {strides = array<i32>} : memref<2x320x128xf32, #tpu.memory_space<vmem>>, vector<1x1x16xf32>,
      %swap3A_579 = arith.constant 1 : i32
      %swap3A_580 = arith.index_cast %swap3A_579 : i32 to index
      %swap3A_581 = arith.index_cast %scan3A_557 : i32 to index
      %swap3A_582 = arith.constant 48 : index
      %swap3A_583 = tpu.vector_load %arg30[%swap3A_580, %swap3A_581, %swap3A_582] {strides = array<i32>} : memref<2x320x128xf32, #tpu.memory_space<vmem>>, vector<1x1x16xf32>,
      %swap3A_584 = vector.shape_cast %swap3A_583 : vector<1x1x16xf32> to vector<16xf32>
      %swap3A_585 = vector.shape_cast %broadcast_in_dim3A_381 : vector<16xf32> to vector<1x1x16xf32>
      tpu.vector_store %arg30[%swap3A_580, %swap3A_581, %swap3A_582], %swap3A_585 {strides = array<i32>} : memref<2x320x128xf32, #tpu.memory_space<vmem>>, vector<1x1x16xf32>,
      %swap3A_586 = arith.constant 1 : i32
      %swap3A_587 = arith.index_cast %swap3A_586 : i32 to index
      %swap3A_588 = arith.index_cast %scan3A_557 : i32 to index
      %swap3A_589 = arith.constant 64 : index
      %swap3A_590 = tpu.vector_load %arg30[%swap3A_587, %swap3A_588, %swap3A_589] {strides = array<i32>} : memref<2x320x128xf32, #tpu.memory_space<vmem>>, vector<1x1x16xf32>,
      %swap3A_591 = vector.shape_cast %swap3A_590 : vector<1x1x16xf32> to vector<16xf32>
      %swap3A_592 = vector.shape_cast %broadcast_in_dim3A_381 : vector<16xf32> to vector<1x1x16xf32>
      tpu.vector_store %arg30[%swap3A_587, %swap3A_588, %swap3A_589], %swap3A_592 {strides = array<i32>} : memref<2x320x128xf32, #tpu.memory_space<vmem>>, vector<1x1x16xf32>,
      %swap3A_593 = arith.constant 1 : i32
      %swap3A_594 = arith.index_cast %swap3A_593 : i32 to index
      %swap3A_595 = arith.index_cast %scan3A_557 : i32 to index
      %swap3A_596 = arith.constant 80 : index
      %swap3A_597 = tpu.vector_load %arg30[%swap3A_594, %swap3A_595, %swap3A_596] {strides = array<i32>} : memref<2x320x128xf32, #tpu.memory_space<vmem>>, vector<1x1x16xf32>,
      %swap3A_598 = vector.shape_cast %swap3A_597 : vector<1x1x16xf32> to vector<16xf32>
      %swap3A_599 = vector.shape_cast %broadcast_in_dim3A_381 : vector<16xf32> to vector<1x1x16xf32>
      tpu.vector_store %arg30[%swap3A_594, %swap3A_595, %swap3A_596], %swap3A_599 {strides = array<i32>} : memref<2x320x128xf32, #tpu.memory_space<vmem>>, vector<1x1x16xf32>,
      %swap3A_600 = arith.constant 1 : i32
      %swap3A_601 = arith.index_cast %swap3A_600 : i32 to index
      %swap3A_602 = arith.index_cast %scan3A_557 : i32 to index
      %swap3A_603 = arith.constant 96 : index
      %swap3A_604 = tpu.vector_load %arg30[%swap3A_601, %swap3A_602, %swap3A_603] {strides = array<i32>} : memref<2x320x128xf32, #tpu.memory_space<vmem>>, vector<1x1x16xf32>,
      %swap3A_605 = vector.shape_cast %swap3A_604 : vector<1x1x16xf32> to vector<16xf32>
      %swap3A_606 = vector.shape_cast %broadcast_in_dim3A_381 : vector<16xf32> to vector<1x1x16xf32>
      tpu.vector_store %arg30[%swap3A_601, %swap3A_602, %swap3A_603], %swap3A_606 {strides = array<i32>} : memref<2x320x128xf32, #tpu.memory_space<vmem>>, vector<1x1x16xf32>,
      %swap3A_607 = arith.constant 1 : i32
      %swap3A_608 = arith.index_cast %swap3A_607 : i32 to index
      %swap3A_609 = arith.index_cast %scan3A_557 : i32 to index
      %swap3A_610 = arith.constant 112 : index
      %swap3A_611 = tpu.vector_load %arg30[%swap3A_608, %swap3A_609, %swap3A_610] {strides = array<i32>} : memref<2x320x128xf32, #tpu.memory_space<vmem>>, vector<1x1x16xf32>,
      %swap3A_612 = vector.shape_cast %swap3A_611 : vector<1x1x16xf32> to vector<16xf32>
      %swap3A_613 = vector.shape_cast %broadcast_in_dim3A_381 : vector<16xf32> to vector<1x1x16xf32>
      tpu.vector_store %arg30[%swap3A_608, %swap3A_609, %swap3A_610], %swap3A_613 {strides = array<i32>} : memref<2x320x128xf32, #tpu.memory_space<vmem>>, vector<1x1x16xf32>,
      %scan3A_614 = arith.constant 0 : i32
      scf.yield %scan3A_614 : i32
    }
    %scan3A_388 = arith.constant 320 : i32
    %dma_start3A_389 = arith.constant 1 : i32
    %dma_start3A_390 = arith.constant 0 : i32
    %dma_start3A_391 = arith.constant 0 : i32
    %dma_start3A_392 = tpu.memref_slice %arg30[%dma_start3A_389, %dma_start3A_390, %dma_start3A_391] : memref<2x320x128xf32, #tpu.memory_space<vmem>> -> memref<1x320x128xf32, #tpu.memory_space<vmem>>
    %dma_start3A_393 = tpu.memref_squeeze %dma_start3A_392 : memref<1x320x128xf32, #tpu.memory_space<vmem>> -> memref<320x128xf32, #tpu.memory_space<vmem>>
    %dma_start3A_394 = arith.constant 0 : i32
    %dma_start3A_395 = arith.constant 0 : i32
    %dma_start3A_396 = tpu.memref_slice %arg2[%dma_start3A_394, %dma_start3A_395] : memref<110000x128xf32, #tpu.memory_space<hbm>> -> memref<110000x128xf32, #tpu.memory_space<hbm>>
    tpu.enqueue_indirect_dma source(%dma_start3A_396 : memref<110000x128xf32, #tpu.memory_space<hbm>>) target(%dma_start3A_393 : memref<320x128xf32, #tpu.memory_space<vmem>>) offsets(%arg23 : memref<320xi32, #tpu.memory_space<vmem>>) semaphore(%arg33 : memref<!tpu.dma_semaphore, #tpu.memory_space<semaphore_mem>>) {add = true}
    %dma_start3A_397 = arith.constant 1 : i32
    %dma_start3A_398 = arith.constant 0 : i32
    %dma_start3A_399 = arith.constant 0 : i32
    %dma_start3A_400 = tpu.memref_slice %arg30[%dma_start3A_397, %dma_start3A_398, %dma_start3A_399] : memref<2x320x128xf32, #tpu.memory_space<vmem>> -> memref<1x320x128xf32, #tpu.memory_space<vmem>>
    %dma_start3A_401 = tpu.memref_squeeze %dma_start3A_400 : memref<1x320x128xf32, #tpu.memory_space<vmem>> -> memref<320x128xf32, #tpu.memory_space<vmem>>
    %dma_start3A_402 = arith.constant 0 : i32
    %dma_start3A_403 = arith.constant 0 : i32
    %dma_start3A_404 = tpu.memref_slice %arg2[%dma_start3A_402, %dma_start3A_403] : memref<110000x128xf32, #tpu.memory_space<hbm>> -> memref<110000x128xf32, #tpu.memory_space<hbm>>
    tpu.enqueue_indirect_dma source(%dma_start3A_404 : memref<110000x128xf32, #tpu.memory_space<hbm>>) target(%dma_start3A_401 : memref<320x128xf32, #tpu.memory_space<vmem>>) offsets(%arg24 : memref<320xi32, #tpu.memory_space<vmem>>) semaphore(%arg33 : memref<!tpu.dma_semaphore, #tpu.memory_space<semaphore_mem>>) {add = true}
    %dma_start3A_405 = arith.constant 1 : i32
    %dma_start3A_406 = arith.constant 0 : i32
    %dma_start3A_407 = arith.constant 0 : i32
    %dma_start3A_408 = tpu.memref_slice %arg30[%dma_start3A_405, %dma_start3A_406, %dma_start3A_407] : memref<2x320x128xf32, #tpu.memory_space<vmem>> -> memref<1x320x128xf32, #tpu.memory_space<vmem>>
    %dma_start3A_409 = tpu.memref_squeeze %dma_start3A_408 : memref<1x320x128xf32, #tpu.memory_space<vmem>> -> memref<320x128xf32, #tpu.memory_space<vmem>>
    %dma_start3A_410 = arith.constant 0 : i32
    %dma_start3A_411 = arith.constant 0 : i32
    %dma_start3A_412 = tpu.memref_slice %arg2[%dma_start3A_410, %dma_start3A_411] : memref<110000x128xf32, #tpu.memory_space<hbm>> -> memref<110000x128xf32, #tpu.memory_space<hbm>>
    tpu.enqueue_indirect_dma source(%dma_start3A_412 : memref<110000x128xf32, #tpu.memory_space<hbm>>) target(%dma_start3A_409 : memref<320x128xf32, #tpu.memory_space<vmem>>) offsets(%arg25 : memref<320xi32, #tpu.memory_space<vmem>>) semaphore(%arg33 : memref<!tpu.dma_semaphore, #tpu.memory_space<semaphore_mem>>) {add = true}
    %dma_start3A_413 = arith.constant 1 : i32
    %dma_start3A_414 = arith.constant 0 : i32
    %dma_start3A_415 = arith.constant 0 : i32
    %dma_start3A_416 = tpu.memref_slice %arg30[%dma_start3A_413, %dma_start3A_414, %dma_start3A_415] : memref<2x320x128xf32, #tpu.memory_space<vmem>> -> memref<1x320x128xf32, #tpu.memory_space<vmem>>
    %dma_start3A_417 = tpu.memref_squeeze %dma_start3A_416 : memref<1x320x128xf32, #tpu.memory_space<vmem>> -> memref<320x128xf32, #tpu.memory_space<vmem>>
    %dma_start3A_418 = arith.constant 0 : i32
    %dma_start3A_419 = arith.constant 0 : i32
    %dma_start3A_420 = tpu.memref_slice %arg2[%dma_start3A_418, %dma_start3A_419] : memref<110000x128xf32, #tpu.memory_space<hbm>> -> memref<110000x128xf32, #tpu.memory_space<hbm>>
    tpu.enqueue_indirect_dma source(%dma_start3A_420 : memref<110000x128xf32, #tpu.memory_space<hbm>>) target(%dma_start3A_417 : memref<320x128xf32, #tpu.memory_space<vmem>>) offsets(%arg26 : memref<320xi32, #tpu.memory_space<vmem>>) semaphore(%arg33 : memref<!tpu.dma_semaphore, #tpu.memory_space<semaphore_mem>>) {add = true}
    %dma_start3A_421 = arith.constant 1 : i32
    %dma_start3A_422 = arith.constant 0 : i32
    %dma_start3A_423 = arith.constant 0 : i32
    %dma_start3A_424 = tpu.memref_slice %arg30[%dma_start3A_421, %dma_start3A_422, %dma_start3A_423] : memref<2x320x128xf32, #tpu.memory_space<vmem>> -> memref<1x320x128xf32, #tpu.memory_space<vmem>>
    %dma_start3A_425 = tpu.memref_squeeze %dma_start3A_424 : memref<1x320x128xf32, #tpu.memory_space<vmem>> -> memref<320x128xf32, #tpu.memory_space<vmem>>
    %dma_start3A_426 = arith.constant 0 : i32
    %dma_start3A_427 = arith.constant 0 : i32
    %dma_start3A_428 = tpu.memref_slice %arg2[%dma_start3A_426, %dma_start3A_427] : memref<110000x128xf32, #tpu.memory_space<hbm>> -> memref<110000x128xf32, #tpu.memory_space<hbm>>
    tpu.enqueue_indirect_dma source(%dma_start3A_428 : memref<110000x128xf32, #tpu.memory_space<hbm>>) target(%dma_start3A_425 : memref<320x128xf32, #tpu.memory_space<vmem>>) offsets(%arg27 : memref<320xi32, #tpu.memory_space<vmem>>) semaphore(%arg33 : memref<!tpu.dma_semaphore, #tpu.memory_space<semaphore_mem>>) {add = true}
    %dma_start3A_429 = arith.constant 1 : i32
    %dma_start3A_430 = arith.constant 0 : i32
    %dma_start3A_431 = arith.constant 0 : i32
    %dma_start3A_432 = tpu.memref_slice %arg30[%dma_start3A_429, %dma_start3A_430, %dma_start3A_431] : memref<2x320x128xf32, #tpu.memory_space<vmem>> -> memref<1x320x128xf32, #tpu.memory_space<vmem>>
    %dma_start3A_433 = tpu.memref_squeeze %dma_start3A_432 : memref<1x320x128xf32, #tpu.memory_space<vmem>> -> memref<320x128xf32, #tpu.memory_space<vmem>>
    %dma_start3A_434 = arith.constant 0 : i32
    %dma_start3A_435 = arith.constant 0 : i32
    %dma_start3A_436 = tpu.memref_slice %arg2[%dma_start3A_434, %dma_start3A_435] : memref<110000x128xf32, #tpu.memory_space<hbm>> -> memref<110000x128xf32, #tpu.memory_space<hbm>>
    tpu.enqueue_indirect_dma source(%dma_start3A_436 : memref<110000x128xf32, #tpu.memory_space<hbm>>) target(%dma_start3A_433 : memref<320x128xf32, #tpu.memory_space<vmem>>) offsets(%arg28 : memref<320xi32, #tpu.memory_space<vmem>>) semaphore(%arg33 : memref<!tpu.dma_semaphore, #tpu.memory_space<semaphore_mem>>) {add = true}
    %dma_start3A_437 = arith.constant 1 : i32
    %dma_start3A_438 = arith.constant 0 : i32
    %dma_start3A_439 = arith.constant 0 : i32
    %dma_start3A_440 = tpu.memref_slice %arg30[%dma_start3A_437, %dma_start3A_438, %dma_start3A_439] : memref<2x320x128xf32, #tpu.memory_space<vmem>> -> memref<1x320x128xf32, #tpu.memory_space<vmem>>
    %dma_start3A_441 = tpu.memref_squeeze %dma_start3A_440 : memref<1x320x128xf32, #tpu.memory_space<vmem>> -> memref<320x128xf32, #tpu.memory_space<vmem>>
    %dma_start3A_442 = arith.constant 0 : i32
    %dma_start3A_443 = arith.constant 0 : i32
    %dma_start3A_444 = tpu.memref_slice %arg2[%dma_start3A_442, %dma_start3A_443] : memref<110000x128xf32, #tpu.memory_space<hbm>> -> memref<110000x128xf32, #tpu.memory_space<hbm>>
    tpu.enqueue_indirect_dma source(%dma_start3A_444 : memref<110000x128xf32, #tpu.memory_space<hbm>>) target(%dma_start3A_441 : memref<320x128xf32, #tpu.memory_space<vmem>>) offsets(%arg29 : memref<320xi32, #tpu.memory_space<vmem>>) semaphore(%arg33 : memref<!tpu.dma_semaphore, #tpu.memory_space<semaphore_mem>>) {add = true}
    %dma_wait3A_445 = arith.constant 0 : i32
    %dma_wait3A_446 = arith.constant 0 : i32
    %dma_wait3A_447 = arith.constant 0 : i32
    %dma_wait3A_448 = tpu.memref_slice %arg30[%dma_wait3A_445, %dma_wait3A_446, %dma_wait3A_447] : memref<2x320x128xf32, #tpu.memory_space<vmem>> -> memref<1x320x128xf32, #tpu.memory_space<vmem>>
    %dma_wait3A_449 = tpu.memref_squeeze %dma_wait3A_448 : memref<1x320x128xf32, #tpu.memory_space<vmem>> -> memref<320x128xf32, #tpu.memory_space<vmem>>
    %dma_wait3A_450 = arith.constant 0 : i32
    %dma_wait3A_451 = arith.constant 0 : i32
    %dma_wait3A_452 = tpu.memref_slice %arg2[%dma_wait3A_450, %dma_wait3A_451] : memref<110000x128xf32, #tpu.memory_space<hbm>> -> memref<110000x128xf32, #tpu.memory_space<hbm>>
    tpu.wait_indirect_dma semaphore(%arg32 : memref<!tpu.dma_semaphore, #tpu.memory_space<semaphore_mem>>) src(%dma_wait3A_452 : memref<110000x128xf32, #tpu.memory_space<hbm>>) dst(%dma_wait3A_449 : memref<320x128xf32, #tpu.memory_space<vmem>>)
    %dma_wait3A_453 = arith.constant 0 : i32
    %dma_wait3A_454 = arith.constant 0 : i32
    %dma_wait3A_455 = arith.constant 0 : i32
    %dma_wait3A_456 = tpu.memref_slice %arg30[%dma_wait3A_453, %dma_wait3A_454, %dma_wait3A_455] : memref<2x320x128xf32, #tpu.memory_space<vmem>> -> memref<1x320x128xf32, #tpu.memory_space<vmem>>
    %dma_wait3A_457 = tpu.memref_squeeze %dma_wait3A_456 : memref<1x320x128xf32, #tpu.memory_space<vmem>> -> memref<320x128xf32, #tpu.memory_space<vmem>>
    %dma_wait3A_458 = arith.constant 0 : i32
    %dma_wait3A_459 = arith.constant 0 : i32
    %dma_wait3A_460 = tpu.memref_slice %arg2[%dma_wait3A_458, %dma_wait3A_459] : memref<110000x128xf32, #tpu.memory_space<hbm>> -> memref<110000x128xf32, #tpu.memory_space<hbm>>
    tpu.wait_indirect_dma semaphore(%arg32 : memref<!tpu.dma_semaphore, #tpu.memory_space<semaphore_mem>>) src(%dma_wait3A_460 : memref<110000x128xf32, #tpu.memory_space<hbm>>) dst(%dma_wait3A_457 : memref<320x128xf32, #tpu.memory_space<vmem>>)
    %dma_wait3A_461 = arith.constant 0 : i32
    %dma_wait3A_462 = arith.constant 0 : i32
    %dma_wait3A_463 = arith.constant 0 : i32
    %dma_wait3A_464 = tpu.memref_slice %arg30[%dma_wait3A_461, %dma_wait3A_462, %dma_wait3A_463] : memref<2x320x128xf32, #tpu.memory_space<vmem>> -> memref<1x320x128xf32, #tpu.memory_space<vmem>>
    %dma_wait3A_465 = tpu.memref_squeeze %dma_wait3A_464 : memref<1x320x128xf32, #tpu.memory_space<vmem>> -> memref<320x128xf32, #tpu.memory_space<vmem>>
    %dma_wait3A_466 = arith.constant 0 : i32
    %dma_wait3A_467 = arith.constant 0 : i32
    %dma_wait3A_468 = tpu.memref_slice %arg2[%dma_wait3A_466, %dma_wait3A_467] : memref<110000x128xf32, #tpu.memory_space<hbm>> -> memref<110000x128xf32, #tpu.memory_space<hbm>>
    tpu.wait_indirect_dma semaphore(%arg32 : memref<!tpu.dma_semaphore, #tpu.memory_space<semaphore_mem>>) src(%dma_wait3A_468 : memref<110000x128xf32, #tpu.memory_space<hbm>>) dst(%dma_wait3A_465 : memref<320x128xf32, #tpu.memory_space<vmem>>)
    %dma_wait3A_469 = arith.constant 0 : i32
    %dma_wait3A_470 = arith.constant 0 : i32
    %dma_wait3A_471 = arith.constant 0 : i32
    %dma_wait3A_472 = tpu.memref_slice %arg30[%dma_wait3A_469, %dma_wait3A_470, %dma_wait3A_471] : memref<2x320x128xf32, #tpu.memory_space<vmem>> -> memref<1x320x128xf32, #tpu.memory_space<vmem>>
    %dma_wait3A_473 = tpu.memref_squeeze %dma_wait3A_472 : memref<1x320x128xf32, #tpu.memory_space<vmem>> -> memref<320x128xf32, #tpu.memory_space<vmem>>
    %dma_wait3A_474 = arith.constant 0 : i32
    %dma_wait3A_475 = arith.constant 0 : i32
    %dma_wait3A_476 = tpu.memref_slice %arg2[%dma_wait3A_474, %dma_wait3A_475] : memref<110000x128xf32, #tpu.memory_space<hbm>> -> memref<110000x128xf32, #tpu.memory_space<hbm>>
    tpu.wait_indirect_dma semaphore(%arg32 : memref<!tpu.dma_semaphore, #tpu.memory_space<semaphore_mem>>) src(%dma_wait3A_476 : memref<110000x128xf32, #tpu.memory_space<hbm>>) dst(%dma_wait3A_473 : memref<320x128xf32, #tpu.memory_space<vmem>>)
    %dma_wait3A_477 = arith.constant 0 : i32
    %dma_wait3A_478 = arith.constant 0 : i32
    %dma_wait3A_479 = arith.constant 0 : i32
    %dma_wait3A_480 = tpu.memref_slice %arg30[%dma_wait3A_477, %dma_wait3A_478, %dma_wait3A_479] : memref<2x320x128xf32, #tpu.memory_space<vmem>> -> memref<1x320x128xf32, #tpu.memory_space<vmem>>
    %dma_wait3A_481 = tpu.memref_squeeze %dma_wait3A_480 : memref<1x320x128xf32, #tpu.memory_space<vmem>> -> memref<320x128xf32, #tpu.memory_space<vmem>>
    %dma_wait3A_482 = arith.constant 0 : i32
    %dma_wait3A_483 = arith.constant 0 : i32
    %dma_wait3A_484 = tpu.memref_slice %arg2[%dma_wait3A_482, %dma_wait3A_483] : memref<110000x128xf32, #tpu.memory_space<hbm>> -> memref<110000x128xf32, #tpu.memory_space<hbm>>
    tpu.wait_indirect_dma semaphore(%arg32 : memref<!tpu.dma_semaphore, #tpu.memory_space<semaphore_mem>>) src(%dma_wait3A_484 : memref<110000x128xf32, #tpu.memory_space<hbm>>) dst(%dma_wait3A_481 : memref<320x128xf32, #tpu.memory_space<vmem>>)
    %dma_wait3A_485 = arith.constant 0 : i32
    %dma_wait3A_486 = arith.constant 0 : i32
    %dma_wait3A_487 = arith.constant 0 : i32
    %dma_wait3A_488 = tpu.memref_slice %arg30[%dma_wait3A_485, %dma_wait3A_486, %dma_wait3A_487] : memref<2x320x128xf32, #tpu.memory_space<vmem>> -> memref<1x320x128xf32, #tpu.memory_space<vmem>>
    %dma_wait3A_489 = tpu.memref_squeeze %dma_wait3A_488 : memref<1x320x128xf32, #tpu.memory_space<vmem>> -> memref<320x128xf32, #tpu.memory_space<vmem>>
    %dma_wait3A_490 = arith.constant 0 : i32
    %dma_wait3A_491 = arith.constant 0 : i32
    %dma_wait3A_492 = tpu.memref_slice %arg2[%dma_wait3A_490, %dma_wait3A_491] : memref<110000x128xf32, #tpu.memory_space<hbm>> -> memref<110000x128xf32, #tpu.memory_space<hbm>>
    tpu.wait_indirect_dma semaphore(%arg32 : memref<!tpu.dma_semaphore, #tpu.memory_space<semaphore_mem>>) src(%dma_wait3A_492 : memref<110000x128xf32, #tpu.memory_space<hbm>>) dst(%dma_wait3A_489 : memref<320x128xf32, #tpu.memory_space<vmem>>)
    %add3A_493 = arith.constant 20000 : i32
    %add3A_494 = arith.addi %add3A_493, %multiple_of3A : i32
    %multiple_of3A_495 = tpu.assume_multiple %add3A_494, 8 : i32
    %run_scoped3A_496 = arith.constant 0 : i32
    "tpu.region"() ({
      %run_scoped3A_557 = tpu.sem_alloc : memref<!tpu.dma_semaphore, #tpu.memory_space<semaphore_mem>>
      %dma_start3A_558 = arith.constant 0 : i32
      %dma_start3A_559 = arith.constant 0 : i32
      %dma_start3A_560 = tpu.memref_slice %arg30[%run_scoped3A_496, %dma_start3A_558, %dma_start3A_559] : memref<2x320x128xf32, #tpu.memory_space<vmem>> -> memref<1x320x128xf32, #tpu.memory_space<vmem>>
      %dma_start3A_561 = tpu.memref_squeeze %dma_start3A_560 : memref<1x320x128xf32, #tpu.memory_space<vmem>> -> memref<320x128xf32, #tpu.memory_space<vmem>>
      %dma_start3A_562 = arith.constant 0 : i32
      %dma_start3A_563 = tpu.memref_slice %arg7[%multiple_of3A_495, %dma_start3A_562] : memref<40000x128xf32, #tpu.memory_space<hbm>> -> memref<320x128xf32, #tpu.memory_space<hbm>>
      %dma_start3A_564 = arith.constant 0 : i32
      %dma_start3A_565 = tpu.memref_slice %arg7[%multiple_of3A_495, %dma_start3A_564] : memref<40000x128xf32, #tpu.memory_space<hbm>> -> memref<320x128xf32, #tpu.memory_space<hbm>>
      %dma_start3A_566 = arith.constant 0 : i32
      %dma_start3A_567 = arith.constant 0 : i32
      %dma_start3A_568 = tpu.memref_slice %arg30[%run_scoped3A_496, %dma_start3A_566, %dma_start3A_567] : memref<2x320x128xf32, #tpu.memory_space<vmem>> -> memref<1x320x128xf32, #tpu.memory_space<vmem>>
      %dma_start3A_569 = tpu.memref_squeeze %dma_start3A_568 : memref<1x320x128xf32, #tpu.memory_space<vmem>> -> memref<320x128xf32, #tpu.memory_space<vmem>>
      tpu.enqueue_dma source(%dma_start3A_569 : memref<320x128xf32, #tpu.memory_space<vmem>>) target(%dma_start3A_565 : memref<320x128xf32, #tpu.memory_space<hbm>>) target_semaphore(%run_scoped3A_557 : memref<!tpu.dma_semaphore, #tpu.memory_space<semaphore_mem>>)
      %dma_wait3A_570 = arith.constant 0 : i32
      %dma_wait3A_571 = arith.constant 0 : i32
      %dma_wait3A_572 = tpu.memref_slice %arg30[%run_scoped3A_496, %dma_wait3A_570, %dma_wait3A_571] : memref<2x320x128xf32, #tpu.memory_space<vmem>> -> memref<1x320x128xf32, #tpu.memory_space<vmem>>
      %dma_wait3A_573 = tpu.memref_squeeze %dma_wait3A_572 : memref<1x320x128xf32, #tpu.memory_space<vmem>> -> memref<320x128xf32, #tpu.memory_space<vmem>>
      %dma_wait3A_574 = arith.constant 0 : i32
      %dma_wait3A_575 = tpu.memref_slice %arg7[%multiple_of3A_495, %dma_wait3A_574] : memref<40000x128xf32, #tpu.memory_space<hbm>> -> memref<320x128xf32, #tpu.memory_space<hbm>>
      %dma_wait3A_576 = arith.constant 0 : i32
      %dma_wait3A_577 = tpu.memref_slice %arg7[%multiple_of3A_495, %dma_wait3A_576] : memref<40000x128xf32, #tpu.memory_space<hbm>> -> memref<320x128xf32, #tpu.memory_space<hbm>>
      %dma_wait3A_578 = arith.constant 0 : i32
      %dma_wait3A_579 = arith.constant 0 : i32
      %dma_wait3A_580 = tpu.memref_slice %arg30[%run_scoped3A_496, %dma_wait3A_578, %dma_wait3A_579] : memref<2x320x128xf32, #tpu.memory_space<vmem>> -> memref<1x320x128xf32, #tpu.memory_space<vmem>>
      %dma_wait3A_581 = tpu.memref_squeeze %dma_wait3A_580 : memref<1x320x128xf32, #tpu.memory_space<vmem>> -> memref<320x128xf32, #tpu.memory_space<vmem>>
      tpu.wait_dma2 semaphore(%run_scoped3A_557 : memref<!tpu.dma_semaphore, #tpu.memory_space<semaphore_mem>>) src(%dma_wait3A_581 : memref<320x128xf32, #tpu.memory_space<vmem>>) dst(%dma_wait3A_577 : memref<320x128xf32, #tpu.memory_space<hbm>>)
      tpu.yield
    }) : () -> ()
    %dma_wait3A_497 = arith.constant 1 : i32
    %dma_wait3A_498 = arith.constant 0 : i32
    %dma_wait3A_499 = arith.constant 0 : i32
    %dma_wait3A_500 = tpu.memref_slice %arg30[%dma_wait3A_497, %dma_wait3A_498, %dma_wait3A_499] : memref<2x320x128xf32, #tpu.memory_space<vmem>> -> memref<1x320x128xf32, #tpu.memory_space<vmem>>
    %dma_wait3A_501 = tpu.memref_squeeze %dma_wait3A_500 : memref<1x320x128xf32, #tpu.memory_space<vmem>> -> memref<320x128xf32, #tpu.memory_space<vmem>>
    %dma_wait3A_502 = arith.constant 0 : i32
    %dma_wait3A_503 = arith.constant 0 : i32
    %dma_wait3A_504 = tpu.memref_slice %arg2[%dma_wait3A_502, %dma_wait3A_503] : memref<110000x128xf32, #tpu.memory_space<hbm>> -> memref<110000x128xf32, #tpu.memory_space<hbm>>
    tpu.wait_indirect_dma semaphore(%arg33 : memref<!tpu.dma_semaphore, #tpu.memory_space<semaphore_mem>>) src(%dma_wait3A_504 : memref<110000x128xf32, #tpu.memory_space<hbm>>) dst(%dma_wait3A_501 : memref<320x128xf32, #tpu.memory_space<vmem>>)
    %dma_wait3A_505 = arith.constant 1 : i32
    %dma_wait3A_506 = arith.constant 0 : i32
    %dma_wait3A_507 = arith.constant 0 : i32
    %dma_wait3A_508 = tpu.memref_slice %arg30[%dma_wait3A_505, %dma_wait3A_506, %dma_wait3A_507] : memref<2x320x128xf32, #tpu.memory_space<vmem>> -> memref<1x320x128xf32, #tpu.memory_space<vmem>>
    %dma_wait3A_509 = tpu.memref_squeeze %dma_wait3A_508 : memref<1x320x128xf32, #tpu.memory_space<vmem>> -> memref<320x128xf32, #tpu.memory_space<vmem>>
    %dma_wait3A_510 = arith.constant 0 : i32
    %dma_wait3A_511 = arith.constant 0 : i32
    %dma_wait3A_512 = tpu.memref_slice %arg2[%dma_wait3A_510, %dma_wait3A_511] : memref<110000x128xf32, #tpu.memory_space<hbm>> -> memref<110000x128xf32, #tpu.memory_space<hbm>>
    tpu.wait_indirect_dma semaphore(%arg33 : memref<!tpu.dma_semaphore, #tpu.memory_space<semaphore_mem>>) src(%dma_wait3A_512 : memref<110000x128xf32, #tpu.memory_space<hbm>>) dst(%dma_wait3A_509 : memref<320x128xf32, #tpu.memory_space<vmem>>)
    %dma_wait3A_513 = arith.constant 1 : i32
    %dma_wait3A_514 = arith.constant 0 : i32
    %dma_wait3A_515 = arith.constant 0 : i32
    %dma_wait3A_516 = tpu.memref_slice %arg30[%dma_wait3A_513, %dma_wait3A_514, %dma_wait3A_515] : memref<2x320x128xf32, #tpu.memory_space<vmem>> -> memref<1x320x128xf32, #tpu.memory_space<vmem>>
    %dma_wait3A_517 = tpu.memref_squeeze %dma_wait3A_516 : memref<1x320x128xf32, #tpu.memory_space<vmem>> -> memref<320x128xf32, #tpu.memory_space<vmem>>
    %dma_wait3A_518 = arith.constant 0 : i32
    %dma_wait3A_519 = arith.constant 0 : i32
    %dma_wait3A_520 = tpu.memref_slice %arg2[%dma_wait3A_518, %dma_wait3A_519] : memref<110000x128xf32, #tpu.memory_space<hbm>> -> memref<110000x128xf32, #tpu.memory_space<hbm>>
    tpu.wait_indirect_dma semaphore(%arg33 : memref<!tpu.dma_semaphore, #tpu.memory_space<semaphore_mem>>) src(%dma_wait3A_520 : memref<110000x128xf32, #tpu.memory_space<hbm>>) dst(%dma_wait3A_517 : memref<320x128xf32, #tpu.memory_space<vmem>>)
    %dma_wait3A_521 = arith.constant 1 : i32
    %dma_wait3A_522 = arith.constant 0 : i32
    %dma_wait3A_523 = arith.constant 0 : i32
    %dma_wait3A_524 = tpu.memref_slice %arg30[%dma_wait3A_521, %dma_wait3A_522, %dma_wait3A_523] : memref<2x320x128xf32, #tpu.memory_space<vmem>> -> memref<1x320x128xf32, #tpu.memory_space<vmem>>
    %dma_wait3A_525 = tpu.memref_squeeze %dma_wait3A_524 : memref<1x320x128xf32, #tpu.memory_space<vmem>> -> memref<320x128xf32, #tpu.memory_space<vmem>>
    %dma_wait3A_526 = arith.constant 0 : i32
    %dma_wait3A_527 = arith.constant 0 : i32
    %dma_wait3A_528 = tpu.memref_slice %arg2[%dma_wait3A_526, %dma_wait3A_527] : memref<110000x128xf32, #tpu.memory_space<hbm>> -> memref<110000x128xf32, #tpu.memory_space<hbm>>
    tpu.wait_indirect_dma semaphore(%arg33 : memref<!tpu.dma_semaphore, #tpu.memory_space<semaphore_mem>>) src(%dma_wait3A_528 : memref<110000x128xf32, #tpu.memory_space<hbm>>) dst(%dma_wait3A_525 : memref<320x128xf32, #tpu.memory_space<vmem>>)
    %dma_wait3A_529 = arith.constant 1 : i32
    %dma_wait3A_530 = arith.constant 0 : i32
    %dma_wait3A_531 = arith.constant 0 : i32
    %dma_wait3A_532 = tpu.memref_slice %arg30[%dma_wait3A_529, %dma_wait3A_530, %dma_wait3A_531] : memref<2x320x128xf32, #tpu.memory_space<vmem>> -> memref<1x320x128xf32, #tpu.memory_space<vmem>>
    %dma_wait3A_533 = tpu.memref_squeeze %dma_wait3A_532 : memref<1x320x128xf32, #tpu.memory_space<vmem>> -> memref<320x128xf32, #tpu.memory_space<vmem>>
    %dma_wait3A_534 = arith.constant 0 : i32
    %dma_wait3A_535 = arith.constant 0 : i32
    %dma_wait3A_536 = tpu.memref_slice %arg2[%dma_wait3A_534, %dma_wait3A_535] : memref<110000x128xf32, #tpu.memory_space<hbm>> -> memref<110000x128xf32, #tpu.memory_space<hbm>>
    tpu.wait_indirect_dma semaphore(%arg33 : memref<!tpu.dma_semaphore, #tpu.memory_space<semaphore_mem>>) src(%dma_wait3A_536 : memref<110000x128xf32, #tpu.memory_space<hbm>>) dst(%dma_wait3A_533 : memref<320x128xf32, #tpu.memory_space<vmem>>)
    %dma_wait3A_537 = arith.constant 1 : i32
    %dma_wait3A_538 = arith.constant 0 : i32
    %dma_wait3A_539 = arith.constant 0 : i32
    %dma_wait3A_540 = tpu.memref_slice %arg30[%dma_wait3A_537, %dma_wait3A_538, %dma_wait3A_539] : memref<2x320x128xf32, #tpu.memory_space<vmem>> -> memref<1x320x128xf32, #tpu.memory_space<vmem>>
    %dma_wait3A_541 = tpu.memref_squeeze %dma_wait3A_540 : memref<1x320x128xf32, #tpu.memory_space<vmem>> -> memref<320x128xf32, #tpu.memory_space<vmem>>
    %dma_wait3A_542 = arith.constant 0 : i32
    %dma_wait3A_543 = arith.constant 0 : i32
    %dma_wait3A_544 = tpu.memref_slice %arg2[%dma_wait3A_542, %dma_wait3A_543] : memref<110000x128xf32, #tpu.memory_space<hbm>> -> memref<110000x128xf32, #tpu.memory_space<hbm>>
    tpu.wait_indirect_dma semaphore(%arg33 : memref<!tpu.dma_semaphore, #tpu.memory_space<semaphore_mem>>) src(%dma_wait3A_544 : memref<110000x128xf32, #tpu.memory_space<hbm>>) dst(%dma_wait3A_541 : memref<320x128xf32, #tpu.memory_space<vmem>>)
    %dma_wait3A_545 = arith.constant 1 : i32
    %dma_wait3A_546 = arith.constant 0 : i32
    %dma_wait3A_547 = arith.constant 0 : i32
    %dma_wait3A_548 = tpu.memref_slice %arg30[%dma_wait3A_545, %dma_wait3A_546, %dma_wait3A_547] : memref<2x320x128xf32, #tpu.memory_space<vmem>> -> memref<1x320x128xf32, #tpu.memory_space<vmem>>
    %dma_wait3A_549 = tpu.memref_squeeze %dma_wait3A_548 : memref<1x320x128xf32, #tpu.memory_space<vmem>> -> memref<320x128xf32, #tpu.memory_space<vmem>>
    %dma_wait3A_550 = arith.constant 0 : i32
    %dma_wait3A_551 = arith.constant 0 : i32
    %dma_wait3A_552 = tpu.memref_slice %arg2[%dma_wait3A_550, %dma_wait3A_551] : memref<110000x128xf32, #tpu.memory_space<hbm>> -> memref<110000x128xf32, #tpu.memory_space<hbm>>
    tpu.wait_indirect_dma semaphore(%arg33 : memref<!tpu.dma_semaphore, #tpu.memory_space<semaphore_mem>>) src(%dma_wait3A_552 : memref<110000x128xf32, #tpu.memory_space<hbm>>) dst(%dma_wait3A_549 : memref<320x128xf32, #tpu.memory_space<vmem>>)
    %add3A_553 = arith.constant 30000 : i32
    %add3A_554 = arith.addi %add3A_553, %multiple_of3A : i32
    %multiple_of3A_555 = tpu.assume_multiple %add3A_554, 8 : i32
    %run_scoped3A_556 = arith.constant 1 : i32
    "tpu.region"() ({
      %run_scoped3A_557 = tpu.sem_alloc : memref<!tpu.dma_semaphore, #tpu.memory_space<semaphore_mem>>
      %dma_start3A_558 = arith.constant 0 : i32
      %dma_start3A_559 = arith.constant 0 : i32
      %dma_start3A_560 = tpu.memref_slice %arg30[%run_scoped3A_556, %dma_start3A_558, %dma_start3A_559] : memref<2x320x128xf32, #tpu.memory_space<vmem>> -> memref<1x320x128xf32, #tpu.memory_space<vmem>>
      %dma_start3A_561 = tpu.memref_squeeze %dma_start3A_560 : memref<1x320x128xf32, #tpu.memory_space<vmem>> -> memref<320x128xf32, #tpu.memory_space<vmem>>
      %dma_start3A_562 = arith.constant 0 : i32
      %dma_start3A_563 = tpu.memref_slice %arg7[%multiple_of3A_555, %dma_start3A_562] : memref<40000x128xf32, #tpu.memory_space<hbm>> -> memref<320x128xf32, #tpu.memory_space<hbm>>
      %dma_start3A_564 = arith.constant 0 : i32
      %dma_start3A_565 = tpu.memref_slice %arg7[%multiple_of3A_555, %dma_start3A_564] : memref<40000x128xf32, #tpu.memory_space<hbm>> -> memref<320x128xf32, #tpu.memory_space<hbm>>
      %dma_start3A_566 = arith.constant 0 : i32
      %dma_start3A_567 = arith.constant 0 : i32
      %dma_start3A_568 = tpu.memref_slice %arg30[%run_scoped3A_556, %dma_start3A_566, %dma_start3A_567] : memref<2x320x128xf32, #tpu.memory_space<vmem>> -> memref<1x320x128xf32, #tpu.memory_space<vmem>>
      %dma_start3A_569 = tpu.memref_squeeze %dma_start3A_568 : memref<1x320x128xf32, #tpu.memory_space<vmem>> -> memref<320x128xf32, #tpu.memory_space<vmem>>
      tpu.enqueue_dma source(%dma_start3A_569 : memref<320x128xf32, #tpu.memory_space<vmem>>) target(%dma_start3A_565 : memref<320x128xf32, #tpu.memory_space<hbm>>) target_semaphore(%run_scoped3A_557 : memref<!tpu.dma_semaphore, #tpu.memory_space<semaphore_mem>>)
      %dma_wait3A_570 = arith.constant 0 : i32
      %dma_wait3A_571 = arith.constant 0 : i32
      %dma_wait3A_572 = tpu.memref_slice %arg30[%run_scoped3A_556, %dma_wait3A_570, %dma_wait3A_571] : memref<2x320x128xf32, #tpu.memory_space<vmem>> -> memref<1x320x128xf32, #tpu.memory_space<vmem>>
      %dma_wait3A_573 = tpu.memref_squeeze %dma_wait3A_572 : memref<1x320x128xf32, #tpu.memory_space<vmem>> -> memref<320x128xf32, #tpu.memory_space<vmem>>
      %dma_wait3A_574 = arith.constant 0 : i32
      %dma_wait3A_575 = tpu.memref_slice %arg7[%multiple_of3A_555, %dma_wait3A_574] : memref<40000x128xf32, #tpu.memory_space<hbm>> -> memref<320x128xf32, #tpu.memory_space<hbm>>
      %dma_wait3A_576 = arith.constant 0 : i32
      %dma_wait3A_577 = tpu.memref_slice %arg7[%multiple_of3A_555, %dma_wait3A_576] : memref<40000x128xf32, #tpu.memory_space<hbm>> -> memref<320x128xf32, #tpu.memory_space<hbm>>
      %dma_wait3A_578 = arith.constant 0 : i32
      %dma_wait3A_579 = arith.constant 0 : i32
      %dma_wait3A_580 = tpu.memref_slice %arg30[%run_scoped3A_556, %dma_wait3A_578, %dma_wait3A_579] : memref<2x320x128xf32, #tpu.memory_space<vmem>> -> memref<1x320x128xf32, #tpu.memory_space<vmem>>
      %dma_wait3A_581 = tpu.memref_squeeze %dma_wait3A_580 : memref<1x320x128xf32, #tpu.memory_space<vmem>> -> memref<320x128xf32, #tpu.memory_space<vmem>>
      tpu.wait_dma2 semaphore(%run_scoped3A_557 : memref<!tpu.dma_semaphore, #tpu.memory_space<semaphore_mem>>) src(%dma_wait3A_581 : memref<320x128xf32, #tpu.memory_space<vmem>>) dst(%dma_wait3A_577 : memref<320x128xf32, #tpu.memory_space<hbm>>)
      tpu.yield
    }) : () -> ()
    return
  }
}

#map = affine_map<(d0, d1) -> (0, 0)>
#map1 = affine_map<(d0, d1) -> (0)>
module attributes {stable_mosaic.version = 14 : i64} {
  func.func @body(%arg0: i32, %arg1: i32, %arg2: memref<110000x128xf32, #tpu.memory_space<hbm>>, %arg3: memref<80000xi32, #tpu.memory_space<hbm>>, %arg4: memref<90000xi32, #tpu.memory_space<hbm>>, %arg5: memref<100000xi32, #tpu.memory_space<hbm>>, %arg6: memref<30000x128xf32, #tpu.memory_space<hbm>>, %arg7: memref<320xi32, #tpu.memory_space<vmem>>, %arg8: memref<320xi32, #tpu.memory_space<vmem>>, %arg9: memref<320xi32, #tpu.memory_space<vmem>>, %arg10: memref<320xi32, #tpu.memory_space<vmem>>, %arg11: memref<320xi32, #tpu.memory_space<vmem>>, %arg12: memref<320xi32, #tpu.memory_space<vmem>>, %arg13: memref<320xi32, #tpu.memory_space<vmem>>, %arg14: memref<320xi32, #tpu.memory_space<vmem>>, %arg15: memref<320xi32, #tpu.memory_space<vmem>>, %arg16: memref<320xi32, #tpu.memory_space<vmem>>, %arg17: memref<320xi32, #tpu.memory_space<vmem>>, %arg18: memref<320xi32, #tpu.memory_space<vmem>>, %arg19: memref<320xi32, #tpu.memory_space<vmem>>, %arg20: memref<320xi32, #tpu.memory_space<vmem>>, %arg21: memref<320xi32, #tpu.memory_space<vmem>>, %arg22: memref<320xi32, #tpu.memory_space<vmem>>, %arg23: memref<320xi32, #tpu.memory_space<vmem>>, %arg24: memref<320xi32, #tpu.memory_space<vmem>>, %arg25: memref<320xi32, #tpu.memory_space<vmem>>, %arg26: memref<320xi32, #tpu.memory_space<vmem>>, %arg27: memref<320xi32, #tpu.memory_space<vmem>>, %arg28: memref<320xi32, #tpu.memory_space<vmem>>, %arg29: memref<320xi32, #tpu.memory_space<vmem>>, %arg30: memref<320xi32, #tpu.memory_space<vmem>>, %arg31: memref<320xi32, #tpu.memory_space<vmem>>, %arg32: memref<320xi32, #tpu.memory_space<vmem>>, %arg33: memref<320xi32, #tpu.memory_space<vmem>>, %arg34: memref<2x320x128xf32, #tpu.memory_space<vmem>>, %arg35: memref<!tpu.dma_semaphore, #tpu.memory_space<semaphore_mem>>, %arg36: memref<!tpu.dma_semaphore, #tpu.memory_space<semaphore_mem>>, %arg37: memref<!tpu.dma_semaphore, #tpu.memory_space<semaphore_mem>>) attributes {dimension_semantics = [#tpu.dimension_semantics<core_parallel>, #tpu.dimension_semantics<subcore_parallel>], iteration_bounds = array<i64: 2, 16>, scalar_prefetch = 0 : i64, scratch_operands = 31 : i64, tpu.core_type = #tpu.core_type<sc_vector_subcore>, window_params = [{transform_indices = #map}, {transform_indices = #map1}, {transform_indices = #map1}, {transform_indices = #map1}, {transform_indices = #map}]} {
    %mul3A = arith.constant 2 : i32
    %mul3A_0 = arith.muli %arg1, %mul3A : i32
    %add3A = arith.addi %mul3A_0, %arg0 : i32
    %eq3A = arith.constant 31 : i32
    %eq3A_1 = arith.cmpi eq, %add3A, %eq3A : i32
    %mul3A_2 = arith.constant 320 : i32
    %mul3A_3 = arith.muli %add3A, %mul3A_2 : i32
    %jit3A = arith.constant 9680 : i32
    %select_n3A = arith.select %eq3A_1, %jit3A, %mul3A_3 : i32
    %multiple_of3A = tpu.assume_multiple %select_n3A, 8 : i32
    %add3A_4 = arith.constant 0 : i32
    %add3A_5 = arith.addi %add3A_4, %multiple_of3A : i32
    %multiple_of3A_6 = tpu.assume_multiple %add3A_5, 8 : i32
    %dma_start3A = tpu.memref_slice %arg3[%multiple_of3A_6] : memref<80000xi32, #tpu.memory_space<hbm>> -> memref<320xi32, #tpu.memory_space<hbm>>
    %dma_start3A_7 = tpu.memref_slice %arg3[%multiple_of3A_6] : memref<80000xi32, #tpu.memory_space<hbm>> -> memref<320xi32, #tpu.memory_space<hbm>>
    tpu.enqueue_dma source(%dma_start3A_7 : memref<320xi32, #tpu.memory_space<hbm>>) target(%arg7 : memref<320xi32, #tpu.memory_space<vmem>>) target_semaphore(%arg35 : memref<!tpu.dma_semaphore, #tpu.memory_space<semaphore_mem>>)
    %add3A_8 = arith.constant 10000 : i32
    %add3A_9 = arith.addi %add3A_8, %multiple_of3A : i32
    %multiple_of3A_10 = tpu.assume_multiple %add3A_9, 8 : i32
    %dma_start3A_11 = tpu.memref_slice %arg3[%multiple_of3A_10] : memref<80000xi32, #tpu.memory_space<hbm>> -> memref<320xi32, #tpu.memory_space<hbm>>
    %dma_start3A_12 = tpu.memref_slice %arg3[%multiple_of3A_10] : memref<80000xi32, #tpu.memory_space<hbm>> -> memref<320xi32, #tpu.memory_space<hbm>>
    tpu.enqueue_dma source(%dma_start3A_12 : memref<320xi32, #tpu.memory_space<hbm>>) target(%arg8 : memref<320xi32, #tpu.memory_space<vmem>>) target_semaphore(%arg35 : memref<!tpu.dma_semaphore, #tpu.memory_space<semaphore_mem>>)
    %add3A_13 = arith.constant 20000 : i32
    %add3A_14 = arith.addi %add3A_13, %multiple_of3A : i32
    %multiple_of3A_15 = tpu.assume_multiple %add3A_14, 8 : i32
    %dma_start3A_16 = tpu.memref_slice %arg3[%multiple_of3A_15] : memref<80000xi32, #tpu.memory_space<hbm>> -> memref<320xi32, #tpu.memory_space<hbm>>
    %dma_start3A_17 = tpu.memref_slice %arg3[%multiple_of3A_15] : memref<80000xi32, #tpu.memory_space<hbm>> -> memref<320xi32, #tpu.memory_space<hbm>>
    tpu.enqueue_dma source(%dma_start3A_17 : memref<320xi32, #tpu.memory_space<hbm>>) target(%arg9 : memref<320xi32, #tpu.memory_space<vmem>>) target_semaphore(%arg35 : memref<!tpu.dma_semaphore, #tpu.memory_space<semaphore_mem>>)
    %add3A_18 = arith.constant 30000 : i32
    %add3A_19 = arith.addi %add3A_18, %multiple_of3A : i32
    %multiple_of3A_20 = tpu.assume_multiple %add3A_19, 8 : i32
    %dma_start3A_21 = tpu.memref_slice %arg3[%multiple_of3A_20] : memref<80000xi32, #tpu.memory_space<hbm>> -> memref<320xi32, #tpu.memory_space<hbm>>
    %dma_start3A_22 = tpu.memref_slice %arg3[%multiple_of3A_20] : memref<80000xi32, #tpu.memory_space<hbm>> -> memref<320xi32, #tpu.memory_space<hbm>>
    tpu.enqueue_dma source(%dma_start3A_22 : memref<320xi32, #tpu.memory_space<hbm>>) target(%arg10 : memref<320xi32, #tpu.memory_space<vmem>>) target_semaphore(%arg35 : memref<!tpu.dma_semaphore, #tpu.memory_space<semaphore_mem>>)
    %add3A_23 = arith.constant 40000 : i32
    %add3A_24 = arith.addi %add3A_23, %multiple_of3A : i32
    %multiple_of3A_25 = tpu.assume_multiple %add3A_24, 8 : i32
    %dma_start3A_26 = tpu.memref_slice %arg3[%multiple_of3A_25] : memref<80000xi32, #tpu.memory_space<hbm>> -> memref<320xi32, #tpu.memory_space<hbm>>
    %dma_start3A_27 = tpu.memref_slice %arg3[%multiple_of3A_25] : memref<80000xi32, #tpu.memory_space<hbm>> -> memref<320xi32, #tpu.memory_space<hbm>>
    tpu.enqueue_dma source(%dma_start3A_27 : memref<320xi32, #tpu.memory_space<hbm>>) target(%arg11 : memref<320xi32, #tpu.memory_space<vmem>>) target_semaphore(%arg35 : memref<!tpu.dma_semaphore, #tpu.memory_space<semaphore_mem>>)
    %add3A_28 = arith.constant 50000 : i32
    %add3A_29 = arith.addi %add3A_28, %multiple_of3A : i32
    %multiple_of3A_30 = tpu.assume_multiple %add3A_29, 8 : i32
    %dma_start3A_31 = tpu.memref_slice %arg3[%multiple_of3A_30] : memref<80000xi32, #tpu.memory_space<hbm>> -> memref<320xi32, #tpu.memory_space<hbm>>
    %dma_start3A_32 = tpu.memref_slice %arg3[%multiple_of3A_30] : memref<80000xi32, #tpu.memory_space<hbm>> -> memref<320xi32, #tpu.memory_space<hbm>>
    tpu.enqueue_dma source(%dma_start3A_32 : memref<320xi32, #tpu.memory_space<hbm>>) target(%arg12 : memref<320xi32, #tpu.memory_space<vmem>>) target_semaphore(%arg35 : memref<!tpu.dma_semaphore, #tpu.memory_space<semaphore_mem>>)
    %add3A_33 = arith.constant 60000 : i32
    %add3A_34 = arith.addi %add3A_33, %multiple_of3A : i32
    %multiple_of3A_35 = tpu.assume_multiple %add3A_34, 8 : i32
    %dma_start3A_36 = tpu.memref_slice %arg3[%multiple_of3A_35] : memref<80000xi32, #tpu.memory_space<hbm>> -> memref<320xi32, #tpu.memory_space<hbm>>
    %dma_start3A_37 = tpu.memref_slice %arg3[%multiple_of3A_35] : memref<80000xi32, #tpu.memory_space<hbm>> -> memref<320xi32, #tpu.memory_space<hbm>>
    tpu.enqueue_dma source(%dma_start3A_37 : memref<320xi32, #tpu.memory_space<hbm>>) target(%arg13 : memref<320xi32, #tpu.memory_space<vmem>>) target_semaphore(%arg35 : memref<!tpu.dma_semaphore, #tpu.memory_space<semaphore_mem>>)
    %add3A_38 = arith.constant 70000 : i32
    %add3A_39 = arith.addi %add3A_38, %multiple_of3A : i32
    %multiple_of3A_40 = tpu.assume_multiple %add3A_39, 8 : i32
    %dma_start3A_41 = tpu.memref_slice %arg3[%multiple_of3A_40] : memref<80000xi32, #tpu.memory_space<hbm>> -> memref<320xi32, #tpu.memory_space<hbm>>
    %dma_start3A_42 = tpu.memref_slice %arg3[%multiple_of3A_40] : memref<80000xi32, #tpu.memory_space<hbm>> -> memref<320xi32, #tpu.memory_space<hbm>>
    tpu.enqueue_dma source(%dma_start3A_42 : memref<320xi32, #tpu.memory_space<hbm>>) target(%arg14 : memref<320xi32, #tpu.memory_space<vmem>>) target_semaphore(%arg35 : memref<!tpu.dma_semaphore, #tpu.memory_space<semaphore_mem>>)
    %add3A_43 = arith.constant 0 : i32
    %add3A_44 = arith.addi %add3A_43, %multiple_of3A : i32
    %multiple_of3A_45 = tpu.assume_multiple %add3A_44, 8 : i32
    %dma_start3A_46 = tpu.memref_slice %arg4[%multiple_of3A_45] : memref<90000xi32, #tpu.memory_space<hbm>> -> memref<320xi32, #tpu.memory_space<hbm>>
    %dma_start3A_47 = tpu.memref_slice %arg4[%multiple_of3A_45] : memref<90000xi32, #tpu.memory_space<hbm>> -> memref<320xi32, #tpu.memory_space<hbm>>
    tpu.enqueue_dma source(%dma_start3A_47 : memref<320xi32, #tpu.memory_space<hbm>>) target(%arg15 : memref<320xi32, #tpu.memory_space<vmem>>) target_semaphore(%arg35 : memref<!tpu.dma_semaphore, #tpu.memory_space<semaphore_mem>>)
    %add3A_48 = arith.constant 10000 : i32
    %add3A_49 = arith.addi %add3A_48, %multiple_of3A : i32
    %multiple_of3A_50 = tpu.assume_multiple %add3A_49, 8 : i32
    %dma_start3A_51 = tpu.memref_slice %arg4[%multiple_of3A_50] : memref<90000xi32, #tpu.memory_space<hbm>> -> memref<320xi32, #tpu.memory_space<hbm>>
    %dma_start3A_52 = tpu.memref_slice %arg4[%multiple_of3A_50] : memref<90000xi32, #tpu.memory_space<hbm>> -> memref<320xi32, #tpu.memory_space<hbm>>
    tpu.enqueue_dma source(%dma_start3A_52 : memref<320xi32, #tpu.memory_space<hbm>>) target(%arg16 : memref<320xi32, #tpu.memory_space<vmem>>) target_semaphore(%arg35 : memref<!tpu.dma_semaphore, #tpu.memory_space<semaphore_mem>>)
    %add3A_53 = arith.constant 20000 : i32
    %add3A_54 = arith.addi %add3A_53, %multiple_of3A : i32
    %multiple_of3A_55 = tpu.assume_multiple %add3A_54, 8 : i32
    %dma_start3A_56 = tpu.memref_slice %arg4[%multiple_of3A_55] : memref<90000xi32, #tpu.memory_space<hbm>> -> memref<320xi32, #tpu.memory_space<hbm>>
    %dma_start3A_57 = tpu.memref_slice %arg4[%multiple_of3A_55] : memref<90000xi32, #tpu.memory_space<hbm>> -> memref<320xi32, #tpu.memory_space<hbm>>
    tpu.enqueue_dma source(%dma_start3A_57 : memref<320xi32, #tpu.memory_space<hbm>>) target(%arg17 : memref<320xi32, #tpu.memory_space<vmem>>) target_semaphore(%arg35 : memref<!tpu.dma_semaphore, #tpu.memory_space<semaphore_mem>>)
    %add3A_58 = arith.constant 30000 : i32
    %add3A_59 = arith.addi %add3A_58, %multiple_of3A : i32
    %multiple_of3A_60 = tpu.assume_multiple %add3A_59, 8 : i32
    %dma_start3A_61 = tpu.memref_slice %arg4[%multiple_of3A_60] : memref<90000xi32, #tpu.memory_space<hbm>> -> memref<320xi32, #tpu.memory_space<hbm>>
    %dma_start3A_62 = tpu.memref_slice %arg4[%multiple_of3A_60] : memref<90000xi32, #tpu.memory_space<hbm>> -> memref<320xi32, #tpu.memory_space<hbm>>
    tpu.enqueue_dma source(%dma_start3A_62 : memref<320xi32, #tpu.memory_space<hbm>>) target(%arg18 : memref<320xi32, #tpu.memory_space<vmem>>) target_semaphore(%arg35 : memref<!tpu.dma_semaphore, #tpu.memory_space<semaphore_mem>>)
    %add3A_63 = arith.constant 40000 : i32
    %add3A_64 = arith.addi %add3A_63, %multiple_of3A : i32
    %multiple_of3A_65 = tpu.assume_multiple %add3A_64, 8 : i32
    %dma_start3A_66 = tpu.memref_slice %arg4[%multiple_of3A_65] : memref<90000xi32, #tpu.memory_space<hbm>> -> memref<320xi32, #tpu.memory_space<hbm>>
    %dma_start3A_67 = tpu.memref_slice %arg4[%multiple_of3A_65] : memref<90000xi32, #tpu.memory_space<hbm>> -> memref<320xi32, #tpu.memory_space<hbm>>
    tpu.enqueue_dma source(%dma_start3A_67 : memref<320xi32, #tpu.memory_space<hbm>>) target(%arg19 : memref<320xi32, #tpu.memory_space<vmem>>) target_semaphore(%arg35 : memref<!tpu.dma_semaphore, #tpu.memory_space<semaphore_mem>>)
    %add3A_68 = arith.constant 50000 : i32
    %add3A_69 = arith.addi %add3A_68, %multiple_of3A : i32
    %multiple_of3A_70 = tpu.assume_multiple %add3A_69, 8 : i32
    %dma_start3A_71 = tpu.memref_slice %arg4[%multiple_of3A_70] : memref<90000xi32, #tpu.memory_space<hbm>> -> memref<320xi32, #tpu.memory_space<hbm>>
    %dma_start3A_72 = tpu.memref_slice %arg4[%multiple_of3A_70] : memref<90000xi32, #tpu.memory_space<hbm>> -> memref<320xi32, #tpu.memory_space<hbm>>
    tpu.enqueue_dma source(%dma_start3A_72 : memref<320xi32, #tpu.memory_space<hbm>>) target(%arg20 : memref<320xi32, #tpu.memory_space<vmem>>) target_semaphore(%arg35 : memref<!tpu.dma_semaphore, #tpu.memory_space<semaphore_mem>>)
    %add3A_73 = arith.constant 60000 : i32
    %add3A_74 = arith.addi %add3A_73, %multiple_of3A : i32
    %multiple_of3A_75 = tpu.assume_multiple %add3A_74, 8 : i32
    %dma_start3A_76 = tpu.memref_slice %arg4[%multiple_of3A_75] : memref<90000xi32, #tpu.memory_space<hbm>> -> memref<320xi32, #tpu.memory_space<hbm>>
    %dma_start3A_77 = tpu.memref_slice %arg4[%multiple_of3A_75] : memref<90000xi32, #tpu.memory_space<hbm>> -> memref<320xi32, #tpu.memory_space<hbm>>
    tpu.enqueue_dma source(%dma_start3A_77 : memref<320xi32, #tpu.memory_space<hbm>>) target(%arg21 : memref<320xi32, #tpu.memory_space<vmem>>) target_semaphore(%arg35 : memref<!tpu.dma_semaphore, #tpu.memory_space<semaphore_mem>>)
    %add3A_78 = arith.constant 70000 : i32
    %add3A_79 = arith.addi %add3A_78, %multiple_of3A : i32
    %multiple_of3A_80 = tpu.assume_multiple %add3A_79, 8 : i32
    %dma_start3A_81 = tpu.memref_slice %arg4[%multiple_of3A_80] : memref<90000xi32, #tpu.memory_space<hbm>> -> memref<320xi32, #tpu.memory_space<hbm>>
    %dma_start3A_82 = tpu.memref_slice %arg4[%multiple_of3A_80] : memref<90000xi32, #tpu.memory_space<hbm>> -> memref<320xi32, #tpu.memory_space<hbm>>
    tpu.enqueue_dma source(%dma_start3A_82 : memref<320xi32, #tpu.memory_space<hbm>>) target(%arg22 : memref<320xi32, #tpu.memory_space<vmem>>) target_semaphore(%arg35 : memref<!tpu.dma_semaphore, #tpu.memory_space<semaphore_mem>>)
    %add3A_83 = arith.constant 80000 : i32
    %add3A_84 = arith.addi %add3A_83, %multiple_of3A : i32
    %multiple_of3A_85 = tpu.assume_multiple %add3A_84, 8 : i32
    %dma_start3A_86 = tpu.memref_slice %arg4[%multiple_of3A_85] : memref<90000xi32, #tpu.memory_space<hbm>> -> memref<320xi32, #tpu.memory_space<hbm>>
    %dma_start3A_87 = tpu.memref_slice %arg4[%multiple_of3A_85] : memref<90000xi32, #tpu.memory_space<hbm>> -> memref<320xi32, #tpu.memory_space<hbm>>
    tpu.enqueue_dma source(%dma_start3A_87 : memref<320xi32, #tpu.memory_space<hbm>>) target(%arg23 : memref<320xi32, #tpu.memory_space<vmem>>) target_semaphore(%arg35 : memref<!tpu.dma_semaphore, #tpu.memory_space<semaphore_mem>>)
    %add3A_88 = arith.constant 0 : i32
    %add3A_89 = arith.addi %add3A_88, %multiple_of3A : i32
    %multiple_of3A_90 = tpu.assume_multiple %add3A_89, 8 : i32
    %dma_start3A_91 = tpu.memref_slice %arg5[%multiple_of3A_90] : memref<100000xi32, #tpu.memory_space<hbm>> -> memref<320xi32, #tpu.memory_space<hbm>>
    %dma_start3A_92 = tpu.memref_slice %arg5[%multiple_of3A_90] : memref<100000xi32, #tpu.memory_space<hbm>> -> memref<320xi32, #tpu.memory_space<hbm>>
    tpu.enqueue_dma source(%dma_start3A_92 : memref<320xi32, #tpu.memory_space<hbm>>) target(%arg24 : memref<320xi32, #tpu.memory_space<vmem>>) target_semaphore(%arg35 : memref<!tpu.dma_semaphore, #tpu.memory_space<semaphore_mem>>)
    %add3A_93 = arith.constant 10000 : i32
    %add3A_94 = arith.addi %add3A_93, %multiple_of3A : i32
    %multiple_of3A_95 = tpu.assume_multiple %add3A_94, 8 : i32
    %dma_start3A_96 = tpu.memref_slice %arg5[%multiple_of3A_95] : memref<100000xi32, #tpu.memory_space<hbm>> -> memref<320xi32, #tpu.memory_space<hbm>>
    %dma_start3A_97 = tpu.memref_slice %arg5[%multiple_of3A_95] : memref<100000xi32, #tpu.memory_space<hbm>> -> memref<320xi32, #tpu.memory_space<hbm>>
    tpu.enqueue_dma source(%dma_start3A_97 : memref<320xi32, #tpu.memory_space<hbm>>) target(%arg25 : memref<320xi32, #tpu.memory_space<vmem>>) target_semaphore(%arg35 : memref<!tpu.dma_semaphore, #tpu.memory_space<semaphore_mem>>)
    %add3A_98 = arith.constant 20000 : i32
    %add3A_99 = arith.addi %add3A_98, %multiple_of3A : i32
    %multiple_of3A_100 = tpu.assume_multiple %add3A_99, 8 : i32
    %dma_start3A_101 = tpu.memref_slice %arg5[%multiple_of3A_100] : memref<100000xi32, #tpu.memory_space<hbm>> -> memref<320xi32, #tpu.memory_space<hbm>>
    %dma_start3A_102 = tpu.memref_slice %arg5[%multiple_of3A_100] : memref<100000xi32, #tpu.memory_space<hbm>> -> memref<320xi32, #tpu.memory_space<hbm>>
    tpu.enqueue_dma source(%dma_start3A_102 : memref<320xi32, #tpu.memory_space<hbm>>) target(%arg26 : memref<320xi32, #tpu.memory_space<vmem>>) target_semaphore(%arg35 : memref<!tpu.dma_semaphore, #tpu.memory_space<semaphore_mem>>)
    %add3A_103 = arith.constant 30000 : i32
    %add3A_104 = arith.addi %add3A_103, %multiple_of3A : i32
    %multiple_of3A_105 = tpu.assume_multiple %add3A_104, 8 : i32
    %dma_start3A_106 = tpu.memref_slice %arg5[%multiple_of3A_105] : memref<100000xi32, #tpu.memory_space<hbm>> -> memref<320xi32, #tpu.memory_space<hbm>>
    %dma_start3A_107 = tpu.memref_slice %arg5[%multiple_of3A_105] : memref<100000xi32, #tpu.memory_space<hbm>> -> memref<320xi32, #tpu.memory_space<hbm>>
    tpu.enqueue_dma source(%dma_start3A_107 : memref<320xi32, #tpu.memory_space<hbm>>) target(%arg27 : memref<320xi32, #tpu.memory_space<vmem>>) target_semaphore(%arg35 : memref<!tpu.dma_semaphore, #tpu.memory_space<semaphore_mem>>)
    %add3A_108 = arith.constant 40000 : i32
    %add3A_109 = arith.addi %add3A_108, %multiple_of3A : i32
    %multiple_of3A_110 = tpu.assume_multiple %add3A_109, 8 : i32
    %dma_start3A_111 = tpu.memref_slice %arg5[%multiple_of3A_110] : memref<100000xi32, #tpu.memory_space<hbm>> -> memref<320xi32, #tpu.memory_space<hbm>>
    %dma_start3A_112 = tpu.memref_slice %arg5[%multiple_of3A_110] : memref<100000xi32, #tpu.memory_space<hbm>> -> memref<320xi32, #tpu.memory_space<hbm>>
    tpu.enqueue_dma source(%dma_start3A_112 : memref<320xi32, #tpu.memory_space<hbm>>) target(%arg28 : memref<320xi32, #tpu.memory_space<vmem>>) target_semaphore(%arg35 : memref<!tpu.dma_semaphore, #tpu.memory_space<semaphore_mem>>)
    %add3A_113 = arith.constant 50000 : i32
    %add3A_114 = arith.addi %add3A_113, %multiple_of3A : i32
    %multiple_of3A_115 = tpu.assume_multiple %add3A_114, 8 : i32
    %dma_start3A_116 = tpu.memref_slice %arg5[%multiple_of3A_115] : memref<100000xi32, #tpu.memory_space<hbm>> -> memref<320xi32, #tpu.memory_space<hbm>>
    %dma_start3A_117 = tpu.memref_slice %arg5[%multiple_of3A_115] : memref<100000xi32, #tpu.memory_space<hbm>> -> memref<320xi32, #tpu.memory_space<hbm>>
    tpu.enqueue_dma source(%dma_start3A_117 : memref<320xi32, #tpu.memory_space<hbm>>) target(%arg29 : memref<320xi32, #tpu.memory_space<vmem>>) target_semaphore(%arg35 : memref<!tpu.dma_semaphore, #tpu.memory_space<semaphore_mem>>)
    %add3A_118 = arith.constant 60000 : i32
    %add3A_119 = arith.addi %add3A_118, %multiple_of3A : i32
    %multiple_of3A_120 = tpu.assume_multiple %add3A_119, 8 : i32
    %dma_start3A_121 = tpu.memref_slice %arg5[%multiple_of3A_120] : memref<100000xi32, #tpu.memory_space<hbm>> -> memref<320xi32, #tpu.memory_space<hbm>>
    %dma_start3A_122 = tpu.memref_slice %arg5[%multiple_of3A_120] : memref<100000xi32, #tpu.memory_space<hbm>> -> memref<320xi32, #tpu.memory_space<hbm>>
    tpu.enqueue_dma source(%dma_start3A_122 : memref<320xi32, #tpu.memory_space<hbm>>) target(%arg30 : memref<320xi32, #tpu.memory_space<vmem>>) target_semaphore(%arg35 : memref<!tpu.dma_semaphore, #tpu.memory_space<semaphore_mem>>)
    %add3A_123 = arith.constant 70000 : i32
    %add3A_124 = arith.addi %add3A_123, %multiple_of3A : i32
    %multiple_of3A_125 = tpu.assume_multiple %add3A_124, 8 : i32
    %dma_start3A_126 = tpu.memref_slice %arg5[%multiple_of3A_125] : memref<100000xi32, #tpu.memory_space<hbm>> -> memref<320xi32, #tpu.memory_space<hbm>>
    %dma_start3A_127 = tpu.memref_slice %arg5[%multiple_of3A_125] : memref<100000xi32, #tpu.memory_space<hbm>> -> memref<320xi32, #tpu.memory_space<hbm>>
    tpu.enqueue_dma source(%dma_start3A_127 : memref<320xi32, #tpu.memory_space<hbm>>) target(%arg31 : memref<320xi32, #tpu.memory_space<vmem>>) target_semaphore(%arg35 : memref<!tpu.dma_semaphore, #tpu.memory_space<semaphore_mem>>)
    %add3A_128 = arith.constant 80000 : i32
    %add3A_129 = arith.addi %add3A_128, %multiple_of3A : i32
    %multiple_of3A_130 = tpu.assume_multiple %add3A_129, 8 : i32
    %dma_start3A_131 = tpu.memref_slice %arg5[%multiple_of3A_130] : memref<100000xi32, #tpu.memory_space<hbm>> -> memref<320xi32, #tpu.memory_space<hbm>>
    %dma_start3A_132 = tpu.memref_slice %arg5[%multiple_of3A_130] : memref<100000xi32, #tpu.memory_space<hbm>> -> memref<320xi32, #tpu.memory_space<hbm>>
    tpu.enqueue_dma source(%dma_start3A_132 : memref<320xi32, #tpu.memory_space<hbm>>) target(%arg32 : memref<320xi32, #tpu.memory_space<vmem>>) target_semaphore(%arg35 : memref<!tpu.dma_semaphore, #tpu.memory_space<semaphore_mem>>)
    %add3A_133 = arith.constant 90000 : i32
    %add3A_134 = arith.addi %add3A_133, %multiple_of3A : i32
    %multiple_of3A_135 = tpu.assume_multiple %add3A_134, 8 : i32
    %dma_start3A_136 = tpu.memref_slice %arg5[%multiple_of3A_135] : memref<100000xi32, #tpu.memory_space<hbm>> -> memref<320xi32, #tpu.memory_space<hbm>>
    %dma_start3A_137 = tpu.memref_slice %arg5[%multiple_of3A_135] : memref<100000xi32, #tpu.memory_space<hbm>> -> memref<320xi32, #tpu.memory_space<hbm>>
    tpu.enqueue_dma source(%dma_start3A_137 : memref<320xi32, #tpu.memory_space<hbm>>) target(%arg33 : memref<320xi32, #tpu.memory_space<vmem>>) target_semaphore(%arg35 : memref<!tpu.dma_semaphore, #tpu.memory_space<semaphore_mem>>)
    %dma_wait3A = tpu.memref_slice %arg3[%multiple_of3A_6] : memref<80000xi32, #tpu.memory_space<hbm>> -> memref<320xi32, #tpu.memory_space<hbm>>
    %dma_wait3A_138 = tpu.memref_slice %arg3[%multiple_of3A_6] : memref<80000xi32, #tpu.memory_space<hbm>> -> memref<320xi32, #tpu.memory_space<hbm>>
    tpu.wait_dma2 semaphore(%arg35 : memref<!tpu.dma_semaphore, #tpu.memory_space<semaphore_mem>>) src(%dma_wait3A_138 : memref<320xi32, #tpu.memory_space<hbm>>) dst(%arg7 : memref<320xi32, #tpu.memory_space<vmem>>)
    %dma_wait3A_139 = tpu.memref_slice %arg3[%multiple_of3A_10] : memref<80000xi32, #tpu.memory_space<hbm>> -> memref<320xi32, #tpu.memory_space<hbm>>
    %dma_wait3A_140 = tpu.memref_slice %arg3[%multiple_of3A_10] : memref<80000xi32, #tpu.memory_space<hbm>> -> memref<320xi32, #tpu.memory_space<hbm>>
    tpu.wait_dma2 semaphore(%arg35 : memref<!tpu.dma_semaphore, #tpu.memory_space<semaphore_mem>>) src(%dma_wait3A_140 : memref<320xi32, #tpu.memory_space<hbm>>) dst(%arg8 : memref<320xi32, #tpu.memory_space<vmem>>)
    %dma_wait3A_141 = tpu.memref_slice %arg3[%multiple_of3A_15] : memref<80000xi32, #tpu.memory_space<hbm>> -> memref<320xi32, #tpu.memory_space<hbm>>
    %dma_wait3A_142 = tpu.memref_slice %arg3[%multiple_of3A_15] : memref<80000xi32, #tpu.memory_space<hbm>> -> memref<320xi32, #tpu.memory_space<hbm>>
    tpu.wait_dma2 semaphore(%arg35 : memref<!tpu.dma_semaphore, #tpu.memory_space<semaphore_mem>>) src(%dma_wait3A_142 : memref<320xi32, #tpu.memory_space<hbm>>) dst(%arg9 : memref<320xi32, #tpu.memory_space<vmem>>)
    %dma_wait3A_143 = tpu.memref_slice %arg3[%multiple_of3A_20] : memref<80000xi32, #tpu.memory_space<hbm>> -> memref<320xi32, #tpu.memory_space<hbm>>
    %dma_wait3A_144 = tpu.memref_slice %arg3[%multiple_of3A_20] : memref<80000xi32, #tpu.memory_space<hbm>> -> memref<320xi32, #tpu.memory_space<hbm>>
    tpu.wait_dma2 semaphore(%arg35 : memref<!tpu.dma_semaphore, #tpu.memory_space<semaphore_mem>>) src(%dma_wait3A_144 : memref<320xi32, #tpu.memory_space<hbm>>) dst(%arg10 : memref<320xi32, #tpu.memory_space<vmem>>)
    %dma_wait3A_145 = tpu.memref_slice %arg3[%multiple_of3A_25] : memref<80000xi32, #tpu.memory_space<hbm>> -> memref<320xi32, #tpu.memory_space<hbm>>
    %dma_wait3A_146 = tpu.memref_slice %arg3[%multiple_of3A_25] : memref<80000xi32, #tpu.memory_space<hbm>> -> memref<320xi32, #tpu.memory_space<hbm>>
    tpu.wait_dma2 semaphore(%arg35 : memref<!tpu.dma_semaphore, #tpu.memory_space<semaphore_mem>>) src(%dma_wait3A_146 : memref<320xi32, #tpu.memory_space<hbm>>) dst(%arg11 : memref<320xi32, #tpu.memory_space<vmem>>)
    %dma_wait3A_147 = tpu.memref_slice %arg3[%multiple_of3A_30] : memref<80000xi32, #tpu.memory_space<hbm>> -> memref<320xi32, #tpu.memory_space<hbm>>
    %dma_wait3A_148 = tpu.memref_slice %arg3[%multiple_of3A_30] : memref<80000xi32, #tpu.memory_space<hbm>> -> memref<320xi32, #tpu.memory_space<hbm>>
    tpu.wait_dma2 semaphore(%arg35 : memref<!tpu.dma_semaphore, #tpu.memory_space<semaphore_mem>>) src(%dma_wait3A_148 : memref<320xi32, #tpu.memory_space<hbm>>) dst(%arg12 : memref<320xi32, #tpu.memory_space<vmem>>)
    %dma_wait3A_149 = tpu.memref_slice %arg3[%multiple_of3A_35] : memref<80000xi32, #tpu.memory_space<hbm>> -> memref<320xi32, #tpu.memory_space<hbm>>
    %dma_wait3A_150 = tpu.memref_slice %arg3[%multiple_of3A_35] : memref<80000xi32, #tpu.memory_space<hbm>> -> memref<320xi32, #tpu.memory_space<hbm>>
    tpu.wait_dma2 semaphore(%arg35 : memref<!tpu.dma_semaphore, #tpu.memory_space<semaphore_mem>>) src(%dma_wait3A_150 : memref<320xi32, #tpu.memory_space<hbm>>) dst(%arg13 : memref<320xi32, #tpu.memory_space<vmem>>)
    %dma_wait3A_151 = tpu.memref_slice %arg3[%multiple_of3A_40] : memref<80000xi32, #tpu.memory_space<hbm>> -> memref<320xi32, #tpu.memory_space<hbm>>
    %dma_wait3A_152 = tpu.memref_slice %arg3[%multiple_of3A_40] : memref<80000xi32, #tpu.memory_space<hbm>> -> memref<320xi32, #tpu.memory_space<hbm>>
    tpu.wait_dma2 semaphore(%arg35 : memref<!tpu.dma_semaphore, #tpu.memory_space<semaphore_mem>>) src(%dma_wait3A_152 : memref<320xi32, #tpu.memory_space<hbm>>) dst(%arg14 : memref<320xi32, #tpu.memory_space<vmem>>)
    %dma_wait3A_153 = tpu.memref_slice %arg4[%multiple_of3A_45] : memref<90000xi32, #tpu.memory_space<hbm>> -> memref<320xi32, #tpu.memory_space<hbm>>
    %dma_wait3A_154 = tpu.memref_slice %arg4[%multiple_of3A_45] : memref<90000xi32, #tpu.memory_space<hbm>> -> memref<320xi32, #tpu.memory_space<hbm>>
    tpu.wait_dma2 semaphore(%arg35 : memref<!tpu.dma_semaphore, #tpu.memory_space<semaphore_mem>>) src(%dma_wait3A_154 : memref<320xi32, #tpu.memory_space<hbm>>) dst(%arg15 : memref<320xi32, #tpu.memory_space<vmem>>)
    %dma_wait3A_155 = tpu.memref_slice %arg4[%multiple_of3A_50] : memref<90000xi32, #tpu.memory_space<hbm>> -> memref<320xi32, #tpu.memory_space<hbm>>
    %dma_wait3A_156 = tpu.memref_slice %arg4[%multiple_of3A_50] : memref<90000xi32, #tpu.memory_space<hbm>> -> memref<320xi32, #tpu.memory_space<hbm>>
    tpu.wait_dma2 semaphore(%arg35 : memref<!tpu.dma_semaphore, #tpu.memory_space<semaphore_mem>>) src(%dma_wait3A_156 : memref<320xi32, #tpu.memory_space<hbm>>) dst(%arg16 : memref<320xi32, #tpu.memory_space<vmem>>)
    %dma_wait3A_157 = tpu.memref_slice %arg4[%multiple_of3A_55] : memref<90000xi32, #tpu.memory_space<hbm>> -> memref<320xi32, #tpu.memory_space<hbm>>
    %dma_wait3A_158 = tpu.memref_slice %arg4[%multiple_of3A_55] : memref<90000xi32, #tpu.memory_space<hbm>> -> memref<320xi32, #tpu.memory_space<hbm>>
    tpu.wait_dma2 semaphore(%arg35 : memref<!tpu.dma_semaphore, #tpu.memory_space<semaphore_mem>>) src(%dma_wait3A_158 : memref<320xi32, #tpu.memory_space<hbm>>) dst(%arg17 : memref<320xi32, #tpu.memory_space<vmem>>)
    %dma_wait3A_159 = tpu.memref_slice %arg4[%multiple_of3A_60] : memref<90000xi32, #tpu.memory_space<hbm>> -> memref<320xi32, #tpu.memory_space<hbm>>
    %dma_wait3A_160 = tpu.memref_slice %arg4[%multiple_of3A_60] : memref<90000xi32, #tpu.memory_space<hbm>> -> memref<320xi32, #tpu.memory_space<hbm>>
    tpu.wait_dma2 semaphore(%arg35 : memref<!tpu.dma_semaphore, #tpu.memory_space<semaphore_mem>>) src(%dma_wait3A_160 : memref<320xi32, #tpu.memory_space<hbm>>) dst(%arg18 : memref<320xi32, #tpu.memory_space<vmem>>)
    %dma_wait3A_161 = tpu.memref_slice %arg4[%multiple_of3A_65] : memref<90000xi32, #tpu.memory_space<hbm>> -> memref<320xi32, #tpu.memory_space<hbm>>
    %dma_wait3A_162 = tpu.memref_slice %arg4[%multiple_of3A_65] : memref<90000xi32, #tpu.memory_space<hbm>> -> memref<320xi32, #tpu.memory_space<hbm>>
    tpu.wait_dma2 semaphore(%arg35 : memref<!tpu.dma_semaphore, #tpu.memory_space<semaphore_mem>>) src(%dma_wait3A_162 : memref<320xi32, #tpu.memory_space<hbm>>) dst(%arg19 : memref<320xi32, #tpu.memory_space<vmem>>)
    %dma_wait3A_163 = tpu.memref_slice %arg4[%multiple_of3A_70] : memref<90000xi32, #tpu.memory_space<hbm>> -> memref<320xi32, #tpu.memory_space<hbm>>
    %dma_wait3A_164 = tpu.memref_slice %arg4[%multiple_of3A_70] : memref<90000xi32, #tpu.memory_space<hbm>> -> memref<320xi32, #tpu.memory_space<hbm>>
    tpu.wait_dma2 semaphore(%arg35 : memref<!tpu.dma_semaphore, #tpu.memory_space<semaphore_mem>>) src(%dma_wait3A_164 : memref<320xi32, #tpu.memory_space<hbm>>) dst(%arg20 : memref<320xi32, #tpu.memory_space<vmem>>)
    %dma_wait3A_165 = tpu.memref_slice %arg4[%multiple_of3A_75] : memref<90000xi32, #tpu.memory_space<hbm>> -> memref<320xi32, #tpu.memory_space<hbm>>
    %dma_wait3A_166 = tpu.memref_slice %arg4[%multiple_of3A_75] : memref<90000xi32, #tpu.memory_space<hbm>> -> memref<320xi32, #tpu.memory_space<hbm>>
    tpu.wait_dma2 semaphore(%arg35 : memref<!tpu.dma_semaphore, #tpu.memory_space<semaphore_mem>>) src(%dma_wait3A_166 : memref<320xi32, #tpu.memory_space<hbm>>) dst(%arg21 : memref<320xi32, #tpu.memory_space<vmem>>)
    %dma_wait3A_167 = tpu.memref_slice %arg4[%multiple_of3A_80] : memref<90000xi32, #tpu.memory_space<hbm>> -> memref<320xi32, #tpu.memory_space<hbm>>
    %dma_wait3A_168 = tpu.memref_slice %arg4[%multiple_of3A_80] : memref<90000xi32, #tpu.memory_space<hbm>> -> memref<320xi32, #tpu.memory_space<hbm>>
    tpu.wait_dma2 semaphore(%arg35 : memref<!tpu.dma_semaphore, #tpu.memory_space<semaphore_mem>>) src(%dma_wait3A_168 : memref<320xi32, #tpu.memory_space<hbm>>) dst(%arg22 : memref<320xi32, #tpu.memory_space<vmem>>)
    %dma_wait3A_169 = tpu.memref_slice %arg4[%multiple_of3A_85] : memref<90000xi32, #tpu.memory_space<hbm>> -> memref<320xi32, #tpu.memory_space<hbm>>
    %dma_wait3A_170 = tpu.memref_slice %arg4[%multiple_of3A_85] : memref<90000xi32, #tpu.memory_space<hbm>> -> memref<320xi32, #tpu.memory_space<hbm>>
    tpu.wait_dma2 semaphore(%arg35 : memref<!tpu.dma_semaphore, #tpu.memory_space<semaphore_mem>>) src(%dma_wait3A_170 : memref<320xi32, #tpu.memory_space<hbm>>) dst(%arg23 : memref<320xi32, #tpu.memory_space<vmem>>)
    %dma_wait3A_171 = tpu.memref_slice %arg5[%multiple_of3A_90] : memref<100000xi32, #tpu.memory_space<hbm>> -> memref<320xi32, #tpu.memory_space<hbm>>
    %dma_wait3A_172 = tpu.memref_slice %arg5[%multiple_of3A_90] : memref<100000xi32, #tpu.memory_space<hbm>> -> memref<320xi32, #tpu.memory_space<hbm>>
    tpu.wait_dma2 semaphore(%arg35 : memref<!tpu.dma_semaphore, #tpu.memory_space<semaphore_mem>>) src(%dma_wait3A_172 : memref<320xi32, #tpu.memory_space<hbm>>) dst(%arg24 : memref<320xi32, #tpu.memory_space<vmem>>)
    %dma_wait3A_173 = tpu.memref_slice %arg5[%multiple_of3A_95] : memref<100000xi32, #tpu.memory_space<hbm>> -> memref<320xi32, #tpu.memory_space<hbm>>
    %dma_wait3A_174 = tpu.memref_slice %arg5[%multiple_of3A_95] : memref<100000xi32, #tpu.memory_space<hbm>> -> memref<320xi32, #tpu.memory_space<hbm>>
    tpu.wait_dma2 semaphore(%arg35 : memref<!tpu.dma_semaphore, #tpu.memory_space<semaphore_mem>>) src(%dma_wait3A_174 : memref<320xi32, #tpu.memory_space<hbm>>) dst(%arg25 : memref<320xi32, #tpu.memory_space<vmem>>)
    %dma_wait3A_175 = tpu.memref_slice %arg5[%multiple_of3A_100] : memref<100000xi32, #tpu.memory_space<hbm>> -> memref<320xi32, #tpu.memory_space<hbm>>
    %dma_wait3A_176 = tpu.memref_slice %arg5[%multiple_of3A_100] : memref<100000xi32, #tpu.memory_space<hbm>> -> memref<320xi32, #tpu.memory_space<hbm>>
    tpu.wait_dma2 semaphore(%arg35 : memref<!tpu.dma_semaphore, #tpu.memory_space<semaphore_mem>>) src(%dma_wait3A_176 : memref<320xi32, #tpu.memory_space<hbm>>) dst(%arg26 : memref<320xi32, #tpu.memory_space<vmem>>)
    %dma_wait3A_177 = tpu.memref_slice %arg5[%multiple_of3A_105] : memref<100000xi32, #tpu.memory_space<hbm>> -> memref<320xi32, #tpu.memory_space<hbm>>
    %dma_wait3A_178 = tpu.memref_slice %arg5[%multiple_of3A_105] : memref<100000xi32, #tpu.memory_space<hbm>> -> memref<320xi32, #tpu.memory_space<hbm>>
    tpu.wait_dma2 semaphore(%arg35 : memref<!tpu.dma_semaphore, #tpu.memory_space<semaphore_mem>>) src(%dma_wait3A_178 : memref<320xi32, #tpu.memory_space<hbm>>) dst(%arg27 : memref<320xi32, #tpu.memory_space<vmem>>)
    %dma_wait3A_179 = tpu.memref_slice %arg5[%multiple_of3A_110] : memref<100000xi32, #tpu.memory_space<hbm>> -> memref<320xi32, #tpu.memory_space<hbm>>
    %dma_wait3A_180 = tpu.memref_slice %arg5[%multiple_of3A_110] : memref<100000xi32, #tpu.memory_space<hbm>> -> memref<320xi32, #tpu.memory_space<hbm>>
    tpu.wait_dma2 semaphore(%arg35 : memref<!tpu.dma_semaphore, #tpu.memory_space<semaphore_mem>>) src(%dma_wait3A_180 : memref<320xi32, #tpu.memory_space<hbm>>) dst(%arg28 : memref<320xi32, #tpu.memory_space<vmem>>)
    %dma_wait3A_181 = tpu.memref_slice %arg5[%multiple_of3A_115] : memref<100000xi32, #tpu.memory_space<hbm>> -> memref<320xi32, #tpu.memory_space<hbm>>
    %dma_wait3A_182 = tpu.memref_slice %arg5[%multiple_of3A_115] : memref<100000xi32, #tpu.memory_space<hbm>> -> memref<320xi32, #tpu.memory_space<hbm>>
    tpu.wait_dma2 semaphore(%arg35 : memref<!tpu.dma_semaphore, #tpu.memory_space<semaphore_mem>>) src(%dma_wait3A_182 : memref<320xi32, #tpu.memory_space<hbm>>) dst(%arg29 : memref<320xi32, #tpu.memory_space<vmem>>)
    %dma_wait3A_183 = tpu.memref_slice %arg5[%multiple_of3A_120] : memref<100000xi32, #tpu.memory_space<hbm>> -> memref<320xi32, #tpu.memory_space<hbm>>
    %dma_wait3A_184 = tpu.memref_slice %arg5[%multiple_of3A_120] : memref<100000xi32, #tpu.memory_space<hbm>> -> memref<320xi32, #tpu.memory_space<hbm>>
    tpu.wait_dma2 semaphore(%arg35 : memref<!tpu.dma_semaphore, #tpu.memory_space<semaphore_mem>>) src(%dma_wait3A_184 : memref<320xi32, #tpu.memory_space<hbm>>) dst(%arg30 : memref<320xi32, #tpu.memory_space<vmem>>)
    %dma_wait3A_185 = tpu.memref_slice %arg5[%multiple_of3A_125] : memref<100000xi32, #tpu.memory_space<hbm>> -> memref<320xi32, #tpu.memory_space<hbm>>
    %dma_wait3A_186 = tpu.memref_slice %arg5[%multiple_of3A_125] : memref<100000xi32, #tpu.memory_space<hbm>> -> memref<320xi32, #tpu.memory_space<hbm>>
    tpu.wait_dma2 semaphore(%arg35 : memref<!tpu.dma_semaphore, #tpu.memory_space<semaphore_mem>>) src(%dma_wait3A_186 : memref<320xi32, #tpu.memory_space<hbm>>) dst(%arg31 : memref<320xi32, #tpu.memory_space<vmem>>)
    %dma_wait3A_187 = tpu.memref_slice %arg5[%multiple_of3A_130] : memref<100000xi32, #tpu.memory_space<hbm>> -> memref<320xi32, #tpu.memory_space<hbm>>
    %dma_wait3A_188 = tpu.memref_slice %arg5[%multiple_of3A_130] : memref<100000xi32, #tpu.memory_space<hbm>> -> memref<320xi32, #tpu.memory_space<hbm>>
    tpu.wait_dma2 semaphore(%arg35 : memref<!tpu.dma_semaphore, #tpu.memory_space<semaphore_mem>>) src(%dma_wait3A_188 : memref<320xi32, #tpu.memory_space<hbm>>) dst(%arg32 : memref<320xi32, #tpu.memory_space<vmem>>)
    %dma_wait3A_189 = tpu.memref_slice %arg5[%multiple_of3A_135] : memref<100000xi32, #tpu.memory_space<hbm>> -> memref<320xi32, #tpu.memory_space<hbm>>
    %dma_wait3A_190 = tpu.memref_slice %arg5[%multiple_of3A_135] : memref<100000xi32, #tpu.memory_space<hbm>> -> memref<320xi32, #tpu.memory_space<hbm>>
    tpu.wait_dma2 semaphore(%arg35 : memref<!tpu.dma_semaphore, #tpu.memory_space<semaphore_mem>>) src(%dma_wait3A_190 : memref<320xi32, #tpu.memory_space<hbm>>) dst(%arg33 : memref<320xi32, #tpu.memory_space<vmem>>)
    %broadcast_in_dim3A = arith.constant 0.000000e+00 : f32
    %broadcast_in_dim3A_191 = vector.broadcast %broadcast_in_dim3A : f32 to vector<16xf32>
    %scan3A = arith.constant 0 : i32
    %scan3A_192 = arith.constant 0 : i32
    %scan3A_193 = arith.constant 320 : i32
    %scan3A_194 = arith.addi %scan3A_192, %scan3A_193 : i32
    %scan3A_195 = arith.constant 1 : i32
    %scan3A_196 = scf.for %scan3A_659 = %scan3A_192 to %scan3A_194 step %scan3A_195 iter_args(%scan3A_660 = %scan3A) -> (i32)  : i32 {
      %swap3A = arith.constant 0 : i32
      %swap3A_661 = arith.index_cast %swap3A : i32 to index
      %swap3A_662 = arith.index_cast %scan3A_659 : i32 to index
      %swap3A_663 = arith.constant 0 : index
      %swap3A_664 = tpu.vector_load %arg34[%swap3A_661, %swap3A_662, %swap3A_663] {strides = array<i32>} : memref<2x320x128xf32, #tpu.memory_space<vmem>>, vector<1x1x16xf32>,
      %swap3A_665 = vector.shape_cast %swap3A_664 : vector<1x1x16xf32> to vector<16xf32>
      %swap3A_666 = vector.shape_cast %broadcast_in_dim3A_191 : vector<16xf32> to vector<1x1x16xf32>
      tpu.vector_store %arg34[%swap3A_661, %swap3A_662, %swap3A_663], %swap3A_666 {strides = array<i32>} : memref<2x320x128xf32, #tpu.memory_space<vmem>>, vector<1x1x16xf32>,
      %swap3A_667 = arith.constant 0 : i32
      %swap3A_668 = arith.index_cast %swap3A_667 : i32 to index
      %swap3A_669 = arith.index_cast %scan3A_659 : i32 to index
      %swap3A_670 = arith.constant 16 : index
      %swap3A_671 = tpu.vector_load %arg34[%swap3A_668, %swap3A_669, %swap3A_670] {strides = array<i32>} : memref<2x320x128xf32, #tpu.memory_space<vmem>>, vector<1x1x16xf32>,
      %swap3A_672 = vector.shape_cast %swap3A_671 : vector<1x1x16xf32> to vector<16xf32>
      %swap3A_673 = vector.shape_cast %broadcast_in_dim3A_191 : vector<16xf32> to vector<1x1x16xf32>
      tpu.vector_store %arg34[%swap3A_668, %swap3A_669, %swap3A_670], %swap3A_673 {strides = array<i32>} : memref<2x320x128xf32, #tpu.memory_space<vmem>>, vector<1x1x16xf32>,
      %swap3A_674 = arith.constant 0 : i32
      %swap3A_675 = arith.index_cast %swap3A_674 : i32 to index
      %swap3A_676 = arith.index_cast %scan3A_659 : i32 to index
      %swap3A_677 = arith.constant 32 : index
      %swap3A_678 = tpu.vector_load %arg34[%swap3A_675, %swap3A_676, %swap3A_677] {strides = array<i32>} : memref<2x320x128xf32, #tpu.memory_space<vmem>>, vector<1x1x16xf32>,
      %swap3A_679 = vector.shape_cast %swap3A_678 : vector<1x1x16xf32> to vector<16xf32>
      %swap3A_680 = vector.shape_cast %broadcast_in_dim3A_191 : vector<16xf32> to vector<1x1x16xf32>
      tpu.vector_store %arg34[%swap3A_675, %swap3A_676, %swap3A_677], %swap3A_680 {strides = array<i32>} : memref<2x320x128xf32, #tpu.memory_space<vmem>>, vector<1x1x16xf32>,
      %swap3A_681 = arith.constant 0 : i32
      %swap3A_682 = arith.index_cast %swap3A_681 : i32 to index
      %swap3A_683 = arith.index_cast %scan3A_659 : i32 to index
      %swap3A_684 = arith.constant 48 : index
      %swap3A_685 = tpu.vector_load %arg34[%swap3A_682, %swap3A_683, %swap3A_684] {strides = array<i32>} : memref<2x320x128xf32, #tpu.memory_space<vmem>>, vector<1x1x16xf32>,
      %swap3A_686 = vector.shape_cast %swap3A_685 : vector<1x1x16xf32> to vector<16xf32>
      %swap3A_687 = vector.shape_cast %broadcast_in_dim3A_191 : vector<16xf32> to vector<1x1x16xf32>
      tpu.vector_store %arg34[%swap3A_682, %swap3A_683, %swap3A_684], %swap3A_687 {strides = array<i32>} : memref<2x320x128xf32, #tpu.memory_space<vmem>>, vector<1x1x16xf32>,
      %swap3A_688 = arith.constant 0 : i32
      %swap3A_689 = arith.index_cast %swap3A_688 : i32 to index
      %swap3A_690 = arith.index_cast %scan3A_659 : i32 to index
      %swap3A_691 = arith.constant 64 : index
      %swap3A_692 = tpu.vector_load %arg34[%swap3A_689, %swap3A_690, %swap3A_691] {strides = array<i32>} : memref<2x320x128xf32, #tpu.memory_space<vmem>>, vector<1x1x16xf32>,
      %swap3A_693 = vector.shape_cast %swap3A_692 : vector<1x1x16xf32> to vector<16xf32>
      %swap3A_694 = vector.shape_cast %broadcast_in_dim3A_191 : vector<16xf32> to vector<1x1x16xf32>
      tpu.vector_store %arg34[%swap3A_689, %swap3A_690, %swap3A_691], %swap3A_694 {strides = array<i32>} : memref<2x320x128xf32, #tpu.memory_space<vmem>>, vector<1x1x16xf32>,
      %swap3A_695 = arith.constant 0 : i32
      %swap3A_696 = arith.index_cast %swap3A_695 : i32 to index
      %swap3A_697 = arith.index_cast %scan3A_659 : i32 to index
      %swap3A_698 = arith.constant 80 : index
      %swap3A_699 = tpu.vector_load %arg34[%swap3A_696, %swap3A_697, %swap3A_698] {strides = array<i32>} : memref<2x320x128xf32, #tpu.memory_space<vmem>>, vector<1x1x16xf32>,
      %swap3A_700 = vector.shape_cast %swap3A_699 : vector<1x1x16xf32> to vector<16xf32>
      %swap3A_701 = vector.shape_cast %broadcast_in_dim3A_191 : vector<16xf32> to vector<1x1x16xf32>
      tpu.vector_store %arg34[%swap3A_696, %swap3A_697, %swap3A_698], %swap3A_701 {strides = array<i32>} : memref<2x320x128xf32, #tpu.memory_space<vmem>>, vector<1x1x16xf32>,
      %swap3A_702 = arith.constant 0 : i32
      %swap3A_703 = arith.index_cast %swap3A_702 : i32 to index
      %swap3A_704 = arith.index_cast %scan3A_659 : i32 to index
      %swap3A_705 = arith.constant 96 : index
      %swap3A_706 = tpu.vector_load %arg34[%swap3A_703, %swap3A_704, %swap3A_705] {strides = array<i32>} : memref<2x320x128xf32, #tpu.memory_space<vmem>>, vector<1x1x16xf32>,
      %swap3A_707 = vector.shape_cast %swap3A_706 : vector<1x1x16xf32> to vector<16xf32>
      %swap3A_708 = vector.shape_cast %broadcast_in_dim3A_191 : vector<16xf32> to vector<1x1x16xf32>
      tpu.vector_store %arg34[%swap3A_703, %swap3A_704, %swap3A_705], %swap3A_708 {strides = array<i32>} : memref<2x320x128xf32, #tpu.memory_space<vmem>>, vector<1x1x16xf32>,
      %swap3A_709 = arith.constant 0 : i32
      %swap3A_710 = arith.index_cast %swap3A_709 : i32 to index
      %swap3A_711 = arith.index_cast %scan3A_659 : i32 to index
      %swap3A_712 = arith.constant 112 : index
      %swap3A_713 = tpu.vector_load %arg34[%swap3A_710, %swap3A_711, %swap3A_712] {strides = array<i32>} : memref<2x320x128xf32, #tpu.memory_space<vmem>>, vector<1x1x16xf32>,
      %swap3A_714 = vector.shape_cast %swap3A_713 : vector<1x1x16xf32> to vector<16xf32>
      %swap3A_715 = vector.shape_cast %broadcast_in_dim3A_191 : vector<16xf32> to vector<1x1x16xf32>
      tpu.vector_store %arg34[%swap3A_710, %swap3A_711, %swap3A_712], %swap3A_715 {strides = array<i32>} : memref<2x320x128xf32, #tpu.memory_space<vmem>>, vector<1x1x16xf32>,
      %scan3A_716 = arith.constant 0 : i32
      scf.yield %scan3A_716 : i32
    }
    %scan3A_197 = arith.constant 320 : i32
    %dma_start3A_198 = arith.constant 0 : i32
    %dma_start3A_199 = arith.constant 0 : i32
    %dma_start3A_200 = arith.constant 0 : i32
    %dma_start3A_201 = tpu.memref_slice %arg34[%dma_start3A_198, %dma_start3A_199, %dma_start3A_200] : memref<2x320x128xf32, #tpu.memory_space<vmem>> -> memref<1x320x128xf32, #tpu.memory_space<vmem>>
    %dma_start3A_202 = tpu.memref_squeeze %dma_start3A_201 : memref<1x320x128xf32, #tpu.memory_space<vmem>> -> memref<320x128xf32, #tpu.memory_space<vmem>>
    %dma_start3A_203 = arith.constant 0 : i32
    %dma_start3A_204 = arith.constant 0 : i32
    %dma_start3A_205 = tpu.memref_slice %arg2[%dma_start3A_203, %dma_start3A_204] : memref<110000x128xf32, #tpu.memory_space<hbm>> -> memref<110000x128xf32, #tpu.memory_space<hbm>>
    tpu.enqueue_indirect_dma source(%dma_start3A_205 : memref<110000x128xf32, #tpu.memory_space<hbm>>) target(%dma_start3A_202 : memref<320x128xf32, #tpu.memory_space<vmem>>) offsets(%arg7 : memref<320xi32, #tpu.memory_space<vmem>>) semaphore(%arg36 : memref<!tpu.dma_semaphore, #tpu.memory_space<semaphore_mem>>) {add = true}
    %dma_start3A_206 = arith.constant 0 : i32
    %dma_start3A_207 = arith.constant 0 : i32
    %dma_start3A_208 = arith.constant 0 : i32
    %dma_start3A_209 = tpu.memref_slice %arg34[%dma_start3A_206, %dma_start3A_207, %dma_start3A_208] : memref<2x320x128xf32, #tpu.memory_space<vmem>> -> memref<1x320x128xf32, #tpu.memory_space<vmem>>
    %dma_start3A_210 = tpu.memref_squeeze %dma_start3A_209 : memref<1x320x128xf32, #tpu.memory_space<vmem>> -> memref<320x128xf32, #tpu.memory_space<vmem>>
    %dma_start3A_211 = arith.constant 0 : i32
    %dma_start3A_212 = arith.constant 0 : i32
    %dma_start3A_213 = tpu.memref_slice %arg2[%dma_start3A_211, %dma_start3A_212] : memref<110000x128xf32, #tpu.memory_space<hbm>> -> memref<110000x128xf32, #tpu.memory_space<hbm>>
    tpu.enqueue_indirect_dma source(%dma_start3A_213 : memref<110000x128xf32, #tpu.memory_space<hbm>>) target(%dma_start3A_210 : memref<320x128xf32, #tpu.memory_space<vmem>>) offsets(%arg8 : memref<320xi32, #tpu.memory_space<vmem>>) semaphore(%arg36 : memref<!tpu.dma_semaphore, #tpu.memory_space<semaphore_mem>>) {add = true}
    %dma_start3A_214 = arith.constant 0 : i32
    %dma_start3A_215 = arith.constant 0 : i32
    %dma_start3A_216 = arith.constant 0 : i32
    %dma_start3A_217 = tpu.memref_slice %arg34[%dma_start3A_214, %dma_start3A_215, %dma_start3A_216] : memref<2x320x128xf32, #tpu.memory_space<vmem>> -> memref<1x320x128xf32, #tpu.memory_space<vmem>>
    %dma_start3A_218 = tpu.memref_squeeze %dma_start3A_217 : memref<1x320x128xf32, #tpu.memory_space<vmem>> -> memref<320x128xf32, #tpu.memory_space<vmem>>
    %dma_start3A_219 = arith.constant 0 : i32
    %dma_start3A_220 = arith.constant 0 : i32
    %dma_start3A_221 = tpu.memref_slice %arg2[%dma_start3A_219, %dma_start3A_220] : memref<110000x128xf32, #tpu.memory_space<hbm>> -> memref<110000x128xf32, #tpu.memory_space<hbm>>
    tpu.enqueue_indirect_dma source(%dma_start3A_221 : memref<110000x128xf32, #tpu.memory_space<hbm>>) target(%dma_start3A_218 : memref<320x128xf32, #tpu.memory_space<vmem>>) offsets(%arg9 : memref<320xi32, #tpu.memory_space<vmem>>) semaphore(%arg36 : memref<!tpu.dma_semaphore, #tpu.memory_space<semaphore_mem>>) {add = true}
    %dma_start3A_222 = arith.constant 0 : i32
    %dma_start3A_223 = arith.constant 0 : i32
    %dma_start3A_224 = arith.constant 0 : i32
    %dma_start3A_225 = tpu.memref_slice %arg34[%dma_start3A_222, %dma_start3A_223, %dma_start3A_224] : memref<2x320x128xf32, #tpu.memory_space<vmem>> -> memref<1x320x128xf32, #tpu.memory_space<vmem>>
    %dma_start3A_226 = tpu.memref_squeeze %dma_start3A_225 : memref<1x320x128xf32, #tpu.memory_space<vmem>> -> memref<320x128xf32, #tpu.memory_space<vmem>>
    %dma_start3A_227 = arith.constant 0 : i32
    %dma_start3A_228 = arith.constant 0 : i32
    %dma_start3A_229 = tpu.memref_slice %arg2[%dma_start3A_227, %dma_start3A_228] : memref<110000x128xf32, #tpu.memory_space<hbm>> -> memref<110000x128xf32, #tpu.memory_space<hbm>>
    tpu.enqueue_indirect_dma source(%dma_start3A_229 : memref<110000x128xf32, #tpu.memory_space<hbm>>) target(%dma_start3A_226 : memref<320x128xf32, #tpu.memory_space<vmem>>) offsets(%arg10 : memref<320xi32, #tpu.memory_space<vmem>>) semaphore(%arg36 : memref<!tpu.dma_semaphore, #tpu.memory_space<semaphore_mem>>) {add = true}
    %dma_start3A_230 = arith.constant 0 : i32
    %dma_start3A_231 = arith.constant 0 : i32
    %dma_start3A_232 = arith.constant 0 : i32
    %dma_start3A_233 = tpu.memref_slice %arg34[%dma_start3A_230, %dma_start3A_231, %dma_start3A_232] : memref<2x320x128xf32, #tpu.memory_space<vmem>> -> memref<1x320x128xf32, #tpu.memory_space<vmem>>
    %dma_start3A_234 = tpu.memref_squeeze %dma_start3A_233 : memref<1x320x128xf32, #tpu.memory_space<vmem>> -> memref<320x128xf32, #tpu.memory_space<vmem>>
    %dma_start3A_235 = arith.constant 0 : i32
    %dma_start3A_236 = arith.constant 0 : i32
    %dma_start3A_237 = tpu.memref_slice %arg2[%dma_start3A_235, %dma_start3A_236] : memref<110000x128xf32, #tpu.memory_space<hbm>> -> memref<110000x128xf32, #tpu.memory_space<hbm>>
    tpu.enqueue_indirect_dma source(%dma_start3A_237 : memref<110000x128xf32, #tpu.memory_space<hbm>>) target(%dma_start3A_234 : memref<320x128xf32, #tpu.memory_space<vmem>>) offsets(%arg11 : memref<320xi32, #tpu.memory_space<vmem>>) semaphore(%arg36 : memref<!tpu.dma_semaphore, #tpu.memory_space<semaphore_mem>>) {add = true}
    %dma_start3A_238 = arith.constant 0 : i32
    %dma_start3A_239 = arith.constant 0 : i32
    %dma_start3A_240 = arith.constant 0 : i32
    %dma_start3A_241 = tpu.memref_slice %arg34[%dma_start3A_238, %dma_start3A_239, %dma_start3A_240] : memref<2x320x128xf32, #tpu.memory_space<vmem>> -> memref<1x320x128xf32, #tpu.memory_space<vmem>>
    %dma_start3A_242 = tpu.memref_squeeze %dma_start3A_241 : memref<1x320x128xf32, #tpu.memory_space<vmem>> -> memref<320x128xf32, #tpu.memory_space<vmem>>
    %dma_start3A_243 = arith.constant 0 : i32
    %dma_start3A_244 = arith.constant 0 : i32
    %dma_start3A_245 = tpu.memref_slice %arg2[%dma_start3A_243, %dma_start3A_244] : memref<110000x128xf32, #tpu.memory_space<hbm>> -> memref<110000x128xf32, #tpu.memory_space<hbm>>
    tpu.enqueue_indirect_dma source(%dma_start3A_245 : memref<110000x128xf32, #tpu.memory_space<hbm>>) target(%dma_start3A_242 : memref<320x128xf32, #tpu.memory_space<vmem>>) offsets(%arg12 : memref<320xi32, #tpu.memory_space<vmem>>) semaphore(%arg36 : memref<!tpu.dma_semaphore, #tpu.memory_space<semaphore_mem>>) {add = true}
    %dma_start3A_246 = arith.constant 0 : i32
    %dma_start3A_247 = arith.constant 0 : i32
    %dma_start3A_248 = arith.constant 0 : i32
    %dma_start3A_249 = tpu.memref_slice %arg34[%dma_start3A_246, %dma_start3A_247, %dma_start3A_248] : memref<2x320x128xf32, #tpu.memory_space<vmem>> -> memref<1x320x128xf32, #tpu.memory_space<vmem>>
    %dma_start3A_250 = tpu.memref_squeeze %dma_start3A_249 : memref<1x320x128xf32, #tpu.memory_space<vmem>> -> memref<320x128xf32, #tpu.memory_space<vmem>>
    %dma_start3A_251 = arith.constant 0 : i32
    %dma_start3A_252 = arith.constant 0 : i32
    %dma_start3A_253 = tpu.memref_slice %arg2[%dma_start3A_251, %dma_start3A_252] : memref<110000x128xf32, #tpu.memory_space<hbm>> -> memref<110000x128xf32, #tpu.memory_space<hbm>>
    tpu.enqueue_indirect_dma source(%dma_start3A_253 : memref<110000x128xf32, #tpu.memory_space<hbm>>) target(%dma_start3A_250 : memref<320x128xf32, #tpu.memory_space<vmem>>) offsets(%arg13 : memref<320xi32, #tpu.memory_space<vmem>>) semaphore(%arg36 : memref<!tpu.dma_semaphore, #tpu.memory_space<semaphore_mem>>) {add = true}
    %dma_start3A_254 = arith.constant 0 : i32
    %dma_start3A_255 = arith.constant 0 : i32
    %dma_start3A_256 = arith.constant 0 : i32
    %dma_start3A_257 = tpu.memref_slice %arg34[%dma_start3A_254, %dma_start3A_255, %dma_start3A_256] : memref<2x320x128xf32, #tpu.memory_space<vmem>> -> memref<1x320x128xf32, #tpu.memory_space<vmem>>
    %dma_start3A_258 = tpu.memref_squeeze %dma_start3A_257 : memref<1x320x128xf32, #tpu.memory_space<vmem>> -> memref<320x128xf32, #tpu.memory_space<vmem>>
    %dma_start3A_259 = arith.constant 0 : i32
    %dma_start3A_260 = arith.constant 0 : i32
    %dma_start3A_261 = tpu.memref_slice %arg2[%dma_start3A_259, %dma_start3A_260] : memref<110000x128xf32, #tpu.memory_space<hbm>> -> memref<110000x128xf32, #tpu.memory_space<hbm>>
    tpu.enqueue_indirect_dma source(%dma_start3A_261 : memref<110000x128xf32, #tpu.memory_space<hbm>>) target(%dma_start3A_258 : memref<320x128xf32, #tpu.memory_space<vmem>>) offsets(%arg14 : memref<320xi32, #tpu.memory_space<vmem>>) semaphore(%arg36 : memref<!tpu.dma_semaphore, #tpu.memory_space<semaphore_mem>>) {add = true}
    %broadcast_in_dim3A_262 = arith.constant 0.000000e+00 : f32
    %broadcast_in_dim3A_263 = vector.broadcast %broadcast_in_dim3A_262 : f32 to vector<16xf32>
    %scan3A_264 = arith.constant 0 : i32
    %scan3A_265 = arith.constant 0 : i32
    %scan3A_266 = arith.constant 320 : i32
    %scan3A_267 = arith.addi %scan3A_265, %scan3A_266 : i32
    %scan3A_268 = arith.constant 1 : i32
    %scan3A_269 = scf.for %scan3A_659 = %scan3A_265 to %scan3A_267 step %scan3A_268 iter_args(%scan3A_660 = %scan3A_264) -> (i32)  : i32 {
      %swap3A = arith.constant 1 : i32
      %swap3A_661 = arith.index_cast %swap3A : i32 to index
      %swap3A_662 = arith.index_cast %scan3A_659 : i32 to index
      %swap3A_663 = arith.constant 0 : index
      %swap3A_664 = tpu.vector_load %arg34[%swap3A_661, %swap3A_662, %swap3A_663] {strides = array<i32>} : memref<2x320x128xf32, #tpu.memory_space<vmem>>, vector<1x1x16xf32>,
      %swap3A_665 = vector.shape_cast %swap3A_664 : vector<1x1x16xf32> to vector<16xf32>
      %swap3A_666 = vector.shape_cast %broadcast_in_dim3A_263 : vector<16xf32> to vector<1x1x16xf32>
      tpu.vector_store %arg34[%swap3A_661, %swap3A_662, %swap3A_663], %swap3A_666 {strides = array<i32>} : memref<2x320x128xf32, #tpu.memory_space<vmem>>, vector<1x1x16xf32>,
      %swap3A_667 = arith.constant 1 : i32
      %swap3A_668 = arith.index_cast %swap3A_667 : i32 to index
      %swap3A_669 = arith.index_cast %scan3A_659 : i32 to index
      %swap3A_670 = arith.constant 16 : index
      %swap3A_671 = tpu.vector_load %arg34[%swap3A_668, %swap3A_669, %swap3A_670] {strides = array<i32>} : memref<2x320x128xf32, #tpu.memory_space<vmem>>, vector<1x1x16xf32>,
      %swap3A_672 = vector.shape_cast %swap3A_671 : vector<1x1x16xf32> to vector<16xf32>
      %swap3A_673 = vector.shape_cast %broadcast_in_dim3A_263 : vector<16xf32> to vector<1x1x16xf32>
      tpu.vector_store %arg34[%swap3A_668, %swap3A_669, %swap3A_670], %swap3A_673 {strides = array<i32>} : memref<2x320x128xf32, #tpu.memory_space<vmem>>, vector<1x1x16xf32>,
      %swap3A_674 = arith.constant 1 : i32
      %swap3A_675 = arith.index_cast %swap3A_674 : i32 to index
      %swap3A_676 = arith.index_cast %scan3A_659 : i32 to index
      %swap3A_677 = arith.constant 32 : index
      %swap3A_678 = tpu.vector_load %arg34[%swap3A_675, %swap3A_676, %swap3A_677] {strides = array<i32>} : memref<2x320x128xf32, #tpu.memory_space<vmem>>, vector<1x1x16xf32>,
      %swap3A_679 = vector.shape_cast %swap3A_678 : vector<1x1x16xf32> to vector<16xf32>
      %swap3A_680 = vector.shape_cast %broadcast_in_dim3A_263 : vector<16xf32> to vector<1x1x16xf32>
      tpu.vector_store %arg34[%swap3A_675, %swap3A_676, %swap3A_677], %swap3A_680 {strides = array<i32>} : memref<2x320x128xf32, #tpu.memory_space<vmem>>, vector<1x1x16xf32>,
      %swap3A_681 = arith.constant 1 : i32
      %swap3A_682 = arith.index_cast %swap3A_681 : i32 to index
      %swap3A_683 = arith.index_cast %scan3A_659 : i32 to index
      %swap3A_684 = arith.constant 48 : index
      %swap3A_685 = tpu.vector_load %arg34[%swap3A_682, %swap3A_683, %swap3A_684] {strides = array<i32>} : memref<2x320x128xf32, #tpu.memory_space<vmem>>, vector<1x1x16xf32>,
      %swap3A_686 = vector.shape_cast %swap3A_685 : vector<1x1x16xf32> to vector<16xf32>
      %swap3A_687 = vector.shape_cast %broadcast_in_dim3A_263 : vector<16xf32> to vector<1x1x16xf32>
      tpu.vector_store %arg34[%swap3A_682, %swap3A_683, %swap3A_684], %swap3A_687 {strides = array<i32>} : memref<2x320x128xf32, #tpu.memory_space<vmem>>, vector<1x1x16xf32>,
      %swap3A_688 = arith.constant 1 : i32
      %swap3A_689 = arith.index_cast %swap3A_688 : i32 to index
      %swap3A_690 = arith.index_cast %scan3A_659 : i32 to index
      %swap3A_691 = arith.constant 64 : index
      %swap3A_692 = tpu.vector_load %arg34[%swap3A_689, %swap3A_690, %swap3A_691] {strides = array<i32>} : memref<2x320x128xf32, #tpu.memory_space<vmem>>, vector<1x1x16xf32>,
      %swap3A_693 = vector.shape_cast %swap3A_692 : vector<1x1x16xf32> to vector<16xf32>
      %swap3A_694 = vector.shape_cast %broadcast_in_dim3A_263 : vector<16xf32> to vector<1x1x16xf32>
      tpu.vector_store %arg34[%swap3A_689, %swap3A_690, %swap3A_691], %swap3A_694 {strides = array<i32>} : memref<2x320x128xf32, #tpu.memory_space<vmem>>, vector<1x1x16xf32>,
      %swap3A_695 = arith.constant 1 : i32
      %swap3A_696 = arith.index_cast %swap3A_695 : i32 to index
      %swap3A_697 = arith.index_cast %scan3A_659 : i32 to index
      %swap3A_698 = arith.constant 80 : index
      %swap3A_699 = tpu.vector_load %arg34[%swap3A_696, %swap3A_697, %swap3A_698] {strides = array<i32>} : memref<2x320x128xf32, #tpu.memory_space<vmem>>, vector<1x1x16xf32>,
      %swap3A_700 = vector.shape_cast %swap3A_699 : vector<1x1x16xf32> to vector<16xf32>
      %swap3A_701 = vector.shape_cast %broadcast_in_dim3A_263 : vector<16xf32> to vector<1x1x16xf32>
      tpu.vector_store %arg34[%swap3A_696, %swap3A_697, %swap3A_698], %swap3A_701 {strides = array<i32>} : memref<2x320x128xf32, #tpu.memory_space<vmem>>, vector<1x1x16xf32>,
      %swap3A_702 = arith.constant 1 : i32
      %swap3A_703 = arith.index_cast %swap3A_702 : i32 to index
      %swap3A_704 = arith.index_cast %scan3A_659 : i32 to index
      %swap3A_705 = arith.constant 96 : index
      %swap3A_706 = tpu.vector_load %arg34[%swap3A_703, %swap3A_704, %swap3A_705] {strides = array<i32>} : memref<2x320x128xf32, #tpu.memory_space<vmem>>, vector<1x1x16xf32>,
      %swap3A_707 = vector.shape_cast %swap3A_706 : vector<1x1x16xf32> to vector<16xf32>
      %swap3A_708 = vector.shape_cast %broadcast_in_dim3A_263 : vector<16xf32> to vector<1x1x16xf32>
      tpu.vector_store %arg34[%swap3A_703, %swap3A_704, %swap3A_705], %swap3A_708 {strides = array<i32>} : memref<2x320x128xf32, #tpu.memory_space<vmem>>, vector<1x1x16xf32>,
      %swap3A_709 = arith.constant 1 : i32
      %swap3A_710 = arith.index_cast %swap3A_709 : i32 to index
      %swap3A_711 = arith.index_cast %scan3A_659 : i32 to index
      %swap3A_712 = arith.constant 112 : index
      %swap3A_713 = tpu.vector_load %arg34[%swap3A_710, %swap3A_711, %swap3A_712] {strides = array<i32>} : memref<2x320x128xf32, #tpu.memory_space<vmem>>, vector<1x1x16xf32>,
      %swap3A_714 = vector.shape_cast %swap3A_713 : vector<1x1x16xf32> to vector<16xf32>
      %swap3A_715 = vector.shape_cast %broadcast_in_dim3A_263 : vector<16xf32> to vector<1x1x16xf32>
      tpu.vector_store %arg34[%swap3A_710, %swap3A_711, %swap3A_712], %swap3A_715 {strides = array<i32>} : memref<2x320x128xf32, #tpu.memory_space<vmem>>, vector<1x1x16xf32>,
      %scan3A_716 = arith.constant 0 : i32
      scf.yield %scan3A_716 : i32
    }
    %scan3A_270 = arith.constant 320 : i32
    %dma_start3A_271 = arith.constant 1 : i32
    %dma_start3A_272 = arith.constant 0 : i32
    %dma_start3A_273 = arith.constant 0 : i32
    %dma_start3A_274 = tpu.memref_slice %arg34[%dma_start3A_271, %dma_start3A_272, %dma_start3A_273] : memref<2x320x128xf32, #tpu.memory_space<vmem>> -> memref<1x320x128xf32, #tpu.memory_space<vmem>>
    %dma_start3A_275 = tpu.memref_squeeze %dma_start3A_274 : memref<1x320x128xf32, #tpu.memory_space<vmem>> -> memref<320x128xf32, #tpu.memory_space<vmem>>
    %dma_start3A_276 = arith.constant 0 : i32
    %dma_start3A_277 = arith.constant 0 : i32
    %dma_start3A_278 = tpu.memref_slice %arg2[%dma_start3A_276, %dma_start3A_277] : memref<110000x128xf32, #tpu.memory_space<hbm>> -> memref<110000x128xf32, #tpu.memory_space<hbm>>
    tpu.enqueue_indirect_dma source(%dma_start3A_278 : memref<110000x128xf32, #tpu.memory_space<hbm>>) target(%dma_start3A_275 : memref<320x128xf32, #tpu.memory_space<vmem>>) offsets(%arg15 : memref<320xi32, #tpu.memory_space<vmem>>) semaphore(%arg37 : memref<!tpu.dma_semaphore, #tpu.memory_space<semaphore_mem>>) {add = true}
    %dma_start3A_279 = arith.constant 1 : i32
    %dma_start3A_280 = arith.constant 0 : i32
    %dma_start3A_281 = arith.constant 0 : i32
    %dma_start3A_282 = tpu.memref_slice %arg34[%dma_start3A_279, %dma_start3A_280, %dma_start3A_281] : memref<2x320x128xf32, #tpu.memory_space<vmem>> -> memref<1x320x128xf32, #tpu.memory_space<vmem>>
    %dma_start3A_283 = tpu.memref_squeeze %dma_start3A_282 : memref<1x320x128xf32, #tpu.memory_space<vmem>> -> memref<320x128xf32, #tpu.memory_space<vmem>>
    %dma_start3A_284 = arith.constant 0 : i32
    %dma_start3A_285 = arith.constant 0 : i32
    %dma_start3A_286 = tpu.memref_slice %arg2[%dma_start3A_284, %dma_start3A_285] : memref<110000x128xf32, #tpu.memory_space<hbm>> -> memref<110000x128xf32, #tpu.memory_space<hbm>>
    tpu.enqueue_indirect_dma source(%dma_start3A_286 : memref<110000x128xf32, #tpu.memory_space<hbm>>) target(%dma_start3A_283 : memref<320x128xf32, #tpu.memory_space<vmem>>) offsets(%arg16 : memref<320xi32, #tpu.memory_space<vmem>>) semaphore(%arg37 : memref<!tpu.dma_semaphore, #tpu.memory_space<semaphore_mem>>) {add = true}
    %dma_start3A_287 = arith.constant 1 : i32
    %dma_start3A_288 = arith.constant 0 : i32
    %dma_start3A_289 = arith.constant 0 : i32
    %dma_start3A_290 = tpu.memref_slice %arg34[%dma_start3A_287, %dma_start3A_288, %dma_start3A_289] : memref<2x320x128xf32, #tpu.memory_space<vmem>> -> memref<1x320x128xf32, #tpu.memory_space<vmem>>
    %dma_start3A_291 = tpu.memref_squeeze %dma_start3A_290 : memref<1x320x128xf32, #tpu.memory_space<vmem>> -> memref<320x128xf32, #tpu.memory_space<vmem>>
    %dma_start3A_292 = arith.constant 0 : i32
    %dma_start3A_293 = arith.constant 0 : i32
    %dma_start3A_294 = tpu.memref_slice %arg2[%dma_start3A_292, %dma_start3A_293] : memref<110000x128xf32, #tpu.memory_space<hbm>> -> memref<110000x128xf32, #tpu.memory_space<hbm>>
    tpu.enqueue_indirect_dma source(%dma_start3A_294 : memref<110000x128xf32, #tpu.memory_space<hbm>>) target(%dma_start3A_291 : memref<320x128xf32, #tpu.memory_space<vmem>>) offsets(%arg17 : memref<320xi32, #tpu.memory_space<vmem>>) semaphore(%arg37 : memref<!tpu.dma_semaphore, #tpu.memory_space<semaphore_mem>>) {add = true}
    %dma_start3A_295 = arith.constant 1 : i32
    %dma_start3A_296 = arith.constant 0 : i32
    %dma_start3A_297 = arith.constant 0 : i32
    %dma_start3A_298 = tpu.memref_slice %arg34[%dma_start3A_295, %dma_start3A_296, %dma_start3A_297] : memref<2x320x128xf32, #tpu.memory_space<vmem>> -> memref<1x320x128xf32, #tpu.memory_space<vmem>>
    %dma_start3A_299 = tpu.memref_squeeze %dma_start3A_298 : memref<1x320x128xf32, #tpu.memory_space<vmem>> -> memref<320x128xf32, #tpu.memory_space<vmem>>
    %dma_start3A_300 = arith.constant 0 : i32
    %dma_start3A_301 = arith.constant 0 : i32
    %dma_start3A_302 = tpu.memref_slice %arg2[%dma_start3A_300, %dma_start3A_301] : memref<110000x128xf32, #tpu.memory_space<hbm>> -> memref<110000x128xf32, #tpu.memory_space<hbm>>
    tpu.enqueue_indirect_dma source(%dma_start3A_302 : memref<110000x128xf32, #tpu.memory_space<hbm>>) target(%dma_start3A_299 : memref<320x128xf32, #tpu.memory_space<vmem>>) offsets(%arg18 : memref<320xi32, #tpu.memory_space<vmem>>) semaphore(%arg37 : memref<!tpu.dma_semaphore, #tpu.memory_space<semaphore_mem>>) {add = true}
    %dma_start3A_303 = arith.constant 1 : i32
    %dma_start3A_304 = arith.constant 0 : i32
    %dma_start3A_305 = arith.constant 0 : i32
    %dma_start3A_306 = tpu.memref_slice %arg34[%dma_start3A_303, %dma_start3A_304, %dma_start3A_305] : memref<2x320x128xf32, #tpu.memory_space<vmem>> -> memref<1x320x128xf32, #tpu.memory_space<vmem>>
    %dma_start3A_307 = tpu.memref_squeeze %dma_start3A_306 : memref<1x320x128xf32, #tpu.memory_space<vmem>> -> memref<320x128xf32, #tpu.memory_space<vmem>>
    %dma_start3A_308 = arith.constant 0 : i32
    %dma_start3A_309 = arith.constant 0 : i32
    %dma_start3A_310 = tpu.memref_slice %arg2[%dma_start3A_308, %dma_start3A_309] : memref<110000x128xf32, #tpu.memory_space<hbm>> -> memref<110000x128xf32, #tpu.memory_space<hbm>>
    tpu.enqueue_indirect_dma source(%dma_start3A_310 : memref<110000x128xf32, #tpu.memory_space<hbm>>) target(%dma_start3A_307 : memref<320x128xf32, #tpu.memory_space<vmem>>) offsets(%arg19 : memref<320xi32, #tpu.memory_space<vmem>>) semaphore(%arg37 : memref<!tpu.dma_semaphore, #tpu.memory_space<semaphore_mem>>) {add = true}
    %dma_start3A_311 = arith.constant 1 : i32
    %dma_start3A_312 = arith.constant 0 : i32
    %dma_start3A_313 = arith.constant 0 : i32
    %dma_start3A_314 = tpu.memref_slice %arg34[%dma_start3A_311, %dma_start3A_312, %dma_start3A_313] : memref<2x320x128xf32, #tpu.memory_space<vmem>> -> memref<1x320x128xf32, #tpu.memory_space<vmem>>
    %dma_start3A_315 = tpu.memref_squeeze %dma_start3A_314 : memref<1x320x128xf32, #tpu.memory_space<vmem>> -> memref<320x128xf32, #tpu.memory_space<vmem>>
    %dma_start3A_316 = arith.constant 0 : i32
    %dma_start3A_317 = arith.constant 0 : i32
    %dma_start3A_318 = tpu.memref_slice %arg2[%dma_start3A_316, %dma_start3A_317] : memref<110000x128xf32, #tpu.memory_space<hbm>> -> memref<110000x128xf32, #tpu.memory_space<hbm>>
    tpu.enqueue_indirect_dma source(%dma_start3A_318 : memref<110000x128xf32, #tpu.memory_space<hbm>>) target(%dma_start3A_315 : memref<320x128xf32, #tpu.memory_space<vmem>>) offsets(%arg20 : memref<320xi32, #tpu.memory_space<vmem>>) semaphore(%arg37 : memref<!tpu.dma_semaphore, #tpu.memory_space<semaphore_mem>>) {add = true}
    %dma_start3A_319 = arith.constant 1 : i32
    %dma_start3A_320 = arith.constant 0 : i32
    %dma_start3A_321 = arith.constant 0 : i32
    %dma_start3A_322 = tpu.memref_slice %arg34[%dma_start3A_319, %dma_start3A_320, %dma_start3A_321] : memref<2x320x128xf32, #tpu.memory_space<vmem>> -> memref<1x320x128xf32, #tpu.memory_space<vmem>>
    %dma_start3A_323 = tpu.memref_squeeze %dma_start3A_322 : memref<1x320x128xf32, #tpu.memory_space<vmem>> -> memref<320x128xf32, #tpu.memory_space<vmem>>
    %dma_start3A_324 = arith.constant 0 : i32
    %dma_start3A_325 = arith.constant 0 : i32
    %dma_start3A_326 = tpu.memref_slice %arg2[%dma_start3A_324, %dma_start3A_325] : memref<110000x128xf32, #tpu.memory_space<hbm>> -> memref<110000x128xf32, #tpu.memory_space<hbm>>
    tpu.enqueue_indirect_dma source(%dma_start3A_326 : memref<110000x128xf32, #tpu.memory_space<hbm>>) target(%dma_start3A_323 : memref<320x128xf32, #tpu.memory_space<vmem>>) offsets(%arg21 : memref<320xi32, #tpu.memory_space<vmem>>) semaphore(%arg37 : memref<!tpu.dma_semaphore, #tpu.memory_space<semaphore_mem>>) {add = true}
    %dma_start3A_327 = arith.constant 1 : i32
    %dma_start3A_328 = arith.constant 0 : i32
    %dma_start3A_329 = arith.constant 0 : i32
    %dma_start3A_330 = tpu.memref_slice %arg34[%dma_start3A_327, %dma_start3A_328, %dma_start3A_329] : memref<2x320x128xf32, #tpu.memory_space<vmem>> -> memref<1x320x128xf32, #tpu.memory_space<vmem>>
    %dma_start3A_331 = tpu.memref_squeeze %dma_start3A_330 : memref<1x320x128xf32, #tpu.memory_space<vmem>> -> memref<320x128xf32, #tpu.memory_space<vmem>>
    %dma_start3A_332 = arith.constant 0 : i32
    %dma_start3A_333 = arith.constant 0 : i32
    %dma_start3A_334 = tpu.memref_slice %arg2[%dma_start3A_332, %dma_start3A_333] : memref<110000x128xf32, #tpu.memory_space<hbm>> -> memref<110000x128xf32, #tpu.memory_space<hbm>>
    tpu.enqueue_indirect_dma source(%dma_start3A_334 : memref<110000x128xf32, #tpu.memory_space<hbm>>) target(%dma_start3A_331 : memref<320x128xf32, #tpu.memory_space<vmem>>) offsets(%arg22 : memref<320xi32, #tpu.memory_space<vmem>>) semaphore(%arg37 : memref<!tpu.dma_semaphore, #tpu.memory_space<semaphore_mem>>) {add = true}
    %dma_start3A_335 = arith.constant 1 : i32
    %dma_start3A_336 = arith.constant 0 : i32
    %dma_start3A_337 = arith.constant 0 : i32
    %dma_start3A_338 = tpu.memref_slice %arg34[%dma_start3A_335, %dma_start3A_336, %dma_start3A_337] : memref<2x320x128xf32, #tpu.memory_space<vmem>> -> memref<1x320x128xf32, #tpu.memory_space<vmem>>
    %dma_start3A_339 = tpu.memref_squeeze %dma_start3A_338 : memref<1x320x128xf32, #tpu.memory_space<vmem>> -> memref<320x128xf32, #tpu.memory_space<vmem>>
    %dma_start3A_340 = arith.constant 0 : i32
    %dma_start3A_341 = arith.constant 0 : i32
    %dma_start3A_342 = tpu.memref_slice %arg2[%dma_start3A_340, %dma_start3A_341] : memref<110000x128xf32, #tpu.memory_space<hbm>> -> memref<110000x128xf32, #tpu.memory_space<hbm>>
    tpu.enqueue_indirect_dma source(%dma_start3A_342 : memref<110000x128xf32, #tpu.memory_space<hbm>>) target(%dma_start3A_339 : memref<320x128xf32, #tpu.memory_space<vmem>>) offsets(%arg23 : memref<320xi32, #tpu.memory_space<vmem>>) semaphore(%arg37 : memref<!tpu.dma_semaphore, #tpu.memory_space<semaphore_mem>>) {add = true}
    %dma_wait3A_343 = arith.constant 0 : i32
    %dma_wait3A_344 = arith.constant 0 : i32
    %dma_wait3A_345 = arith.constant 0 : i32
    %dma_wait3A_346 = tpu.memref_slice %arg34[%dma_wait3A_343, %dma_wait3A_344, %dma_wait3A_345] : memref<2x320x128xf32, #tpu.memory_space<vmem>> -> memref<1x320x128xf32, #tpu.memory_space<vmem>>
    %dma_wait3A_347 = tpu.memref_squeeze %dma_wait3A_346 : memref<1x320x128xf32, #tpu.memory_space<vmem>> -> memref<320x128xf32, #tpu.memory_space<vmem>>
    %dma_wait3A_348 = arith.constant 0 : i32
    %dma_wait3A_349 = arith.constant 0 : i32
    %dma_wait3A_350 = tpu.memref_slice %arg2[%dma_wait3A_348, %dma_wait3A_349] : memref<110000x128xf32, #tpu.memory_space<hbm>> -> memref<110000x128xf32, #tpu.memory_space<hbm>>
    tpu.wait_indirect_dma semaphore(%arg36 : memref<!tpu.dma_semaphore, #tpu.memory_space<semaphore_mem>>) src(%dma_wait3A_350 : memref<110000x128xf32, #tpu.memory_space<hbm>>) dst(%dma_wait3A_347 : memref<320x128xf32, #tpu.memory_space<vmem>>)
    %dma_wait3A_351 = arith.constant 0 : i32
    %dma_wait3A_352 = arith.constant 0 : i32
    %dma_wait3A_353 = arith.constant 0 : i32
    %dma_wait3A_354 = tpu.memref_slice %arg34[%dma_wait3A_351, %dma_wait3A_352, %dma_wait3A_353] : memref<2x320x128xf32, #tpu.memory_space<vmem>> -> memref<1x320x128xf32, #tpu.memory_space<vmem>>
    %dma_wait3A_355 = tpu.memref_squeeze %dma_wait3A_354 : memref<1x320x128xf32, #tpu.memory_space<vmem>> -> memref<320x128xf32, #tpu.memory_space<vmem>>
    %dma_wait3A_356 = arith.constant 0 : i32
    %dma_wait3A_357 = arith.constant 0 : i32
    %dma_wait3A_358 = tpu.memref_slice %arg2[%dma_wait3A_356, %dma_wait3A_357] : memref<110000x128xf32, #tpu.memory_space<hbm>> -> memref<110000x128xf32, #tpu.memory_space<hbm>>
    tpu.wait_indirect_dma semaphore(%arg36 : memref<!tpu.dma_semaphore, #tpu.memory_space<semaphore_mem>>) src(%dma_wait3A_358 : memref<110000x128xf32, #tpu.memory_space<hbm>>) dst(%dma_wait3A_355 : memref<320x128xf32, #tpu.memory_space<vmem>>)
    %dma_wait3A_359 = arith.constant 0 : i32
    %dma_wait3A_360 = arith.constant 0 : i32
    %dma_wait3A_361 = arith.constant 0 : i32
    %dma_wait3A_362 = tpu.memref_slice %arg34[%dma_wait3A_359, %dma_wait3A_360, %dma_wait3A_361] : memref<2x320x128xf32, #tpu.memory_space<vmem>> -> memref<1x320x128xf32, #tpu.memory_space<vmem>>
    %dma_wait3A_363 = tpu.memref_squeeze %dma_wait3A_362 : memref<1x320x128xf32, #tpu.memory_space<vmem>> -> memref<320x128xf32, #tpu.memory_space<vmem>>
    %dma_wait3A_364 = arith.constant 0 : i32
    %dma_wait3A_365 = arith.constant 0 : i32
    %dma_wait3A_366 = tpu.memref_slice %arg2[%dma_wait3A_364, %dma_wait3A_365] : memref<110000x128xf32, #tpu.memory_space<hbm>> -> memref<110000x128xf32, #tpu.memory_space<hbm>>
    tpu.wait_indirect_dma semaphore(%arg36 : memref<!tpu.dma_semaphore, #tpu.memory_space<semaphore_mem>>) src(%dma_wait3A_366 : memref<110000x128xf32, #tpu.memory_space<hbm>>) dst(%dma_wait3A_363 : memref<320x128xf32, #tpu.memory_space<vmem>>)
    %dma_wait3A_367 = arith.constant 0 : i32
    %dma_wait3A_368 = arith.constant 0 : i32
    %dma_wait3A_369 = arith.constant 0 : i32
    %dma_wait3A_370 = tpu.memref_slice %arg34[%dma_wait3A_367, %dma_wait3A_368, %dma_wait3A_369] : memref<2x320x128xf32, #tpu.memory_space<vmem>> -> memref<1x320x128xf32, #tpu.memory_space<vmem>>
    %dma_wait3A_371 = tpu.memref_squeeze %dma_wait3A_370 : memref<1x320x128xf32, #tpu.memory_space<vmem>> -> memref<320x128xf32, #tpu.memory_space<vmem>>
    %dma_wait3A_372 = arith.constant 0 : i32
    %dma_wait3A_373 = arith.constant 0 : i32
    %dma_wait3A_374 = tpu.memref_slice %arg2[%dma_wait3A_372, %dma_wait3A_373] : memref<110000x128xf32, #tpu.memory_space<hbm>> -> memref<110000x128xf32, #tpu.memory_space<hbm>>
    tpu.wait_indirect_dma semaphore(%arg36 : memref<!tpu.dma_semaphore, #tpu.memory_space<semaphore_mem>>) src(%dma_wait3A_374 : memref<110000x128xf32, #tpu.memory_space<hbm>>) dst(%dma_wait3A_371 : memref<320x128xf32, #tpu.memory_space<vmem>>)
    %dma_wait3A_375 = arith.constant 0 : i32
    %dma_wait3A_376 = arith.constant 0 : i32
    %dma_wait3A_377 = arith.constant 0 : i32
    %dma_wait3A_378 = tpu.memref_slice %arg34[%dma_wait3A_375, %dma_wait3A_376, %dma_wait3A_377] : memref<2x320x128xf32, #tpu.memory_space<vmem>> -> memref<1x320x128xf32, #tpu.memory_space<vmem>>
    %dma_wait3A_379 = tpu.memref_squeeze %dma_wait3A_378 : memref<1x320x128xf32, #tpu.memory_space<vmem>> -> memref<320x128xf32, #tpu.memory_space<vmem>>
    %dma_wait3A_380 = arith.constant 0 : i32
    %dma_wait3A_381 = arith.constant 0 : i32
    %dma_wait3A_382 = tpu.memref_slice %arg2[%dma_wait3A_380, %dma_wait3A_381] : memref<110000x128xf32, #tpu.memory_space<hbm>> -> memref<110000x128xf32, #tpu.memory_space<hbm>>
    tpu.wait_indirect_dma semaphore(%arg36 : memref<!tpu.dma_semaphore, #tpu.memory_space<semaphore_mem>>) src(%dma_wait3A_382 : memref<110000x128xf32, #tpu.memory_space<hbm>>) dst(%dma_wait3A_379 : memref<320x128xf32, #tpu.memory_space<vmem>>)
    %dma_wait3A_383 = arith.constant 0 : i32
    %dma_wait3A_384 = arith.constant 0 : i32
    %dma_wait3A_385 = arith.constant 0 : i32
    %dma_wait3A_386 = tpu.memref_slice %arg34[%dma_wait3A_383, %dma_wait3A_384, %dma_wait3A_385] : memref<2x320x128xf32, #tpu.memory_space<vmem>> -> memref<1x320x128xf32, #tpu.memory_space<vmem>>
    %dma_wait3A_387 = tpu.memref_squeeze %dma_wait3A_386 : memref<1x320x128xf32, #tpu.memory_space<vmem>> -> memref<320x128xf32, #tpu.memory_space<vmem>>
    %dma_wait3A_388 = arith.constant 0 : i32
    %dma_wait3A_389 = arith.constant 0 : i32
    %dma_wait3A_390 = tpu.memref_slice %arg2[%dma_wait3A_388, %dma_wait3A_389] : memref<110000x128xf32, #tpu.memory_space<hbm>> -> memref<110000x128xf32, #tpu.memory_space<hbm>>
    tpu.wait_indirect_dma semaphore(%arg36 : memref<!tpu.dma_semaphore, #tpu.memory_space<semaphore_mem>>) src(%dma_wait3A_390 : memref<110000x128xf32, #tpu.memory_space<hbm>>) dst(%dma_wait3A_387 : memref<320x128xf32, #tpu.memory_space<vmem>>)
    %dma_wait3A_391 = arith.constant 0 : i32
    %dma_wait3A_392 = arith.constant 0 : i32
    %dma_wait3A_393 = arith.constant 0 : i32
    %dma_wait3A_394 = tpu.memref_slice %arg34[%dma_wait3A_391, %dma_wait3A_392, %dma_wait3A_393] : memref<2x320x128xf32, #tpu.memory_space<vmem>> -> memref<1x320x128xf32, #tpu.memory_space<vmem>>
    %dma_wait3A_395 = tpu.memref_squeeze %dma_wait3A_394 : memref<1x320x128xf32, #tpu.memory_space<vmem>> -> memref<320x128xf32, #tpu.memory_space<vmem>>
    %dma_wait3A_396 = arith.constant 0 : i32
    %dma_wait3A_397 = arith.constant 0 : i32
    %dma_wait3A_398 = tpu.memref_slice %arg2[%dma_wait3A_396, %dma_wait3A_397] : memref<110000x128xf32, #tpu.memory_space<hbm>> -> memref<110000x128xf32, #tpu.memory_space<hbm>>
    tpu.wait_indirect_dma semaphore(%arg36 : memref<!tpu.dma_semaphore, #tpu.memory_space<semaphore_mem>>) src(%dma_wait3A_398 : memref<110000x128xf32, #tpu.memory_space<hbm>>) dst(%dma_wait3A_395 : memref<320x128xf32, #tpu.memory_space<vmem>>)
    %dma_wait3A_399 = arith.constant 0 : i32
    %dma_wait3A_400 = arith.constant 0 : i32
    %dma_wait3A_401 = arith.constant 0 : i32
    %dma_wait3A_402 = tpu.memref_slice %arg34[%dma_wait3A_399, %dma_wait3A_400, %dma_wait3A_401] : memref<2x320x128xf32, #tpu.memory_space<vmem>> -> memref<1x320x128xf32, #tpu.memory_space<vmem>>
    %dma_wait3A_403 = tpu.memref_squeeze %dma_wait3A_402 : memref<1x320x128xf32, #tpu.memory_space<vmem>> -> memref<320x128xf32, #tpu.memory_space<vmem>>
    %dma_wait3A_404 = arith.constant 0 : i32
    %dma_wait3A_405 = arith.constant 0 : i32
    %dma_wait3A_406 = tpu.memref_slice %arg2[%dma_wait3A_404, %dma_wait3A_405] : memref<110000x128xf32, #tpu.memory_space<hbm>> -> memref<110000x128xf32, #tpu.memory_space<hbm>>
    tpu.wait_indirect_dma semaphore(%arg36 : memref<!tpu.dma_semaphore, #tpu.memory_space<semaphore_mem>>) src(%dma_wait3A_406 : memref<110000x128xf32, #tpu.memory_space<hbm>>) dst(%dma_wait3A_403 : memref<320x128xf32, #tpu.memory_space<vmem>>)
    %add3A_407 = arith.constant 0 : i32
    %add3A_408 = arith.addi %add3A_407, %multiple_of3A : i32
    %multiple_of3A_409 = tpu.assume_multiple %add3A_408, 8 : i32
    %run_scoped3A = arith.constant 0 : i32
    "tpu.region"() ({
      %run_scoped3A_659 = tpu.sem_alloc : memref<!tpu.dma_semaphore, #tpu.memory_space<semaphore_mem>>
      %dma_start3A_660 = arith.constant 0 : i32
      %dma_start3A_661 = arith.constant 0 : i32
      %dma_start3A_662 = tpu.memref_slice %arg34[%run_scoped3A, %dma_start3A_660, %dma_start3A_661] : memref<2x320x128xf32, #tpu.memory_space<vmem>> -> memref<1x320x128xf32, #tpu.memory_space<vmem>>
      %dma_start3A_663 = tpu.memref_squeeze %dma_start3A_662 : memref<1x320x128xf32, #tpu.memory_space<vmem>> -> memref<320x128xf32, #tpu.memory_space<vmem>>
      %dma_start3A_664 = arith.constant 0 : i32
      %dma_start3A_665 = tpu.memref_slice %arg6[%multiple_of3A_409, %dma_start3A_664] : memref<30000x128xf32, #tpu.memory_space<hbm>> -> memref<320x128xf32, #tpu.memory_space<hbm>>
      %dma_start3A_666 = arith.constant 0 : i32
      %dma_start3A_667 = tpu.memref_slice %arg6[%multiple_of3A_409, %dma_start3A_666] : memref<30000x128xf32, #tpu.memory_space<hbm>> -> memref<320x128xf32, #tpu.memory_space<hbm>>
      %dma_start3A_668 = arith.constant 0 : i32
      %dma_start3A_669 = arith.constant 0 : i32
      %dma_start3A_670 = tpu.memref_slice %arg34[%run_scoped3A, %dma_start3A_668, %dma_start3A_669] : memref<2x320x128xf32, #tpu.memory_space<vmem>> -> memref<1x320x128xf32, #tpu.memory_space<vmem>>
      %dma_start3A_671 = tpu.memref_squeeze %dma_start3A_670 : memref<1x320x128xf32, #tpu.memory_space<vmem>> -> memref<320x128xf32, #tpu.memory_space<vmem>>
      tpu.enqueue_dma source(%dma_start3A_671 : memref<320x128xf32, #tpu.memory_space<vmem>>) target(%dma_start3A_667 : memref<320x128xf32, #tpu.memory_space<hbm>>) target_semaphore(%run_scoped3A_659 : memref<!tpu.dma_semaphore, #tpu.memory_space<semaphore_mem>>)
      %dma_wait3A_672 = arith.constant 0 : i32
      %dma_wait3A_673 = arith.constant 0 : i32
      %dma_wait3A_674 = tpu.memref_slice %arg34[%run_scoped3A, %dma_wait3A_672, %dma_wait3A_673] : memref<2x320x128xf32, #tpu.memory_space<vmem>> -> memref<1x320x128xf32, #tpu.memory_space<vmem>>
      %dma_wait3A_675 = tpu.memref_squeeze %dma_wait3A_674 : memref<1x320x128xf32, #tpu.memory_space<vmem>> -> memref<320x128xf32, #tpu.memory_space<vmem>>
      %dma_wait3A_676 = arith.constant 0 : i32
      %dma_wait3A_677 = tpu.memref_slice %arg6[%multiple_of3A_409, %dma_wait3A_676] : memref<30000x128xf32, #tpu.memory_space<hbm>> -> memref<320x128xf32, #tpu.memory_space<hbm>>
      %dma_wait3A_678 = arith.constant 0 : i32
      %dma_wait3A_679 = tpu.memref_slice %arg6[%multiple_of3A_409, %dma_wait3A_678] : memref<30000x128xf32, #tpu.memory_space<hbm>> -> memref<320x128xf32, #tpu.memory_space<hbm>>
      %dma_wait3A_680 = arith.constant 0 : i32
      %dma_wait3A_681 = arith.constant 0 : i32
      %dma_wait3A_682 = tpu.memref_slice %arg34[%run_scoped3A, %dma_wait3A_680, %dma_wait3A_681] : memref<2x320x128xf32, #tpu.memory_space<vmem>> -> memref<1x320x128xf32, #tpu.memory_space<vmem>>
      %dma_wait3A_683 = tpu.memref_squeeze %dma_wait3A_682 : memref<1x320x128xf32, #tpu.memory_space<vmem>> -> memref<320x128xf32, #tpu.memory_space<vmem>>
      tpu.wait_dma2 semaphore(%run_scoped3A_659 : memref<!tpu.dma_semaphore, #tpu.memory_space<semaphore_mem>>) src(%dma_wait3A_683 : memref<320x128xf32, #tpu.memory_space<vmem>>) dst(%dma_wait3A_679 : memref<320x128xf32, #tpu.memory_space<hbm>>)
      tpu.yield
    }) : () -> ()
    %broadcast_in_dim3A_410 = arith.constant 0.000000e+00 : f32
    %broadcast_in_dim3A_411 = vector.broadcast %broadcast_in_dim3A_410 : f32 to vector<16xf32>
    %scan3A_412 = arith.constant 0 : i32
    %scan3A_413 = arith.constant 0 : i32
    %scan3A_414 = arith.constant 320 : i32
    %scan3A_415 = arith.addi %scan3A_413, %scan3A_414 : i32
    %scan3A_416 = arith.constant 1 : i32
    %scan3A_417 = scf.for %scan3A_659 = %scan3A_413 to %scan3A_415 step %scan3A_416 iter_args(%scan3A_660 = %scan3A_412) -> (i32)  : i32 {
      %swap3A = arith.constant 0 : i32
      %swap3A_661 = arith.index_cast %swap3A : i32 to index
      %swap3A_662 = arith.index_cast %scan3A_659 : i32 to index
      %swap3A_663 = arith.constant 0 : index
      %swap3A_664 = tpu.vector_load %arg34[%swap3A_661, %swap3A_662, %swap3A_663] {strides = array<i32>} : memref<2x320x128xf32, #tpu.memory_space<vmem>>, vector<1x1x16xf32>,
      %swap3A_665 = vector.shape_cast %swap3A_664 : vector<1x1x16xf32> to vector<16xf32>
      %swap3A_666 = vector.shape_cast %broadcast_in_dim3A_411 : vector<16xf32> to vector<1x1x16xf32>
      tpu.vector_store %arg34[%swap3A_661, %swap3A_662, %swap3A_663], %swap3A_666 {strides = array<i32>} : memref<2x320x128xf32, #tpu.memory_space<vmem>>, vector<1x1x16xf32>,
      %swap3A_667 = arith.constant 0 : i32
      %swap3A_668 = arith.index_cast %swap3A_667 : i32 to index
      %swap3A_669 = arith.index_cast %scan3A_659 : i32 to index
      %swap3A_670 = arith.constant 16 : index
      %swap3A_671 = tpu.vector_load %arg34[%swap3A_668, %swap3A_669, %swap3A_670] {strides = array<i32>} : memref<2x320x128xf32, #tpu.memory_space<vmem>>, vector<1x1x16xf32>,
      %swap3A_672 = vector.shape_cast %swap3A_671 : vector<1x1x16xf32> to vector<16xf32>
      %swap3A_673 = vector.shape_cast %broadcast_in_dim3A_411 : vector<16xf32> to vector<1x1x16xf32>
      tpu.vector_store %arg34[%swap3A_668, %swap3A_669, %swap3A_670], %swap3A_673 {strides = array<i32>} : memref<2x320x128xf32, #tpu.memory_space<vmem>>, vector<1x1x16xf32>,
      %swap3A_674 = arith.constant 0 : i32
      %swap3A_675 = arith.index_cast %swap3A_674 : i32 to index
      %swap3A_676 = arith.index_cast %scan3A_659 : i32 to index
      %swap3A_677 = arith.constant 32 : index
      %swap3A_678 = tpu.vector_load %arg34[%swap3A_675, %swap3A_676, %swap3A_677] {strides = array<i32>} : memref<2x320x128xf32, #tpu.memory_space<vmem>>, vector<1x1x16xf32>,
      %swap3A_679 = vector.shape_cast %swap3A_678 : vector<1x1x16xf32> to vector<16xf32>
      %swap3A_680 = vector.shape_cast %broadcast_in_dim3A_411 : vector<16xf32> to vector<1x1x16xf32>
      tpu.vector_store %arg34[%swap3A_675, %swap3A_676, %swap3A_677], %swap3A_680 {strides = array<i32>} : memref<2x320x128xf32, #tpu.memory_space<vmem>>, vector<1x1x16xf32>,
      %swap3A_681 = arith.constant 0 : i32
      %swap3A_682 = arith.index_cast %swap3A_681 : i32 to index
      %swap3A_683 = arith.index_cast %scan3A_659 : i32 to index
      %swap3A_684 = arith.constant 48 : index
      %swap3A_685 = tpu.vector_load %arg34[%swap3A_682, %swap3A_683, %swap3A_684] {strides = array<i32>} : memref<2x320x128xf32, #tpu.memory_space<vmem>>, vector<1x1x16xf32>,
      %swap3A_686 = vector.shape_cast %swap3A_685 : vector<1x1x16xf32> to vector<16xf32>
      %swap3A_687 = vector.shape_cast %broadcast_in_dim3A_411 : vector<16xf32> to vector<1x1x16xf32>
      tpu.vector_store %arg34[%swap3A_682, %swap3A_683, %swap3A_684], %swap3A_687 {strides = array<i32>} : memref<2x320x128xf32, #tpu.memory_space<vmem>>, vector<1x1x16xf32>,
      %swap3A_688 = arith.constant 0 : i32
      %swap3A_689 = arith.index_cast %swap3A_688 : i32 to index
      %swap3A_690 = arith.index_cast %scan3A_659 : i32 to index
      %swap3A_691 = arith.constant 64 : index
      %swap3A_692 = tpu.vector_load %arg34[%swap3A_689, %swap3A_690, %swap3A_691] {strides = array<i32>} : memref<2x320x128xf32, #tpu.memory_space<vmem>>, vector<1x1x16xf32>,
      %swap3A_693 = vector.shape_cast %swap3A_692 : vector<1x1x16xf32> to vector<16xf32>
      %swap3A_694 = vector.shape_cast %broadcast_in_dim3A_411 : vector<16xf32> to vector<1x1x16xf32>
      tpu.vector_store %arg34[%swap3A_689, %swap3A_690, %swap3A_691], %swap3A_694 {strides = array<i32>} : memref<2x320x128xf32, #tpu.memory_space<vmem>>, vector<1x1x16xf32>,
      %swap3A_695 = arith.constant 0 : i32
      %swap3A_696 = arith.index_cast %swap3A_695 : i32 to index
      %swap3A_697 = arith.index_cast %scan3A_659 : i32 to index
      %swap3A_698 = arith.constant 80 : index
      %swap3A_699 = tpu.vector_load %arg34[%swap3A_696, %swap3A_697, %swap3A_698] {strides = array<i32>} : memref<2x320x128xf32, #tpu.memory_space<vmem>>, vector<1x1x16xf32>,
      %swap3A_700 = vector.shape_cast %swap3A_699 : vector<1x1x16xf32> to vector<16xf32>
      %swap3A_701 = vector.shape_cast %broadcast_in_dim3A_411 : vector<16xf32> to vector<1x1x16xf32>
      tpu.vector_store %arg34[%swap3A_696, %swap3A_697, %swap3A_698], %swap3A_701 {strides = array<i32>} : memref<2x320x128xf32, #tpu.memory_space<vmem>>, vector<1x1x16xf32>,
      %swap3A_702 = arith.constant 0 : i32
      %swap3A_703 = arith.index_cast %swap3A_702 : i32 to index
      %swap3A_704 = arith.index_cast %scan3A_659 : i32 to index
      %swap3A_705 = arith.constant 96 : index
      %swap3A_706 = tpu.vector_load %arg34[%swap3A_703, %swap3A_704, %swap3A_705] {strides = array<i32>} : memref<2x320x128xf32, #tpu.memory_space<vmem>>, vector<1x1x16xf32>,
      %swap3A_707 = vector.shape_cast %swap3A_706 : vector<1x1x16xf32> to vector<16xf32>
      %swap3A_708 = vector.shape_cast %broadcast_in_dim3A_411 : vector<16xf32> to vector<1x1x16xf32>
      tpu.vector_store %arg34[%swap3A_703, %swap3A_704, %swap3A_705], %swap3A_708 {strides = array<i32>} : memref<2x320x128xf32, #tpu.memory_space<vmem>>, vector<1x1x16xf32>,
      %swap3A_709 = arith.constant 0 : i32
      %swap3A_710 = arith.index_cast %swap3A_709 : i32 to index
      %swap3A_711 = arith.index_cast %scan3A_659 : i32 to index
      %swap3A_712 = arith.constant 112 : index
      %swap3A_713 = tpu.vector_load %arg34[%swap3A_710, %swap3A_711, %swap3A_712] {strides = array<i32>} : memref<2x320x128xf32, #tpu.memory_space<vmem>>, vector<1x1x16xf32>,
      %swap3A_714 = vector.shape_cast %swap3A_713 : vector<1x1x16xf32> to vector<16xf32>
      %swap3A_715 = vector.shape_cast %broadcast_in_dim3A_411 : vector<16xf32> to vector<1x1x16xf32>
      tpu.vector_store %arg34[%swap3A_710, %swap3A_711, %swap3A_712], %swap3A_715 {strides = array<i32>} : memref<2x320x128xf32, #tpu.memory_space<vmem>>, vector<1x1x16xf32>,
      %scan3A_716 = arith.constant 0 : i32
      scf.yield %scan3A_716 : i32
    }
    %scan3A_418 = arith.constant 320 : i32
    %dma_start3A_419 = arith.constant 0 : i32
    %dma_start3A_420 = arith.constant 0 : i32
    %dma_start3A_421 = arith.constant 0 : i32
    %dma_start3A_422 = tpu.memref_slice %arg34[%dma_start3A_419, %dma_start3A_420, %dma_start3A_421] : memref<2x320x128xf32, #tpu.memory_space<vmem>> -> memref<1x320x128xf32, #tpu.memory_space<vmem>>
    %dma_start3A_423 = tpu.memref_squeeze %dma_start3A_422 : memref<1x320x128xf32, #tpu.memory_space<vmem>> -> memref<320x128xf32, #tpu.memory_space<vmem>>
    %dma_start3A_424 = arith.constant 0 : i32
    %dma_start3A_425 = arith.constant 0 : i32
    %dma_start3A_426 = tpu.memref_slice %arg2[%dma_start3A_424, %dma_start3A_425] : memref<110000x128xf32, #tpu.memory_space<hbm>> -> memref<110000x128xf32, #tpu.memory_space<hbm>>
    tpu.enqueue_indirect_dma source(%dma_start3A_426 : memref<110000x128xf32, #tpu.memory_space<hbm>>) target(%dma_start3A_423 : memref<320x128xf32, #tpu.memory_space<vmem>>) offsets(%arg24 : memref<320xi32, #tpu.memory_space<vmem>>) semaphore(%arg36 : memref<!tpu.dma_semaphore, #tpu.memory_space<semaphore_mem>>) {add = true}
    %dma_start3A_427 = arith.constant 0 : i32
    %dma_start3A_428 = arith.constant 0 : i32
    %dma_start3A_429 = arith.constant 0 : i32
    %dma_start3A_430 = tpu.memref_slice %arg34[%dma_start3A_427, %dma_start3A_428, %dma_start3A_429] : memref<2x320x128xf32, #tpu.memory_space<vmem>> -> memref<1x320x128xf32, #tpu.memory_space<vmem>>
    %dma_start3A_431 = tpu.memref_squeeze %dma_start3A_430 : memref<1x320x128xf32, #tpu.memory_space<vmem>> -> memref<320x128xf32, #tpu.memory_space<vmem>>
    %dma_start3A_432 = arith.constant 0 : i32
    %dma_start3A_433 = arith.constant 0 : i32
    %dma_start3A_434 = tpu.memref_slice %arg2[%dma_start3A_432, %dma_start3A_433] : memref<110000x128xf32, #tpu.memory_space<hbm>> -> memref<110000x128xf32, #tpu.memory_space<hbm>>
    tpu.enqueue_indirect_dma source(%dma_start3A_434 : memref<110000x128xf32, #tpu.memory_space<hbm>>) target(%dma_start3A_431 : memref<320x128xf32, #tpu.memory_space<vmem>>) offsets(%arg25 : memref<320xi32, #tpu.memory_space<vmem>>) semaphore(%arg36 : memref<!tpu.dma_semaphore, #tpu.memory_space<semaphore_mem>>) {add = true}
    %dma_start3A_435 = arith.constant 0 : i32
    %dma_start3A_436 = arith.constant 0 : i32
    %dma_start3A_437 = arith.constant 0 : i32
    %dma_start3A_438 = tpu.memref_slice %arg34[%dma_start3A_435, %dma_start3A_436, %dma_start3A_437] : memref<2x320x128xf32, #tpu.memory_space<vmem>> -> memref<1x320x128xf32, #tpu.memory_space<vmem>>
    %dma_start3A_439 = tpu.memref_squeeze %dma_start3A_438 : memref<1x320x128xf32, #tpu.memory_space<vmem>> -> memref<320x128xf32, #tpu.memory_space<vmem>>
    %dma_start3A_440 = arith.constant 0 : i32
    %dma_start3A_441 = arith.constant 0 : i32
    %dma_start3A_442 = tpu.memref_slice %arg2[%dma_start3A_440, %dma_start3A_441] : memref<110000x128xf32, #tpu.memory_space<hbm>> -> memref<110000x128xf32, #tpu.memory_space<hbm>>
    tpu.enqueue_indirect_dma source(%dma_start3A_442 : memref<110000x128xf32, #tpu.memory_space<hbm>>) target(%dma_start3A_439 : memref<320x128xf32, #tpu.memory_space<vmem>>) offsets(%arg26 : memref<320xi32, #tpu.memory_space<vmem>>) semaphore(%arg36 : memref<!tpu.dma_semaphore, #tpu.memory_space<semaphore_mem>>) {add = true}
    %dma_start3A_443 = arith.constant 0 : i32
    %dma_start3A_444 = arith.constant 0 : i32
    %dma_start3A_445 = arith.constant 0 : i32
    %dma_start3A_446 = tpu.memref_slice %arg34[%dma_start3A_443, %dma_start3A_444, %dma_start3A_445] : memref<2x320x128xf32, #tpu.memory_space<vmem>> -> memref<1x320x128xf32, #tpu.memory_space<vmem>>
    %dma_start3A_447 = tpu.memref_squeeze %dma_start3A_446 : memref<1x320x128xf32, #tpu.memory_space<vmem>> -> memref<320x128xf32, #tpu.memory_space<vmem>>
    %dma_start3A_448 = arith.constant 0 : i32
    %dma_start3A_449 = arith.constant 0 : i32
    %dma_start3A_450 = tpu.memref_slice %arg2[%dma_start3A_448, %dma_start3A_449] : memref<110000x128xf32, #tpu.memory_space<hbm>> -> memref<110000x128xf32, #tpu.memory_space<hbm>>
    tpu.enqueue_indirect_dma source(%dma_start3A_450 : memref<110000x128xf32, #tpu.memory_space<hbm>>) target(%dma_start3A_447 : memref<320x128xf32, #tpu.memory_space<vmem>>) offsets(%arg27 : memref<320xi32, #tpu.memory_space<vmem>>) semaphore(%arg36 : memref<!tpu.dma_semaphore, #tpu.memory_space<semaphore_mem>>) {add = true}
    %dma_start3A_451 = arith.constant 0 : i32
    %dma_start3A_452 = arith.constant 0 : i32
    %dma_start3A_453 = arith.constant 0 : i32
    %dma_start3A_454 = tpu.memref_slice %arg34[%dma_start3A_451, %dma_start3A_452, %dma_start3A_453] : memref<2x320x128xf32, #tpu.memory_space<vmem>> -> memref<1x320x128xf32, #tpu.memory_space<vmem>>
    %dma_start3A_455 = tpu.memref_squeeze %dma_start3A_454 : memref<1x320x128xf32, #tpu.memory_space<vmem>> -> memref<320x128xf32, #tpu.memory_space<vmem>>
    %dma_start3A_456 = arith.constant 0 : i32
    %dma_start3A_457 = arith.constant 0 : i32
    %dma_start3A_458 = tpu.memref_slice %arg2[%dma_start3A_456, %dma_start3A_457] : memref<110000x128xf32, #tpu.memory_space<hbm>> -> memref<110000x128xf32, #tpu.memory_space<hbm>>
    tpu.enqueue_indirect_dma source(%dma_start3A_458 : memref<110000x128xf32, #tpu.memory_space<hbm>>) target(%dma_start3A_455 : memref<320x128xf32, #tpu.memory_space<vmem>>) offsets(%arg28 : memref<320xi32, #tpu.memory_space<vmem>>) semaphore(%arg36 : memref<!tpu.dma_semaphore, #tpu.memory_space<semaphore_mem>>) {add = true}
    %dma_start3A_459 = arith.constant 0 : i32
    %dma_start3A_460 = arith.constant 0 : i32
    %dma_start3A_461 = arith.constant 0 : i32
    %dma_start3A_462 = tpu.memref_slice %arg34[%dma_start3A_459, %dma_start3A_460, %dma_start3A_461] : memref<2x320x128xf32, #tpu.memory_space<vmem>> -> memref<1x320x128xf32, #tpu.memory_space<vmem>>
    %dma_start3A_463 = tpu.memref_squeeze %dma_start3A_462 : memref<1x320x128xf32, #tpu.memory_space<vmem>> -> memref<320x128xf32, #tpu.memory_space<vmem>>
    %dma_start3A_464 = arith.constant 0 : i32
    %dma_start3A_465 = arith.constant 0 : i32
    %dma_start3A_466 = tpu.memref_slice %arg2[%dma_start3A_464, %dma_start3A_465] : memref<110000x128xf32, #tpu.memory_space<hbm>> -> memref<110000x128xf32, #tpu.memory_space<hbm>>
    tpu.enqueue_indirect_dma source(%dma_start3A_466 : memref<110000x128xf32, #tpu.memory_space<hbm>>) target(%dma_start3A_463 : memref<320x128xf32, #tpu.memory_space<vmem>>) offsets(%arg29 : memref<320xi32, #tpu.memory_space<vmem>>) semaphore(%arg36 : memref<!tpu.dma_semaphore, #tpu.memory_space<semaphore_mem>>) {add = true}
    %dma_start3A_467 = arith.constant 0 : i32
    %dma_start3A_468 = arith.constant 0 : i32
    %dma_start3A_469 = arith.constant 0 : i32
    %dma_start3A_470 = tpu.memref_slice %arg34[%dma_start3A_467, %dma_start3A_468, %dma_start3A_469] : memref<2x320x128xf32, #tpu.memory_space<vmem>> -> memref<1x320x128xf32, #tpu.memory_space<vmem>>
    %dma_start3A_471 = tpu.memref_squeeze %dma_start3A_470 : memref<1x320x128xf32, #tpu.memory_space<vmem>> -> memref<320x128xf32, #tpu.memory_space<vmem>>
    %dma_start3A_472 = arith.constant 0 : i32
    %dma_start3A_473 = arith.constant 0 : i32
    %dma_start3A_474 = tpu.memref_slice %arg2[%dma_start3A_472, %dma_start3A_473] : memref<110000x128xf32, #tpu.memory_space<hbm>> -> memref<110000x128xf32, #tpu.memory_space<hbm>>
    tpu.enqueue_indirect_dma source(%dma_start3A_474 : memref<110000x128xf32, #tpu.memory_space<hbm>>) target(%dma_start3A_471 : memref<320x128xf32, #tpu.memory_space<vmem>>) offsets(%arg30 : memref<320xi32, #tpu.memory_space<vmem>>) semaphore(%arg36 : memref<!tpu.dma_semaphore, #tpu.memory_space<semaphore_mem>>) {add = true}
    %dma_start3A_475 = arith.constant 0 : i32
    %dma_start3A_476 = arith.constant 0 : i32
    %dma_start3A_477 = arith.constant 0 : i32
    %dma_start3A_478 = tpu.memref_slice %arg34[%dma_start3A_475, %dma_start3A_476, %dma_start3A_477] : memref<2x320x128xf32, #tpu.memory_space<vmem>> -> memref<1x320x128xf32, #tpu.memory_space<vmem>>
    %dma_start3A_479 = tpu.memref_squeeze %dma_start3A_478 : memref<1x320x128xf32, #tpu.memory_space<vmem>> -> memref<320x128xf32, #tpu.memory_space<vmem>>
    %dma_start3A_480 = arith.constant 0 : i32
    %dma_start3A_481 = arith.constant 0 : i32
    %dma_start3A_482 = tpu.memref_slice %arg2[%dma_start3A_480, %dma_start3A_481] : memref<110000x128xf32, #tpu.memory_space<hbm>> -> memref<110000x128xf32, #tpu.memory_space<hbm>>
    tpu.enqueue_indirect_dma source(%dma_start3A_482 : memref<110000x128xf32, #tpu.memory_space<hbm>>) target(%dma_start3A_479 : memref<320x128xf32, #tpu.memory_space<vmem>>) offsets(%arg31 : memref<320xi32, #tpu.memory_space<vmem>>) semaphore(%arg36 : memref<!tpu.dma_semaphore, #tpu.memory_space<semaphore_mem>>) {add = true}
    %dma_start3A_483 = arith.constant 0 : i32
    %dma_start3A_484 = arith.constant 0 : i32
    %dma_start3A_485 = arith.constant 0 : i32
    %dma_start3A_486 = tpu.memref_slice %arg34[%dma_start3A_483, %dma_start3A_484, %dma_start3A_485] : memref<2x320x128xf32, #tpu.memory_space<vmem>> -> memref<1x320x128xf32, #tpu.memory_space<vmem>>
    %dma_start3A_487 = tpu.memref_squeeze %dma_start3A_486 : memref<1x320x128xf32, #tpu.memory_space<vmem>> -> memref<320x128xf32, #tpu.memory_space<vmem>>
    %dma_start3A_488 = arith.constant 0 : i32
    %dma_start3A_489 = arith.constant 0 : i32
    %dma_start3A_490 = tpu.memref_slice %arg2[%dma_start3A_488, %dma_start3A_489] : memref<110000x128xf32, #tpu.memory_space<hbm>> -> memref<110000x128xf32, #tpu.memory_space<hbm>>
    tpu.enqueue_indirect_dma source(%dma_start3A_490 : memref<110000x128xf32, #tpu.memory_space<hbm>>) target(%dma_start3A_487 : memref<320x128xf32, #tpu.memory_space<vmem>>) offsets(%arg32 : memref<320xi32, #tpu.memory_space<vmem>>) semaphore(%arg36 : memref<!tpu.dma_semaphore, #tpu.memory_space<semaphore_mem>>) {add = true}
    %dma_start3A_491 = arith.constant 0 : i32
    %dma_start3A_492 = arith.constant 0 : i32
    %dma_start3A_493 = arith.constant 0 : i32
    %dma_start3A_494 = tpu.memref_slice %arg34[%dma_start3A_491, %dma_start3A_492, %dma_start3A_493] : memref<2x320x128xf32, #tpu.memory_space<vmem>> -> memref<1x320x128xf32, #tpu.memory_space<vmem>>
    %dma_start3A_495 = tpu.memref_squeeze %dma_start3A_494 : memref<1x320x128xf32, #tpu.memory_space<vmem>> -> memref<320x128xf32, #tpu.memory_space<vmem>>
    %dma_start3A_496 = arith.constant 0 : i32
    %dma_start3A_497 = arith.constant 0 : i32
    %dma_start3A_498 = tpu.memref_slice %arg2[%dma_start3A_496, %dma_start3A_497] : memref<110000x128xf32, #tpu.memory_space<hbm>> -> memref<110000x128xf32, #tpu.memory_space<hbm>>
    tpu.enqueue_indirect_dma source(%dma_start3A_498 : memref<110000x128xf32, #tpu.memory_space<hbm>>) target(%dma_start3A_495 : memref<320x128xf32, #tpu.memory_space<vmem>>) offsets(%arg33 : memref<320xi32, #tpu.memory_space<vmem>>) semaphore(%arg36 : memref<!tpu.dma_semaphore, #tpu.memory_space<semaphore_mem>>) {add = true}
    %dma_wait3A_499 = arith.constant 1 : i32
    %dma_wait3A_500 = arith.constant 0 : i32
    %dma_wait3A_501 = arith.constant 0 : i32
    %dma_wait3A_502 = tpu.memref_slice %arg34[%dma_wait3A_499, %dma_wait3A_500, %dma_wait3A_501] : memref<2x320x128xf32, #tpu.memory_space<vmem>> -> memref<1x320x128xf32, #tpu.memory_space<vmem>>
    %dma_wait3A_503 = tpu.memref_squeeze %dma_wait3A_502 : memref<1x320x128xf32, #tpu.memory_space<vmem>> -> memref<320x128xf32, #tpu.memory_space<vmem>>
    %dma_wait3A_504 = arith.constant 0 : i32
    %dma_wait3A_505 = arith.constant 0 : i32
    %dma_wait3A_506 = tpu.memref_slice %arg2[%dma_wait3A_504, %dma_wait3A_505] : memref<110000x128xf32, #tpu.memory_space<hbm>> -> memref<110000x128xf32, #tpu.memory_space<hbm>>
    tpu.wait_indirect_dma semaphore(%arg37 : memref<!tpu.dma_semaphore, #tpu.memory_space<semaphore_mem>>) src(%dma_wait3A_506 : memref<110000x128xf32, #tpu.memory_space<hbm>>) dst(%dma_wait3A_503 : memref<320x128xf32, #tpu.memory_space<vmem>>)
    %dma_wait3A_507 = arith.constant 1 : i32
    %dma_wait3A_508 = arith.constant 0 : i32
    %dma_wait3A_509 = arith.constant 0 : i32
    %dma_wait3A_510 = tpu.memref_slice %arg34[%dma_wait3A_507, %dma_wait3A_508, %dma_wait3A_509] : memref<2x320x128xf32, #tpu.memory_space<vmem>> -> memref<1x320x128xf32, #tpu.memory_space<vmem>>
    %dma_wait3A_511 = tpu.memref_squeeze %dma_wait3A_510 : memref<1x320x128xf32, #tpu.memory_space<vmem>> -> memref<320x128xf32, #tpu.memory_space<vmem>>
    %dma_wait3A_512 = arith.constant 0 : i32
    %dma_wait3A_513 = arith.constant 0 : i32
    %dma_wait3A_514 = tpu.memref_slice %arg2[%dma_wait3A_512, %dma_wait3A_513] : memref<110000x128xf32, #tpu.memory_space<hbm>> -> memref<110000x128xf32, #tpu.memory_space<hbm>>
    tpu.wait_indirect_dma semaphore(%arg37 : memref<!tpu.dma_semaphore, #tpu.memory_space<semaphore_mem>>) src(%dma_wait3A_514 : memref<110000x128xf32, #tpu.memory_space<hbm>>) dst(%dma_wait3A_511 : memref<320x128xf32, #tpu.memory_space<vmem>>)
    %dma_wait3A_515 = arith.constant 1 : i32
    %dma_wait3A_516 = arith.constant 0 : i32
    %dma_wait3A_517 = arith.constant 0 : i32
    %dma_wait3A_518 = tpu.memref_slice %arg34[%dma_wait3A_515, %dma_wait3A_516, %dma_wait3A_517] : memref<2x320x128xf32, #tpu.memory_space<vmem>> -> memref<1x320x128xf32, #tpu.memory_space<vmem>>
    %dma_wait3A_519 = tpu.memref_squeeze %dma_wait3A_518 : memref<1x320x128xf32, #tpu.memory_space<vmem>> -> memref<320x128xf32, #tpu.memory_space<vmem>>
    %dma_wait3A_520 = arith.constant 0 : i32
    %dma_wait3A_521 = arith.constant 0 : i32
    %dma_wait3A_522 = tpu.memref_slice %arg2[%dma_wait3A_520, %dma_wait3A_521] : memref<110000x128xf32, #tpu.memory_space<hbm>> -> memref<110000x128xf32, #tpu.memory_space<hbm>>
    tpu.wait_indirect_dma semaphore(%arg37 : memref<!tpu.dma_semaphore, #tpu.memory_space<semaphore_mem>>) src(%dma_wait3A_522 : memref<110000x128xf32, #tpu.memory_space<hbm>>) dst(%dma_wait3A_519 : memref<320x128xf32, #tpu.memory_space<vmem>>)
    %dma_wait3A_523 = arith.constant 1 : i32
    %dma_wait3A_524 = arith.constant 0 : i32
    %dma_wait3A_525 = arith.constant 0 : i32
    %dma_wait3A_526 = tpu.memref_slice %arg34[%dma_wait3A_523, %dma_wait3A_524, %dma_wait3A_525] : memref<2x320x128xf32, #tpu.memory_space<vmem>> -> memref<1x320x128xf32, #tpu.memory_space<vmem>>
    %dma_wait3A_527 = tpu.memref_squeeze %dma_wait3A_526 : memref<1x320x128xf32, #tpu.memory_space<vmem>> -> memref<320x128xf32, #tpu.memory_space<vmem>>
    %dma_wait3A_528 = arith.constant 0 : i32
    %dma_wait3A_529 = arith.constant 0 : i32
    %dma_wait3A_530 = tpu.memref_slice %arg2[%dma_wait3A_528, %dma_wait3A_529] : memref<110000x128xf32, #tpu.memory_space<hbm>> -> memref<110000x128xf32, #tpu.memory_space<hbm>>
    tpu.wait_indirect_dma semaphore(%arg37 : memref<!tpu.dma_semaphore, #tpu.memory_space<semaphore_mem>>) src(%dma_wait3A_530 : memref<110000x128xf32, #tpu.memory_space<hbm>>) dst(%dma_wait3A_527 : memref<320x128xf32, #tpu.memory_space<vmem>>)
    %dma_wait3A_531 = arith.constant 1 : i32
    %dma_wait3A_532 = arith.constant 0 : i32
    %dma_wait3A_533 = arith.constant 0 : i32
    %dma_wait3A_534 = tpu.memref_slice %arg34[%dma_wait3A_531, %dma_wait3A_532, %dma_wait3A_533] : memref<2x320x128xf32, #tpu.memory_space<vmem>> -> memref<1x320x128xf32, #tpu.memory_space<vmem>>
    %dma_wait3A_535 = tpu.memref_squeeze %dma_wait3A_534 : memref<1x320x128xf32, #tpu.memory_space<vmem>> -> memref<320x128xf32, #tpu.memory_space<vmem>>
    %dma_wait3A_536 = arith.constant 0 : i32
    %dma_wait3A_537 = arith.constant 0 : i32
    %dma_wait3A_538 = tpu.memref_slice %arg2[%dma_wait3A_536, %dma_wait3A_537] : memref<110000x128xf32, #tpu.memory_space<hbm>> -> memref<110000x128xf32, #tpu.memory_space<hbm>>
    tpu.wait_indirect_dma semaphore(%arg37 : memref<!tpu.dma_semaphore, #tpu.memory_space<semaphore_mem>>) src(%dma_wait3A_538 : memref<110000x128xf32, #tpu.memory_space<hbm>>) dst(%dma_wait3A_535 : memref<320x128xf32, #tpu.memory_space<vmem>>)
    %dma_wait3A_539 = arith.constant 1 : i32
    %dma_wait3A_540 = arith.constant 0 : i32
    %dma_wait3A_541 = arith.constant 0 : i32
    %dma_wait3A_542 = tpu.memref_slice %arg34[%dma_wait3A_539, %dma_wait3A_540, %dma_wait3A_541] : memref<2x320x128xf32, #tpu.memory_space<vmem>> -> memref<1x320x128xf32, #tpu.memory_space<vmem>>
    %dma_wait3A_543 = tpu.memref_squeeze %dma_wait3A_542 : memref<1x320x128xf32, #tpu.memory_space<vmem>> -> memref<320x128xf32, #tpu.memory_space<vmem>>
    %dma_wait3A_544 = arith.constant 0 : i32
    %dma_wait3A_545 = arith.constant 0 : i32
    %dma_wait3A_546 = tpu.memref_slice %arg2[%dma_wait3A_544, %dma_wait3A_545] : memref<110000x128xf32, #tpu.memory_space<hbm>> -> memref<110000x128xf32, #tpu.memory_space<hbm>>
    tpu.wait_indirect_dma semaphore(%arg37 : memref<!tpu.dma_semaphore, #tpu.memory_space<semaphore_mem>>) src(%dma_wait3A_546 : memref<110000x128xf32, #tpu.memory_space<hbm>>) dst(%dma_wait3A_543 : memref<320x128xf32, #tpu.memory_space<vmem>>)
    %dma_wait3A_547 = arith.constant 1 : i32
    %dma_wait3A_548 = arith.constant 0 : i32
    %dma_wait3A_549 = arith.constant 0 : i32
    %dma_wait3A_550 = tpu.memref_slice %arg34[%dma_wait3A_547, %dma_wait3A_548, %dma_wait3A_549] : memref<2x320x128xf32, #tpu.memory_space<vmem>> -> memref<1x320x128xf32, #tpu.memory_space<vmem>>
    %dma_wait3A_551 = tpu.memref_squeeze %dma_wait3A_550 : memref<1x320x128xf32, #tpu.memory_space<vmem>> -> memref<320x128xf32, #tpu.memory_space<vmem>>
    %dma_wait3A_552 = arith.constant 0 : i32
    %dma_wait3A_553 = arith.constant 0 : i32
    %dma_wait3A_554 = tpu.memref_slice %arg2[%dma_wait3A_552, %dma_wait3A_553] : memref<110000x128xf32, #tpu.memory_space<hbm>> -> memref<110000x128xf32, #tpu.memory_space<hbm>>
    tpu.wait_indirect_dma semaphore(%arg37 : memref<!tpu.dma_semaphore, #tpu.memory_space<semaphore_mem>>) src(%dma_wait3A_554 : memref<110000x128xf32, #tpu.memory_space<hbm>>) dst(%dma_wait3A_551 : memref<320x128xf32, #tpu.memory_space<vmem>>)
    %dma_wait3A_555 = arith.constant 1 : i32
    %dma_wait3A_556 = arith.constant 0 : i32
    %dma_wait3A_557 = arith.constant 0 : i32
    %dma_wait3A_558 = tpu.memref_slice %arg34[%dma_wait3A_555, %dma_wait3A_556, %dma_wait3A_557] : memref<2x320x128xf32, #tpu.memory_space<vmem>> -> memref<1x320x128xf32, #tpu.memory_space<vmem>>
    %dma_wait3A_559 = tpu.memref_squeeze %dma_wait3A_558 : memref<1x320x128xf32, #tpu.memory_space<vmem>> -> memref<320x128xf32, #tpu.memory_space<vmem>>
    %dma_wait3A_560 = arith.constant 0 : i32
    %dma_wait3A_561 = arith.constant 0 : i32
    %dma_wait3A_562 = tpu.memref_slice %arg2[%dma_wait3A_560, %dma_wait3A_561] : memref<110000x128xf32, #tpu.memory_space<hbm>> -> memref<110000x128xf32, #tpu.memory_space<hbm>>
    tpu.wait_indirect_dma semaphore(%arg37 : memref<!tpu.dma_semaphore, #tpu.memory_space<semaphore_mem>>) src(%dma_wait3A_562 : memref<110000x128xf32, #tpu.memory_space<hbm>>) dst(%dma_wait3A_559 : memref<320x128xf32, #tpu.memory_space<vmem>>)
    %dma_wait3A_563 = arith.constant 1 : i32
    %dma_wait3A_564 = arith.constant 0 : i32
    %dma_wait3A_565 = arith.constant 0 : i32
    %dma_wait3A_566 = tpu.memref_slice %arg34[%dma_wait3A_563, %dma_wait3A_564, %dma_wait3A_565] : memref<2x320x128xf32, #tpu.memory_space<vmem>> -> memref<1x320x128xf32, #tpu.memory_space<vmem>>
    %dma_wait3A_567 = tpu.memref_squeeze %dma_wait3A_566 : memref<1x320x128xf32, #tpu.memory_space<vmem>> -> memref<320x128xf32, #tpu.memory_space<vmem>>
    %dma_wait3A_568 = arith.constant 0 : i32
    %dma_wait3A_569 = arith.constant 0 : i32
    %dma_wait3A_570 = tpu.memref_slice %arg2[%dma_wait3A_568, %dma_wait3A_569] : memref<110000x128xf32, #tpu.memory_space<hbm>> -> memref<110000x128xf32, #tpu.memory_space<hbm>>
    tpu.wait_indirect_dma semaphore(%arg37 : memref<!tpu.dma_semaphore, #tpu.memory_space<semaphore_mem>>) src(%dma_wait3A_570 : memref<110000x128xf32, #tpu.memory_space<hbm>>) dst(%dma_wait3A_567 : memref<320x128xf32, #tpu.memory_space<vmem>>)
    %add3A_571 = arith.constant 10000 : i32
    %add3A_572 = arith.addi %add3A_571, %multiple_of3A : i32
    %multiple_of3A_573 = tpu.assume_multiple %add3A_572, 8 : i32
    %run_scoped3A_574 = arith.constant 1 : i32
    "tpu.region"() ({
      %run_scoped3A_659 = tpu.sem_alloc : memref<!tpu.dma_semaphore, #tpu.memory_space<semaphore_mem>>
      %dma_start3A_660 = arith.constant 0 : i32
      %dma_start3A_661 = arith.constant 0 : i32
      %dma_start3A_662 = tpu.memref_slice %arg34[%run_scoped3A_574, %dma_start3A_660, %dma_start3A_661] : memref<2x320x128xf32, #tpu.memory_space<vmem>> -> memref<1x320x128xf32, #tpu.memory_space<vmem>>
      %dma_start3A_663 = tpu.memref_squeeze %dma_start3A_662 : memref<1x320x128xf32, #tpu.memory_space<vmem>> -> memref<320x128xf32, #tpu.memory_space<vmem>>
      %dma_start3A_664 = arith.constant 0 : i32
      %dma_start3A_665 = tpu.memref_slice %arg6[%multiple_of3A_573, %dma_start3A_664] : memref<30000x128xf32, #tpu.memory_space<hbm>> -> memref<320x128xf32, #tpu.memory_space<hbm>>
      %dma_start3A_666 = arith.constant 0 : i32
      %dma_start3A_667 = tpu.memref_slice %arg6[%multiple_of3A_573, %dma_start3A_666] : memref<30000x128xf32, #tpu.memory_space<hbm>> -> memref<320x128xf32, #tpu.memory_space<hbm>>
      %dma_start3A_668 = arith.constant 0 : i32
      %dma_start3A_669 = arith.constant 0 : i32
      %dma_start3A_670 = tpu.memref_slice %arg34[%run_scoped3A_574, %dma_start3A_668, %dma_start3A_669] : memref<2x320x128xf32, #tpu.memory_space<vmem>> -> memref<1x320x128xf32, #tpu.memory_space<vmem>>
      %dma_start3A_671 = tpu.memref_squeeze %dma_start3A_670 : memref<1x320x128xf32, #tpu.memory_space<vmem>> -> memref<320x128xf32, #tpu.memory_space<vmem>>
      tpu.enqueue_dma source(%dma_start3A_671 : memref<320x128xf32, #tpu.memory_space<vmem>>) target(%dma_start3A_667 : memref<320x128xf32, #tpu.memory_space<hbm>>) target_semaphore(%run_scoped3A_659 : memref<!tpu.dma_semaphore, #tpu.memory_space<semaphore_mem>>)
      %dma_wait3A_672 = arith.constant 0 : i32
      %dma_wait3A_673 = arith.constant 0 : i32
      %dma_wait3A_674 = tpu.memref_slice %arg34[%run_scoped3A_574, %dma_wait3A_672, %dma_wait3A_673] : memref<2x320x128xf32, #tpu.memory_space<vmem>> -> memref<1x320x128xf32, #tpu.memory_space<vmem>>
      %dma_wait3A_675 = tpu.memref_squeeze %dma_wait3A_674 : memref<1x320x128xf32, #tpu.memory_space<vmem>> -> memref<320x128xf32, #tpu.memory_space<vmem>>
      %dma_wait3A_676 = arith.constant 0 : i32
      %dma_wait3A_677 = tpu.memref_slice %arg6[%multiple_of3A_573, %dma_wait3A_676] : memref<30000x128xf32, #tpu.memory_space<hbm>> -> memref<320x128xf32, #tpu.memory_space<hbm>>
      %dma_wait3A_678 = arith.constant 0 : i32
      %dma_wait3A_679 = tpu.memref_slice %arg6[%multiple_of3A_573, %dma_wait3A_678] : memref<30000x128xf32, #tpu.memory_space<hbm>> -> memref<320x128xf32, #tpu.memory_space<hbm>>
      %dma_wait3A_680 = arith.constant 0 : i32
      %dma_wait3A_681 = arith.constant 0 : i32
      %dma_wait3A_682 = tpu.memref_slice %arg34[%run_scoped3A_574, %dma_wait3A_680, %dma_wait3A_681] : memref<2x320x128xf32, #tpu.memory_space<vmem>> -> memref<1x320x128xf32, #tpu.memory_space<vmem>>
      %dma_wait3A_683 = tpu.memref_squeeze %dma_wait3A_682 : memref<1x320x128xf32, #tpu.memory_space<vmem>> -> memref<320x128xf32, #tpu.memory_space<vmem>>
      tpu.wait_dma2 semaphore(%run_scoped3A_659 : memref<!tpu.dma_semaphore, #tpu.memory_space<semaphore_mem>>) src(%dma_wait3A_683 : memref<320x128xf32, #tpu.memory_space<vmem>>) dst(%dma_wait3A_679 : memref<320x128xf32, #tpu.memory_space<hbm>>)
      tpu.yield
    }) : () -> ()
    %dma_wait3A_575 = arith.constant 0 : i32
    %dma_wait3A_576 = arith.constant 0 : i32
    %dma_wait3A_577 = arith.constant 0 : i32
    %dma_wait3A_578 = tpu.memref_slice %arg34[%dma_wait3A_575, %dma_wait3A_576, %dma_wait3A_577] : memref<2x320x128xf32, #tpu.memory_space<vmem>> -> memref<1x320x128xf32, #tpu.memory_space<vmem>>
    %dma_wait3A_579 = tpu.memref_squeeze %dma_wait3A_578 : memref<1x320x128xf32, #tpu.memory_space<vmem>> -> memref<320x128xf32, #tpu.memory_space<vmem>>
    %dma_wait3A_580 = arith.constant 0 : i32
    %dma_wait3A_581 = arith.constant 0 : i32
    %dma_wait3A_582 = tpu.memref_slice %arg2[%dma_wait3A_580, %dma_wait3A_581] : memref<110000x128xf32, #tpu.memory_space<hbm>> -> memref<110000x128xf32, #tpu.memory_space<hbm>>
    tpu.wait_indirect_dma semaphore(%arg36 : memref<!tpu.dma_semaphore, #tpu.memory_space<semaphore_mem>>) src(%dma_wait3A_582 : memref<110000x128xf32, #tpu.memory_space<hbm>>) dst(%dma_wait3A_579 : memref<320x128xf32, #tpu.memory_space<vmem>>)
    %dma_wait3A_583 = arith.constant 0 : i32
    %dma_wait3A_584 = arith.constant 0 : i32
    %dma_wait3A_585 = arith.constant 0 : i32
    %dma_wait3A_586 = tpu.memref_slice %arg34[%dma_wait3A_583, %dma_wait3A_584, %dma_wait3A_585] : memref<2x320x128xf32, #tpu.memory_space<vmem>> -> memref<1x320x128xf32, #tpu.memory_space<vmem>>
    %dma_wait3A_587 = tpu.memref_squeeze %dma_wait3A_586 : memref<1x320x128xf32, #tpu.memory_space<vmem>> -> memref<320x128xf32, #tpu.memory_space<vmem>>
    %dma_wait3A_588 = arith.constant 0 : i32
    %dma_wait3A_589 = arith.constant 0 : i32
    %dma_wait3A_590 = tpu.memref_slice %arg2[%dma_wait3A_588, %dma_wait3A_589] : memref<110000x128xf32, #tpu.memory_space<hbm>> -> memref<110000x128xf32, #tpu.memory_space<hbm>>
    tpu.wait_indirect_dma semaphore(%arg36 : memref<!tpu.dma_semaphore, #tpu.memory_space<semaphore_mem>>) src(%dma_wait3A_590 : memref<110000x128xf32, #tpu.memory_space<hbm>>) dst(%dma_wait3A_587 : memref<320x128xf32, #tpu.memory_space<vmem>>)
    %dma_wait3A_591 = arith.constant 0 : i32
    %dma_wait3A_592 = arith.constant 0 : i32
    %dma_wait3A_593 = arith.constant 0 : i32
    %dma_wait3A_594 = tpu.memref_slice %arg34[%dma_wait3A_591, %dma_wait3A_592, %dma_wait3A_593] : memref<2x320x128xf32, #tpu.memory_space<vmem>> -> memref<1x320x128xf32, #tpu.memory_space<vmem>>
    %dma_wait3A_595 = tpu.memref_squeeze %dma_wait3A_594 : memref<1x320x128xf32, #tpu.memory_space<vmem>> -> memref<320x128xf32, #tpu.memory_space<vmem>>
    %dma_wait3A_596 = arith.constant 0 : i32
    %dma_wait3A_597 = arith.constant 0 : i32
    %dma_wait3A_598 = tpu.memref_slice %arg2[%dma_wait3A_596, %dma_wait3A_597] : memref<110000x128xf32, #tpu.memory_space<hbm>> -> memref<110000x128xf32, #tpu.memory_space<hbm>>
    tpu.wait_indirect_dma semaphore(%arg36 : memref<!tpu.dma_semaphore, #tpu.memory_space<semaphore_mem>>) src(%dma_wait3A_598 : memref<110000x128xf32, #tpu.memory_space<hbm>>) dst(%dma_wait3A_595 : memref<320x128xf32, #tpu.memory_space<vmem>>)
    %dma_wait3A_599 = arith.constant 0 : i32
    %dma_wait3A_600 = arith.constant 0 : i32
    %dma_wait3A_601 = arith.constant 0 : i32
    %dma_wait3A_602 = tpu.memref_slice %arg34[%dma_wait3A_599, %dma_wait3A_600, %dma_wait3A_601] : memref<2x320x128xf32, #tpu.memory_space<vmem>> -> memref<1x320x128xf32, #tpu.memory_space<vmem>>
    %dma_wait3A_603 = tpu.memref_squeeze %dma_wait3A_602 : memref<1x320x128xf32, #tpu.memory_space<vmem>> -> memref<320x128xf32, #tpu.memory_space<vmem>>
    %dma_wait3A_604 = arith.constant 0 : i32
    %dma_wait3A_605 = arith.constant 0 : i32
    %dma_wait3A_606 = tpu.memref_slice %arg2[%dma_wait3A_604, %dma_wait3A_605] : memref<110000x128xf32, #tpu.memory_space<hbm>> -> memref<110000x128xf32, #tpu.memory_space<hbm>>
    tpu.wait_indirect_dma semaphore(%arg36 : memref<!tpu.dma_semaphore, #tpu.memory_space<semaphore_mem>>) src(%dma_wait3A_606 : memref<110000x128xf32, #tpu.memory_space<hbm>>) dst(%dma_wait3A_603 : memref<320x128xf32, #tpu.memory_space<vmem>>)
    %dma_wait3A_607 = arith.constant 0 : i32
    %dma_wait3A_608 = arith.constant 0 : i32
    %dma_wait3A_609 = arith.constant 0 : i32
    %dma_wait3A_610 = tpu.memref_slice %arg34[%dma_wait3A_607, %dma_wait3A_608, %dma_wait3A_609] : memref<2x320x128xf32, #tpu.memory_space<vmem>> -> memref<1x320x128xf32, #tpu.memory_space<vmem>>
    %dma_wait3A_611 = tpu.memref_squeeze %dma_wait3A_610 : memref<1x320x128xf32, #tpu.memory_space<vmem>> -> memref<320x128xf32, #tpu.memory_space<vmem>>
    %dma_wait3A_612 = arith.constant 0 : i32
    %dma_wait3A_613 = arith.constant 0 : i32
    %dma_wait3A_614 = tpu.memref_slice %arg2[%dma_wait3A_612, %dma_wait3A_613] : memref<110000x128xf32, #tpu.memory_space<hbm>> -> memref<110000x128xf32, #tpu.memory_space<hbm>>
    tpu.wait_indirect_dma semaphore(%arg36 : memref<!tpu.dma_semaphore, #tpu.memory_space<semaphore_mem>>) src(%dma_wait3A_614 : memref<110000x128xf32, #tpu.memory_space<hbm>>) dst(%dma_wait3A_611 : memref<320x128xf32, #tpu.memory_space<vmem>>)
    %dma_wait3A_615 = arith.constant 0 : i32
    %dma_wait3A_616 = arith.constant 0 : i32
    %dma_wait3A_617 = arith.constant 0 : i32
    %dma_wait3A_618 = tpu.memref_slice %arg34[%dma_wait3A_615, %dma_wait3A_616, %dma_wait3A_617] : memref<2x320x128xf32, #tpu.memory_space<vmem>> -> memref<1x320x128xf32, #tpu.memory_space<vmem>>
    %dma_wait3A_619 = tpu.memref_squeeze %dma_wait3A_618 : memref<1x320x128xf32, #tpu.memory_space<vmem>> -> memref<320x128xf32, #tpu.memory_space<vmem>>
    %dma_wait3A_620 = arith.constant 0 : i32
    %dma_wait3A_621 = arith.constant 0 : i32
    %dma_wait3A_622 = tpu.memref_slice %arg2[%dma_wait3A_620, %dma_wait3A_621] : memref<110000x128xf32, #tpu.memory_space<hbm>> -> memref<110000x128xf32, #tpu.memory_space<hbm>>
    tpu.wait_indirect_dma semaphore(%arg36 : memref<!tpu.dma_semaphore, #tpu.memory_space<semaphore_mem>>) src(%dma_wait3A_622 : memref<110000x128xf32, #tpu.memory_space<hbm>>) dst(%dma_wait3A_619 : memref<320x128xf32, #tpu.memory_space<vmem>>)
    %dma_wait3A_623 = arith.constant 0 : i32
    %dma_wait3A_624 = arith.constant 0 : i32
    %dma_wait3A_625 = arith.constant 0 : i32
    %dma_wait3A_626 = tpu.memref_slice %arg34[%dma_wait3A_623, %dma_wait3A_624, %dma_wait3A_625] : memref<2x320x128xf32, #tpu.memory_space<vmem>> -> memref<1x320x128xf32, #tpu.memory_space<vmem>>
    %dma_wait3A_627 = tpu.memref_squeeze %dma_wait3A_626 : memref<1x320x128xf32, #tpu.memory_space<vmem>> -> memref<320x128xf32, #tpu.memory_space<vmem>>
    %dma_wait3A_628 = arith.constant 0 : i32
    %dma_wait3A_629 = arith.constant 0 : i32
    %dma_wait3A_630 = tpu.memref_slice %arg2[%dma_wait3A_628, %dma_wait3A_629] : memref<110000x128xf32, #tpu.memory_space<hbm>> -> memref<110000x128xf32, #tpu.memory_space<hbm>>
    tpu.wait_indirect_dma semaphore(%arg36 : memref<!tpu.dma_semaphore, #tpu.memory_space<semaphore_mem>>) src(%dma_wait3A_630 : memref<110000x128xf32, #tpu.memory_space<hbm>>) dst(%dma_wait3A_627 : memref<320x128xf32, #tpu.memory_space<vmem>>)
    %dma_wait3A_631 = arith.constant 0 : i32
    %dma_wait3A_632 = arith.constant 0 : i32
    %dma_wait3A_633 = arith.constant 0 : i32
    %dma_wait3A_634 = tpu.memref_slice %arg34[%dma_wait3A_631, %dma_wait3A_632, %dma_wait3A_633] : memref<2x320x128xf32, #tpu.memory_space<vmem>> -> memref<1x320x128xf32, #tpu.memory_space<vmem>>
    %dma_wait3A_635 = tpu.memref_squeeze %dma_wait3A_634 : memref<1x320x128xf32, #tpu.memory_space<vmem>> -> memref<320x128xf32, #tpu.memory_space<vmem>>
    %dma_wait3A_636 = arith.constant 0 : i32
    %dma_wait3A_637 = arith.constant 0 : i32
    %dma_wait3A_638 = tpu.memref_slice %arg2[%dma_wait3A_636, %dma_wait3A_637] : memref<110000x128xf32, #tpu.memory_space<hbm>> -> memref<110000x128xf32, #tpu.memory_space<hbm>>
    tpu.wait_indirect_dma semaphore(%arg36 : memref<!tpu.dma_semaphore, #tpu.memory_space<semaphore_mem>>) src(%dma_wait3A_638 : memref<110000x128xf32, #tpu.memory_space<hbm>>) dst(%dma_wait3A_635 : memref<320x128xf32, #tpu.memory_space<vmem>>)
    %dma_wait3A_639 = arith.constant 0 : i32
    %dma_wait3A_640 = arith.constant 0 : i32
    %dma_wait3A_641 = arith.constant 0 : i32
    %dma_wait3A_642 = tpu.memref_slice %arg34[%dma_wait3A_639, %dma_wait3A_640, %dma_wait3A_641] : memref<2x320x128xf32, #tpu.memory_space<vmem>> -> memref<1x320x128xf32, #tpu.memory_space<vmem>>
    %dma_wait3A_643 = tpu.memref_squeeze %dma_wait3A_642 : memref<1x320x128xf32, #tpu.memory_space<vmem>> -> memref<320x128xf32, #tpu.memory_space<vmem>>
    %dma_wait3A_644 = arith.constant 0 : i32
    %dma_wait3A_645 = arith.constant 0 : i32
    %dma_wait3A_646 = tpu.memref_slice %arg2[%dma_wait3A_644, %dma_wait3A_645] : memref<110000x128xf32, #tpu.memory_space<hbm>> -> memref<110000x128xf32, #tpu.memory_space<hbm>>
    tpu.wait_indirect_dma semaphore(%arg36 : memref<!tpu.dma_semaphore, #tpu.memory_space<semaphore_mem>>) src(%dma_wait3A_646 : memref<110000x128xf32, #tpu.memory_space<hbm>>) dst(%dma_wait3A_643 : memref<320x128xf32, #tpu.memory_space<vmem>>)
    %dma_wait3A_647 = arith.constant 0 : i32
    %dma_wait3A_648 = arith.constant 0 : i32
    %dma_wait3A_649 = arith.constant 0 : i32
    %dma_wait3A_650 = tpu.memref_slice %arg34[%dma_wait3A_647, %dma_wait3A_648, %dma_wait3A_649] : memref<2x320x128xf32, #tpu.memory_space<vmem>> -> memref<1x320x128xf32, #tpu.memory_space<vmem>>
    %dma_wait3A_651 = tpu.memref_squeeze %dma_wait3A_650 : memref<1x320x128xf32, #tpu.memory_space<vmem>> -> memref<320x128xf32, #tpu.memory_space<vmem>>
    %dma_wait3A_652 = arith.constant 0 : i32
    %dma_wait3A_653 = arith.constant 0 : i32
    %dma_wait3A_654 = tpu.memref_slice %arg2[%dma_wait3A_652, %dma_wait3A_653] : memref<110000x128xf32, #tpu.memory_space<hbm>> -> memref<110000x128xf32, #tpu.memory_space<hbm>>
    tpu.wait_indirect_dma semaphore(%arg36 : memref<!tpu.dma_semaphore, #tpu.memory_space<semaphore_mem>>) src(%dma_wait3A_654 : memref<110000x128xf32, #tpu.memory_space<hbm>>) dst(%dma_wait3A_651 : memref<320x128xf32, #tpu.memory_space<vmem>>)
    %add3A_655 = arith.constant 20000 : i32
    %add3A_656 = arith.addi %add3A_655, %multiple_of3A : i32
    %multiple_of3A_657 = tpu.assume_multiple %add3A_656, 8 : i32
    %run_scoped3A_658 = arith.constant 0 : i32
    "tpu.region"() ({
      %run_scoped3A_659 = tpu.sem_alloc : memref<!tpu.dma_semaphore, #tpu.memory_space<semaphore_mem>>
      %dma_start3A_660 = arith.constant 0 : i32
      %dma_start3A_661 = arith.constant 0 : i32
      %dma_start3A_662 = tpu.memref_slice %arg34[%run_scoped3A_658, %dma_start3A_660, %dma_start3A_661] : memref<2x320x128xf32, #tpu.memory_space<vmem>> -> memref<1x320x128xf32, #tpu.memory_space<vmem>>
      %dma_start3A_663 = tpu.memref_squeeze %dma_start3A_662 : memref<1x320x128xf32, #tpu.memory_space<vmem>> -> memref<320x128xf32, #tpu.memory_space<vmem>>
      %dma_start3A_664 = arith.constant 0 : i32
      %dma_start3A_665 = tpu.memref_slice %arg6[%multiple_of3A_657, %dma_start3A_664] : memref<30000x128xf32, #tpu.memory_space<hbm>> -> memref<320x128xf32, #tpu.memory_space<hbm>>
      %dma_start3A_666 = arith.constant 0 : i32
      %dma_start3A_667 = tpu.memref_slice %arg6[%multiple_of3A_657, %dma_start3A_666] : memref<30000x128xf32, #tpu.memory_space<hbm>> -> memref<320x128xf32, #tpu.memory_space<hbm>>
      %dma_start3A_668 = arith.constant 0 : i32
      %dma_start3A_669 = arith.constant 0 : i32
      %dma_start3A_670 = tpu.memref_slice %arg34[%run_scoped3A_658, %dma_start3A_668, %dma_start3A_669] : memref<2x320x128xf32, #tpu.memory_space<vmem>> -> memref<1x320x128xf32, #tpu.memory_space<vmem>>
      %dma_start3A_671 = tpu.memref_squeeze %dma_start3A_670 : memref<1x320x128xf32, #tpu.memory_space<vmem>> -> memref<320x128xf32, #tpu.memory_space<vmem>>
      tpu.enqueue_dma source(%dma_start3A_671 : memref<320x128xf32, #tpu.memory_space<vmem>>) target(%dma_start3A_667 : memref<320x128xf32, #tpu.memory_space<hbm>>) target_semaphore(%run_scoped3A_659 : memref<!tpu.dma_semaphore, #tpu.memory_space<semaphore_mem>>)
      %dma_wait3A_672 = arith.constant 0 : i32
      %dma_wait3A_673 = arith.constant 0 : i32
      %dma_wait3A_674 = tpu.memref_slice %arg34[%run_scoped3A_658, %dma_wait3A_672, %dma_wait3A_673] : memref<2x320x128xf32, #tpu.memory_space<vmem>> -> memref<1x320x128xf32, #tpu.memory_space<vmem>>
      %dma_wait3A_675 = tpu.memref_squeeze %dma_wait3A_674 : memref<1x320x128xf32, #tpu.memory_space<vmem>> -> memref<320x128xf32, #tpu.memory_space<vmem>>
      %dma_wait3A_676 = arith.constant 0 : i32
      %dma_wait3A_677 = tpu.memref_slice %arg6[%multiple_of3A_657, %dma_wait3A_676] : memref<30000x128xf32, #tpu.memory_space<hbm>> -> memref<320x128xf32, #tpu.memory_space<hbm>>
      %dma_wait3A_678 = arith.constant 0 : i32
      %dma_wait3A_679 = tpu.memref_slice %arg6[%multiple_of3A_657, %dma_wait3A_678] : memref<30000x128xf32, #tpu.memory_space<hbm>> -> memref<320x128xf32, #tpu.memory_space<hbm>>
      %dma_wait3A_680 = arith.constant 0 : i32
      %dma_wait3A_681 = arith.constant 0 : i32
      %dma_wait3A_682 = tpu.memref_slice %arg34[%run_scoped3A_658, %dma_wait3A_680, %dma_wait3A_681] : memref<2x320x128xf32, #tpu.memory_space<vmem>> -> memref<1x320x128xf32, #tpu.memory_space<vmem>>
      %dma_wait3A_683 = tpu.memref_squeeze %dma_wait3A_682 : memref<1x320x128xf32, #tpu.memory_space<vmem>> -> memref<320x128xf32, #tpu.memory_space<vmem>>
      tpu.wait_dma2 semaphore(%run_scoped3A_659 : memref<!tpu.dma_semaphore, #tpu.memory_space<semaphore_mem>>) src(%dma_wait3A_683 : memref<320x128xf32, #tpu.memory_space<vmem>>) dst(%dma_wait3A_679 : memref<320x128xf32, #tpu.memory_space<hbm>>)
      tpu.yield
    }) : () -> ()
    return
  }
}

#map = affine_map<(d0, d1) -> (0, 0)>
#map1 = affine_map<(d0, d1) -> (0)>
module attributes {stable_mosaic.version = 14 : i64} {
  func.func @body(%arg0: i32, %arg1: i32, %arg2: memref<110000x128xf32, #tpu.memory_space<hbm>>, %arg3: memref<10000xi32, #tpu.memory_space<hbm>>, %arg4: memref<20000xi32, #tpu.memory_space<hbm>>, %arg5: memref<30000xi32, #tpu.memory_space<hbm>>, %arg6: memref<30000x128xf32, #tpu.memory_space<hbm>>, %arg7: memref<320xi32, #tpu.memory_space<vmem>>, %arg8: memref<320xi32, #tpu.memory_space<vmem>>, %arg9: memref<320xi32, #tpu.memory_space<vmem>>, %arg10: memref<320xi32, #tpu.memory_space<vmem>>, %arg11: memref<320xi32, #tpu.memory_space<vmem>>, %arg12: memref<320xi32, #tpu.memory_space<vmem>>, %arg13: memref<2x320x128xf32, #tpu.memory_space<vmem>>, %arg14: memref<!tpu.dma_semaphore, #tpu.memory_space<semaphore_mem>>, %arg15: memref<!tpu.dma_semaphore, #tpu.memory_space<semaphore_mem>>, %arg16: memref<!tpu.dma_semaphore, #tpu.memory_space<semaphore_mem>>) attributes {dimension_semantics = [#tpu.dimension_semantics<core_parallel>, #tpu.dimension_semantics<subcore_parallel>], iteration_bounds = array<i64: 2, 16>, scalar_prefetch = 0 : i64, scratch_operands = 10 : i64, tpu.core_type = #tpu.core_type<sc_vector_subcore>, window_params = [{transform_indices = #map}, {transform_indices = #map1}, {transform_indices = #map1}, {transform_indices = #map1}, {transform_indices = #map}]} {
    %mul3A = arith.constant 2 : i32
    %mul3A_0 = arith.muli %arg1, %mul3A : i32
    %add3A = arith.addi %mul3A_0, %arg0 : i32
    %eq3A = arith.constant 31 : i32
    %eq3A_1 = arith.cmpi eq, %add3A, %eq3A : i32
    %mul3A_2 = arith.constant 320 : i32
    %mul3A_3 = arith.muli %add3A, %mul3A_2 : i32
    %jit3A = arith.constant 9680 : i32
    %select_n3A = arith.select %eq3A_1, %jit3A, %mul3A_3 : i32
    %multiple_of3A = tpu.assume_multiple %select_n3A, 8 : i32
    %add3A_4 = arith.constant 0 : i32
    %add3A_5 = arith.addi %add3A_4, %multiple_of3A : i32
    %multiple_of3A_6 = tpu.assume_multiple %add3A_5, 8 : i32
    %dma_start3A = tpu.memref_slice %arg3[%multiple_of3A_6] : memref<10000xi32, #tpu.memory_space<hbm>> -> memref<320xi32, #tpu.memory_space<hbm>>
    %dma_start3A_7 = tpu.memref_slice %arg3[%multiple_of3A_6] : memref<10000xi32, #tpu.memory_space<hbm>> -> memref<320xi32, #tpu.memory_space<hbm>>
    tpu.enqueue_dma source(%dma_start3A_7 : memref<320xi32, #tpu.memory_space<hbm>>) target(%arg7 : memref<320xi32, #tpu.memory_space<vmem>>) target_semaphore(%arg14 : memref<!tpu.dma_semaphore, #tpu.memory_space<semaphore_mem>>)
    %add3A_8 = arith.constant 0 : i32
    %add3A_9 = arith.addi %add3A_8, %multiple_of3A : i32
    %multiple_of3A_10 = tpu.assume_multiple %add3A_9, 8 : i32
    %dma_start3A_11 = tpu.memref_slice %arg4[%multiple_of3A_10] : memref<20000xi32, #tpu.memory_space<hbm>> -> memref<320xi32, #tpu.memory_space<hbm>>
    %dma_start3A_12 = tpu.memref_slice %arg4[%multiple_of3A_10] : memref<20000xi32, #tpu.memory_space<hbm>> -> memref<320xi32, #tpu.memory_space<hbm>>
    tpu.enqueue_dma source(%dma_start3A_12 : memref<320xi32, #tpu.memory_space<hbm>>) target(%arg8 : memref<320xi32, #tpu.memory_space<vmem>>) target_semaphore(%arg14 : memref<!tpu.dma_semaphore, #tpu.memory_space<semaphore_mem>>)
    %add3A_13 = arith.constant 10000 : i32
    %add3A_14 = arith.addi %add3A_13, %multiple_of3A : i32
    %multiple_of3A_15 = tpu.assume_multiple %add3A_14, 8 : i32
    %dma_start3A_16 = tpu.memref_slice %arg4[%multiple_of3A_15] : memref<20000xi32, #tpu.memory_space<hbm>> -> memref<320xi32, #tpu.memory_space<hbm>>
    %dma_start3A_17 = tpu.memref_slice %arg4[%multiple_of3A_15] : memref<20000xi32, #tpu.memory_space<hbm>> -> memref<320xi32, #tpu.memory_space<hbm>>
    tpu.enqueue_dma source(%dma_start3A_17 : memref<320xi32, #tpu.memory_space<hbm>>) target(%arg9 : memref<320xi32, #tpu.memory_space<vmem>>) target_semaphore(%arg14 : memref<!tpu.dma_semaphore, #tpu.memory_space<semaphore_mem>>)
    %add3A_18 = arith.constant 0 : i32
    %add3A_19 = arith.addi %add3A_18, %multiple_of3A : i32
    %multiple_of3A_20 = tpu.assume_multiple %add3A_19, 8 : i32
    %dma_start3A_21 = tpu.memref_slice %arg5[%multiple_of3A_20] : memref<30000xi32, #tpu.memory_space<hbm>> -> memref<320xi32, #tpu.memory_space<hbm>>
    %dma_start3A_22 = tpu.memref_slice %arg5[%multiple_of3A_20] : memref<30000xi32, #tpu.memory_space<hbm>> -> memref<320xi32, #tpu.memory_space<hbm>>
    tpu.enqueue_dma source(%dma_start3A_22 : memref<320xi32, #tpu.memory_space<hbm>>) target(%arg10 : memref<320xi32, #tpu.memory_space<vmem>>) target_semaphore(%arg14 : memref<!tpu.dma_semaphore, #tpu.memory_space<semaphore_mem>>)
    %add3A_23 = arith.constant 10000 : i32
    %add3A_24 = arith.addi %add3A_23, %multiple_of3A : i32
    %multiple_of3A_25 = tpu.assume_multiple %add3A_24, 8 : i32
    %dma_start3A_26 = tpu.memref_slice %arg5[%multiple_of3A_25] : memref<30000xi32, #tpu.memory_space<hbm>> -> memref<320xi32, #tpu.memory_space<hbm>>
    %dma_start3A_27 = tpu.memref_slice %arg5[%multiple_of3A_25] : memref<30000xi32, #tpu.memory_space<hbm>> -> memref<320xi32, #tpu.memory_space<hbm>>
    tpu.enqueue_dma source(%dma_start3A_27 : memref<320xi32, #tpu.memory_space<hbm>>) target(%arg11 : memref<320xi32, #tpu.memory_space<vmem>>) target_semaphore(%arg14 : memref<!tpu.dma_semaphore, #tpu.memory_space<semaphore_mem>>)
    %add3A_28 = arith.constant 20000 : i32
    %add3A_29 = arith.addi %add3A_28, %multiple_of3A : i32
    %multiple_of3A_30 = tpu.assume_multiple %add3A_29, 8 : i32
    %dma_start3A_31 = tpu.memref_slice %arg5[%multiple_of3A_30] : memref<30000xi32, #tpu.memory_space<hbm>> -> memref<320xi32, #tpu.memory_space<hbm>>
    %dma_start3A_32 = tpu.memref_slice %arg5[%multiple_of3A_30] : memref<30000xi32, #tpu.memory_space<hbm>> -> memref<320xi32, #tpu.memory_space<hbm>>
    tpu.enqueue_dma source(%dma_start3A_32 : memref<320xi32, #tpu.memory_space<hbm>>) target(%arg12 : memref<320xi32, #tpu.memory_space<vmem>>) target_semaphore(%arg14 : memref<!tpu.dma_semaphore, #tpu.memory_space<semaphore_mem>>)
    %dma_wait3A = tpu.memref_slice %arg3[%multiple_of3A_6] : memref<10000xi32, #tpu.memory_space<hbm>> -> memref<320xi32, #tpu.memory_space<hbm>>
    %dma_wait3A_33 = tpu.memref_slice %arg3[%multiple_of3A_6] : memref<10000xi32, #tpu.memory_space<hbm>> -> memref<320xi32, #tpu.memory_space<hbm>>
    tpu.wait_dma2 semaphore(%arg14 : memref<!tpu.dma_semaphore, #tpu.memory_space<semaphore_mem>>) src(%dma_wait3A_33 : memref<320xi32, #tpu.memory_space<hbm>>) dst(%arg7 : memref<320xi32, #tpu.memory_space<vmem>>)
    %dma_wait3A_34 = tpu.memref_slice %arg4[%multiple_of3A_10] : memref<20000xi32, #tpu.memory_space<hbm>> -> memref<320xi32, #tpu.memory_space<hbm>>
    %dma_wait3A_35 = tpu.memref_slice %arg4[%multiple_of3A_10] : memref<20000xi32, #tpu.memory_space<hbm>> -> memref<320xi32, #tpu.memory_space<hbm>>
    tpu.wait_dma2 semaphore(%arg14 : memref<!tpu.dma_semaphore, #tpu.memory_space<semaphore_mem>>) src(%dma_wait3A_35 : memref<320xi32, #tpu.memory_space<hbm>>) dst(%arg8 : memref<320xi32, #tpu.memory_space<vmem>>)
    %dma_wait3A_36 = tpu.memref_slice %arg4[%multiple_of3A_15] : memref<20000xi32, #tpu.memory_space<hbm>> -> memref<320xi32, #tpu.memory_space<hbm>>
    %dma_wait3A_37 = tpu.memref_slice %arg4[%multiple_of3A_15] : memref<20000xi32, #tpu.memory_space<hbm>> -> memref<320xi32, #tpu.memory_space<hbm>>
    tpu.wait_dma2 semaphore(%arg14 : memref<!tpu.dma_semaphore, #tpu.memory_space<semaphore_mem>>) src(%dma_wait3A_37 : memref<320xi32, #tpu.memory_space<hbm>>) dst(%arg9 : memref<320xi32, #tpu.memory_space<vmem>>)
    %dma_wait3A_38 = tpu.memref_slice %arg5[%multiple_of3A_20] : memref<30000xi32, #tpu.memory_space<hbm>> -> memref<320xi32, #tpu.memory_space<hbm>>
    %dma_wait3A_39 = tpu.memref_slice %arg5[%multiple_of3A_20] : memref<30000xi32, #tpu.memory_space<hbm>> -> memref<320xi32, #tpu.memory_space<hbm>>
    tpu.wait_dma2 semaphore(%arg14 : memref<!tpu.dma_semaphore, #tpu.memory_space<semaphore_mem>>) src(%dma_wait3A_39 : memref<320xi32, #tpu.memory_space<hbm>>) dst(%arg10 : memref<320xi32, #tpu.memory_space<vmem>>)
    %dma_wait3A_40 = tpu.memref_slice %arg5[%multiple_of3A_25] : memref<30000xi32, #tpu.memory_space<hbm>> -> memref<320xi32, #tpu.memory_space<hbm>>
    %dma_wait3A_41 = tpu.memref_slice %arg5[%multiple_of3A_25] : memref<30000xi32, #tpu.memory_space<hbm>> -> memref<320xi32, #tpu.memory_space<hbm>>
    tpu.wait_dma2 semaphore(%arg14 : memref<!tpu.dma_semaphore, #tpu.memory_space<semaphore_mem>>) src(%dma_wait3A_41 : memref<320xi32, #tpu.memory_space<hbm>>) dst(%arg11 : memref<320xi32, #tpu.memory_space<vmem>>)
    %dma_wait3A_42 = tpu.memref_slice %arg5[%multiple_of3A_30] : memref<30000xi32, #tpu.memory_space<hbm>> -> memref<320xi32, #tpu.memory_space<hbm>>
    %dma_wait3A_43 = tpu.memref_slice %arg5[%multiple_of3A_30] : memref<30000xi32, #tpu.memory_space<hbm>> -> memref<320xi32, #tpu.memory_space<hbm>>
    tpu.wait_dma2 semaphore(%arg14 : memref<!tpu.dma_semaphore, #tpu.memory_space<semaphore_mem>>) src(%dma_wait3A_43 : memref<320xi32, #tpu.memory_space<hbm>>) dst(%arg12 : memref<320xi32, #tpu.memory_space<vmem>>)
    %broadcast_in_dim3A = arith.constant 0.000000e+00 : f32
    %broadcast_in_dim3A_44 = vector.broadcast %broadcast_in_dim3A : f32 to vector<16xf32>
    %scan3A = arith.constant 0 : i32
    %scan3A_45 = arith.constant 0 : i32
    %scan3A_46 = arith.constant 320 : i32
    %scan3A_47 = arith.addi %scan3A_45, %scan3A_46 : i32
    %scan3A_48 = arith.constant 1 : i32
    %scan3A_49 = scf.for %scan3A_176 = %scan3A_45 to %scan3A_47 step %scan3A_48 iter_args(%scan3A_177 = %scan3A) -> (i32)  : i32 {
      %swap3A = arith.constant 0 : i32
      %swap3A_178 = arith.index_cast %swap3A : i32 to index
      %swap3A_179 = arith.index_cast %scan3A_176 : i32 to index
      %swap3A_180 = arith.constant 0 : index
      %swap3A_181 = tpu.vector_load %arg13[%swap3A_178, %swap3A_179, %swap3A_180] {strides = array<i32>} : memref<2x320x128xf32, #tpu.memory_space<vmem>>, vector<1x1x16xf32>,
      %swap3A_182 = vector.shape_cast %swap3A_181 : vector<1x1x16xf32> to vector<16xf32>
      %swap3A_183 = vector.shape_cast %broadcast_in_dim3A_44 : vector<16xf32> to vector<1x1x16xf32>
      tpu.vector_store %arg13[%swap3A_178, %swap3A_179, %swap3A_180], %swap3A_183 {strides = array<i32>} : memref<2x320x128xf32, #tpu.memory_space<vmem>>, vector<1x1x16xf32>,
      %swap3A_184 = arith.constant 0 : i32
      %swap3A_185 = arith.index_cast %swap3A_184 : i32 to index
      %swap3A_186 = arith.index_cast %scan3A_176 : i32 to index
      %swap3A_187 = arith.constant 16 : index
      %swap3A_188 = tpu.vector_load %arg13[%swap3A_185, %swap3A_186, %swap3A_187] {strides = array<i32>} : memref<2x320x128xf32, #tpu.memory_space<vmem>>, vector<1x1x16xf32>,
      %swap3A_189 = vector.shape_cast %swap3A_188 : vector<1x1x16xf32> to vector<16xf32>
      %swap3A_190 = vector.shape_cast %broadcast_in_dim3A_44 : vector<16xf32> to vector<1x1x16xf32>
      tpu.vector_store %arg13[%swap3A_185, %swap3A_186, %swap3A_187], %swap3A_190 {strides = array<i32>} : memref<2x320x128xf32, #tpu.memory_space<vmem>>, vector<1x1x16xf32>,
      %swap3A_191 = arith.constant 0 : i32
      %swap3A_192 = arith.index_cast %swap3A_191 : i32 to index
      %swap3A_193 = arith.index_cast %scan3A_176 : i32 to index
      %swap3A_194 = arith.constant 32 : index
      %swap3A_195 = tpu.vector_load %arg13[%swap3A_192, %swap3A_193, %swap3A_194] {strides = array<i32>} : memref<2x320x128xf32, #tpu.memory_space<vmem>>, vector<1x1x16xf32>,
      %swap3A_196 = vector.shape_cast %swap3A_195 : vector<1x1x16xf32> to vector<16xf32>
      %swap3A_197 = vector.shape_cast %broadcast_in_dim3A_44 : vector<16xf32> to vector<1x1x16xf32>
      tpu.vector_store %arg13[%swap3A_192, %swap3A_193, %swap3A_194], %swap3A_197 {strides = array<i32>} : memref<2x320x128xf32, #tpu.memory_space<vmem>>, vector<1x1x16xf32>,
      %swap3A_198 = arith.constant 0 : i32
      %swap3A_199 = arith.index_cast %swap3A_198 : i32 to index
      %swap3A_200 = arith.index_cast %scan3A_176 : i32 to index
      %swap3A_201 = arith.constant 48 : index
      %swap3A_202 = tpu.vector_load %arg13[%swap3A_199, %swap3A_200, %swap3A_201] {strides = array<i32>} : memref<2x320x128xf32, #tpu.memory_space<vmem>>, vector<1x1x16xf32>,
      %swap3A_203 = vector.shape_cast %swap3A_202 : vector<1x1x16xf32> to vector<16xf32>
      %swap3A_204 = vector.shape_cast %broadcast_in_dim3A_44 : vector<16xf32> to vector<1x1x16xf32>
      tpu.vector_store %arg13[%swap3A_199, %swap3A_200, %swap3A_201], %swap3A_204 {strides = array<i32>} : memref<2x320x128xf32, #tpu.memory_space<vmem>>, vector<1x1x16xf32>,
      %swap3A_205 = arith.constant 0 : i32
      %swap3A_206 = arith.index_cast %swap3A_205 : i32 to index
      %swap3A_207 = arith.index_cast %scan3A_176 : i32 to index
      %swap3A_208 = arith.constant 64 : index
      %swap3A_209 = tpu.vector_load %arg13[%swap3A_206, %swap3A_207, %swap3A_208] {strides = array<i32>} : memref<2x320x128xf32, #tpu.memory_space<vmem>>, vector<1x1x16xf32>,
      %swap3A_210 = vector.shape_cast %swap3A_209 : vector<1x1x16xf32> to vector<16xf32>
      %swap3A_211 = vector.shape_cast %broadcast_in_dim3A_44 : vector<16xf32> to vector<1x1x16xf32>
      tpu.vector_store %arg13[%swap3A_206, %swap3A_207, %swap3A_208], %swap3A_211 {strides = array<i32>} : memref<2x320x128xf32, #tpu.memory_space<vmem>>, vector<1x1x16xf32>,
      %swap3A_212 = arith.constant 0 : i32
      %swap3A_213 = arith.index_cast %swap3A_212 : i32 to index
      %swap3A_214 = arith.index_cast %scan3A_176 : i32 to index
      %swap3A_215 = arith.constant 80 : index
      %swap3A_216 = tpu.vector_load %arg13[%swap3A_213, %swap3A_214, %swap3A_215] {strides = array<i32>} : memref<2x320x128xf32, #tpu.memory_space<vmem>>, vector<1x1x16xf32>,
      %swap3A_217 = vector.shape_cast %swap3A_216 : vector<1x1x16xf32> to vector<16xf32>
      %swap3A_218 = vector.shape_cast %broadcast_in_dim3A_44 : vector<16xf32> to vector<1x1x16xf32>
      tpu.vector_store %arg13[%swap3A_213, %swap3A_214, %swap3A_215], %swap3A_218 {strides = array<i32>} : memref<2x320x128xf32, #tpu.memory_space<vmem>>, vector<1x1x16xf32>,
      %swap3A_219 = arith.constant 0 : i32
      %swap3A_220 = arith.index_cast %swap3A_219 : i32 to index
      %swap3A_221 = arith.index_cast %scan3A_176 : i32 to index
      %swap3A_222 = arith.constant 96 : index
      %swap3A_223 = tpu.vector_load %arg13[%swap3A_220, %swap3A_221, %swap3A_222] {strides = array<i32>} : memref<2x320x128xf32, #tpu.memory_space<vmem>>, vector<1x1x16xf32>,
      %swap3A_224 = vector.shape_cast %swap3A_223 : vector<1x1x16xf32> to vector<16xf32>
      %swap3A_225 = vector.shape_cast %broadcast_in_dim3A_44 : vector<16xf32> to vector<1x1x16xf32>
      tpu.vector_store %arg13[%swap3A_220, %swap3A_221, %swap3A_222], %swap3A_225 {strides = array<i32>} : memref<2x320x128xf32, #tpu.memory_space<vmem>>, vector<1x1x16xf32>,
      %swap3A_226 = arith.constant 0 : i32
      %swap3A_227 = arith.index_cast %swap3A_226 : i32 to index
      %swap3A_228 = arith.index_cast %scan3A_176 : i32 to index
      %swap3A_229 = arith.constant 112 : index
      %swap3A_230 = tpu.vector_load %arg13[%swap3A_227, %swap3A_228, %swap3A_229] {strides = array<i32>} : memref<2x320x128xf32, #tpu.memory_space<vmem>>, vector<1x1x16xf32>,
      %swap3A_231 = vector.shape_cast %swap3A_230 : vector<1x1x16xf32> to vector<16xf32>
      %swap3A_232 = vector.shape_cast %broadcast_in_dim3A_44 : vector<16xf32> to vector<1x1x16xf32>
      tpu.vector_store %arg13[%swap3A_227, %swap3A_228, %swap3A_229], %swap3A_232 {strides = array<i32>} : memref<2x320x128xf32, #tpu.memory_space<vmem>>, vector<1x1x16xf32>,
      %scan3A_233 = arith.constant 0 : i32
      scf.yield %scan3A_233 : i32
    }
    %scan3A_50 = arith.constant 320 : i32
    %dma_start3A_51 = arith.constant 0 : i32
    %dma_start3A_52 = arith.constant 0 : i32
    %dma_start3A_53 = arith.constant 0 : i32
    %dma_start3A_54 = tpu.memref_slice %arg13[%dma_start3A_51, %dma_start3A_52, %dma_start3A_53] : memref<2x320x128xf32, #tpu.memory_space<vmem>> -> memref<1x320x128xf32, #tpu.memory_space<vmem>>
    %dma_start3A_55 = tpu.memref_squeeze %dma_start3A_54 : memref<1x320x128xf32, #tpu.memory_space<vmem>> -> memref<320x128xf32, #tpu.memory_space<vmem>>
    %dma_start3A_56 = arith.constant 0 : i32
    %dma_start3A_57 = arith.constant 0 : i32
    %dma_start3A_58 = tpu.memref_slice %arg2[%dma_start3A_56, %dma_start3A_57] : memref<110000x128xf32, #tpu.memory_space<hbm>> -> memref<110000x128xf32, #tpu.memory_space<hbm>>
    tpu.enqueue_indirect_dma source(%dma_start3A_58 : memref<110000x128xf32, #tpu.memory_space<hbm>>) target(%dma_start3A_55 : memref<320x128xf32, #tpu.memory_space<vmem>>) offsets(%arg7 : memref<320xi32, #tpu.memory_space<vmem>>) semaphore(%arg15 : memref<!tpu.dma_semaphore, #tpu.memory_space<semaphore_mem>>) {add = true}
    %broadcast_in_dim3A_59 = arith.constant 0.000000e+00 : f32
    %broadcast_in_dim3A_60 = vector.broadcast %broadcast_in_dim3A_59 : f32 to vector<16xf32>
    %scan3A_61 = arith.constant 0 : i32
    %scan3A_62 = arith.constant 0 : i32
    %scan3A_63 = arith.constant 320 : i32
    %scan3A_64 = arith.addi %scan3A_62, %scan3A_63 : i32
    %scan3A_65 = arith.constant 1 : i32
    %scan3A_66 = scf.for %scan3A_176 = %scan3A_62 to %scan3A_64 step %scan3A_65 iter_args(%scan3A_177 = %scan3A_61) -> (i32)  : i32 {
      %swap3A = arith.constant 1 : i32
      %swap3A_178 = arith.index_cast %swap3A : i32 to index
      %swap3A_179 = arith.index_cast %scan3A_176 : i32 to index
      %swap3A_180 = arith.constant 0 : index
      %swap3A_181 = tpu.vector_load %arg13[%swap3A_178, %swap3A_179, %swap3A_180] {strides = array<i32>} : memref<2x320x128xf32, #tpu.memory_space<vmem>>, vector<1x1x16xf32>,
      %swap3A_182 = vector.shape_cast %swap3A_181 : vector<1x1x16xf32> to vector<16xf32>
      %swap3A_183 = vector.shape_cast %broadcast_in_dim3A_60 : vector<16xf32> to vector<1x1x16xf32>
      tpu.vector_store %arg13[%swap3A_178, %swap3A_179, %swap3A_180], %swap3A_183 {strides = array<i32>} : memref<2x320x128xf32, #tpu.memory_space<vmem>>, vector<1x1x16xf32>,
      %swap3A_184 = arith.constant 1 : i32
      %swap3A_185 = arith.index_cast %swap3A_184 : i32 to index
      %swap3A_186 = arith.index_cast %scan3A_176 : i32 to index
      %swap3A_187 = arith.constant 16 : index
      %swap3A_188 = tpu.vector_load %arg13[%swap3A_185, %swap3A_186, %swap3A_187] {strides = array<i32>} : memref<2x320x128xf32, #tpu.memory_space<vmem>>, vector<1x1x16xf32>,
      %swap3A_189 = vector.shape_cast %swap3A_188 : vector<1x1x16xf32> to vector<16xf32>
      %swap3A_190 = vector.shape_cast %broadcast_in_dim3A_60 : vector<16xf32> to vector<1x1x16xf32>
      tpu.vector_store %arg13[%swap3A_185, %swap3A_186, %swap3A_187], %swap3A_190 {strides = array<i32>} : memref<2x320x128xf32, #tpu.memory_space<vmem>>, vector<1x1x16xf32>,
      %swap3A_191 = arith.constant 1 : i32
      %swap3A_192 = arith.index_cast %swap3A_191 : i32 to index
      %swap3A_193 = arith.index_cast %scan3A_176 : i32 to index
      %swap3A_194 = arith.constant 32 : index
      %swap3A_195 = tpu.vector_load %arg13[%swap3A_192, %swap3A_193, %swap3A_194] {strides = array<i32>} : memref<2x320x128xf32, #tpu.memory_space<vmem>>, vector<1x1x16xf32>,
      %swap3A_196 = vector.shape_cast %swap3A_195 : vector<1x1x16xf32> to vector<16xf32>
      %swap3A_197 = vector.shape_cast %broadcast_in_dim3A_60 : vector<16xf32> to vector<1x1x16xf32>
      tpu.vector_store %arg13[%swap3A_192, %swap3A_193, %swap3A_194], %swap3A_197 {strides = array<i32>} : memref<2x320x128xf32, #tpu.memory_space<vmem>>, vector<1x1x16xf32>,
      %swap3A_198 = arith.constant 1 : i32
      %swap3A_199 = arith.index_cast %swap3A_198 : i32 to index
      %swap3A_200 = arith.index_cast %scan3A_176 : i32 to index
      %swap3A_201 = arith.constant 48 : index
      %swap3A_202 = tpu.vector_load %arg13[%swap3A_199, %swap3A_200, %swap3A_201] {strides = array<i32>} : memref<2x320x128xf32, #tpu.memory_space<vmem>>, vector<1x1x16xf32>,
      %swap3A_203 = vector.shape_cast %swap3A_202 : vector<1x1x16xf32> to vector<16xf32>
      %swap3A_204 = vector.shape_cast %broadcast_in_dim3A_60 : vector<16xf32> to vector<1x1x16xf32>
      tpu.vector_store %arg13[%swap3A_199, %swap3A_200, %swap3A_201], %swap3A_204 {strides = array<i32>} : memref<2x320x128xf32, #tpu.memory_space<vmem>>, vector<1x1x16xf32>,
      %swap3A_205 = arith.constant 1 : i32
      %swap3A_206 = arith.index_cast %swap3A_205 : i32 to index
      %swap3A_207 = arith.index_cast %scan3A_176 : i32 to index
      %swap3A_208 = arith.constant 64 : index
      %swap3A_209 = tpu.vector_load %arg13[%swap3A_206, %swap3A_207, %swap3A_208] {strides = array<i32>} : memref<2x320x128xf32, #tpu.memory_space<vmem>>, vector<1x1x16xf32>,
      %swap3A_210 = vector.shape_cast %swap3A_209 : vector<1x1x16xf32> to vector<16xf32>
      %swap3A_211 = vector.shape_cast %broadcast_in_dim3A_60 : vector<16xf32> to vector<1x1x16xf32>
      tpu.vector_store %arg13[%swap3A_206, %swap3A_207, %swap3A_208], %swap3A_211 {strides = array<i32>} : memref<2x320x128xf32, #tpu.memory_space<vmem>>, vector<1x1x16xf32>,
      %swap3A_212 = arith.constant 1 : i32
      %swap3A_213 = arith.index_cast %swap3A_212 : i32 to index
      %swap3A_214 = arith.index_cast %scan3A_176 : i32 to index
      %swap3A_215 = arith.constant 80 : index
      %swap3A_216 = tpu.vector_load %arg13[%swap3A_213, %swap3A_214, %swap3A_215] {strides = array<i32>} : memref<2x320x128xf32, #tpu.memory_space<vmem>>, vector<1x1x16xf32>,
      %swap3A_217 = vector.shape_cast %swap3A_216 : vector<1x1x16xf32> to vector<16xf32>
      %swap3A_218 = vector.shape_cast %broadcast_in_dim3A_60 : vector<16xf32> to vector<1x1x16xf32>
      tpu.vector_store %arg13[%swap3A_213, %swap3A_214, %swap3A_215], %swap3A_218 {strides = array<i32>} : memref<2x320x128xf32, #tpu.memory_space<vmem>>, vector<1x1x16xf32>,
      %swap3A_219 = arith.constant 1 : i32
      %swap3A_220 = arith.index_cast %swap3A_219 : i32 to index
      %swap3A_221 = arith.index_cast %scan3A_176 : i32 to index
      %swap3A_222 = arith.constant 96 : index
      %swap3A_223 = tpu.vector_load %arg13[%swap3A_220, %swap3A_221, %swap3A_222] {strides = array<i32>} : memref<2x320x128xf32, #tpu.memory_space<vmem>>, vector<1x1x16xf32>,
      %swap3A_224 = vector.shape_cast %swap3A_223 : vector<1x1x16xf32> to vector<16xf32>
      %swap3A_225 = vector.shape_cast %broadcast_in_dim3A_60 : vector<16xf32> to vector<1x1x16xf32>
      tpu.vector_store %arg13[%swap3A_220, %swap3A_221, %swap3A_222], %swap3A_225 {strides = array<i32>} : memref<2x320x128xf32, #tpu.memory_space<vmem>>, vector<1x1x16xf32>,
      %swap3A_226 = arith.constant 1 : i32
      %swap3A_227 = arith.index_cast %swap3A_226 : i32 to index
      %swap3A_228 = arith.index_cast %scan3A_176 : i32 to index
      %swap3A_229 = arith.constant 112 : index
      %swap3A_230 = tpu.vector_load %arg13[%swap3A_227, %swap3A_228, %swap3A_229] {strides = array<i32>} : memref<2x320x128xf32, #tpu.memory_space<vmem>>, vector<1x1x16xf32>,
      %swap3A_231 = vector.shape_cast %swap3A_230 : vector<1x1x16xf32> to vector<16xf32>
      %swap3A_232 = vector.shape_cast %broadcast_in_dim3A_60 : vector<16xf32> to vector<1x1x16xf32>
      tpu.vector_store %arg13[%swap3A_227, %swap3A_228, %swap3A_229], %swap3A_232 {strides = array<i32>} : memref<2x320x128xf32, #tpu.memory_space<vmem>>, vector<1x1x16xf32>,
      %scan3A_233 = arith.constant 0 : i32
      scf.yield %scan3A_233 : i32
    }
    %scan3A_67 = arith.constant 320 : i32
    %dma_start3A_68 = arith.constant 1 : i32
    %dma_start3A_69 = arith.constant 0 : i32
    %dma_start3A_70 = arith.constant 0 : i32
    %dma_start3A_71 = tpu.memref_slice %arg13[%dma_start3A_68, %dma_start3A_69, %dma_start3A_70] : memref<2x320x128xf32, #tpu.memory_space<vmem>> -> memref<1x320x128xf32, #tpu.memory_space<vmem>>
    %dma_start3A_72 = tpu.memref_squeeze %dma_start3A_71 : memref<1x320x128xf32, #tpu.memory_space<vmem>> -> memref<320x128xf32, #tpu.memory_space<vmem>>
    %dma_start3A_73 = arith.constant 0 : i32
    %dma_start3A_74 = arith.constant 0 : i32
    %dma_start3A_75 = tpu.memref_slice %arg2[%dma_start3A_73, %dma_start3A_74] : memref<110000x128xf32, #tpu.memory_space<hbm>> -> memref<110000x128xf32, #tpu.memory_space<hbm>>
    tpu.enqueue_indirect_dma source(%dma_start3A_75 : memref<110000x128xf32, #tpu.memory_space<hbm>>) target(%dma_start3A_72 : memref<320x128xf32, #tpu.memory_space<vmem>>) offsets(%arg8 : memref<320xi32, #tpu.memory_space<vmem>>) semaphore(%arg16 : memref<!tpu.dma_semaphore, #tpu.memory_space<semaphore_mem>>) {add = true}
    %dma_start3A_76 = arith.constant 1 : i32
    %dma_start3A_77 = arith.constant 0 : i32
    %dma_start3A_78 = arith.constant 0 : i32
    %dma_start3A_79 = tpu.memref_slice %arg13[%dma_start3A_76, %dma_start3A_77, %dma_start3A_78] : memref<2x320x128xf32, #tpu.memory_space<vmem>> -> memref<1x320x128xf32, #tpu.memory_space<vmem>>
    %dma_start3A_80 = tpu.memref_squeeze %dma_start3A_79 : memref<1x320x128xf32, #tpu.memory_space<vmem>> -> memref<320x128xf32, #tpu.memory_space<vmem>>
    %dma_start3A_81 = arith.constant 0 : i32
    %dma_start3A_82 = arith.constant 0 : i32
    %dma_start3A_83 = tpu.memref_slice %arg2[%dma_start3A_81, %dma_start3A_82] : memref<110000x128xf32, #tpu.memory_space<hbm>> -> memref<110000x128xf32, #tpu.memory_space<hbm>>
    tpu.enqueue_indirect_dma source(%dma_start3A_83 : memref<110000x128xf32, #tpu.memory_space<hbm>>) target(%dma_start3A_80 : memref<320x128xf32, #tpu.memory_space<vmem>>) offsets(%arg9 : memref<320xi32, #tpu.memory_space<vmem>>) semaphore(%arg16 : memref<!tpu.dma_semaphore, #tpu.memory_space<semaphore_mem>>) {add = true}
    %dma_wait3A_84 = arith.constant 0 : i32
    %dma_wait3A_85 = arith.constant 0 : i32
    %dma_wait3A_86 = arith.constant 0 : i32
    %dma_wait3A_87 = tpu.memref_slice %arg13[%dma_wait3A_84, %dma_wait3A_85, %dma_wait3A_86] : memref<2x320x128xf32, #tpu.memory_space<vmem>> -> memref<1x320x128xf32, #tpu.memory_space<vmem>>
    %dma_wait3A_88 = tpu.memref_squeeze %dma_wait3A_87 : memref<1x320x128xf32, #tpu.memory_space<vmem>> -> memref<320x128xf32, #tpu.memory_space<vmem>>
    %dma_wait3A_89 = arith.constant 0 : i32
    %dma_wait3A_90 = arith.constant 0 : i32
    %dma_wait3A_91 = tpu.memref_slice %arg2[%dma_wait3A_89, %dma_wait3A_90] : memref<110000x128xf32, #tpu.memory_space<hbm>> -> memref<110000x128xf32, #tpu.memory_space<hbm>>
    tpu.wait_indirect_dma semaphore(%arg15 : memref<!tpu.dma_semaphore, #tpu.memory_space<semaphore_mem>>) src(%dma_wait3A_91 : memref<110000x128xf32, #tpu.memory_space<hbm>>) dst(%dma_wait3A_88 : memref<320x128xf32, #tpu.memory_space<vmem>>)
    %add3A_92 = arith.constant 0 : i32
    %add3A_93 = arith.addi %add3A_92, %multiple_of3A : i32
    %multiple_of3A_94 = tpu.assume_multiple %add3A_93, 8 : i32
    %run_scoped3A = arith.constant 0 : i32
    "tpu.region"() ({
      %run_scoped3A_176 = tpu.sem_alloc : memref<!tpu.dma_semaphore, #tpu.memory_space<semaphore_mem>>
      %dma_start3A_177 = arith.constant 0 : i32
      %dma_start3A_178 = arith.constant 0 : i32
      %dma_start3A_179 = tpu.memref_slice %arg13[%run_scoped3A, %dma_start3A_177, %dma_start3A_178] : memref<2x320x128xf32, #tpu.memory_space<vmem>> -> memref<1x320x128xf32, #tpu.memory_space<vmem>>
      %dma_start3A_180 = tpu.memref_squeeze %dma_start3A_179 : memref<1x320x128xf32, #tpu.memory_space<vmem>> -> memref<320x128xf32, #tpu.memory_space<vmem>>
      %dma_start3A_181 = arith.constant 0 : i32
      %dma_start3A_182 = tpu.memref_slice %arg6[%multiple_of3A_94, %dma_start3A_181] : memref<30000x128xf32, #tpu.memory_space<hbm>> -> memref<320x128xf32, #tpu.memory_space<hbm>>
      %dma_start3A_183 = arith.constant 0 : i32
      %dma_start3A_184 = tpu.memref_slice %arg6[%multiple_of3A_94, %dma_start3A_183] : memref<30000x128xf32, #tpu.memory_space<hbm>> -> memref<320x128xf32, #tpu.memory_space<hbm>>
      %dma_start3A_185 = arith.constant 0 : i32
      %dma_start3A_186 = arith.constant 0 : i32
      %dma_start3A_187 = tpu.memref_slice %arg13[%run_scoped3A, %dma_start3A_185, %dma_start3A_186] : memref<2x320x128xf32, #tpu.memory_space<vmem>> -> memref<1x320x128xf32, #tpu.memory_space<vmem>>
      %dma_start3A_188 = tpu.memref_squeeze %dma_start3A_187 : memref<1x320x128xf32, #tpu.memory_space<vmem>> -> memref<320x128xf32, #tpu.memory_space<vmem>>
      tpu.enqueue_dma source(%dma_start3A_188 : memref<320x128xf32, #tpu.memory_space<vmem>>) target(%dma_start3A_184 : memref<320x128xf32, #tpu.memory_space<hbm>>) target_semaphore(%run_scoped3A_176 : memref<!tpu.dma_semaphore, #tpu.memory_space<semaphore_mem>>)
      %dma_wait3A_189 = arith.constant 0 : i32
      %dma_wait3A_190 = arith.constant 0 : i32
      %dma_wait3A_191 = tpu.memref_slice %arg13[%run_scoped3A, %dma_wait3A_189, %dma_wait3A_190] : memref<2x320x128xf32, #tpu.memory_space<vmem>> -> memref<1x320x128xf32, #tpu.memory_space<vmem>>
      %dma_wait3A_192 = tpu.memref_squeeze %dma_wait3A_191 : memref<1x320x128xf32, #tpu.memory_space<vmem>> -> memref<320x128xf32, #tpu.memory_space<vmem>>
      %dma_wait3A_193 = arith.constant 0 : i32
      %dma_wait3A_194 = tpu.memref_slice %arg6[%multiple_of3A_94, %dma_wait3A_193] : memref<30000x128xf32, #tpu.memory_space<hbm>> -> memref<320x128xf32, #tpu.memory_space<hbm>>
      %dma_wait3A_195 = arith.constant 0 : i32
      %dma_wait3A_196 = tpu.memref_slice %arg6[%multiple_of3A_94, %dma_wait3A_195] : memref<30000x128xf32, #tpu.memory_space<hbm>> -> memref<320x128xf32, #tpu.memory_space<hbm>>
      %dma_wait3A_197 = arith.constant 0 : i32
      %dma_wait3A_198 = arith.constant 0 : i32
      %dma_wait3A_199 = tpu.memref_slice %arg13[%run_scoped3A, %dma_wait3A_197, %dma_wait3A_198] : memref<2x320x128xf32, #tpu.memory_space<vmem>> -> memref<1x320x128xf32, #tpu.memory_space<vmem>>
      %dma_wait3A_200 = tpu.memref_squeeze %dma_wait3A_199 : memref<1x320x128xf32, #tpu.memory_space<vmem>> -> memref<320x128xf32, #tpu.memory_space<vmem>>
      tpu.wait_dma2 semaphore(%run_scoped3A_176 : memref<!tpu.dma_semaphore, #tpu.memory_space<semaphore_mem>>) src(%dma_wait3A_200 : memref<320x128xf32, #tpu.memory_space<vmem>>) dst(%dma_wait3A_196 : memref<320x128xf32, #tpu.memory_space<hbm>>)
      tpu.yield
    }) : () -> ()
    %broadcast_in_dim3A_95 = arith.constant 0.000000e+00 : f32
    %broadcast_in_dim3A_96 = vector.broadcast %broadcast_in_dim3A_95 : f32 to vector<16xf32>
    %scan3A_97 = arith.constant 0 : i32
    %scan3A_98 = arith.constant 0 : i32
    %scan3A_99 = arith.constant 320 : i32
    %scan3A_100 = arith.addi %scan3A_98, %scan3A_99 : i32
    %scan3A_101 = arith.constant 1 : i32
    %scan3A_102 = scf.for %scan3A_176 = %scan3A_98 to %scan3A_100 step %scan3A_101 iter_args(%scan3A_177 = %scan3A_97) -> (i32)  : i32 {
      %swap3A = arith.constant 0 : i32
      %swap3A_178 = arith.index_cast %swap3A : i32 to index
      %swap3A_179 = arith.index_cast %scan3A_176 : i32 to index
      %swap3A_180 = arith.constant 0 : index
      %swap3A_181 = tpu.vector_load %arg13[%swap3A_178, %swap3A_179, %swap3A_180] {strides = array<i32>} : memref<2x320x128xf32, #tpu.memory_space<vmem>>, vector<1x1x16xf32>,
      %swap3A_182 = vector.shape_cast %swap3A_181 : vector<1x1x16xf32> to vector<16xf32>
      %swap3A_183 = vector.shape_cast %broadcast_in_dim3A_96 : vector<16xf32> to vector<1x1x16xf32>
      tpu.vector_store %arg13[%swap3A_178, %swap3A_179, %swap3A_180], %swap3A_183 {strides = array<i32>} : memref<2x320x128xf32, #tpu.memory_space<vmem>>, vector<1x1x16xf32>,
      %swap3A_184 = arith.constant 0 : i32
      %swap3A_185 = arith.index_cast %swap3A_184 : i32 to index
      %swap3A_186 = arith.index_cast %scan3A_176 : i32 to index
      %swap3A_187 = arith.constant 16 : index
      %swap3A_188 = tpu.vector_load %arg13[%swap3A_185, %swap3A_186, %swap3A_187] {strides = array<i32>} : memref<2x320x128xf32, #tpu.memory_space<vmem>>, vector<1x1x16xf32>,
      %swap3A_189 = vector.shape_cast %swap3A_188 : vector<1x1x16xf32> to vector<16xf32>
      %swap3A_190 = vector.shape_cast %broadcast_in_dim3A_96 : vector<16xf32> to vector<1x1x16xf32>
      tpu.vector_store %arg13[%swap3A_185, %swap3A_186, %swap3A_187], %swap3A_190 {strides = array<i32>} : memref<2x320x128xf32, #tpu.memory_space<vmem>>, vector<1x1x16xf32>,
      %swap3A_191 = arith.constant 0 : i32
      %swap3A_192 = arith.index_cast %swap3A_191 : i32 to index
      %swap3A_193 = arith.index_cast %scan3A_176 : i32 to index
      %swap3A_194 = arith.constant 32 : index
      %swap3A_195 = tpu.vector_load %arg13[%swap3A_192, %swap3A_193, %swap3A_194] {strides = array<i32>} : memref<2x320x128xf32, #tpu.memory_space<vmem>>, vector<1x1x16xf32>,
      %swap3A_196 = vector.shape_cast %swap3A_195 : vector<1x1x16xf32> to vector<16xf32>
      %swap3A_197 = vector.shape_cast %broadcast_in_dim3A_96 : vector<16xf32> to vector<1x1x16xf32>
      tpu.vector_store %arg13[%swap3A_192, %swap3A_193, %swap3A_194], %swap3A_197 {strides = array<i32>} : memref<2x320x128xf32, #tpu.memory_space<vmem>>, vector<1x1x16xf32>,
      %swap3A_198 = arith.constant 0 : i32
      %swap3A_199 = arith.index_cast %swap3A_198 : i32 to index
      %swap3A_200 = arith.index_cast %scan3A_176 : i32 to index
      %swap3A_201 = arith.constant 48 : index
      %swap3A_202 = tpu.vector_load %arg13[%swap3A_199, %swap3A_200, %swap3A_201] {strides = array<i32>} : memref<2x320x128xf32, #tpu.memory_space<vmem>>, vector<1x1x16xf32>,
      %swap3A_203 = vector.shape_cast %swap3A_202 : vector<1x1x16xf32> to vector<16xf32>
      %swap3A_204 = vector.shape_cast %broadcast_in_dim3A_96 : vector<16xf32> to vector<1x1x16xf32>
      tpu.vector_store %arg13[%swap3A_199, %swap3A_200, %swap3A_201], %swap3A_204 {strides = array<i32>} : memref<2x320x128xf32, #tpu.memory_space<vmem>>, vector<1x1x16xf32>,
      %swap3A_205 = arith.constant 0 : i32
      %swap3A_206 = arith.index_cast %swap3A_205 : i32 to index
      %swap3A_207 = arith.index_cast %scan3A_176 : i32 to index
      %swap3A_208 = arith.constant 64 : index
      %swap3A_209 = tpu.vector_load %arg13[%swap3A_206, %swap3A_207, %swap3A_208] {strides = array<i32>} : memref<2x320x128xf32, #tpu.memory_space<vmem>>, vector<1x1x16xf32>,
      %swap3A_210 = vector.shape_cast %swap3A_209 : vector<1x1x16xf32> to vector<16xf32>
      %swap3A_211 = vector.shape_cast %broadcast_in_dim3A_96 : vector<16xf32> to vector<1x1x16xf32>
      tpu.vector_store %arg13[%swap3A_206, %swap3A_207, %swap3A_208], %swap3A_211 {strides = array<i32>} : memref<2x320x128xf32, #tpu.memory_space<vmem>>, vector<1x1x16xf32>,
      %swap3A_212 = arith.constant 0 : i32
      %swap3A_213 = arith.index_cast %swap3A_212 : i32 to index
      %swap3A_214 = arith.index_cast %scan3A_176 : i32 to index
      %swap3A_215 = arith.constant 80 : index
      %swap3A_216 = tpu.vector_load %arg13[%swap3A_213, %swap3A_214, %swap3A_215] {strides = array<i32>} : memref<2x320x128xf32, #tpu.memory_space<vmem>>, vector<1x1x16xf32>,
      %swap3A_217 = vector.shape_cast %swap3A_216 : vector<1x1x16xf32> to vector<16xf32>
      %swap3A_218 = vector.shape_cast %broadcast_in_dim3A_96 : vector<16xf32> to vector<1x1x16xf32>
      tpu.vector_store %arg13[%swap3A_213, %swap3A_214, %swap3A_215], %swap3A_218 {strides = array<i32>} : memref<2x320x128xf32, #tpu.memory_space<vmem>>, vector<1x1x16xf32>,
      %swap3A_219 = arith.constant 0 : i32
      %swap3A_220 = arith.index_cast %swap3A_219 : i32 to index
      %swap3A_221 = arith.index_cast %scan3A_176 : i32 to index
      %swap3A_222 = arith.constant 96 : index
      %swap3A_223 = tpu.vector_load %arg13[%swap3A_220, %swap3A_221, %swap3A_222] {strides = array<i32>} : memref<2x320x128xf32, #tpu.memory_space<vmem>>, vector<1x1x16xf32>,
      %swap3A_224 = vector.shape_cast %swap3A_223 : vector<1x1x16xf32> to vector<16xf32>
      %swap3A_225 = vector.shape_cast %broadcast_in_dim3A_96 : vector<16xf32> to vector<1x1x16xf32>
      tpu.vector_store %arg13[%swap3A_220, %swap3A_221, %swap3A_222], %swap3A_225 {strides = array<i32>} : memref<2x320x128xf32, #tpu.memory_space<vmem>>, vector<1x1x16xf32>,
      %swap3A_226 = arith.constant 0 : i32
      %swap3A_227 = arith.index_cast %swap3A_226 : i32 to index
      %swap3A_228 = arith.index_cast %scan3A_176 : i32 to index
      %swap3A_229 = arith.constant 112 : index
      %swap3A_230 = tpu.vector_load %arg13[%swap3A_227, %swap3A_228, %swap3A_229] {strides = array<i32>} : memref<2x320x128xf32, #tpu.memory_space<vmem>>, vector<1x1x16xf32>,
      %swap3A_231 = vector.shape_cast %swap3A_230 : vector<1x1x16xf32> to vector<16xf32>
      %swap3A_232 = vector.shape_cast %broadcast_in_dim3A_96 : vector<16xf32> to vector<1x1x16xf32>
      tpu.vector_store %arg13[%swap3A_227, %swap3A_228, %swap3A_229], %swap3A_232 {strides = array<i32>} : memref<2x320x128xf32, #tpu.memory_space<vmem>>, vector<1x1x16xf32>,
      %scan3A_233 = arith.constant 0 : i32
      scf.yield %scan3A_233 : i32
    }
    %scan3A_103 = arith.constant 320 : i32
    %dma_start3A_104 = arith.constant 0 : i32
    %dma_start3A_105 = arith.constant 0 : i32
    %dma_start3A_106 = arith.constant 0 : i32
    %dma_start3A_107 = tpu.memref_slice %arg13[%dma_start3A_104, %dma_start3A_105, %dma_start3A_106] : memref<2x320x128xf32, #tpu.memory_space<vmem>> -> memref<1x320x128xf32, #tpu.memory_space<vmem>>
    %dma_start3A_108 = tpu.memref_squeeze %dma_start3A_107 : memref<1x320x128xf32, #tpu.memory_space<vmem>> -> memref<320x128xf32, #tpu.memory_space<vmem>>
    %dma_start3A_109 = arith.constant 0 : i32
    %dma_start3A_110 = arith.constant 0 : i32
    %dma_start3A_111 = tpu.memref_slice %arg2[%dma_start3A_109, %dma_start3A_110] : memref<110000x128xf32, #tpu.memory_space<hbm>> -> memref<110000x128xf32, #tpu.memory_space<hbm>>
    tpu.enqueue_indirect_dma source(%dma_start3A_111 : memref<110000x128xf32, #tpu.memory_space<hbm>>) target(%dma_start3A_108 : memref<320x128xf32, #tpu.memory_space<vmem>>) offsets(%arg10 : memref<320xi32, #tpu.memory_space<vmem>>) semaphore(%arg15 : memref<!tpu.dma_semaphore, #tpu.memory_space<semaphore_mem>>) {add = true}
    %dma_start3A_112 = arith.constant 0 : i32
    %dma_start3A_113 = arith.constant 0 : i32
    %dma_start3A_114 = arith.constant 0 : i32
    %dma_start3A_115 = tpu.memref_slice %arg13[%dma_start3A_112, %dma_start3A_113, %dma_start3A_114] : memref<2x320x128xf32, #tpu.memory_space<vmem>> -> memref<1x320x128xf32, #tpu.memory_space<vmem>>
    %dma_start3A_116 = tpu.memref_squeeze %dma_start3A_115 : memref<1x320x128xf32, #tpu.memory_space<vmem>> -> memref<320x128xf32, #tpu.memory_space<vmem>>
    %dma_start3A_117 = arith.constant 0 : i32
    %dma_start3A_118 = arith.constant 0 : i32
    %dma_start3A_119 = tpu.memref_slice %arg2[%dma_start3A_117, %dma_start3A_118] : memref<110000x128xf32, #tpu.memory_space<hbm>> -> memref<110000x128xf32, #tpu.memory_space<hbm>>
    tpu.enqueue_indirect_dma source(%dma_start3A_119 : memref<110000x128xf32, #tpu.memory_space<hbm>>) target(%dma_start3A_116 : memref<320x128xf32, #tpu.memory_space<vmem>>) offsets(%arg11 : memref<320xi32, #tpu.memory_space<vmem>>) semaphore(%arg15 : memref<!tpu.dma_semaphore, #tpu.memory_space<semaphore_mem>>) {add = true}
    %dma_start3A_120 = arith.constant 0 : i32
    %dma_start3A_121 = arith.constant 0 : i32
    %dma_start3A_122 = arith.constant 0 : i32
    %dma_start3A_123 = tpu.memref_slice %arg13[%dma_start3A_120, %dma_start3A_121, %dma_start3A_122] : memref<2x320x128xf32, #tpu.memory_space<vmem>> -> memref<1x320x128xf32, #tpu.memory_space<vmem>>
    %dma_start3A_124 = tpu.memref_squeeze %dma_start3A_123 : memref<1x320x128xf32, #tpu.memory_space<vmem>> -> memref<320x128xf32, #tpu.memory_space<vmem>>
    %dma_start3A_125 = arith.constant 0 : i32
    %dma_start3A_126 = arith.constant 0 : i32
    %dma_start3A_127 = tpu.memref_slice %arg2[%dma_start3A_125, %dma_start3A_126] : memref<110000x128xf32, #tpu.memory_space<hbm>> -> memref<110000x128xf32, #tpu.memory_space<hbm>>
    tpu.enqueue_indirect_dma source(%dma_start3A_127 : memref<110000x128xf32, #tpu.memory_space<hbm>>) target(%dma_start3A_124 : memref<320x128xf32, #tpu.memory_space<vmem>>) offsets(%arg12 : memref<320xi32, #tpu.memory_space<vmem>>) semaphore(%arg15 : memref<!tpu.dma_semaphore, #tpu.memory_space<semaphore_mem>>) {add = true}
    %dma_wait3A_128 = arith.constant 1 : i32
    %dma_wait3A_129 = arith.constant 0 : i32
    %dma_wait3A_130 = arith.constant 0 : i32
    %dma_wait3A_131 = tpu.memref_slice %arg13[%dma_wait3A_128, %dma_wait3A_129, %dma_wait3A_130] : memref<2x320x128xf32, #tpu.memory_space<vmem>> -> memref<1x320x128xf32, #tpu.memory_space<vmem>>
    %dma_wait3A_132 = tpu.memref_squeeze %dma_wait3A_131 : memref<1x320x128xf32, #tpu.memory_space<vmem>> -> memref<320x128xf32, #tpu.memory_space<vmem>>
    %dma_wait3A_133 = arith.constant 0 : i32
    %dma_wait3A_134 = arith.constant 0 : i32
    %dma_wait3A_135 = tpu.memref_slice %arg2[%dma_wait3A_133, %dma_wait3A_134] : memref<110000x128xf32, #tpu.memory_space<hbm>> -> memref<110000x128xf32, #tpu.memory_space<hbm>>
    tpu.wait_indirect_dma semaphore(%arg16 : memref<!tpu.dma_semaphore, #tpu.memory_space<semaphore_mem>>) src(%dma_wait3A_135 : memref<110000x128xf32, #tpu.memory_space<hbm>>) dst(%dma_wait3A_132 : memref<320x128xf32, #tpu.memory_space<vmem>>)
    %dma_wait3A_136 = arith.constant 1 : i32
    %dma_wait3A_137 = arith.constant 0 : i32
    %dma_wait3A_138 = arith.constant 0 : i32
    %dma_wait3A_139 = tpu.memref_slice %arg13[%dma_wait3A_136, %dma_wait3A_137, %dma_wait3A_138] : memref<2x320x128xf32, #tpu.memory_space<vmem>> -> memref<1x320x128xf32, #tpu.memory_space<vmem>>
    %dma_wait3A_140 = tpu.memref_squeeze %dma_wait3A_139 : memref<1x320x128xf32, #tpu.memory_space<vmem>> -> memref<320x128xf32, #tpu.memory_space<vmem>>
    %dma_wait3A_141 = arith.constant 0 : i32
    %dma_wait3A_142 = arith.constant 0 : i32
    %dma_wait3A_143 = tpu.memref_slice %arg2[%dma_wait3A_141, %dma_wait3A_142] : memref<110000x128xf32, #tpu.memory_space<hbm>> -> memref<110000x128xf32, #tpu.memory_space<hbm>>
    tpu.wait_indirect_dma semaphore(%arg16 : memref<!tpu.dma_semaphore, #tpu.memory_space<semaphore_mem>>) src(%dma_wait3A_143 : memref<110000x128xf32, #tpu.memory_space<hbm>>) dst(%dma_wait3A_140 : memref<320x128xf32, #tpu.memory_space<vmem>>)
    %add3A_144 = arith.constant 10000 : i32
    %add3A_145 = arith.addi %add3A_144, %multiple_of3A : i32
    %multiple_of3A_146 = tpu.assume_multiple %add3A_145, 8 : i32
    %run_scoped3A_147 = arith.constant 1 : i32
    "tpu.region"() ({
      %run_scoped3A_176 = tpu.sem_alloc : memref<!tpu.dma_semaphore, #tpu.memory_space<semaphore_mem>>
      %dma_start3A_177 = arith.constant 0 : i32
      %dma_start3A_178 = arith.constant 0 : i32
      %dma_start3A_179 = tpu.memref_slice %arg13[%run_scoped3A_147, %dma_start3A_177, %dma_start3A_178] : memref<2x320x128xf32, #tpu.memory_space<vmem>> -> memref<1x320x128xf32, #tpu.memory_space<vmem>>
      %dma_start3A_180 = tpu.memref_squeeze %dma_start3A_179 : memref<1x320x128xf32, #tpu.memory_space<vmem>> -> memref<320x128xf32, #tpu.memory_space<vmem>>
      %dma_start3A_181 = arith.constant 0 : i32
      %dma_start3A_182 = tpu.memref_slice %arg6[%multiple_of3A_146, %dma_start3A_181] : memref<30000x128xf32, #tpu.memory_space<hbm>> -> memref<320x128xf32, #tpu.memory_space<hbm>>
      %dma_start3A_183 = arith.constant 0 : i32
      %dma_start3A_184 = tpu.memref_slice %arg6[%multiple_of3A_146, %dma_start3A_183] : memref<30000x128xf32, #tpu.memory_space<hbm>> -> memref<320x128xf32, #tpu.memory_space<hbm>>
      %dma_start3A_185 = arith.constant 0 : i32
      %dma_start3A_186 = arith.constant 0 : i32
      %dma_start3A_187 = tpu.memref_slice %arg13[%run_scoped3A_147, %dma_start3A_185, %dma_start3A_186] : memref<2x320x128xf32, #tpu.memory_space<vmem>> -> memref<1x320x128xf32, #tpu.memory_space<vmem>>
      %dma_start3A_188 = tpu.memref_squeeze %dma_start3A_187 : memref<1x320x128xf32, #tpu.memory_space<vmem>> -> memref<320x128xf32, #tpu.memory_space<vmem>>
      tpu.enqueue_dma source(%dma_start3A_188 : memref<320x128xf32, #tpu.memory_space<vmem>>) target(%dma_start3A_184 : memref<320x128xf32, #tpu.memory_space<hbm>>) target_semaphore(%run_scoped3A_176 : memref<!tpu.dma_semaphore, #tpu.memory_space<semaphore_mem>>)
      %dma_wait3A_189 = arith.constant 0 : i32
      %dma_wait3A_190 = arith.constant 0 : i32
      %dma_wait3A_191 = tpu.memref_slice %arg13[%run_scoped3A_147, %dma_wait3A_189, %dma_wait3A_190] : memref<2x320x128xf32, #tpu.memory_space<vmem>> -> memref<1x320x128xf32, #tpu.memory_space<vmem>>
      %dma_wait3A_192 = tpu.memref_squeeze %dma_wait3A_191 : memref<1x320x128xf32, #tpu.memory_space<vmem>> -> memref<320x128xf32, #tpu.memory_space<vmem>>
      %dma_wait3A_193 = arith.constant 0 : i32
      %dma_wait3A_194 = tpu.memref_slice %arg6[%multiple_of3A_146, %dma_wait3A_193] : memref<30000x128xf32, #tpu.memory_space<hbm>> -> memref<320x128xf32, #tpu.memory_space<hbm>>
      %dma_wait3A_195 = arith.constant 0 : i32
      %dma_wait3A_196 = tpu.memref_slice %arg6[%multiple_of3A_146, %dma_wait3A_195] : memref<30000x128xf32, #tpu.memory_space<hbm>> -> memref<320x128xf32, #tpu.memory_space<hbm>>
      %dma_wait3A_197 = arith.constant 0 : i32
      %dma_wait3A_198 = arith.constant 0 : i32
      %dma_wait3A_199 = tpu.memref_slice %arg13[%run_scoped3A_147, %dma_wait3A_197, %dma_wait3A_198] : memref<2x320x128xf32, #tpu.memory_space<vmem>> -> memref<1x320x128xf32, #tpu.memory_space<vmem>>
      %dma_wait3A_200 = tpu.memref_squeeze %dma_wait3A_199 : memref<1x320x128xf32, #tpu.memory_space<vmem>> -> memref<320x128xf32, #tpu.memory_space<vmem>>
      tpu.wait_dma2 semaphore(%run_scoped3A_176 : memref<!tpu.dma_semaphore, #tpu.memory_space<semaphore_mem>>) src(%dma_wait3A_200 : memref<320x128xf32, #tpu.memory_space<vmem>>) dst(%dma_wait3A_196 : memref<320x128xf32, #tpu.memory_space<hbm>>)
      tpu.yield
    }) : () -> ()
    %dma_wait3A_148 = arith.constant 0 : i32
    %dma_wait3A_149 = arith.constant 0 : i32
    %dma_wait3A_150 = arith.constant 0 : i32
    %dma_wait3A_151 = tpu.memref_slice %arg13[%dma_wait3A_148, %dma_wait3A_149, %dma_wait3A_150] : memref<2x320x128xf32, #tpu.memory_space<vmem>> -> memref<1x320x128xf32, #tpu.memory_space<vmem>>
    %dma_wait3A_152 = tpu.memref_squeeze %dma_wait3A_151 : memref<1x320x128xf32, #tpu.memory_space<vmem>> -> memref<320x128xf32, #tpu.memory_space<vmem>>
    %dma_wait3A_153 = arith.constant 0 : i32
    %dma_wait3A_154 = arith.constant 0 : i32
    %dma_wait3A_155 = tpu.memref_slice %arg2[%dma_wait3A_153, %dma_wait3A_154] : memref<110000x128xf32, #tpu.memory_space<hbm>> -> memref<110000x128xf32, #tpu.memory_space<hbm>>
    tpu.wait_indirect_dma semaphore(%arg15 : memref<!tpu.dma_semaphore, #tpu.memory_space<semaphore_mem>>) src(%dma_wait3A_155 : memref<110000x128xf32, #tpu.memory_space<hbm>>) dst(%dma_wait3A_152 : memref<320x128xf32, #tpu.memory_space<vmem>>)
    %dma_wait3A_156 = arith.constant 0 : i32
    %dma_wait3A_157 = arith.constant 0 : i32
    %dma_wait3A_158 = arith.constant 0 : i32
    %dma_wait3A_159 = tpu.memref_slice %arg13[%dma_wait3A_156, %dma_wait3A_157, %dma_wait3A_158] : memref<2x320x128xf32, #tpu.memory_space<vmem>> -> memref<1x320x128xf32, #tpu.memory_space<vmem>>
    %dma_wait3A_160 = tpu.memref_squeeze %dma_wait3A_159 : memref<1x320x128xf32, #tpu.memory_space<vmem>> -> memref<320x128xf32, #tpu.memory_space<vmem>>
    %dma_wait3A_161 = arith.constant 0 : i32
    %dma_wait3A_162 = arith.constant 0 : i32
    %dma_wait3A_163 = tpu.memref_slice %arg2[%dma_wait3A_161, %dma_wait3A_162] : memref<110000x128xf32, #tpu.memory_space<hbm>> -> memref<110000x128xf32, #tpu.memory_space<hbm>>
    tpu.wait_indirect_dma semaphore(%arg15 : memref<!tpu.dma_semaphore, #tpu.memory_space<semaphore_mem>>) src(%dma_wait3A_163 : memref<110000x128xf32, #tpu.memory_space<hbm>>) dst(%dma_wait3A_160 : memref<320x128xf32, #tpu.memory_space<vmem>>)
    %dma_wait3A_164 = arith.constant 0 : i32
    %dma_wait3A_165 = arith.constant 0 : i32
    %dma_wait3A_166 = arith.constant 0 : i32
    %dma_wait3A_167 = tpu.memref_slice %arg13[%dma_wait3A_164, %dma_wait3A_165, %dma_wait3A_166] : memref<2x320x128xf32, #tpu.memory_space<vmem>> -> memref<1x320x128xf32, #tpu.memory_space<vmem>>
    %dma_wait3A_168 = tpu.memref_squeeze %dma_wait3A_167 : memref<1x320x128xf32, #tpu.memory_space<vmem>> -> memref<320x128xf32, #tpu.memory_space<vmem>>
    %dma_wait3A_169 = arith.constant 0 : i32
    %dma_wait3A_170 = arith.constant 0 : i32
    %dma_wait3A_171 = tpu.memref_slice %arg2[%dma_wait3A_169, %dma_wait3A_170] : memref<110000x128xf32, #tpu.memory_space<hbm>> -> memref<110000x128xf32, #tpu.memory_space<hbm>>
    tpu.wait_indirect_dma semaphore(%arg15 : memref<!tpu.dma_semaphore, #tpu.memory_space<semaphore_mem>>) src(%dma_wait3A_171 : memref<110000x128xf32, #tpu.memory_space<hbm>>) dst(%dma_wait3A_168 : memref<320x128xf32, #tpu.memory_space<vmem>>)
    %add3A_172 = arith.constant 20000 : i32
    %add3A_173 = arith.addi %add3A_172, %multiple_of3A : i32
    %multiple_of3A_174 = tpu.assume_multiple %add3A_173, 8 : i32
    %run_scoped3A_175 = arith.constant 0 : i32
    "tpu.region"() ({
      %run_scoped3A_176 = tpu.sem_alloc : memref<!tpu.dma_semaphore, #tpu.memory_space<semaphore_mem>>
      %dma_start3A_177 = arith.constant 0 : i32
      %dma_start3A_178 = arith.constant 0 : i32
      %dma_start3A_179 = tpu.memref_slice %arg13[%run_scoped3A_175, %dma_start3A_177, %dma_start3A_178] : memref<2x320x128xf32, #tpu.memory_space<vmem>> -> memref<1x320x128xf32, #tpu.memory_space<vmem>>
      %dma_start3A_180 = tpu.memref_squeeze %dma_start3A_179 : memref<1x320x128xf32, #tpu.memory_space<vmem>> -> memref<320x128xf32, #tpu.memory_space<vmem>>
      %dma_start3A_181 = arith.constant 0 : i32
      %dma_start3A_182 = tpu.memref_slice %arg6[%multiple_of3A_174, %dma_start3A_181] : memref<30000x128xf32, #tpu.memory_space<hbm>> -> memref<320x128xf32, #tpu.memory_space<hbm>>
      %dma_start3A_183 = arith.constant 0 : i32
      %dma_start3A_184 = tpu.memref_slice %arg6[%multiple_of3A_174, %dma_start3A_183] : memref<30000x128xf32, #tpu.memory_space<hbm>> -> memref<320x128xf32, #tpu.memory_space<hbm>>
      %dma_start3A_185 = arith.constant 0 : i32
      %dma_start3A_186 = arith.constant 0 : i32
      %dma_start3A_187 = tpu.memref_slice %arg13[%run_scoped3A_175, %dma_start3A_185, %dma_start3A_186] : memref<2x320x128xf32, #tpu.memory_space<vmem>> -> memref<1x320x128xf32, #tpu.memory_space<vmem>>
      %dma_start3A_188 = tpu.memref_squeeze %dma_start3A_187 : memref<1x320x128xf32, #tpu.memory_space<vmem>> -> memref<320x128xf32, #tpu.memory_space<vmem>>
      tpu.enqueue_dma source(%dma_start3A_188 : memref<320x128xf32, #tpu.memory_space<vmem>>) target(%dma_start3A_184 : memref<320x128xf32, #tpu.memory_space<hbm>>) target_semaphore(%run_scoped3A_176 : memref<!tpu.dma_semaphore, #tpu.memory_space<semaphore_mem>>)
      %dma_wait3A_189 = arith.constant 0 : i32
      %dma_wait3A_190 = arith.constant 0 : i32
      %dma_wait3A_191 = tpu.memref_slice %arg13[%run_scoped3A_175, %dma_wait3A_189, %dma_wait3A_190] : memref<2x320x128xf32, #tpu.memory_space<vmem>> -> memref<1x320x128xf32, #tpu.memory_space<vmem>>
      %dma_wait3A_192 = tpu.memref_squeeze %dma_wait3A_191 : memref<1x320x128xf32, #tpu.memory_space<vmem>> -> memref<320x128xf32, #tpu.memory_space<vmem>>
      %dma_wait3A_193 = arith.constant 0 : i32
      %dma_wait3A_194 = tpu.memref_slice %arg6[%multiple_of3A_174, %dma_wait3A_193] : memref<30000x128xf32, #tpu.memory_space<hbm>> -> memref<320x128xf32, #tpu.memory_space<hbm>>
      %dma_wait3A_195 = arith.constant 0 : i32
      %dma_wait3A_196 = tpu.memref_slice %arg6[%multiple_of3A_174, %dma_wait3A_195] : memref<30000x128xf32, #tpu.memory_space<hbm>> -> memref<320x128xf32, #tpu.memory_space<hbm>>
      %dma_wait3A_197 = arith.constant 0 : i32
      %dma_wait3A_198 = arith.constant 0 : i32
      %dma_wait3A_199 = tpu.memref_slice %arg13[%run_scoped3A_175, %dma_wait3A_197, %dma_wait3A_198] : memref<2x320x128xf32, #tpu.memory_space<vmem>> -> memref<1x320x128xf32, #tpu.memory_space<vmem>>
      %dma_wait3A_200 = tpu.memref_squeeze %dma_wait3A_199 : memref<1x320x128xf32, #tpu.memory_space<vmem>> -> memref<320x128xf32, #tpu.memory_space<vmem>>
      tpu.wait_dma2 semaphore(%run_scoped3A_176 : memref<!tpu.dma_semaphore, #tpu.memory_space<semaphore_mem>>) src(%dma_wait3A_200 : memref<320x128xf32, #tpu.memory_space<vmem>>) dst(%dma_wait3A_196 : memref<320x128xf32, #tpu.memory_space<hbm>>)
      tpu.yield
    }) : () -> ()
    return
  }
}

module attributes {stable_mosaic.version = 14 : i64} {
  func.func @_tc_body(%arg0: i32, %arg1: memref<10000x128xf32, #tpu.memory_space<vmem>>, %arg2: memref<10000x128xf32, #tpu.memory_space<vmem>>, %arg3: memref<1x128x128xf32, #tpu.memory_space<vmem>>, %arg4: memref<1x128x128xf32, #tpu.memory_space<vmem>>, %arg5: memref<1x1x128xf32, #tpu.memory_space<vmem>>, %arg6: memref<1x1x128xf32, #tpu.memory_space<vmem>>, %arg7: memref<10000x128xf32, #tpu.memory_space<vmem>>) attributes {dimension_semantics = [#tpu.dimension_semantics<arbitrary>], iteration_bounds = array<i64: 4>, scalar_prefetch = 0 : i64, scratch_operands = 0 : i64, tpu.core_type = #tpu.core_type<tc>, window_params = [{transform_indices = @transform_0, window_bounds = array<i64: 10000, 128>}, {transform_indices = @transform_1, window_bounds = array<i64: 10000, 128>}, {transform_indices = @transform_2, window_bounds = array<i64: 1, 128, 128>}, {transform_indices = @transform_3, window_bounds = array<i64: 1, 128, 128>}, {transform_indices = @transform_4, window_bounds = array<i64: 1, 1, 128>}, {transform_indices = @transform_5, window_bounds = array<i64: 1, 1, 128>}, {transform_indices = @transform_6, window_bounds = array<i64: 10000, 128>}]} {
    %add3A = arith.constant 0 : i32
    %add3A_0 = arith.addi %arg0, %add3A : i32
    %get3A = arith.constant 0 : index
    %get3A_1 = arith.constant 0 : index
    %get3A_2 = vector.load %arg1[%get3A, %get3A_1] : memref<10000x128xf32, #tpu.memory_space<vmem>>, vector<10000x128xf32>
    %get3A_3 = arith.constant 0 : index
    %get3A_4 = arith.constant 0 : index
    %get3A_5 = arith.constant 0 : index
    %get3A_6 = vector.load %arg3[%get3A_3, %get3A_4, %get3A_5] : memref<1x128x128xf32, #tpu.memory_space<vmem>>, vector<1x128x128xf32>
    %get3A_7 = vector.shape_cast %get3A_6 : vector<1x128x128xf32> to vector<128x128xf32>
    %dot_general3A = arith.constant dense<0.000000e+00> : vector<10000x128xf32>
    %dot_general3A_8 = tpu.matmul %get3A_2, %get3A_7, %dot_general3A {dimension_numbers = #tpu.dot_dimension_numbers<[1], [0], [0], [1], [0, 0, 1, 1], [], []>, transpose_lhs_hint = false} : vector<10000x128xf32>, vector<128x128xf32>, vector<10000x128xf32> -> vector<10000x128xf32>
    %get3A_9 = arith.constant 0 : index
    %get3A_10 = arith.constant 0 : index
    %get3A_11 = vector.load %arg2[%get3A_9, %get3A_10] : memref<10000x128xf32, #tpu.memory_space<vmem>>, vector<10000x128xf32>
    %get3A_12 = arith.constant 0 : index
    %get3A_13 = arith.constant 0 : index
    %get3A_14 = arith.constant 0 : index
    %get3A_15 = vector.load %arg4[%get3A_12, %get3A_13, %get3A_14] : memref<1x128x128xf32, #tpu.memory_space<vmem>>, vector<1x128x128xf32>
    %get3A_16 = vector.shape_cast %get3A_15 : vector<1x128x128xf32> to vector<128x128xf32>
    %dot_general3A_17 = arith.constant dense<0.000000e+00> : vector<10000x128xf32>
    %dot_general3A_18 = tpu.matmul %get3A_11, %get3A_16, %dot_general3A_17 {dimension_numbers = #tpu.dot_dimension_numbers<[1], [0], [0], [1], [0, 0, 1, 1], [], []>, transpose_lhs_hint = false} : vector<10000x128xf32>, vector<128x128xf32>, vector<10000x128xf32> -> vector<10000x128xf32>
    %eq3A = arith.constant 0 : i32
    %eq3A_19 = arith.cmpi eq, %add3A_0, %eq3A : i32
    %get3A_20 = arith.constant 0 : index
    %get3A_21 = arith.constant 0 : index
    %get3A_22 = arith.constant 0 : index
    %get3A_23 = vector.load %arg6[%get3A_20, %get3A_21, %get3A_22] : memref<1x1x128xf32, #tpu.memory_space<vmem>>, vector<1x1x128xf32>
    %get3A_24 = vector.shape_cast %get3A_23 : vector<1x1x128xf32> to vector<1x128xf32>
    %add3A_25 = vector.broadcast %get3A_24 : vector<1x128xf32> to vector<10000x128xf32>
    %add3A_26 = arith.addf %dot_general3A_18, %add3A_25 : vector<10000x128xf32>
    %jit3A = arith.constant 0.000000e+00 : f32
    %broadcast_in_dim3A = vector.broadcast %jit3A : f32 to vector<10000x128xf32>
    %select_n3A = arith.select %eq3A_19, %broadcast_in_dim3A, %add3A_26 : vector<10000x128xf32>
    %add3A_27 = arith.addf %dot_general3A_8, %select_n3A : vector<10000x128xf32>
    %get3A_28 = arith.constant 0 : index
    %get3A_29 = arith.constant 0 : index
    %get3A_30 = arith.constant 0 : index
    %get3A_31 = vector.load %arg5[%get3A_28, %get3A_29, %get3A_30] : memref<1x1x128xf32, #tpu.memory_space<vmem>>, vector<1x1x128xf32>
    %get3A_32 = vector.shape_cast %get3A_31 : vector<1x1x128xf32> to vector<1x128xf32>
    %add3A_33 = vector.broadcast %get3A_32 : vector<1x128xf32> to vector<10000x128xf32>
    %add3A_34 = arith.addf %add3A_27, %add3A_33 : vector<10000x128xf32>
    %swap3A = arith.constant 0 : index
    %swap3A_35 = arith.constant 0 : index
    %swap3A_36 = vector.load %arg7[%swap3A, %swap3A_35] : memref<10000x128xf32, #tpu.memory_space<vmem>>, vector<10000x128xf32>
    tpu.vector_store %arg7[%swap3A, %swap3A_35], %add3A_34 {strides = array<i32>} : memref<10000x128xf32, #tpu.memory_space<vmem>>, vector<10000x128xf32>,
    return
  }
  func.func @transform_0(%arg0: i32) -> (i32, i32) {
    %add3A = arith.constant 0 : i32
    %add3A_0 = arith.addi %arg0, %add3A : i32
    %c0_i32 = arith.constant 0 : i32
    %c0_i32_1 = arith.constant 0 : i32
    return %add3A_0, %c0_i32 : i32, i32
  }
  func.func @transform_1(%arg0: i32) -> (i32, i32) {
    %sub3A = arith.constant 1 : i32
    %sub3A_0 = arith.subi %arg0, %sub3A : i32
    %max3A = arith.constant 0 : i32
    %max3A_1 = arith.maxsi %sub3A_0, %max3A : i32
    %c0_i32 = arith.constant 0 : i32
    %c0_i32_2 = arith.constant 0 : i32
    return %max3A_1, %c0_i32 : i32, i32
  }
  func.func @transform_2(%arg0: i32) -> (i32, i32, i32) {
    %add3A = arith.constant 0 : i32
    %add3A_0 = arith.addi %arg0, %add3A : i32
    %eq3A = arith.constant 0 : i32
    %eq3A_1 = arith.cmpi eq, %add3A_0, %eq3A : i32
    %mul3A = arith.constant 2 : i32
    %mul3A_2 = arith.muli %mul3A, %add3A_0 : i32
    %sub3A = arith.constant 1 : i32
    %sub3A_3 = arith.subi %mul3A_2, %sub3A : i32
    %jit3A = arith.constant 20 : i32
    %select_n3A = arith.select %eq3A_1, %jit3A, %sub3A_3 : i32
    %c0_i32 = arith.constant 0 : i32
    %c0_i32_4 = arith.constant 0 : i32
    %c0_i32_5 = arith.constant 0 : i32
    return %select_n3A, %c0_i32, %c0_i32_4 : i32, i32, i32
  }
  func.func @transform_3(%arg0: i32) -> (i32, i32, i32) {
    %add3A = arith.constant 0 : i32
    %add3A_0 = arith.addi %arg0, %add3A : i32
    %eq3A = arith.constant 0 : i32
    %eq3A_1 = arith.cmpi eq, %add3A_0, %eq3A : i32
    %mul3A = arith.constant 2 : i32
    %mul3A_2 = arith.muli %mul3A, %add3A_0 : i32
    %sub3A = arith.constant 2 : i32
    %sub3A_3 = arith.subi %mul3A_2, %sub3A : i32
    %jit3A = arith.constant 0 : i32
    %select_n3A = arith.select %eq3A_1, %jit3A, %sub3A_3 : i32
    %c0_i32 = arith.constant 0 : i32
    %c0_i32_4 = arith.constant 0 : i32
    %c0_i32_5 = arith.constant 0 : i32
    return %select_n3A, %c0_i32, %c0_i32_4 : i32, i32, i32
  }
  func.func @transform_4(%arg0: i32) -> (i32, i32, i32) {
    %add3A = arith.constant 0 : i32
    %add3A_0 = arith.addi %arg0, %add3A : i32
    %eq3A = arith.constant 0 : i32
    %eq3A_1 = arith.cmpi eq, %add3A_0, %eq3A : i32
    %mul3A = arith.constant 2 : i32
    %mul3A_2 = arith.muli %mul3A, %add3A_0 : i32
    %sub3A = arith.constant 1 : i32
    %sub3A_3 = arith.subi %mul3A_2, %sub3A : i32
    %jit3A = arith.constant 20 : i32
    %select_n3A = arith.select %eq3A_1, %jit3A, %sub3A_3 : i32
    %c0_i32 = arith.constant 0 : i32
    %c0_i32_4 = arith.constant 0 : i32
    %c0_i32_5 = arith.constant 0 : i32
    return %select_n3A, %c0_i32, %c0_i32_4 : i32, i32, i32
  }
  func.func @transform_5(%arg0: i32) -> (i32, i32, i32) {
    %add3A = arith.constant 0 : i32
    %add3A_0 = arith.addi %arg0, %add3A : i32
    %eq3A = arith.constant 0 : i32
    %eq3A_1 = arith.cmpi eq, %add3A_0, %eq3A : i32
    %mul3A = arith.constant 2 : i32
    %mul3A_2 = arith.muli %mul3A, %add3A_0 : i32
    %sub3A = arith.constant 2 : i32
    %sub3A_3 = arith.subi %mul3A_2, %sub3A : i32
    %jit3A = arith.constant 0 : i32
    %select_n3A = arith.select %eq3A_1, %jit3A, %sub3A_3 : i32
    %c0_i32 = arith.constant 0 : i32
    %c0_i32_4 = arith.constant 0 : i32
    %c0_i32_5 = arith.constant 0 : i32
    return %select_n3A, %c0_i32, %c0_i32_4 : i32, i32, i32
  }
  func.func @transform_6(%arg0: i32) -> (i32, i32) {
    %add3A = arith.constant 0 : i32
    %add3A_0 = arith.addi %arg0, %add3A : i32
    %c0_i32 = arith.constant 0 : i32
    %c0_i32_1 = arith.constant 0 : i32
    return %add3A_0, %c0_i32 : i32, i32
  }
}

module attributes {stable_mosaic.version = 14 : i64} {
  func.func @_tc_body_alias(%arg0: i32, %arg1: memref<10000x128xf32, #tpu.memory_space<vmem>>, %arg2: memref<10000x128xf32, #tpu.memory_space<vmem>>, %arg3: memref<1x128x128xf32, #tpu.memory_space<vmem>>, %arg4: memref<1x128x128xf32, #tpu.memory_space<vmem>>, %arg5: memref<1x1x128xf32, #tpu.memory_space<vmem>>, %arg6: memref<1x1x128xf32, #tpu.memory_space<vmem>>, %arg7: memref<110000x128xf32, #tpu.memory_space<any>>, %arg8: memref<10000x128xf32, #tpu.memory_space<vmem>>) attributes {dimension_semantics = [#tpu.dimension_semantics<arbitrary>], iteration_bounds = array<i64: 4>, scalar_prefetch = 0 : i64, scratch_operands = 0 : i64, tpu.core_type = #tpu.core_type<tc>, window_params = [{transform_indices = @transform_0, window_bounds = array<i64: 10000, 128>}, {transform_indices = @transform_1, window_bounds = array<i64: 10000, 128>}, {transform_indices = @transform_2, window_bounds = array<i64: 1, 128, 128>}, {transform_indices = @transform_3, window_bounds = array<i64: 1, 128, 128>}, {transform_indices = @transform_4, window_bounds = array<i64: 1, 1, 128>}, {transform_indices = @transform_5, window_bounds = array<i64: 1, 1, 128>}, {}, {transform_indices = @transform_7, window_bounds = array<i64: 10000, 128>}]} {
    %add3A = arith.constant 4 : i32
    %add3A_0 = arith.addi %arg0, %add3A : i32
    %get3A = arith.constant 0 : index
    %get3A_1 = arith.constant 0 : index
    %get3A_2 = vector.load %arg1[%get3A, %get3A_1] : memref<10000x128xf32, #tpu.memory_space<vmem>>, vector<10000x128xf32>
    %get3A_3 = arith.constant 0 : index
    %get3A_4 = arith.constant 0 : index
    %get3A_5 = arith.constant 0 : index
    %get3A_6 = vector.load %arg3[%get3A_3, %get3A_4, %get3A_5] : memref<1x128x128xf32, #tpu.memory_space<vmem>>, vector<1x128x128xf32>
    %get3A_7 = vector.shape_cast %get3A_6 : vector<1x128x128xf32> to vector<128x128xf32>
    %dot_general3A = arith.constant dense<0.000000e+00> : vector<10000x128xf32>
    %dot_general3A_8 = tpu.matmul %get3A_2, %get3A_7, %dot_general3A {dimension_numbers = #tpu.dot_dimension_numbers<[1], [0], [0], [1], [0, 0, 1, 1], [], []>, transpose_lhs_hint = false} : vector<10000x128xf32>, vector<128x128xf32>, vector<10000x128xf32> -> vector<10000x128xf32>
    %get3A_9 = arith.constant 0 : index
    %get3A_10 = arith.constant 0 : index
    %get3A_11 = vector.load %arg2[%get3A_9, %get3A_10] : memref<10000x128xf32, #tpu.memory_space<vmem>>, vector<10000x128xf32>
    %get3A_12 = arith.constant 0 : index
    %get3A_13 = arith.constant 0 : index
    %get3A_14 = arith.constant 0 : index
    %get3A_15 = vector.load %arg4[%get3A_12, %get3A_13, %get3A_14] : memref<1x128x128xf32, #tpu.memory_space<vmem>>, vector<1x128x128xf32>
    %get3A_16 = vector.shape_cast %get3A_15 : vector<1x128x128xf32> to vector<128x128xf32>
    %dot_general3A_17 = arith.constant dense<0.000000e+00> : vector<10000x128xf32>
    %dot_general3A_18 = tpu.matmul %get3A_11, %get3A_16, %dot_general3A_17 {dimension_numbers = #tpu.dot_dimension_numbers<[1], [0], [0], [1], [0, 0, 1, 1], [], []>, transpose_lhs_hint = false} : vector<10000x128xf32>, vector<128x128xf32>, vector<10000x128xf32> -> vector<10000x128xf32>
    %eq3A = arith.constant 0 : i32
    %eq3A_19 = arith.cmpi eq, %add3A_0, %eq3A : i32
    %get3A_20 = arith.constant 0 : index
    %get3A_21 = arith.constant 0 : index
    %get3A_22 = arith.constant 0 : index
    %get3A_23 = vector.load %arg6[%get3A_20, %get3A_21, %get3A_22] : memref<1x1x128xf32, #tpu.memory_space<vmem>>, vector<1x1x128xf32>
    %get3A_24 = vector.shape_cast %get3A_23 : vector<1x1x128xf32> to vector<1x128xf32>
    %add3A_25 = vector.broadcast %get3A_24 : vector<1x128xf32> to vector<10000x128xf32>
    %add3A_26 = arith.addf %dot_general3A_18, %add3A_25 : vector<10000x128xf32>
    %jit3A = arith.constant 0.000000e+00 : f32
    %broadcast_in_dim3A = vector.broadcast %jit3A : f32 to vector<10000x128xf32>
    %select_n3A = arith.select %eq3A_19, %broadcast_in_dim3A, %add3A_26 : vector<10000x128xf32>
    %add3A_27 = arith.addf %dot_general3A_8, %select_n3A : vector<10000x128xf32>
    %get3A_28 = arith.constant 0 : index
    %get3A_29 = arith.constant 0 : index
    %get3A_30 = arith.constant 0 : index
    %get3A_31 = vector.load %arg5[%get3A_28, %get3A_29, %get3A_30] : memref<1x1x128xf32, #tpu.memory_space<vmem>>, vector<1x1x128xf32>
    %get3A_32 = vector.shape_cast %get3A_31 : vector<1x1x128xf32> to vector<1x128xf32>
    %add3A_33 = vector.broadcast %get3A_32 : vector<1x128xf32> to vector<10000x128xf32>
    %add3A_34 = arith.addf %add3A_27, %add3A_33 : vector<10000x128xf32>
    %swap3A = arith.constant 0 : index
    %swap3A_35 = arith.constant 0 : index
    %swap3A_36 = vector.load %arg8[%swap3A, %swap3A_35] : memref<10000x128xf32, #tpu.memory_space<vmem>>, vector<10000x128xf32>
    tpu.vector_store %arg8[%swap3A, %swap3A_35], %add3A_34 {strides = array<i32>} : memref<10000x128xf32, #tpu.memory_space<vmem>>, vector<10000x128xf32>,
    return
  }
  func.func @transform_0(%arg0: i32) -> (i32, i32) {
    %add3A = arith.constant 4 : i32
    %add3A_0 = arith.addi %arg0, %add3A : i32
    %c0_i32 = arith.constant 0 : i32
    %c0_i32_1 = arith.constant 0 : i32
    return %add3A_0, %c0_i32 : i32, i32
  }
  func.func @transform_1(%arg0: i32) -> (i32, i32) {
    %c0_i32 = arith.constant 0 : i32
    %c0_i32_0 = arith.constant 0 : i32
    return %arg0, %c0_i32 : i32, i32
  }
  func.func @transform_2(%arg0: i32) -> (i32, i32, i32) {
    %add3A = arith.constant 4 : i32
    %add3A_0 = arith.addi %arg0, %add3A : i32
    %eq3A = arith.constant 0 : i32
    %eq3A_1 = arith.cmpi eq, %add3A_0, %eq3A : i32
    %mul3A = arith.constant 2 : i32
    %mul3A_2 = arith.muli %mul3A, %add3A_0 : i32
    %sub3A = arith.constant 1 : i32
    %sub3A_3 = arith.subi %mul3A_2, %sub3A : i32
    %jit3A = arith.constant 20 : i32
    %select_n3A = arith.select %eq3A_1, %jit3A, %sub3A_3 : i32
    %c0_i32 = arith.constant 0 : i32
    %c0_i32_4 = arith.constant 0 : i32
    %c0_i32_5 = arith.constant 0 : i32
    return %select_n3A, %c0_i32, %c0_i32_4 : i32, i32, i32
  }
  func.func @transform_3(%arg0: i32) -> (i32, i32, i32) {
    %add3A = arith.constant 4 : i32
    %add3A_0 = arith.addi %arg0, %add3A : i32
    %eq3A = arith.constant 0 : i32
    %eq3A_1 = arith.cmpi eq, %add3A_0, %eq3A : i32
    %mul3A = arith.constant 2 : i32
    %mul3A_2 = arith.muli %mul3A, %add3A_0 : i32
    %sub3A = arith.constant 2 : i32
    %sub3A_3 = arith.subi %mul3A_2, %sub3A : i32
    %jit3A = arith.constant 0 : i32
    %select_n3A = arith.select %eq3A_1, %jit3A, %sub3A_3 : i32
    %c0_i32 = arith.constant 0 : i32
    %c0_i32_4 = arith.constant 0 : i32
    %c0_i32_5 = arith.constant 0 : i32
    return %select_n3A, %c0_i32, %c0_i32_4 : i32, i32, i32
  }
  func.func @transform_4(%arg0: i32) -> (i32, i32, i32) {
    %add3A = arith.constant 4 : i32
    %add3A_0 = arith.addi %arg0, %add3A : i32
    %eq3A = arith.constant 0 : i32
    %eq3A_1 = arith.cmpi eq, %add3A_0, %eq3A : i32
    %mul3A = arith.constant 2 : i32
    %mul3A_2 = arith.muli %mul3A, %add3A_0 : i32
    %sub3A = arith.constant 1 : i32
    %sub3A_3 = arith.subi %mul3A_2, %sub3A : i32
    %jit3A = arith.constant 20 : i32
    %select_n3A = arith.select %eq3A_1, %jit3A, %sub3A_3 : i32
    %c0_i32 = arith.constant 0 : i32
    %c0_i32_4 = arith.constant 0 : i32
    %c0_i32_5 = arith.constant 0 : i32
    return %select_n3A, %c0_i32, %c0_i32_4 : i32, i32, i32
  }
  func.func @transform_5(%arg0: i32) -> (i32, i32, i32) {
    %add3A = arith.constant 4 : i32
    %add3A_0 = arith.addi %arg0, %add3A : i32
    %eq3A = arith.constant 0 : i32
    %eq3A_1 = arith.cmpi eq, %add3A_0, %eq3A : i32
    %mul3A = arith.constant 2 : i32
    %mul3A_2 = arith.muli %mul3A, %add3A_0 : i32
    %sub3A = arith.constant 2 : i32
    %sub3A_3 = arith.subi %mul3A_2, %sub3A : i32
    %jit3A = arith.constant 0 : i32
    %select_n3A = arith.select %eq3A_1, %jit3A, %sub3A_3 : i32
    %c0_i32 = arith.constant 0 : i32
    %c0_i32_4 = arith.constant 0 : i32
    %c0_i32_5 = arith.constant 0 : i32
    return %select_n3A, %c0_i32, %c0_i32_4 : i32, i32, i32
  }
  func.func @transform_7(%arg0: i32) -> (i32, i32) {
    %add3A = arith.constant 4 : i32
    %add3A_0 = arith.addi %arg0, %add3A : i32
    %c0_i32 = arith.constant 0 : i32
    %c0_i32_1 = arith.constant 0 : i32
    return %add3A_0, %c0_i32 : i32, i32
  }
}

module attributes {stable_mosaic.version = 14 : i64} {
  func.func @_tc_body_alias(%arg0: i32, %arg1: memref<10000x128xf32, #tpu.memory_space<vmem>>, %arg2: memref<10000x128xf32, #tpu.memory_space<vmem>>, %arg3: memref<1x128x128xf32, #tpu.memory_space<vmem>>, %arg4: memref<1x128x128xf32, #tpu.memory_space<vmem>>, %arg5: memref<1x1x128xf32, #tpu.memory_space<vmem>>, %arg6: memref<1x1x128xf32, #tpu.memory_space<vmem>>, %arg7: memref<110000x128xf32, #tpu.memory_space<any>>, %arg8: memref<10000x128xf32, #tpu.memory_space<vmem>>) attributes {dimension_semantics = [#tpu.dimension_semantics<arbitrary>], iteration_bounds = array<i64: 3>, scalar_prefetch = 0 : i64, scratch_operands = 0 : i64, tpu.core_type = #tpu.core_type<tc>, window_params = [{transform_indices = @transform_0, window_bounds = array<i64: 10000, 128>}, {transform_indices = @transform_1, window_bounds = array<i64: 10000, 128>}, {transform_indices = @transform_2, window_bounds = array<i64: 1, 128, 128>}, {transform_indices = @transform_3, window_bounds = array<i64: 1, 128, 128>}, {transform_indices = @transform_4, window_bounds = array<i64: 1, 1, 128>}, {transform_indices = @transform_5, window_bounds = array<i64: 1, 1, 128>}, {}, {transform_indices = @transform_7, window_bounds = array<i64: 10000, 128>}]} {
    %add3A = arith.constant 8 : i32
    %add3A_0 = arith.addi %arg0, %add3A : i32
    %get3A = arith.constant 0 : index
    %get3A_1 = arith.constant 0 : index
    %get3A_2 = vector.load %arg1[%get3A, %get3A_1] : memref<10000x128xf32, #tpu.memory_space<vmem>>, vector<10000x128xf32>
    %get3A_3 = arith.constant 0 : index
    %get3A_4 = arith.constant 0 : index
    %get3A_5 = arith.constant 0 : index
    %get3A_6 = vector.load %arg3[%get3A_3, %get3A_4, %get3A_5] : memref<1x128x128xf32, #tpu.memory_space<vmem>>, vector<1x128x128xf32>
    %get3A_7 = vector.shape_cast %get3A_6 : vector<1x128x128xf32> to vector<128x128xf32>
    %dot_general3A = arith.constant dense<0.000000e+00> : vector<10000x128xf32>
    %dot_general3A_8 = tpu.matmul %get3A_2, %get3A_7, %dot_general3A {dimension_numbers = #tpu.dot_dimension_numbers<[1], [0], [0], [1], [0, 0, 1, 1], [], []>, transpose_lhs_hint = false} : vector<10000x128xf32>, vector<128x128xf32>, vector<10000x128xf32> -> vector<10000x128xf32>
    %get3A_9 = arith.constant 0 : index
    %get3A_10 = arith.constant 0 : index
    %get3A_11 = vector.load %arg2[%get3A_9, %get3A_10] : memref<10000x128xf32, #tpu.memory_space<vmem>>, vector<10000x128xf32>
    %get3A_12 = arith.constant 0 : index
    %get3A_13 = arith.constant 0 : index
    %get3A_14 = arith.constant 0 : index
    %get3A_15 = vector.load %arg4[%get3A_12, %get3A_13, %get3A_14] : memref<1x128x128xf32, #tpu.memory_space<vmem>>, vector<1x128x128xf32>
    %get3A_16 = vector.shape_cast %get3A_15 : vector<1x128x128xf32> to vector<128x128xf32>
    %dot_general3A_17 = arith.constant dense<0.000000e+00> : vector<10000x128xf32>
    %dot_general3A_18 = tpu.matmul %get3A_11, %get3A_16, %dot_general3A_17 {dimension_numbers = #tpu.dot_dimension_numbers<[1], [0], [0], [1], [0, 0, 1, 1], [], []>, transpose_lhs_hint = false} : vector<10000x128xf32>, vector<128x128xf32>, vector<10000x128xf32> -> vector<10000x128xf32>
    %eq3A = arith.constant 0 : i32
    %eq3A_19 = arith.cmpi eq, %add3A_0, %eq3A : i32
    %get3A_20 = arith.constant 0 : index
    %get3A_21 = arith.constant 0 : index
    %get3A_22 = arith.constant 0 : index
    %get3A_23 = vector.load %arg6[%get3A_20, %get3A_21, %get3A_22] : memref<1x1x128xf32, #tpu.memory_space<vmem>>, vector<1x1x128xf32>
    %get3A_24 = vector.shape_cast %get3A_23 : vector<1x1x128xf32> to vector<1x128xf32>
    %add3A_25 = vector.broadcast %get3A_24 : vector<1x128xf32> to vector<10000x128xf32>
    %add3A_26 = arith.addf %dot_general3A_18, %add3A_25 : vector<10000x128xf32>
    %jit3A = arith.constant 0.000000e+00 : f32
    %broadcast_in_dim3A = vector.broadcast %jit3A : f32 to vector<10000x128xf32>
    %select_n3A = arith.select %eq3A_19, %broadcast_in_dim3A, %add3A_26 : vector<10000x128xf32>
    %add3A_27 = arith.addf %dot_general3A_8, %select_n3A : vector<10000x128xf32>
    %get3A_28 = arith.constant 0 : index
    %get3A_29 = arith.constant 0 : index
    %get3A_30 = arith.constant 0 : index
    %get3A_31 = vector.load %arg5[%get3A_28, %get3A_29, %get3A_30] : memref<1x1x128xf32, #tpu.memory_space<vmem>>, vector<1x1x128xf32>
    %get3A_32 = vector.shape_cast %get3A_31 : vector<1x1x128xf32> to vector<1x128xf32>
    %add3A_33 = vector.broadcast %get3A_32 : vector<1x128xf32> to vector<10000x128xf32>
    %add3A_34 = arith.addf %add3A_27, %add3A_33 : vector<10000x128xf32>
    %swap3A = arith.constant 0 : index
    %swap3A_35 = arith.constant 0 : index
    %swap3A_36 = vector.load %arg8[%swap3A, %swap3A_35] : memref<10000x128xf32, #tpu.memory_space<vmem>>, vector<10000x128xf32>
    tpu.vector_store %arg8[%swap3A, %swap3A_35], %add3A_34 {strides = array<i32>} : memref<10000x128xf32, #tpu.memory_space<vmem>>, vector<10000x128xf32>,
    return
  }
  func.func @transform_0(%arg0: i32) -> (i32, i32) {
    %add3A = arith.constant 8 : i32
    %add3A_0 = arith.addi %arg0, %add3A : i32
    %c0_i32 = arith.constant 0 : i32
    %c0_i32_1 = arith.constant 0 : i32
    return %add3A_0, %c0_i32 : i32, i32
  }
  func.func @transform_1(%arg0: i32) -> (i32, i32) {
    %c0_i32 = arith.constant 0 : i32
    %c0_i32_0 = arith.constant 0 : i32
    return %arg0, %c0_i32 : i32, i32
  }
  func.func @transform_2(%arg0: i32) -> (i32, i32, i32) {
    %add3A = arith.constant 8 : i32
    %add3A_0 = arith.addi %arg0, %add3A : i32
    %eq3A = arith.constant 0 : i32
    %eq3A_1 = arith.cmpi eq, %add3A_0, %eq3A : i32
    %mul3A = arith.constant 2 : i32
    %mul3A_2 = arith.muli %mul3A, %add3A_0 : i32
    %sub3A = arith.constant 1 : i32
    %sub3A_3 = arith.subi %mul3A_2, %sub3A : i32
    %jit3A = arith.constant 20 : i32
    %select_n3A = arith.select %eq3A_1, %jit3A, %sub3A_3 : i32
    %c0_i32 = arith.constant 0 : i32
    %c0_i32_4 = arith.constant 0 : i32
    %c0_i32_5 = arith.constant 0 : i32
    return %select_n3A, %c0_i32, %c0_i32_4 : i32, i32, i32
  }
  func.func @transform_3(%arg0: i32) -> (i32, i32, i32) {
    %add3A = arith.constant 8 : i32
    %add3A_0 = arith.addi %arg0, %add3A : i32
    %eq3A = arith.constant 0 : i32
    %eq3A_1 = arith.cmpi eq, %add3A_0, %eq3A : i32
    %mul3A = arith.constant 2 : i32
    %mul3A_2 = arith.muli %mul3A, %add3A_0 : i32
    %sub3A = arith.constant 2 : i32
    %sub3A_3 = arith.subi %mul3A_2, %sub3A : i32
    %jit3A = arith.constant 0 : i32
    %select_n3A = arith.select %eq3A_1, %jit3A, %sub3A_3 : i32
    %c0_i32 = arith.constant 0 : i32
    %c0_i32_4 = arith.constant 0 : i32
    %c0_i32_5 = arith.constant 0 : i32
    return %select_n3A, %c0_i32, %c0_i32_4 : i32, i32, i32
  }
  func.func @transform_4(%arg0: i32) -> (i32, i32, i32) {
    %add3A = arith.constant 8 : i32
    %add3A_0 = arith.addi %arg0, %add3A : i32
    %eq3A = arith.constant 0 : i32
    %eq3A_1 = arith.cmpi eq, %add3A_0, %eq3A : i32
    %mul3A = arith.constant 2 : i32
    %mul3A_2 = arith.muli %mul3A, %add3A_0 : i32
    %sub3A = arith.constant 1 : i32
    %sub3A_3 = arith.subi %mul3A_2, %sub3A : i32
    %jit3A = arith.constant 20 : i32
    %select_n3A = arith.select %eq3A_1, %jit3A, %sub3A_3 : i32
    %c0_i32 = arith.constant 0 : i32
    %c0_i32_4 = arith.constant 0 : i32
    %c0_i32_5 = arith.constant 0 : i32
    return %select_n3A, %c0_i32, %c0_i32_4 : i32, i32, i32
  }
  func.func @transform_5(%arg0: i32) -> (i32, i32, i32) {
    %add3A = arith.constant 8 : i32
    %add3A_0 = arith.addi %arg0, %add3A : i32
    %eq3A = arith.constant 0 : i32
    %eq3A_1 = arith.cmpi eq, %add3A_0, %eq3A : i32
    %mul3A = arith.constant 2 : i32
    %mul3A_2 = arith.muli %mul3A, %add3A_0 : i32
    %sub3A = arith.constant 2 : i32
    %sub3A_3 = arith.subi %mul3A_2, %sub3A : i32
    %jit3A = arith.constant 0 : i32
    %select_n3A = arith.select %eq3A_1, %jit3A, %sub3A_3 : i32
    %c0_i32 = arith.constant 0 : i32
    %c0_i32_4 = arith.constant 0 : i32
    %c0_i32_5 = arith.constant 0 : i32
    return %select_n3A, %c0_i32, %c0_i32_4 : i32, i32, i32
  }
  func.func @transform_7(%arg0: i32) -> (i32, i32) {
    %add3A = arith.constant 8 : i32
    %add3A_0 = arith.addi %arg0, %add3A : i32
    %c0_i32 = arith.constant 0 : i32
    %c0_i32_1 = arith.constant 0 : i32
    return %add3A_0, %c0_i32 : i32, i32
  }
}

</mosaic_0001>

<sc_bundles>
// kernel: kernel.11.cloned.1.call-start
scs
__scs_entry_jumppad:
0x0: {  	(pc) =	sbr.rel $0x88, $3  }
0x1: {  	(tag) =	ssettag $0x0;
	lr =	simm.s32 $0x1  }
0x2: {  	[smem:$0x3F94] =	sst lr;
	_ =	strace $0xD0000000  }
0x3: {  	_ = 	snop  }
0x4: {  	_ = 	snop  }
0x5: {  	_ = 	snop  }
0x6: {  	_ = 	snop  }
0x7: {  	_ = 	snop  }
__scs_overlays_trampoline_lowered:
0x8: {  	[smem:$0x3FA3] =	sst s0  }
0x9: {  	[smem:$0x3FA4] =	sst s1  }
0xa: {  	[smem:$0x3FA5] =	sst s2  }
0xb: {  	[smem:$0x3FA6] =	sst s3  }
0xc: {  	[smem:$0x3FA7] =	sst s4  }
0xd: {  	[smem:$0x3FA8] =	sst s5  }
0xe: {  	[smem:$0x3FA9] =	sst s6  }
0xf: {  	[smem:$0x3FAA] =	sst s7  }
0x10: {  	[smem:$0x3FAB] =	sst s8  }
0x11: {  	[smem:$0x3FAC] =	sst s9;
	s0 =	simm.s32 @!p0 $0x0  }
0x12: {  	s1 =	sld [smem:$0x3F92];
	s0 =	simm.s32 @p0 $0x1  }
0x13: {  	[smem:$0x3FAD] =	sst s0;
	s0 =	simm.s32 @!p1 $0x0  }
0x14: {  	s2 =	sld [smem:$0x3F91];
	s0 =	simm.s32 @p1 $0x1  }
0x15: {  	[smem:$0x3FAE] =	sst s0;
	s0 =	simm.s32 @!p2 $0x0  }
0x16: {  	s3 =	sld [smem:$0x3FDB];
	s0 =	simm.s32 @p2 $0x1  }
0x17: {  	s4 =	simm.s32 $0x1BF5;
	[smem:$0x3FB0] =	sst s0  }
0x18: {  	s0 =	sld [smem:$0x3F93];
	_ =	swait.ge [sflag:s4], $0x0  }
0x19: {  	s7 =	sld [smem:$0x3F94]  }
0x1a: {  	s8 =	sadd.s32 $0xFFFFE003, lr  }
0x1b: {  	s9 =	sadd.s32 $0xFFFFFEF7, lr;
	s5 =	simm.s32 $0xFFFFFFFF;
	p2 =	slt.u32 s8, $0xFFFFF086  }
0x1c: {  	p1 =	slt.u32 s9, $0xF7A;
	s5 =	simm.s32 @!p2 $0x0  }
0x1d: {  	s5 =	simm.s32 @p1 $0x1;
	p0 =	seq.s32 s7, s2  }
0x1e: {  	s7 =	smul.u32 @!p0 $0xF7A, s2;
	p2 =	seq.s32 @!p0 s5, $0x0  }
0x1f: {  	s9 =	smul.u32 $0xF7A, s1;
	s8 =	simm.s32 @!p0 $0x1BF5;
	p2 =	por !p2, p0  }
0x20: {  	[sflag:s8] =	ssyncset.s32 @!p0 $0xFFFFF086;
	s6 =	sadd.s32 @!p0 s3, s7;
	s7 =	simm.s32 @!p0 $0x108  }
0x21: {  	s3 =	sadd.s32 s3, s9;
	s6 =	sadd.s32 @!p0 $0x88, s6;
	s7 =	simm.s32 @p2 $0x1082  }
0x22: {  	[simem:s7], [sflag:s8] =	dma.local @!p0 [hbm:s6], $0xF7A  }
0x23: {  	s9 =	sor.u32 $0xD0000000, s2;
	s6 =	simm.s32 $0x108;
	_ =	swait.ge @!p0 [sflag:s8], $0x0  }
0x24: {  	s3 =	sadd.s32 $0x88, s3;
	s6 =	simm.s32 @!p1 $0x1082;
	[sflag:s4] =	ssyncset.s32 $0xFFFFF086  }
0x25: {  	[simem:s6], [sflag:s4] =	dma.local [hbm:s3], $0xF7A  }
0x26: {  	[smem:$0x3F94] =	sst s1;
	(tag) =	ssettag s2;
	_ =	strace s9  }
0x27: {  	s1 =	sld [smem:$0x3FA4]  }
0x28: {  	s2 =	sld [smem:$0x3FA5]  }
0x29: {  	s4 =	sld [smem:$0x3FA7]  }
0x2a: {  	p0 =	seq.s32 s5, $0x0;
	s5 =	sld [smem:$0x3FA8]  }
0x2b: {  	s6 =	sld [smem:$0x3FA9]  }
0x2c: {  	s7 =	sld [smem:$0x3FAA]  }
0x2d: {  	s3 =	simm.s32 $0x108;
	s8 =	sld [smem:$0x3FAB]  }
0x2e: {  	s3 =	simm.s32 @!p0 $0x1082;
	s9 =	sld [smem:$0x3FAC]  }
0x2f: {  	lr =	sadd.s32 s0, s3;
	s0 =	sld [smem:$0x3FA3]  }
0x30: {  	s3 =	sld [smem:$0x3FA6]  }
0x31: {  	[smem:$0x3FAF] =	sst s10  }
0x32: {  	s10 =	sld [smem:$0x3FAD];
	_ =	sdelay $0x3  }
0x33: {  	p0 =	seq.s32 s10, $0x1;
	s10 =	sld [smem:$0x3FAF];
	_ =	sdelay $0x3  }
0x34: {  	[smem:$0x3FAF] =	sst s10  }
0x35: {  	s10 =	sld [smem:$0x3FAE];
	_ =	sdelay $0x3  }
0x36: {  	p1 =	seq.s32 s10, $0x1;
	s10 =	sld [smem:$0x3FAF];
	_ =	sdelay $0x3  }
0x37: {  	[smem:$0x3FAF] =	sst s10  }
0x38: {  	s10 =	sld [smem:$0x3FB0]  }
0x39: {  	_ = 	snop;
	(pc) =	sbr.ind lr, $3  }
0x3a: {  	_ = 	snop  }
0x3b: {  	_ = 	snop  }
0x3c: {  	p2 =	seq.s32 s10, $0x1;
	s10 =	sld [smem:$0x3FAF]  }
0x3d: {  	_ =	shalt  }
0x3e: {  	_ =	shalt  }
0x3f: {  	_ =	shalt  }
0x40: {  	_ =	shalt  }
0x41: {  	_ =	shalt  }
0x42: {  	_ =	shalt  }
0x43: {  	_ =	shalt  }
0x44: {  	_ =	shalt  }
0x45: {  	_ =	shalt  }
0x46: {  	_ =	shalt  }
0x47: {  	_ =	shalt  }
0x48: {  	_ =	shalt  }
0x49: {  	_ =	shalt  }
0x4a: {  	_ =	shalt  }
0x4b: {  	_ =	shalt  }
0x4c: {  	_ =	shalt  }
0x4d: {  	_ =	shalt  }
0x4e: {  	_ =	shalt  }
0x4f: {  	_ =	shalt  }
0x50: {  	_ =	shalt  }
0x51: {  	_ =	shalt  }
0x52: {  	_ =	shalt  }
0x53: {  	_ =	shalt  }
0x54: {  	_ =	shalt  }
0x55: {  	_ =	shalt  }
0x56: {  	_ =	shalt  }
0x57: {  	_ =	shalt  }
0x58: {  	_ =	shalt  }
0x59: {  	_ =	shalt  }
0x5a: {  	_ =	shalt  }
0x5b: {  	_ =	shalt  }
0x5c: {  	_ =	shalt  }
0x5d: {  	_ =	shalt  }
0x5e: {  	_ =	shalt  }
0x5f: {  	_ =	shalt  }
0x60: {  	_ =	shalt  }
0x61: {  	_ =	shalt  }
0x62: {  	_ =	shalt  }
0x63: {  	_ =	shalt  }
0x64: {  	_ =	shalt  }
0x65: {  	_ =	shalt  }
0x66: {  	_ =	shalt  }
0x67: {  	_ =	shalt  }
0x68: {  	_ =	shalt  }
0x69: {  	_ =	shalt  }
0x6a: {  	_ =	shalt  }
0x6b: {  	_ =	shalt  }
0x6c: {  	_ =	shalt  }
0x6d: {  	_ =	shalt  }
0x6e: {  	_ =	shalt  }
0x6f: {  	_ =	shalt  }
0x70: {  	_ =	shalt  }
0x71: {  	_ =	shalt  }
0x72: {  	_ =	shalt  }
0x73: {  	_ =	shalt  }
0x74: {  	_ =	shalt  }
0x75: {  	_ =	shalt  }
0x76: {  	_ =	shalt  }
0x77: {  	_ =	shalt  }
0x78: {  	_ =	shalt  }
0x79: {  	_ =	shalt  }
0x7a: {  	_ =	shalt  }
0x7b: {  	_ =	shalt  }
0x7c: {  	_ =	shalt  }
0x7d: {  	_ =	shalt  }
0x7e: {  	_ =	shalt  }
0x7f: {  	_ =	shalt  }
0x80: {  	_ =	shalt  }
0x81: {  	_ =	shalt  }
0x82: {  	_ =	shalt  }
0x83: {  	_ =	shalt  }
0x84: {  	_ =	shalt  }
0x85: {  	_ =	shalt  }
0x86: {  	_ =	shalt  }
0x87: {  	_ =	shalt  }
.Lfunc_end0:
.L_simem_size_0:
called_computation.1_lowered:
.L_overlay_start_0:
0x88: {  	s2 =	sld [smem:$0x3FD9]  }
0x89: {  	s3 =	sld [smem:$0x3FFE];
	_ =	sdelay $0x1  }
0x8a: {  	s1 =	srdreg.scid  }
0x8b: {  	s0 =	sand.u32 $0x1, s1  }
0x8c: {  	s17 =	sshll.u32 s0, $0xA;
	s2 =	sadd.s32 s3, s2  }
0x8d: {  	s2 =	sadd.s32 s2, s17  }
0x8e: {  	[smem:$0x3FBB] =	sst s2  }
0x8f: {  	_ = 	snop  }
0x90: {  	s18 =	sld [smem:$0x3FC9];
	(tm) =	ssettm $0x1  }
0x91: {  	s19 =	sld [smem:$0x3FFB];
	_ =	sdelay $0x3  }
0x92: {  	_ =	strace s19  }
0x93: {  	s2 =	sld [smem:$0x3FFC];
	_ =	sdelay $0x3  }
0x94: {  	_ =	strace s2  }
0x95: {  	s2 =	sld [smem:$0x3FFD];
	_ =	sdelay $0x3  }
0x96: {  	_ =	strace s2  }
0x97: {  	_ =	strace $0x8FFFFFFF  }
0x98: {  	s20 =	sld [smem:$0x3FDB];
	_ =	sdelay $0x1  }
0x99: {  	s4 =	simm.s32 $_scs_section_size  }
0x9a: {  	s5 =	simm.s32 $_size__tile_overlayer_lowered;
	s6 =	simm.s32 $_tile_overlayer_lowered  }
0x9b: {  	s7 =	simm.s32 $0x1BFF;
	s21 =	sshll.u32 s6, $0x1;
	s4 =	sadd.s32 s4, s20  }
0x9c: {  	s22 =	simm.s32 $0x0;
	s5 =	sshll.u32 s5, $0x1;
	s6 =	sadd.s32 s21, s4  }
0x9d: {  	[timem:s22], [sflag:s7] =	dma.local [hbm:s6], s5  }
0x9e: {  	_ =	swait.ge [sflag:s7], s5  }
0x9f: {  	s5 =	ssub.s32 $0x0, s5;
	[sflag:s7] =	ssyncset.done $0x0  }
0xa0: {  	[sflag:s7] =	ssyncadd.s32 s5;
	_ =	sdelay $0x1  }
0xa1: {  	s23 =	simm.s32 $0x1B8B  }
0xa2: {  	_ =	swait.ge [sflag:s23], $0x1  }
0xa3: {  	[sflag:s23] =	ssyncset.done $0x0  }
0xa4: {  	[sflag:s23] =	ssyncadd.s32 $0xFFFFFFFF  }
0xa5: {  	s5 =	sld [smem:$0x0]  }
0xa6: {  	s6 =	sand.u32 $0xFFFFFFFE, s1  }
0xa7: {  	p0 =	sne.s32 s1, s6  }
0xa8: {  	s6 =	sshll.u32 @p0 s6, $0xE  }
0xa9: {  	s6 =	sadd.s32 @p0 $0x11B8D, s6;
	s7 =	sshll.u32 @p0 s5, $0x11  }
0xaa: {  	s6 =	sor.u32 @p0 s7, s6  }
0xab: {  	[sflag:s6] =	ssyncadd.remote.s32 @p0 $0x1;
	_ =	sdelay $0x1  }
0xac: {  	s6 =	simm.s32 @p0 $0x1B8D  }
0xad: {  	_ =	swait.eq @p0 [sflag:s6], $0x1  }
0xae: {  	[sflag:s6] =	ssyncadd.s32 @p0 $0xFFFFFFFF  }
0xaf: {  	s7 =	sshll.u32 @!p0 s1, $0xE  }
0xb0: {  	s7 =	sor.u32 @!p0 $0x4000, s7;
	s6 =	simm.s32 @!p0 $0x1B8D  }
0xb1: {  	s5 =	sshll.u32 @!p0 s5, $0x11;
	s7 =	sadd.s32 @!p0 $0x11B8D, s7;
	_ =	swait.eq @!p0 [sflag:s6], $0x1  }
0xb2: {  	s5 =	sor.u32 @!p0 s5, s7;
	[sflag:s6] =	ssyncadd.s32 @!p0 $0xFFFFFFFF  }
0xb3: {  	s25 =	simm.s32 $0x1B8E;
	s24 =	sld [smem:$0x3FFE];
	[sflag:s5] =	ssyncadd.remote.s32 @!p0 $0x1  }
0xb4: {  	s26 =	simm.s32 $execute0_lowered;
	[smem:$0x3FD2] =	sst s25  }
0xb5: {  	s6 =	sshll.u32 s26, $0x1;
	_ =	strace $0x80000049;
	[dreg:$0x1] =	wrdreg $0xFFFFFFFF  }
0xb6: {  	s28 =	simm.s32 $_size_execute0_lowered;
	s4 =	sadd.s32 s4, s6;
	[dreg:$0x0] =	wrdreg $0x0  }
0xb7: {  	s6 =	sshll.u32 s28, $0x1;
	[dreg:$0x2] =	wrdreg s4  }
0xb8: {  	[dreg:$0x3] =	wrdreg s6  }
0xb9: {  	[dreg:$0x4] =	wrdreg $0xC0  }
0xba: {  	_ =	task [dreg:s22], $0x5FFFF  }
0xbb: {  	[dreg:$0x1] =	wrdreg $0xFFFFFFFF  }
0xbc: {  	[dreg:$0x0] =	wrdreg $0x60  }
0xbd: {  	[dreg:$0x2] =	wrdreg s18  }
0xbe: {  	[dreg:$0x3] =	wrdreg s24  }
0xbf: {  	[dreg:$0x4] =	wrdreg $0xA  }
0xc0: {  	_ =	task.clear_ibuf [dreg:s22], $0x5FFFF;
	_ =	strace $0x90000049  }
0xc1: {  	s29 =	simm.s32 $0xA;
	_ =	strace $0x8000004B  }
0xc2: {  	_ =	swait.ge [sflag:s29], $0x1  }
0xc3: {  	[sflag:s29] =	ssyncadd.s32 $0xFFFFFFFF  }
0xc4: {  	_ =	strace $0x9000004B  }
0xc5: {  	_ =	sfence  }
0xc6: {  	s30 =	sld [smem:$0x0];
	_ =	sdelay $0x2  }
0xc7: {  	s31 =	sshll.u32 s1, $0xD;
	s1 =	sshrl.u32 s1, $0x2  }
0xc8: {  	s4 =	sand.u32 $0x4000, s31;
	s1 =	sadd.s32 s1, s30  }
0xc9: {  	s0 =	sor.u32 s4, s0;
	s1 =	sshll.u32 s1, $0x11  }
0xca: {  	s0 =	sor.u32 s1, s0  }
0xcb: {  	s0 =	sadd.s32 $0x8F2B, s0  }
0xcc: {  	[sflag:s0] =	ssyncadd.remote.s32 $0x1  }
0xcd: {  	_ =	sfence.sel $0xFFFF  }
0xce: {  	[dreg:$0x0] =	wrdreg $0xFFFFFFFF;
	(pc) =	sbr.abs _section_cstart, $3  }
0xcf: {  	[dreg:$0x1] =	wrdreg $0xFFFFFFFF  }
0xd0: {  	_ =	task.clear_ibuf [dreg:s22], $0x2FFFF;
	_ =	strace $0x9FFFFFFF  }
0xd1: {  	(tm) =	ssettm $0x7FFFFFFF  }
tec
execute0_lowered:
.L_overlay_start_1:
0x0: {  	(tag) =	ssettag $0x1  }
0x1: {  	s0 =	srdreg.scid;
	s1 =	stileid.u32  }
0x2: {  	s0 =	sand.u32 $0x1, s0;
	s1 =	sshll.u32 s1, $0x1  }
0x3: {  	s1 =	sor.u32 s0, s1  }
0x4: {  	s2 =	rddreg [dreg:$0x1];
	s3 =	smul.u32 $0x140, s1  }
0x5: {  	s28 =	simm.s32 $0x2;
	s29 =	simm.s32 $0x0;
	p0 =	seq.s32 s1, $0x1F  }
0x6: {  	s4 =	sadd.s32 $0x9C00, s2;
	s0 =	ssub.s32 $0x2, s0;
	s3 =	simm.s32 @p0 $0x25D0  }
0x7: {  	s17 =	sadd.s32 $0x8200, s2;
	s5 =	sshrl.u32 s0, $0x1;
	s18 =	sshrl.u32 s3, $0x3  }
0x8: {  	s6 =	sadd.s32 $0x6400, s2;
	s0 =	ssub.s32 s0, s5;
	s7 =	sadd.s32 s4, s18  }
0x9: {  	s0 =	smax.u32 s0, $0x1;
	s21 =	sadd.s32 s17, s18;
	[dreg:$0x3] =	wrdreg s7  }
0xa: {  	s8 =	sadd.s32 $0x4E20, s3;
	s26 =	sadd.s32 s6, s18;
	[dreg:$0x7] =	wrdreg s21  }
0xb: {  	s11 =	sadd.s32 $0x7530, s3;
	s10 =	sshrl.u32 s8, $0x3;
	[dreg:$0xc] =	wrdreg s26  }
0xc: {  	s20 =	sshrl.u32 s11, $0x3;
	s19 =	sadd.s32 s4, s10;
	s26 =	rddreg [dreg:$0x0]  }
0xd: {  	s25 =	sadd.s32 $0x1388, s18;
	s23 =	sadd.s32 s17, s10;
	[dreg:$0x5] =	wrdreg s19  }
0xe: {  	s16 =	sadd.s32 $0x186A, s18;
	s24 =	sadd.s32 s17, s20;
	[dreg:$0x9] =	wrdreg s23  }
0xf: {  	s7 =	sadd.s32 $0x2710, s3;
	s1 =	sadd.s32 s17, s25;
	[dreg:$0xa] =	wrdreg s24  }
0x10: {  	s14 =	sadd.s32 s6, s10;
	s15 =	sadd.s32 s6, s20;
	[dreg:$0xb] =	wrdreg s1  }
0x11: {  	s21 =	sshll.u32 s3, $0x4;
	s3 =	simm.s32 $0x780;
	[dreg:$0xe] =	wrdreg s14  }
0x12: {  	s9 =	sshrl.u32 s7, $0x3;
	[dreg:$0xf] =	wrdreg s15;
	s23 =	sshll.u32 s7, $0x4  }
0x13: {  	s24 =	sshll.u32 s8, $0x4;
	s7 =	simm.s32 $0xD80;
	s12 =	sadd.s32 s4, s9  }
0x14: {  	s8 =	simm.s32 $0xF00;
	s4 =	sadd.s32 s4, s20;
	[dreg:$0x4] =	wrdreg s12  }
0x15: {  	s14 =	simm.s32 $0x1800;
	s22 =	sadd.s32 s17, s9;
	[dreg:$0x6] =	wrdreg s4  }
0x16: {  	s15 =	simm.s32 $0x1980;
	s13 =	sadd.s32 s6, s9;
	[dreg:$0x8] =	wrdreg s22  }
0x17: {  	s17 =	sadd.s32 $0x4000, s2;
	[dreg:$0xd] =	wrdreg s13;
	s13 =	sadd.s32 s6, s25  }
0x18: {  	s6 =	sadd.s32 s6, s16;
	s5 =	sadd.s32 s17, s18;
	[dreg:$0x10] =	wrdreg s13  }
0x19: {  	s9 =	sadd.s32 s17, s9;
	s18 =	sadd.s32 s17, s10;
	[dreg:$0x11] =	wrdreg s6  }
0x1a: {  	s19 =	sadd.s32 s17, s20;
	s4 =	sadd.s32 s17, s25;
	[dreg:$0x12] =	wrdreg s9  }
0x1b: {  	s1 =	sadd.s32 s17, s16;
	s20 =	sadd.s32 $0xB000, s2;
	[dreg:$0x13] =	wrdreg s18  }
0x1c: {  	s22 =	simm.s32 $0x0;
	s25 =	sshll.u32 s11, $0x4;
	[dreg:$0x14] =	wrdreg s19  }
0x1d: {  	s10 =	simm.s32 $0x1200;
	s11 =	simm.s32 $0x1380;
	[dreg:$0x15] =	wrdreg s4  }
0x1e: {  	s12 =	simm.s32 $0x1500;
	s17 =	simm.s32 $0x1B00;
	[dreg:$0x16] =	wrdreg s1  }
0x1f: {  	s16 =	simm.s32 $0xC100;
	[smem:$0x7FF] =	sst s22;
	s2 =	sadd.s32 s20, s21  }
0x20: {  	s1 =	sadd.s32 s20, s25;
	s30 =	smov.u32 s5;
	s31 =	sadd.s32 $0x1D4C, s5  }
0x21: {  	s4 =	simm.s32 $0x900;
	s5 =	simm.s32 $0xA80;
	s6 =	simm.s32 $0xC00  }
0x22: {  	s9 =	simm.s32 $0x1080;
	s13 =	simm.s32 $0x1680;
	s18 =	simm.s32 $0x1C80  }
0x23: {  	s19 =	simm.s32 $0x1E00;
	s21 =	simm.s32 $0x1;
	[dreg:$0x17] =	wrdreg s2  }
0x24: {  	s25 =	simm.s32 $0x2100;
	s2 =	sadd.s32 s20, s23;
	[dreg:$0x1a] =	wrdreg s1  }
0x25: {  	s23 =	simm.s32 $0x140;
	[dreg:$0x18] =	wrdreg s2;
	s2 =	sadd.s32 s20, s24  }
0x26: {  	s20 =	simm.s32 $0x1F80;
	s24 =	simm.s32 $0x4;
	[dreg:$0x19] =	wrdreg s2  }
0x27: {  	v0 =	vimm.f32 $0.0e+00;
	_ =	strace $0x8000004A;
	[dreg:$0x1b] =	wrdreg s0;
	s0 =	simm.s32 $0x3  }
.LBB2_1:
0x28: {  	s1 =	rddreg [dreg:$0x3]  }
0x29: {  	[tilespmem:s22], [sflag:$0x1] =	stream.linear.gather [hbm4b:s1+s22], $0x140, $0x38;
	[tilespmem:$0x16100] =	vst v63  }
0x2a: {  	s2 =	simm.s32 $0x180;
	s1 =	rddreg [dreg:$0x4]  }
0x2b: {  	[tilespmem:s2], [sflag:$0x1] =	stream.linear.gather [hbm4b:s1+s22], $0x140, $0x38;
	[tilespmem:$0x16100] =	vst v63  }
0x2c: {  	s1 =	rddreg [dreg:$0x5];
	s2 =	simm.s32 $0x300  }
0x2d: {  	[tilespmem:s2], [sflag:$0x1] =	stream.linear.gather [hbm4b:s1+s22], $0x140, $0x38;
	[tilespmem:$0x16100] =	vst v63  }
0x2e: {  	s1 =	rddreg [dreg:$0x6];
	s2 =	simm.s32 $0x480  }
0x2f: {  	[tilespmem:s2], [sflag:$0x1] =	stream.linear.gather [hbm4b:s1+s22], $0x140, $0x38;
	[tilespmem:$0x16100] =	vst v63  }
0x30: {  	s1 =	rddreg [dreg:$0x7];
	s2 =	simm.s32 $0x600  }
0x31: {  	[tilespmem:s2], [sflag:$0x1] =	stream.linear.gather [hbm4b:s1+s22], $0x140, $0x38;
	[tilespmem:$0x16100] =	vst v63  }
0x32: {  	s2 =	rddreg [dreg:$0x8]  }
0x33: {  	[tilespmem:s3], [sflag:$0x1] =	stream.linear.gather [hbm4b:s2+s22], $0x140, $0x38;
	[tilespmem:$0x16100] =	vst v63  }
0x34: {  	s2 =	rddreg [dreg:$0x9]  }
0x35: {  	[tilespmem:s4], [sflag:$0x1] =	stream.linear.gather [hbm4b:s2+s22], $0x140, $0x38;
	[tilespmem:$0x16100] =	vst v63  }
0x36: {  	s2 =	rddreg [dreg:$0xa]  }
0x37: {  	[tilespmem:s5], [sflag:$0x1] =	stream.linear.gather [hbm4b:s2+s22], $0x140, $0x38;
	[tilespmem:$0x16100] =	vst v63  }
0x38: {  	s2 =	rddreg [dreg:$0xb]  }
0x39: {  	[tilespmem:s6], [sflag:$0x1] =	stream.linear.gather [hbm4b:s2+s22], $0x140, $0x38;
	[tilespmem:$0x16100] =	vst v63  }
0x3a: {  	s2 =	rddreg [dreg:$0xc]  }
0x3b: {  	[tilespmem:s7], [sflag:$0x1] =	stream.linear.gather [hbm4b:s2+s22], $0x140, $0x38;
	[tilespmem:$0x16100] =	vst v63  }
0x3c: {  	s2 =	rddreg [dreg:$0xd]  }
0x3d: {  	[tilespmem:s8], [sflag:$0x1] =	stream.linear.gather [hbm4b:s2+s22], $0x140, $0x38;
	[tilespmem:$0x16100] =	vst v63  }
0x3e: {  	s2 =	rddreg [dreg:$0xe]  }
0x3f: {  	[tilespmem:s9], [sflag:$0x1] =	stream.linear.gather [hbm4b:s2+s22], $0x140, $0x38;
	[tilespmem:$0x16100] =	vst v63  }
0x40: {  	s2 =	rddreg [dreg:$0xf]  }
0x41: {  	[tilespmem:s10], [sflag:$0x1] =	stream.linear.gather [hbm4b:s2+s22], $0x140, $0x38;
	[tilespmem:$0x16100] =	vst v63  }
0x42: {  	s2 =	rddreg [dreg:$0x10]  }
0x43: {  	[tilespmem:s11], [sflag:$0x1] =	stream.linear.gather [hbm4b:s2+s22], $0x140, $0x38;
	[tilespmem:$0x16100] =	vst v63  }
0x44: {  	s2 =	rddreg [dreg:$0x11]  }
0x45: {  	[tilespmem:s12], [sflag:$0x1] =	stream.linear.gather [hbm4b:s2+s22], $0x140, $0x38;
	[tilespmem:$0x16100] =	vst v63  }
0x46: {  	_ = 	snop  }
0x47: {  	[tilespmem:s13], [sflag:$0x1] =	stream.linear.gather [hbm4b:s30+s22], $0x140, $0x38;
	[tilespmem:$0x16100] =	vst v63  }
0x48: {  	s2 =	rddreg [dreg:$0x12]  }
0x49: {  	[tilespmem:s14], [sflag:$0x1] =	stream.linear.gather [hbm4b:s2+s22], $0x140, $0x38;
	[tilespmem:$0x16100] =	vst v63  }
0x4a: {  	s2 =	rddreg [dreg:$0x13]  }
0x4b: {  	[tilespmem:s15], [sflag:$0x1] =	stream.linear.gather [hbm4b:s2+s22], $0x140, $0x38;
	[tilespmem:$0x16100] =	vst v63  }
0x4c: {  	s2 =	rddreg [dreg:$0x14]  }
0x4d: {  	[tilespmem:s17], [sflag:$0x1] =	stream.linear.gather [hbm4b:s2+s22], $0x140, $0x38;
	[tilespmem:$0x16100] =	vst v63  }
0x4e: {  	s2 =	rddreg [dreg:$0x15]  }
0x4f: {  	[tilespmem:s18], [sflag:$0x1] =	stream.linear.gather [hbm4b:s2+s22], $0x140, $0x38;
	[tilespmem:$0x16100] =	vst v63  }
0x50: {  	s2 =	rddreg [dreg:$0x16]  }
0x51: {  	[tilespmem:s19], [sflag:$0x1] =	stream.linear.gather [hbm4b:s2+s22], $0x140, $0x38;
	[tilespmem:$0x16100] =	vst v63  }
0x52: {  	_ = 	snop  }
0x53: {  	[tilespmem:s20], [sflag:$0x1] =	stream.linear.gather [hbm4b:s31+s22], $0x140, $0x38;
	[tilespmem:$0x16100] =	vst v63  }
0x54: {  	_ =	swait.ge [sflag:s21], $0x140  }
0x55: {  	[sflag:s21] =	ssyncset.done $0x0  }
0x56: {  	[sflag:s21] =	ssyncadd.s32 $0xFFFFFEC0  }
0x57: {  	_ =	swait.ge [sflag:s21], $0x140  }
0x58: {  	[sflag:s21] =	ssyncset.done $0x0  }
0x59: {  	[sflag:s21] =	ssyncadd.s32 $0xFFFFFEC0  }
0x5a: {  	_ =	swait.ge [sflag:s21], $0x140  }
0x5b: {  	[sflag:s21] =	ssyncset.done $0x0  }
0x5c: {  	[sflag:s21] =	ssyncadd.s32 $0xFFFFFEC0  }
0x5d: {  	_ =	swait.ge [sflag:s21], $0x140  }
0x5e: {  	[sflag:s21] =	ssyncset.done $0x0  }
0x5f: {  	[sflag:s21] =	ssyncadd.s32 $0xFFFFFEC0  }
0x60: {  	_ =	swait.ge [sflag:s21], $0x140  }
0x61: {  	[sflag:s21] =	ssyncset.done $0x0  }
0x62: {  	[sflag:s21] =	ssyncadd.s32 $0xFFFFFEC0  }
0x63: {  	_ =	swait.ge [sflag:s21], $0x140  }
0x64: {  	[sflag:s21] =	ssyncset.done $0x0  }
0x65: {  	[sflag:s21] =	ssyncadd.s32 $0xFFFFFEC0  }
0x66: {  	_ =	swait.ge [sflag:s21], $0x140  }
0x67: {  	[sflag:s21] =	ssyncset.done $0x0  }
0x68: {  	[sflag:s21] =	ssyncadd.s32 $0xFFFFFEC0  }
0x69: {  	_ =	swait.ge [sflag:s21], $0x140  }
0x6a: {  	[sflag:s21] =	ssyncset.done $0x0  }
0x6b: {  	[sflag:s21] =	ssyncadd.s32 $0xFFFFFEC0  }
0x6c: {  	_ =	swait.ge [sflag:s21], $0x140  }
0x6d: {  	[sflag:s21] =	ssyncset.done $0x0  }
0x6e: {  	[sflag:s21] =	ssyncadd.s32 $0xFFFFFEC0  }
0x6f: {  	_ =	swait.ge [sflag:s21], $0x140  }
0x70: {  	[sflag:s21] =	ssyncset.done $0x0  }
0x71: {  	[sflag:s21] =	ssyncadd.s32 $0xFFFFFEC0  }
0x72: {  	_ =	swait.ge [sflag:s21], $0x140  }
0x73: {  	[sflag:s21] =	ssyncset.done $0x0  }
0x74: {  	[sflag:s21] =	ssyncadd.s32 $0xFFFFFEC0  }
0x75: {  	_ =	swait.ge [sflag:s21], $0x140  }
0x76: {  	[sflag:s21] =	ssyncset.done $0x0  }
0x77: {  	[sflag:s21] =	ssyncadd.s32 $0xFFFFFEC0  }
0x78: {  	_ =	swait.ge [sflag:s21], $0x140  }
0x79: {  	[sflag:s21] =	ssyncset.done $0x0  }
0x7a: {  	[sflag:s21] =	ssyncadd.s32 $0xFFFFFEC0  }
0x7b: {  	_ =	swait.ge [sflag:s21], $0x140  }
0x7c: {  	[sflag:s21] =	ssyncset.done $0x0  }
0x7d: {  	[sflag:s21] =	ssyncadd.s32 $0xFFFFFEC0  }
0x7e: {  	_ =	swait.ge [sflag:s21], $0x140  }
0x7f: {  	[sflag:s21] =	ssyncset.done $0x0  }
0x80: {  	[sflag:s21] =	ssyncadd.s32 $0xFFFFFEC0  }
0x81: {  	_ =	swait.ge [sflag:s21], $0x140  }
0x82: {  	[sflag:s21] =	ssyncset.done $0x0  }
0x83: {  	[sflag:s21] =	ssyncadd.s32 $0xFFFFFEC0  }
0x84: {  	_ =	swait.ge [sflag:s21], $0x140  }
0x85: {  	[sflag:s21] =	ssyncset.done $0x0  }
0x86: {  	[sflag:s21] =	ssyncadd.s32 $0xFFFFFEC0  }
0x87: {  	_ =	swait.ge [sflag:s21], $0x140  }
0x88: {  	[sflag:s21] =	ssyncset.done $0x0  }
0x89: {  	[sflag:s21] =	ssyncadd.s32 $0xFFFFFEC0  }
0x8a: {  	_ =	swait.ge [sflag:s21], $0x140  }
0x8b: {  	[sflag:s21] =	ssyncset.done $0x0  }
0x8c: {  	[sflag:s21] =	ssyncadd.s32 $0xFFFFFEC0  }
0x8d: {  	_ =	swait.ge [sflag:s21], $0x140  }
0x8e: {  	[sflag:s21] =	ssyncset.done $0x0  }
0x8f: {  	[sflag:s21] =	ssyncadd.s32 $0xFFFFFEC0  }
0x90: {  	_ =	swait.ge [sflag:s21], $0x140  }
0x91: {  	[sflag:s21] =	ssyncset.done $0x0  }
0x92: {  	[sflag:s21] =	ssyncadd.s32 $0xFFFFFEC0  }
0x93: {  	_ =	swait.ge [sflag:s21], $0x140  }
0x94: {  	[sflag:s21] =	ssyncset.done $0x0  }
0x95: {  	s1 =	simm.s32 $0x0;
	s2 =	simm.s32 $0x200;
	[sflag:s21] =	ssyncadd.s32 $0xFFFFFEC0  }
.LBB2_2:
0x96: {  	p0 =	sne.s32 s2, $0x27E00;
	[tilespmem:s1+$0x2170] =	vst v0  }
0x97: {  	[tilespmem:s1+$0x2100] =	vst v0  }
0x98: {  	[tilespmem:s1+$0x2110] =	vst v0  }
.Ltmp0:
0x99: {  	[tilespmem:s1+$0x2120] =	vst v0;
	(pc) =	sbr.rel @p0 .LBB2_2-.Ltmp0, $4  }
0x9a: {  	[tilespmem:s1+$0x2130] =	vst v0  }
0x9b: {  	[tilespmem:s1+$0x2140] =	vst v0  }
0x9c: {  	[tilespmem:s1+$0x2150] =	vst v0  }
0x9d: {  	[tilespmem:s1+$0x2160] =	vst v0;
	s1 =	sshra.s32 s2, $0x2;
	s2 =	sadd.s32 $0x200, s2  }
0x9e: {  	[tilespmem:s1+$0x2170] =	vst v0  }
0x9f: {  	[tilespmem:s1+$0x2100] =	vst v0  }
0xa0: {  	[tilespmem:s1+$0x2110] =	vst v0  }
0xa1: {  	[tilespmem:s1+$0x2120] =	vst v0  }
0xa2: {  	[tilespmem:s1+$0x2130] =	vst v0  }
0xa3: {  	[tilespmem:s1+$0x2140] =	vst v0  }
0xa4: {  	[tilespmem:s1+$0x2150] =	vst v0  }
0xa5: {  	[tilespmem:s1+$0x2160] =	vst v0;
	s2 =	simm.s32 $0x0  }
0xa6: {  	[tilespmem:s25], [sflag:$0x2] =	stream.indirect.gather.add.f32 [hbm:s26], $0x80, s2, s23, $0xb8;
	[tilespmem:$0x16100] =	vst v63  }
0xa7: {  	s2 =	simm.s32 $0x180  }
0xa8: {  	[tilespmem:s25], [sflag:$0x2] =	stream.indirect.gather.add.f32 [hbm:s26], $0x80, s2, s23, $0xb8;
	[tilespmem:$0x16100] =	vst v63  }
0xa9: {  	s2 =	simm.s32 $0x300  }
0xaa: {  	[tilespmem:s25], [sflag:$0x2] =	stream.indirect.gather.add.f32 [hbm:s26], $0x80, s2, s23, $0xb8;
	[tilespmem:$0x16100] =	vst v63  }
0xab: {  	s2 =	simm.s32 $0x480  }
0xac: {  	[tilespmem:s25], [sflag:$0x2] =	stream.indirect.gather.add.f32 [hbm:s26], $0x80, s2, s23, $0xb8;
	[tilespmem:$0x16100] =	vst v63  }
0xad: {  	s1 =	simm.s32 $0x0;
	s2 =	simm.s32 $0x200  }
.LBB2_4:
0xae: {  	p0 =	sne.s32 s2, $0x27E00;
	[tilespmem:s1+$0xC170] =	vst v0  }
0xaf: {  	[tilespmem:s1+$0xC100] =	vst v0  }
0xb0: {  	[tilespmem:s1+$0xC110] =	vst v0  }
.Ltmp1:
0xb1: {  	[tilespmem:s1+$0xC120] =	vst v0;
	(pc) =	sbr.rel @p0 .LBB2_4-.Ltmp1, $4  }
0xb2: {  	[tilespmem:s1+$0xC130] =	vst v0  }
0xb3: {  	[tilespmem:s1+$0xC140] =	vst v0  }
0xb4: {  	[tilespmem:s1+$0xC150] =	vst v0  }
0xb5: {  	[tilespmem:s1+$0xC160] =	vst v0;
	s1 =	sshra.s32 s2, $0x2;
	s2 =	sadd.s32 $0x200, s2  }
0xb6: {  	[tilespmem:s1+$0xC170] =	vst v0  }
0xb7: {  	[tilespmem:s1+$0xC100] =	vst v0  }
0xb8: {  	[tilespmem:s1+$0xC110] =	vst v0  }
0xb9: {  	[tilespmem:s1+$0xC120] =	vst v0  }
0xba: {  	[tilespmem:s1+$0xC130] =	vst v0  }
0xbb: {  	[tilespmem:s1+$0xC140] =	vst v0  }
0xbc: {  	[tilespmem:s1+$0xC150] =	vst v0  }
0xbd: {  	[tilespmem:s1+$0xC160] =	vst v0;
	s2 =	simm.s32 $0x600  }
0xbe: {  	[tilespmem:s16], [sflag:$0x3] =	stream.indirect.gather.add.f32 [hbm:s26], $0x80, s2, s23, $0xb8;
	[tilespmem:$0x16100] =	vst v63  }
0xbf: {  	_ = 	snop  }
0xc0: {  	[tilespmem:s16], [sflag:$0x3] =	stream.indirect.gather.add.f32 [hbm:s26], $0x80, s3, s23, $0xb8;
	[tilespmem:$0x16100] =	vst v63  }
0xc1: {  	_ = 	snop  }
0xc2: {  	[tilespmem:s16], [sflag:$0x3] =	stream.indirect.gather.add.f32 [hbm:s26], $0x80, s4, s23, $0xb8;
	[tilespmem:$0x16100] =	vst v63  }
0xc3: {  	_ = 	snop  }
0xc4: {  	[tilespmem:s16], [sflag:$0x3] =	stream.indirect.gather.add.f32 [hbm:s26], $0x80, s5, s23, $0xb8;
	[tilespmem:$0x16100] =	vst v63  }
0xc5: {  	_ = 	snop  }
0xc6: {  	[tilespmem:s16], [sflag:$0x3] =	stream.indirect.gather.add.f32 [hbm:s26], $0x80, s6, s23, $0xb8;
	[tilespmem:$0x16100] =	vst v63  }
0xc7: {  	_ =	swait.ge [sflag:s28], $0xA000  }
0xc8: {  	[sflag:s28] =	ssyncset.done $0x0  }
0xc9: {  	[sflag:s28] =	ssyncadd.s32 $0xFFFF6000  }
0xca: {  	_ =	swait.ge [sflag:s28], $0xA000  }
0xcb: {  	[sflag:s28] =	ssyncset.done $0x0  }
0xcc: {  	[sflag:s28] =	ssyncadd.s32 $0xFFFF6000  }
0xcd: {  	_ =	swait.ge [sflag:s28], $0xA000  }
0xce: {  	[sflag:s28] =	ssyncset.done $0x0  }
0xcf: {  	[sflag:s28] =	ssyncadd.s32 $0xFFFF6000  }
0xd0: {  	_ =	swait.ge [sflag:s28], $0xA000  }
0xd1: {  	[sflag:s28] =	ssyncset.done $0x0  }
0xd2: {  	s1 =	simm.s32 $0x0;
	s2 =	rddreg [dreg:$0x17];
	[sflag:s28] =	ssyncadd.s32 $0xFFFF6000  }
0xd3: {  	[hbm4b:s2+s1] =	stream.linear.scatter [tilespmem:s25], [sflag:$0x4], $0xA000, $0x38;
	[tilespmem:$0x16100] =	vst v63  }
0xd4: {  	_ =	swait.ge [sflag:s24], $0xA000  }
0xd5: {  	[sflag:s24] =	ssyncset.done $0x0  }
0xd6: {  	s1 =	simm.s32 $0x0;
	s2 =	simm.s32 $0x200;
	[sflag:s24] =	ssyncadd.s32 $0xFFFF6000  }
.LBB2_6:
0xd7: {  	p0 =	sne.s32 s2, $0x27E00;
	[tilespmem:s1+$0x2170] =	vst v0  }
0xd8: {  	[tilespmem:s1+$0x2100] =	vst v0  }
0xd9: {  	[tilespmem:s1+$0x2110] =	vst v0  }
.Ltmp2:
0xda: {  	[tilespmem:s1+$0x2120] =	vst v0;
	(pc) =	sbr.rel @p0 .LBB2_6-.Ltmp2, $4  }
0xdb: {  	[tilespmem:s1+$0x2130] =	vst v0  }
0xdc: {  	[tilespmem:s1+$0x2140] =	vst v0  }
0xdd: {  	[tilespmem:s1+$0x2150] =	vst v0  }
0xde: {  	[tilespmem:s1+$0x2160] =	vst v0;
	s1 =	sshra.s32 s2, $0x2;
	s2 =	sadd.s32 $0x200, s2  }
0xdf: {  	[tilespmem:s1+$0x2170] =	vst v0  }
0xe0: {  	[tilespmem:s1+$0x2100] =	vst v0  }
0xe1: {  	[tilespmem:s1+$0x2110] =	vst v0  }
0xe2: {  	[tilespmem:s1+$0x2120] =	vst v0  }
0xe3: {  	[tilespmem:s1+$0x2130] =	vst v0  }
0xe4: {  	[tilespmem:s1+$0x2140] =	vst v0  }
0xe5: {  	[tilespmem:s1+$0x2150] =	vst v0  }
0xe6: {  	[tilespmem:s1+$0x2160] =	vst v0  }
0xe7: {  	[tilespmem:s25], [sflag:$0x2] =	stream.indirect.gather.add.f32 [hbm:s26], $0x80, s7, s23, $0xb8;
	[tilespmem:$0x16100] =	vst v63  }
0xe8: {  	_ = 	snop  }
0xe9: {  	[tilespmem:s25], [sflag:$0x2] =	stream.indirect.gather.add.f32 [hbm:s26], $0x80, s8, s23, $0xb8;
	[tilespmem:$0x16100] =	vst v63  }
0xea: {  	_ = 	snop  }
0xeb: {  	[tilespmem:s25], [sflag:$0x2] =	stream.indirect.gather.add.f32 [hbm:s26], $0x80, s9, s23, $0xb8;
	[tilespmem:$0x16100] =	vst v63  }
0xec: {  	_ = 	snop  }
0xed: {  	[tilespmem:s25], [sflag:$0x2] =	stream.indirect.gather.add.f32 [hbm:s26], $0x80, s10, s23, $0xb8;
	[tilespmem:$0x16100] =	vst v63  }
0xee: {  	_ = 	snop  }
0xef: {  	[tilespmem:s25], [sflag:$0x2] =	stream.indirect.gather.add.f32 [hbm:s26], $0x80, s11, s23, $0xb8;
	[tilespmem:$0x16100] =	vst v63  }
0xf0: {  	_ = 	snop  }
0xf1: {  	[tilespmem:s25], [sflag:$0x2] =	stream.indirect.gather.add.f32 [hbm:s26], $0x80, s12, s23, $0xb8;
	[tilespmem:$0x16100] =	vst v63  }
0xf2: {  	_ =	swait.ge [sflag:s0], $0xA000  }
0xf3: {  	[sflag:s0] =	ssyncset.done $0x0  }
0xf4: {  	[sflag:s0] =	ssyncadd.s32 $0xFFFF6000  }
0xf5: {  	_ =	swait.ge [sflag:s0], $0xA000  }
0xf6: {  	[sflag:s0] =	ssyncset.done $0x0  }
0xf7: {  	[sflag:s0] =	ssyncadd.s32 $0xFFFF6000  }
0xf8: {  	_ =	swait.ge [sflag:s0], $0xA000  }
0xf9: {  	[sflag:s0] =	ssyncset.done $0x0  }
0xfa: {  	[sflag:s0] =	ssyncadd.s32 $0xFFFF6000  }
0xfb: {  	_ =	swait.ge [sflag:s0], $0xA000  }
0xfc: {  	[sflag:s0] =	ssyncset.done $0x0  }
0xfd: {  	[sflag:s0] =	ssyncadd.s32 $0xFFFF6000  }
0xfe: {  	_ =	swait.ge [sflag:s0], $0xA000  }
0xff: {  	[sflag:s0] =	ssyncset.done $0x0  }
0x100: {  	s1 =	simm.s32 $0x0;
	s2 =	rddreg [dreg:$0x18];
	[sflag:s0] =	ssyncadd.s32 $0xFFFF6000  }
0x101: {  	[hbm4b:s2+s1] =	stream.linear.scatter [tilespmem:s16], [sflag:$0x4], $0xA000, $0x38;
	[tilespmem:$0x16100] =	vst v63  }
0x102: {  	_ =	swait.ge [sflag:s24], $0xA000  }
0x103: {  	[sflag:s24] =	ssyncset.done $0x0  }
0x104: {  	s1 =	simm.s32 $0x0;
	s2 =	simm.s32 $0x200;
	[sflag:s24] =	ssyncadd.s32 $0xFFFF6000  }
.LBB2_8:
0x105: {  	p0 =	sne.s32 s2, $0x27E00;
	[tilespmem:s1+$0xC170] =	vst v0  }
0x106: {  	[tilespmem:s1+$0xC100] =	vst v0  }
0x107: {  	[tilespmem:s1+$0xC110] =	vst v0  }
.Ltmp3:
0x108: {  	[tilespmem:s1+$0xC120] =	vst v0;
	(pc) =	sbr.rel @p0 .LBB2_8-.Ltmp3, $4  }
0x109: {  	[tilespmem:s1+$0xC130] =	vst v0  }
0x10a: {  	[tilespmem:s1+$0xC140] =	vst v0  }
0x10b: {  	[tilespmem:s1+$0xC150] =	vst v0  }
0x10c: {  	[tilespmem:s1+$0xC160] =	vst v0;
	s1 =	sshra.s32 s2, $0x2;
	s2 =	sadd.s32 $0x200, s2  }
0x10d: {  	[tilespmem:s1+$0xC170] =	vst v0  }
0x10e: {  	[tilespmem:s1+$0xC100] =	vst v0  }
0x10f: {  	[tilespmem:s1+$0xC110] =	vst v0  }
0x110: {  	[tilespmem:s1+$0xC120] =	vst v0  }
0x111: {  	[tilespmem:s1+$0xC130] =	vst v0  }
0x112: {  	[tilespmem:s1+$0xC140] =	vst v0  }
0x113: {  	[tilespmem:s1+$0xC150] =	vst v0  }
0x114: {  	[tilespmem:s1+$0xC160] =	vst v0  }
0x115: {  	[tilespmem:s16], [sflag:$0x3] =	stream.indirect.gather.add.f32 [hbm:s26], $0x80, s13, s23, $0xb8;
	[tilespmem:$0x16100] =	vst v63  }
0x116: {  	_ = 	snop  }
0x117: {  	[tilespmem:s16], [sflag:$0x3] =	stream.indirect.gather.add.f32 [hbm:s26], $0x80, s14, s23, $0xb8;
	[tilespmem:$0x16100] =	vst v63  }
0x118: {  	_ = 	snop  }
0x119: {  	[tilespmem:s16], [sflag:$0x3] =	stream.indirect.gather.add.f32 [hbm:s26], $0x80, s15, s23, $0xb8;
	[tilespmem:$0x16100] =	vst v63  }
0x11a: {  	_ = 	snop  }
0x11b: {  	[tilespmem:s16], [sflag:$0x3] =	stream.indirect.gather.add.f32 [hbm:s26], $0x80, s17, s23, $0xb8;
	[tilespmem:$0x16100] =	vst v63  }
0x11c: {  	_ = 	snop  }
0x11d: {  	[tilespmem:s16], [sflag:$0x3] =	stream.indirect.gather.add.f32 [hbm:s26], $0x80, s18, s23, $0xb8;
	[tilespmem:$0x16100] =	vst v63  }
0x11e: {  	_ = 	snop  }
0x11f: {  	[tilespmem:s16], [sflag:$0x3] =	stream.indirect.gather.add.f32 [hbm:s26], $0x80, s19, s23, $0xb8;
	[tilespmem:$0x16100] =	vst v63  }
0x120: {  	_ = 	snop  }
0x121: {  	[tilespmem:s16], [sflag:$0x3] =	stream.indirect.gather.add.f32 [hbm:s26], $0x80, s20, s23, $0xb8;
	[tilespmem:$0x16100] =	vst v63  }
0x122: {  	_ =	swait.ge [sflag:s28], $0xA000  }
0x123: {  	[sflag:s28] =	ssyncset.done $0x0  }
0x124: {  	[sflag:s28] =	ssyncadd.s32 $0xFFFF6000  }
0x125: {  	_ =	swait.ge [sflag:s28], $0xA000  }
0x126: {  	[sflag:s28] =	ssyncset.done $0x0  }
0x127: {  	[sflag:s28] =	ssyncadd.s32 $0xFFFF6000  }
0x128: {  	_ =	swait.ge [sflag:s28], $0xA000  }
0x129: {  	[sflag:s28] =	ssyncset.done $0x0  }
0x12a: {  	[sflag:s28] =	ssyncadd.s32 $0xFFFF6000  }
0x12b: {  	_ =	swait.ge [sflag:s28], $0xA000  }
0x12c: {  	[sflag:s28] =	ssyncset.done $0x0  }
0x12d: {  	[sflag:s28] =	ssyncadd.s32 $0xFFFF6000  }
0x12e: {  	_ =	swait.ge [sflag:s28], $0xA000  }
0x12f: {  	[sflag:s28] =	ssyncset.done $0x0  }
0x130: {  	[sflag:s28] =	ssyncadd.s32 $0xFFFF6000  }
0x131: {  	_ =	swait.ge [sflag:s28], $0xA000  }
0x132: {  	[sflag:s28] =	ssyncset.done $0x0  }
0x133: {  	s2 =	rddreg [dreg:$0x19];
	[sflag:s28] =	ssyncadd.s32 $0xFFFF6000  }
0x134: {  	[hbm4b:s2+s22] =	stream.linear.scatter [tilespmem:s25], [sflag:$0x4], $0xA000, $0x38;
	[tilespmem:$0x16100] =	vst v63  }
0x135: {  	_ =	swait.ge [sflag:s24], $0xA000  }
0x136: {  	[sflag:s24] =	ssyncset.done $0x0  }
0x137: {  	[sflag:s24] =	ssyncadd.s32 $0xFFFF6000  }
0x138: {  	_ =	swait.ge [sflag:s0], $0xA000  }
0x139: {  	[sflag:s0] =	ssyncset.done $0x0  }
0x13a: {  	[sflag:s0] =	ssyncadd.s32 $0xFFFF6000  }
0x13b: {  	_ =	swait.ge [sflag:s0], $0xA000  }
0x13c: {  	[sflag:s0] =	ssyncset.done $0x0  }
0x13d: {  	[sflag:s0] =	ssyncadd.s32 $0xFFFF6000  }
0x13e: {  	_ =	swait.ge [sflag:s0], $0xA000  }
0x13f: {  	[sflag:s0] =	ssyncset.done $0x0  }
0x140: {  	[sflag:s0] =	ssyncadd.s32 $0xFFFF6000  }
0x141: {  	_ =	swait.ge [sflag:s0], $0xA000  }
0x142: {  	[sflag:s0] =	ssyncset.done $0x0  }
0x143: {  	[sflag:s0] =	ssyncadd.s32 $0xFFFF6000  }
0x144: {  	_ =	swait.ge [sflag:s0], $0xA000  }
0x145: {  	[sflag:s0] =	ssyncset.done $0x0  }
0x146: {  	[sflag:s0] =	ssyncadd.s32 $0xFFFF6000  }
0x147: {  	_ =	swait.ge [sflag:s0], $0xA000  }
0x148: {  	[sflag:s0] =	ssyncset.done $0x0  }
0x149: {  	[sflag:s0] =	ssyncadd.s32 $0xFFFF6000  }
0x14a: {  	_ =	swait.ge [sflag:s0], $0xA000  }
0x14b: {  	[sflag:s0] =	ssyncset.done $0x0  }
0x14c: {  	s2 =	rddreg [dreg:$0x1a];
	[sflag:s0] =	ssyncadd.s32 $0xFFFF6000  }
0x14d: {  	[hbm4b:s2+s22] =	stream.linear.scatter [tilespmem:s16], [sflag:$0x4], $0xA000, $0x38;
	[tilespmem:$0x16100] =	vst v63  }
0x14e: {  	_ =	swait.ge [sflag:s24], $0xA000  }
0x14f: {  	s29 =	sadd.s32 $0x1, s29;
	s2 =	rddreg [dreg:$0x1b]  }
0x150: {  	p0 =	sne.s32 s29, s2  }
.Ltmp4:
0x151: {  	_ = 	snop;
	(pc) =	sbr.rel @p0 .LBB2_1-.Ltmp4, $3  }
0x152: {  	_ =	sdelay $0x1  }
0x153: {  	[sflag:s24] =	ssyncset.done $0x0  }
0x154: {  	[sflag:s24] =	ssyncadd.s32 $0xFFFF6000  }
0x155: {  	_ =	sfence.sel $0x180000  }
0x156: {  	[bflag:$0x0] =	sbarrier.arrive $0xFFFF  }
0x157: {  	_ =	strace $0x9000004A  }
0x158: {  	s0 =	stileid.u32;
	[bflag:$0x2] =	sbarrier.arrive $0xFFFF  }
0x159: {  	p0 =	sne.s32 s0, $0x0;
	s0 =	rddreg [dreg:$0x2]  }
0x15a: {  	s0 =	sadd.s32 @!p0 $0x100000, s0  }
0x15b: {  	[sflag:s0] =	ssyncadd.tile.s32 @!p0 $0x1;
	_ =	shalt  }
.Lfunc_end2:
_tile_overlayer_lowered:
.L_overlay_start_2:
0x15c: {  	(tag) =	ssettag $0x2  }
0x15d: {  	s0 =	rddreg [dreg:$0x0];
	s2 =	stileid.u32  }
0x15e: {  	s1 =	rddreg [dreg:$0x1];
	p0 =	sne.s32 s2, $0x0  }
0x15f: {  	s3 =	rddreg [dreg:$0x2];
	[bflag:$0x3] =	sbarrier.arrive $0xFFFF;
	s2 =	simm.s32 @!p0 $0x1C04  }
0x160: {  	[timem:s3], [sflag:s2] =	dma.local @!p0 [hbm:s0], s1  }
0x161: {  	s0 =	simm.s32 @!p0 $0x4  }
0x162: {  	_ =	swait.ge @!p0 [sflag:s0], s1  }
0x163: {  	s1 =	ssub.s32 @!p0 $0x0, s1;
	[sflag:s0] =	ssyncset.done @!p0 $0x0  }
0x164: {  	[sflag:s0] =	ssyncadd.s32 @!p0 s1  }
0x165: {  	[bflag:$0x3] =	sbarrier.arrive $0xFFFF  }
0x166: {  	_ =	shalt  }

// kernel: kernel.14.cloned.1.call-start
scs
__scs_entry_jumppad:
0x0: {  	(pc) =	sbr.rel $0x88, $3  }
0x1: {  	(tag) =	ssettag $0x0;
	lr =	simm.s32 $0x1  }
0x2: {  	[smem:$0x3F94] =	sst lr;
	_ =	strace $0xD0000000  }
0x3: {  	_ = 	snop  }
0x4: {  	_ = 	snop  }
0x5: {  	_ = 	snop  }
0x6: {  	_ = 	snop  }
0x7: {  	_ = 	snop  }
__scs_overlays_trampoline_lowered:
0x8: {  	[smem:$0x3FA3] =	sst s0  }
0x9: {  	[smem:$0x3FA4] =	sst s1  }
0xa: {  	[smem:$0x3FA5] =	sst s2  }
0xb: {  	[smem:$0x3FA6] =	sst s3  }
0xc: {  	[smem:$0x3FA7] =	sst s4  }
0xd: {  	[smem:$0x3FA8] =	sst s5  }
0xe: {  	[smem:$0x3FA9] =	sst s6  }
0xf: {  	[smem:$0x3FAA] =	sst s7  }
0x10: {  	[smem:$0x3FAB] =	sst s8  }
0x11: {  	[smem:$0x3FAC] =	sst s9;
	s0 =	simm.s32 @!p0 $0x0  }
0x12: {  	s1 =	sld [smem:$0x3F92];
	s0 =	simm.s32 @p0 $0x1  }
0x13: {  	[smem:$0x3FAD] =	sst s0;
	s0 =	simm.s32 @!p1 $0x0  }
0x14: {  	s2 =	sld [smem:$0x3F91];
	s0 =	simm.s32 @p1 $0x1  }
0x15: {  	[smem:$0x3FAE] =	sst s0;
	s0 =	simm.s32 @!p2 $0x0  }
0x16: {  	s3 =	sld [smem:$0x3FDB];
	s0 =	simm.s32 @p2 $0x1  }
0x17: {  	s4 =	simm.s32 $0x1BF5;
	[smem:$0x3FB0] =	sst s0  }
0x18: {  	s0 =	sld [smem:$0x3F93];
	_ =	swait.ge [sflag:s4], $0x0  }
0x19: {  	s7 =	sld [smem:$0x3F94]  }
0x1a: {  	s8 =	sadd.s32 $0xFFFFE003, lr  }
0x1b: {  	s9 =	sadd.s32 $0xFFFFFEF7, lr;
	s5 =	simm.s32 $0xFFFFFFFF;
	p2 =	slt.u32 s8, $0xFFFFF086  }
0x1c: {  	p1 =	slt.u32 s9, $0xF7A;
	s5 =	simm.s32 @!p2 $0x0  }
0x1d: {  	s5 =	simm.s32 @p1 $0x1;
	p0 =	seq.s32 s7, s2  }
0x1e: {  	s7 =	smul.u32 @!p0 $0xF7A, s2;
	p2 =	seq.s32 @!p0 s5, $0x0  }
0x1f: {  	s9 =	smul.u32 $0xF7A, s1;
	s8 =	simm.s32 @!p0 $0x1BF5;
	p2 =	por !p2, p0  }
0x20: {  	[sflag:s8] =	ssyncset.s32 @!p0 $0xFFFFF086;
	s6 =	sadd.s32 @!p0 s3, s7;
	s7 =	simm.s32 @!p0 $0x108  }
0x21: {  	s3 =	sadd.s32 s3, s9;
	s6 =	sadd.s32 @!p0 $0x88, s6;
	s7 =	simm.s32 @p2 $0x1082  }
0x22: {  	[simem:s7], [sflag:s8] =	dma.local @!p0 [hbm:s6], $0xF7A  }
0x23: {  	s9 =	sor.u32 $0xD0000000, s2;
	s6 =	simm.s32 $0x108;
	_ =	swait.ge @!p0 [sflag:s8], $0x0  }
0x24: {  	s3 =	sadd.s32 $0x88, s3;
	s6 =	simm.s32 @!p1 $0x1082;
	[sflag:s4] =	ssyncset.s32 $0xFFFFF086  }
0x25: {  	[simem:s6], [sflag:s4] =	dma.local [hbm:s3], $0xF7A  }
0x26: {  	[smem:$0x3F94] =	sst s1;
	(tag) =	ssettag s2;
	_ =	strace s9  }
0x27: {  	s1 =	sld [smem:$0x3FA4]  }
0x28: {  	s2 =	sld [smem:$0x3FA5]  }
0x29: {  	s4 =	sld [smem:$0x3FA7]  }
0x2a: {  	p0 =	seq.s32 s5, $0x0;
	s5 =	sld [smem:$0x3FA8]  }
0x2b: {  	s6 =	sld [smem:$0x3FA9]  }
0x2c: {  	s7 =	sld [smem:$0x3FAA]  }
0x2d: {  	s3 =	simm.s32 $0x108;
	s8 =	sld [smem:$0x3FAB]  }
0x2e: {  	s3 =	simm.s32 @!p0 $0x1082;
	s9 =	sld [smem:$0x3FAC]  }
0x2f: {  	lr =	sadd.s32 s0, s3;
	s0 =	sld [smem:$0x3FA3]  }
0x30: {  	s3 =	sld [smem:$0x3FA6]  }
0x31: {  	[smem:$0x3FAF] =	sst s10  }
0x32: {  	s10 =	sld [smem:$0x3FAD];
	_ =	sdelay $0x3  }
0x33: {  	p0 =	seq.s32 s10, $0x1;
	s10 =	sld [smem:$0x3FAF];
	_ =	sdelay $0x3  }
0x34: {  	[smem:$0x3FAF] =	sst s10  }
0x35: {  	s10 =	sld [smem:$0x3FAE];
	_ =	sdelay $0x3  }
0x36: {  	p1 =	seq.s32 s10, $0x1;
	s10 =	sld [smem:$0x3FAF];
	_ =	sdelay $0x3  }
0x37: {  	[smem:$0x3FAF] =	sst s10  }
0x38: {  	s10 =	sld [smem:$0x3FB0]  }
0x39: {  	_ = 	snop;
	(pc) =	sbr.ind lr, $3  }
0x3a: {  	_ = 	snop  }
0x3b: {  	_ = 	snop  }
0x3c: {  	p2 =	seq.s32 s10, $0x1;
	s10 =	sld [smem:$0x3FAF]  }
0x3d: {  	_ =	shalt  }
0x3e: {  	_ =	shalt  }
0x3f: {  	_ =	shalt  }
0x40: {  	_ =	shalt  }
0x41: {  	_ =	shalt  }
0x42: {  	_ =	shalt  }
0x43: {  	_ =	shalt  }
0x44: {  	_ =	shalt  }
0x45: {  	_ =	shalt  }
0x46: {  	_ =	shalt  }
0x47: {  	_ =	shalt  }
0x48: {  	_ =	shalt  }
0x49: {  	_ =	shalt  }
0x4a: {  	_ =	shalt  }
0x4b: {  	_ =	shalt  }
0x4c: {  	_ =	shalt  }
0x4d: {  	_ =	shalt  }
0x4e: {  	_ =	shalt  }
0x4f: {  	_ =	shalt  }
0x50: {  	_ =	shalt  }
0x51: {  	_ =	shalt  }
0x52: {  	_ =	shalt  }
0x53: {  	_ =	shalt  }
0x54: {  	_ =	shalt  }
0x55: {  	_ =	shalt  }
0x56: {  	_ =	shalt  }
0x57: {  	_ =	shalt  }
0x58: {  	_ =	shalt  }
0x59: {  	_ =	shalt  }
0x5a: {  	_ =	shalt  }
0x5b: {  	_ =	shalt  }
0x5c: {  	_ =	shalt  }
0x5d: {  	_ =	shalt  }
0x5e: {  	_ =	shalt  }
0x5f: {  	_ =	shalt  }
0x60: {  	_ =	shalt  }
0x61: {  	_ =	shalt  }
0x62: {  	_ =	shalt  }
0x63: {  	_ =	shalt  }
0x64: {  	_ =	shalt  }
0x65: {  	_ =	shalt  }
0x66: {  	_ =	shalt  }
0x67: {  	_ =	shalt  }
0x68: {  	_ =	shalt  }
0x69: {  	_ =	shalt  }
0x6a: {  	_ =	shalt  }
0x6b: {  	_ =	shalt  }
0x6c: {  	_ =	shalt  }
0x6d: {  	_ =	shalt  }
0x6e: {  	_ =	shalt  }
0x6f: {  	_ =	shalt  }
0x70: {  	_ =	shalt  }
0x71: {  	_ =	shalt  }
0x72: {  	_ =	shalt  }
0x73: {  	_ =	shalt  }
0x74: {  	_ =	shalt  }
0x75: {  	_ =	shalt  }
0x76: {  	_ =	shalt  }
0x77: {  	_ =	shalt  }
0x78: {  	_ =	shalt  }
0x79: {  	_ =	shalt  }
0x7a: {  	_ =	shalt  }
0x7b: {  	_ =	shalt  }
0x7c: {  	_ =	shalt  }
0x7d: {  	_ =	shalt  }
0x7e: {  	_ =	shalt  }
0x7f: {  	_ =	shalt  }
0x80: {  	_ =	shalt  }
0x81: {  	_ =	shalt  }
0x82: {  	_ =	shalt  }
0x83: {  	_ =	shalt  }
0x84: {  	_ =	shalt  }
0x85: {  	_ =	shalt  }
0x86: {  	_ =	shalt  }
0x87: {  	_ =	shalt  }
.Lfunc_end0:
.L_simem_size_0:
called_computation.2_lowered:
.L_overlay_start_0:
0x88: {  	s2 =	sld [smem:$0x3FD9]  }
0x89: {  	s3 =	sld [smem:$0x3FFE];
	_ =	sdelay $0x1  }
0x8a: {  	s1 =	srdreg.scid  }
0x8b: {  	s0 =	sand.u32 $0x1, s1  }
0x8c: {  	s17 =	sshll.u32 s0, $0xA;
	s2 =	sadd.s32 s3, s2  }
0x8d: {  	s2 =	sadd.s32 s2, s17  }
0x8e: {  	[smem:$0x3FBB] =	sst s2  }
0x8f: {  	_ = 	snop  }
0x90: {  	s18 =	sld [smem:$0x3FC9];
	(tm) =	ssettm $0x1  }
0x91: {  	s19 =	sld [smem:$0x3FFB];
	_ =	sdelay $0x3  }
0x92: {  	_ =	strace s19  }
0x93: {  	s2 =	sld [smem:$0x3FFC];
	_ =	sdelay $0x3  }
0x94: {  	_ =	strace s2  }
0x95: {  	s2 =	sld [smem:$0x3FFD];
	_ =	sdelay $0x3  }
0x96: {  	_ =	strace s2  }
0x97: {  	_ =	strace $0x8FFFFFFF  }
0x98: {  	s20 =	sld [smem:$0x3FDB];
	_ =	sdelay $0x1  }
0x99: {  	s4 =	simm.s32 $_scs_section_size  }
0x9a: {  	s5 =	simm.s32 $_size__tile_overlayer_lowered;
	s6 =	simm.s32 $_tile_overlayer_lowered  }
0x9b: {  	s7 =	simm.s32 $0x1BFF;
	s21 =	sshll.u32 s6, $0x1;
	s4 =	sadd.s32 s4, s20  }
0x9c: {  	s22 =	simm.s32 $0x0;
	s5 =	sshll.u32 s5, $0x1;
	s6 =	sadd.s32 s21, s4  }
0x9d: {  	[timem:s22], [sflag:s7] =	dma.local [hbm:s6], s5  }
0x9e: {  	_ =	swait.ge [sflag:s7], s5  }
0x9f: {  	s5 =	ssub.s32 $0x0, s5;
	[sflag:s7] =	ssyncset.done $0x0  }
0xa0: {  	[sflag:s7] =	ssyncadd.s32 s5;
	_ =	sdelay $0x1  }
0xa1: {  	s23 =	simm.s32 $0x1B8B  }
0xa2: {  	_ =	swait.ge [sflag:s23], $0x1  }
0xa3: {  	[sflag:s23] =	ssyncset.done $0x0  }
0xa4: {  	[sflag:s23] =	ssyncadd.s32 $0xFFFFFFFF  }
0xa5: {  	s5 =	sld [smem:$0x0]  }
0xa6: {  	s6 =	sand.u32 $0xFFFFFFFE, s1  }
0xa7: {  	p0 =	sne.s32 s1, s6  }
0xa8: {  	s6 =	sshll.u32 @p0 s6, $0xE  }
0xa9: {  	s6 =	sadd.s32 @p0 $0x11B8D, s6;
	s7 =	sshll.u32 @p0 s5, $0x11  }
0xaa: {  	s6 =	sor.u32 @p0 s7, s6  }
0xab: {  	[sflag:s6] =	ssyncadd.remote.s32 @p0 $0x1;
	_ =	sdelay $0x1  }
0xac: {  	s6 =	simm.s32 @p0 $0x1B8D  }
0xad: {  	_ =	swait.eq @p0 [sflag:s6], $0x1  }
0xae: {  	[sflag:s6] =	ssyncadd.s32 @p0 $0xFFFFFFFF  }
0xaf: {  	s7 =	sshll.u32 @!p0 s1, $0xE  }
0xb0: {  	s7 =	sor.u32 @!p0 $0x4000, s7;
	s6 =	simm.s32 @!p0 $0x1B8D  }
0xb1: {  	s5 =	sshll.u32 @!p0 s5, $0x11;
	s7 =	sadd.s32 @!p0 $0x11B8D, s7;
	_ =	swait.eq @!p0 [sflag:s6], $0x1  }
0xb2: {  	s5 =	sor.u32 @!p0 s5, s7;
	[sflag:s6] =	ssyncadd.s32 @!p0 $0xFFFFFFFF  }
0xb3: {  	s25 =	simm.s32 $0x1B8E;
	s24 =	sld [smem:$0x3FFE];
	[sflag:s5] =	ssyncadd.remote.s32 @!p0 $0x1  }
0xb4: {  	s26 =	simm.s32 $execute0_lowered;
	[smem:$0x3FD2] =	sst s25  }
0xb5: {  	s6 =	sshll.u32 s26, $0x1;
	_ =	strace $0x8000004C;
	[dreg:$0x1] =	wrdreg $0xFFFFFFFF  }
0xb6: {  	s28 =	simm.s32 $_size_execute0_lowered;
	s4 =	sadd.s32 s4, s6;
	[dreg:$0x0] =	wrdreg $0x0  }
0xb7: {  	s6 =	sshll.u32 s28, $0x1;
	[dreg:$0x2] =	wrdreg s4  }
0xb8: {  	[dreg:$0x3] =	wrdreg s6  }
0xb9: {  	[dreg:$0x4] =	wrdreg $0xC0  }
0xba: {  	_ =	task [dreg:s22], $0x5FFFF  }
0xbb: {  	[dreg:$0x1] =	wrdreg $0xFFFFFFFF  }
0xbc: {  	[dreg:$0x0] =	wrdreg $0x60  }
0xbd: {  	[dreg:$0x2] =	wrdreg s18  }
0xbe: {  	[dreg:$0x3] =	wrdreg s24  }
0xbf: {  	[dreg:$0x4] =	wrdreg $0xB  }
0xc0: {  	_ =	task.clear_ibuf [dreg:s22], $0x5FFFF;
	_ =	strace $0x9000004C  }
0xc1: {  	s29 =	simm.s32 $0xB;
	_ =	strace $0x8000004E  }
0xc2: {  	_ =	swait.ge [sflag:s29], $0x1  }
0xc3: {  	[sflag:s29] =	ssyncadd.s32 $0xFFFFFFFF  }
0xc4: {  	_ =	strace $0x9000004E  }
0xc5: {  	_ =	sfence  }
0xc6: {  	s30 =	sld [smem:$0x0];
	_ =	sdelay $0x2  }
0xc7: {  	s31 =	sshll.u32 s1, $0xD;
	s1 =	sshrl.u32 s1, $0x2  }
0xc8: {  	s4 =	sand.u32 $0x4000, s31;
	s1 =	sadd.s32 s1, s30  }
0xc9: {  	s0 =	sor.u32 s4, s0;
	s1 =	sshll.u32 s1, $0x11  }
0xca: {  	s0 =	sor.u32 s1, s0  }
0xcb: {  	s0 =	sadd.s32 $0x8F2B, s0  }
0xcc: {  	[sflag:s0] =	ssyncadd.remote.s32 $0x1  }
0xcd: {  	_ =	sfence.sel $0xFFFF  }
0xce: {  	[dreg:$0x0] =	wrdreg $0xFFFFFFFF;
	(pc) =	sbr.abs _section_cstart, $3  }
0xcf: {  	[dreg:$0x1] =	wrdreg $0xFFFFFFFF  }
0xd0: {  	_ =	task.clear_ibuf [dreg:s22], $0x2FFFF;
	_ =	strace $0x9FFFFFFF  }
0xd1: {  	(tm) =	ssettm $0x7FFFFFFF  }
tec
execute0_lowered:
.L_overlay_start_1:
0x0: {  	(tag) =	ssettag $0x1  }
0x1: {  	s0 =	srdreg.scid;
	s3 =	rddreg [dreg:$0x1]  }
0x2: {  	s1 =	stileid.u32;
	s31 =	rddreg [dreg:$0x0];
	s29 =	simm.s32 $0x2280  }
0x3: {  	s30 =	simm.s32 $0x2400;
	s0 =	sand.u32 $0x1, s0;
	s2 =	sshll.u32 s1, $0x1  }
0x4: {  	s28 =	simm.s32 $0x140;
	s1 =	simm.s32 $0x0;
	s2 =	sor.u32 s0, s2  }
0x5: {  	s4 =	sadd.s32 $0xAD200, s3;
	s6 =	sadd.s32 $0xAA600, s3;
	s5 =	smul.u32 $0x140, s2  }
0x6: {  	[smem:$0x7FF] =	sst s1;
	s0 =	ssub.s32 $0x2, s0;
	p0 =	seq.s32 s2, $0x1F  }
0x7: {  	s2 =	sadd.s32 $0xA7400, s3;
	s7 =	sshrl.u32 s0, $0x1;
	s5 =	simm.s32 @p0 $0x25D0  }
0x8: {  	s0 =	ssub.s32 s0, s7;
	s7 =	sadd.s32 $0x2710, s5;
	s8 =	sshrl.u32 s5, $0x3  }
0x9: {  	s3 =	sadd.s32 $0xAFA00, s3;
	s9 =	sshrl.u32 s7, $0x3;
	s11 =	sadd.s32 s4, s8  }
0xa: {  	s13 =	sadd.s32 $0x1388, s8;
	[dreg:$0x3] =	wrdreg s11;
	s15 =	sadd.s32 s4, s9  }
0xb: {  	s0 =	smax.u32 s0, $0x1;
	s16 =	sadd.s32 s4, s13;
	[dreg:$0x4] =	wrdreg s15  }
0xc: {  	s10 =	sadd.s32 $0x4E20, s5;
	s18 =	sadd.s32 s6, s9;
	[dreg:$0x7] =	wrdreg s16  }
0xd: {  	s5 =	sshll.u32 s5, $0x4;
	s21 =	sadd.s32 s6, s13;
	[dreg:$0xc] =	wrdreg s18  }
0xe: {  	s11 =	sshrl.u32 s10, $0x3;
	s9 =	sadd.s32 s2, s9;
	[dreg:$0xf] =	wrdreg s21  }
0xf: {  	s23 =	sadd.s32 $0x2710, s8;
	s12 =	sadd.s32 s4, s11;
	[dreg:$0x14] =	wrdreg s9  }
0x10: {  	s26 =	sadd.s32 s2, s8;
	s19 =	sadd.s32 s6, s11;
	[dreg:$0x5] =	wrdreg s12  }
0x11: {  	s16 =	sadd.s32 $0x222E, s8;
	s11 =	sadd.s32 s2, s11;
	[dreg:$0xd] =	wrdreg s19  }
0x12: {  	s18 =	sadd.s32 s2, s13;
	s13 =	simm.s32 $0xF00;
	[dreg:$0x15] =	wrdreg s11  }
0x13: {  	s12 =	sadd.s32 $0xEA6, s8;
	s25 =	sadd.s32 s6, s16;
	[dreg:$0x17] =	wrdreg s18  }
0x14: {  	s21 =	sadd.s32 s2, s16;
	s11 =	smov.u32 s26;
	[dreg:$0x12] =	wrdreg s25  }
0x15: {  	s26 =	sadd.s32 $0x2BF2, s26;
	s14 =	sadd.s32 s4, s12;
	[dreg:$0x1a] =	wrdreg s21  }
0x16: {  	s20 =	sadd.s32 s6, s12;
	[dreg:$0x6] =	wrdreg s14;
	s14 =	sadd.s32 $0x186A, s8  }
0x17: {  	s18 =	simm.s32 $0x1680;
	[dreg:$0xe] =	wrdreg s20;
	s15 =	sadd.s32 s4, s14  }
0x18: {  	s21 =	simm.s32 $0x1980;
	s22 =	sadd.s32 s6, s14;
	[dreg:$0x8] =	wrdreg s15  }
0x19: {  	s19 =	sadd.s32 s2, s14;
	s14 =	simm.s32 $0x1080;
	[dreg:$0x10] =	wrdreg s22  }
0x1a: {  	s15 =	sadd.s32 $0x1D4C, s8;
	[dreg:$0x18] =	wrdreg s19;
	s22 =	sadd.s32 s3, s5  }
0x1b: {  	s19 =	simm.s32 $0x2580;
	s5 =	simm.s32 $0x1;
	s17 =	sadd.s32 s4, s15  }
0x1c: {  	s4 =	sadd.s32 s4, s16;
	s24 =	sadd.s32 s6, s15;
	[dreg:$0x1c] =	wrdreg s22  }
0x1d: {  	s20 =	sadd.s32 s2, s15;
	s15 =	simm.s32 $0x1200;
	[dreg:$0x9] =	wrdreg s17  }
0x1e: {  	s16 =	simm.s32 $0x1380;
	s22 =	simm.s32 $0x1B00;
	[dreg:$0xa] =	wrdreg s4  }
0x1f: {  	s17 =	sadd.s32 s6, s8;
	[dreg:$0x11] =	wrdreg s24;
	s6 =	sadd.s32 s6, s23  }
0x20: {  	[dreg:$0x19] =	wrdreg s20;
	s24 =	sshll.u32 s10, $0x4;
	s20 =	simm.s32 $0x1800  }
0x21: {  	s4 =	simm.s32 $0x2700;
	s8 =	simm.s32 $0x3;
	[dreg:$0xb] =	wrdreg s17  }
0x22: {  	[dreg:$0x13] =	wrdreg s6;
	s17 =	sadd.s32 s2, s12;
	s2 =	sadd.s32 s2, s23  }
0x23: {  	s23 =	sshll.u32 s7, $0x4;
	s25 =	sadd.s32 s3, s24;
	s12 =	simm.s32 $0xD80  }
0x24: {  	s24 =	simm.s32 $0x1E00;
	s6 =	simm.s32 $0x2880;
	[dreg:$0x16] =	wrdreg s17  }
0x25: {  	s7 =	simm.s32 $0x2;
	[dreg:$0x1b] =	wrdreg s2;
	s2 =	sadd.s32 s3, s23  }
0x26: {  	[dreg:$0x1e] =	wrdreg s25;
	s17 =	simm.s32 $0x1500;
	s23 =	simm.s32 $0x1C80  }
0x27: {  	s25 =	simm.s32 $0x1F80;
	s3 =	simm.s32 $0x0;
	[dreg:$0x1d] =	wrdreg s2  }
0x28: {  	s2 =	simm.s32 $0x4;
	_ =	strace $0x8000004D;
	[dreg:$0x1f] =	wrdreg s0  }
0x29: {  	v0 =	vimm.f32 $0.0e+00;
	[smem:$0x7FD] =	sst s26;
	s26 =	simm.s32 $0x2100;
	s0 =	simm.s32 $0xC880  }
.LBB2_1:
0x2a: {  	s9 =	rddreg [dreg:$0x3]  }
0x2b: {  	[tilespmem:s1], [sflag:$0x1] =	stream.linear.gather [hbm4b:s9+s1], $0x140, $0x38;
	[tilespmem:$0x16880] =	vst v63  }
0x2c: {  	s10 =	simm.s32 $0x180;
	s9 =	rddreg [dreg:$0x4]  }
0x2d: {  	[tilespmem:s10], [sflag:$0x1] =	stream.linear.gather [hbm4b:s9+s1], $0x140, $0x38;
	[tilespmem:$0x16880] =	vst v63  }
0x2e: {  	s9 =	rddreg [dreg:$0x5];
	s10 =	simm.s32 $0x300  }
0x2f: {  	[tilespmem:s10], [sflag:$0x1] =	stream.linear.gather [hbm4b:s9+s1], $0x140, $0x38;
	[tilespmem:$0x16880] =	vst v63  }
0x30: {  	s9 =	rddreg [dreg:$0x6];
	s10 =	simm.s32 $0x480  }
0x31: {  	[tilespmem:s10], [sflag:$0x1] =	stream.linear.gather [hbm4b:s9+s1], $0x140, $0x38;
	[tilespmem:$0x16880] =	vst v63  }
0x32: {  	s9 =	rddreg [dreg:$0x7];
	s10 =	simm.s32 $0x600  }
0x33: {  	[tilespmem:s10], [sflag:$0x1] =	stream.linear.gather [hbm4b:s9+s1], $0x140, $0x38;
	[tilespmem:$0x16880] =	vst v63  }
0x34: {  	s9 =	rddreg [dreg:$0x8];
	s10 =	simm.s32 $0x780  }
0x35: {  	[tilespmem:s10], [sflag:$0x1] =	stream.linear.gather [hbm4b:s9+s1], $0x140, $0x38;
	[tilespmem:$0x16880] =	vst v63  }
0x36: {  	s9 =	rddreg [dreg:$0x9];
	s10 =	simm.s32 $0x900  }
0x37: {  	[tilespmem:s10], [sflag:$0x1] =	stream.linear.gather [hbm4b:s9+s1], $0x140, $0x38;
	[tilespmem:$0x16880] =	vst v63  }
0x38: {  	s9 =	rddreg [dreg:$0xa];
	s10 =	simm.s32 $0xA80  }
0x39: {  	[tilespmem:s10], [sflag:$0x1] =	stream.linear.gather [hbm4b:s9+s1], $0x140, $0x38;
	[tilespmem:$0x16880] =	vst v63  }
0x3a: {  	s9 =	rddreg [dreg:$0xb];
	s10 =	simm.s32 $0xC00  }
0x3b: {  	[tilespmem:s10], [sflag:$0x1] =	stream.linear.gather [hbm4b:s9+s1], $0x140, $0x38;
	[tilespmem:$0x16880] =	vst v63  }
0x3c: {  	s10 =	rddreg [dreg:$0xc]  }
0x3d: {  	[tilespmem:s12], [sflag:$0x1] =	stream.linear.gather [hbm4b:s10+s1], $0x140, $0x38;
	[tilespmem:$0x16880] =	vst v63  }
0x3e: {  	s10 =	rddreg [dreg:$0xd]  }
0x3f: {  	[tilespmem:s13], [sflag:$0x1] =	stream.linear.gather [hbm4b:s10+s1], $0x140, $0x38;
	[tilespmem:$0x16880] =	vst v63  }
0x40: {  	s10 =	rddreg [dreg:$0xe]  }
0x41: {  	[tilespmem:s14], [sflag:$0x1] =	stream.linear.gather [hbm4b:s10+s1], $0x140, $0x38;
	[tilespmem:$0x16880] =	vst v63  }
0x42: {  	s10 =	rddreg [dreg:$0xf]  }
0x43: {  	[tilespmem:s15], [sflag:$0x1] =	stream.linear.gather [hbm4b:s10+s1], $0x140, $0x38;
	[tilespmem:$0x16880] =	vst v63  }
0x44: {  	s10 =	rddreg [dreg:$0x10]  }
0x45: {  	[tilespmem:s16], [sflag:$0x1] =	stream.linear.gather [hbm4b:s10+s1], $0x140, $0x38;
	[tilespmem:$0x16880] =	vst v63  }
0x46: {  	s10 =	rddreg [dreg:$0x11]  }
0x47: {  	[tilespmem:s17], [sflag:$0x1] =	stream.linear.gather [hbm4b:s10+s1], $0x140, $0x38;
	[tilespmem:$0x16880] =	vst v63  }
0x48: {  	s10 =	rddreg [dreg:$0x12]  }
0x49: {  	[tilespmem:s18], [sflag:$0x1] =	stream.linear.gather [hbm4b:s10+s1], $0x140, $0x38;
	[tilespmem:$0x16880] =	vst v63  }
0x4a: {  	s10 =	rddreg [dreg:$0x13]  }
0x4b: {  	[tilespmem:s20], [sflag:$0x1] =	stream.linear.gather [hbm4b:s10+s1], $0x140, $0x38;
	[tilespmem:$0x16880] =	vst v63  }
0x4c: {  	_ = 	snop  }
0x4d: {  	[tilespmem:s21], [sflag:$0x1] =	stream.linear.gather [hbm4b:s11+s1], $0x140, $0x38;
	[tilespmem:$0x16880] =	vst v63  }
0x4e: {  	s10 =	rddreg [dreg:$0x14]  }
0x4f: {  	[tilespmem:s22], [sflag:$0x1] =	stream.linear.gather [hbm4b:s10+s1], $0x140, $0x38;
	[tilespmem:$0x16880] =	vst v63  }
0x50: {  	s10 =	rddreg [dreg:$0x15]  }
0x51: {  	[tilespmem:s23], [sflag:$0x1] =	stream.linear.gather [hbm4b:s10+s1], $0x140, $0x38;
	[tilespmem:$0x16880] =	vst v63  }
0x52: {  	s10 =	rddreg [dreg:$0x16]  }
0x53: {  	[tilespmem:s24], [sflag:$0x1] =	stream.linear.gather [hbm4b:s10+s1], $0x140, $0x38;
	[tilespmem:$0x16880] =	vst v63  }
0x54: {  	s10 =	rddreg [dreg:$0x17]  }
0x55: {  	[tilespmem:s25], [sflag:$0x1] =	stream.linear.gather [hbm4b:s10+s1], $0x140, $0x38;
	[tilespmem:$0x16880] =	vst v63  }
0x56: {  	s10 =	rddreg [dreg:$0x18]  }
0x57: {  	[tilespmem:s26], [sflag:$0x1] =	stream.linear.gather [hbm4b:s10+s1], $0x140, $0x38;
	[tilespmem:$0x16880] =	vst v63  }
0x58: {  	s10 =	rddreg [dreg:$0x19]  }
0x59: {  	[tilespmem:s29], [sflag:$0x1] =	stream.linear.gather [hbm4b:s10+s1], $0x140, $0x38;
	[tilespmem:$0x16880] =	vst v63  }
0x5a: {  	s10 =	rddreg [dreg:$0x1a]  }
0x5b: {  	[tilespmem:s30], [sflag:$0x1] =	stream.linear.gather [hbm4b:s10+s1], $0x140, $0x38;
	[tilespmem:$0x16880] =	vst v63  }
0x5c: {  	s10 =	rddreg [dreg:$0x1b]  }
0x5d: {  	[tilespmem:s19], [sflag:$0x1] =	stream.linear.gather [hbm4b:s10+s1], $0x140, $0x38;
	[tilespmem:$0x16880] =	vst v63  }
0x5e: {  	s10 =	sld [smem:$0x7FD];
	_ =	sdelay $0x2  }
0x5f: {  	[tilespmem:s4], [sflag:$0x1] =	stream.linear.gather [hbm4b:s10+s1], $0x140, $0x38;
	[tilespmem:$0x16880] =	vst v63  }
0x60: {  	_ =	swait.ge [sflag:s5], $0x140  }
0x61: {  	[sflag:s5] =	ssyncset.done $0x0  }
0x62: {  	[sflag:s5] =	ssyncadd.s32 $0xFFFFFEC0  }
0x63: {  	_ =	swait.ge [sflag:s5], $0x140  }
0x64: {  	[sflag:s5] =	ssyncset.done $0x0  }
0x65: {  	[sflag:s5] =	ssyncadd.s32 $0xFFFFFEC0  }
0x66: {  	_ =	swait.ge [sflag:s5], $0x140  }
0x67: {  	[sflag:s5] =	ssyncset.done $0x0  }
0x68: {  	[sflag:s5] =	ssyncadd.s32 $0xFFFFFEC0  }
0x69: {  	_ =	swait.ge [sflag:s5], $0x140  }
0x6a: {  	[sflag:s5] =	ssyncset.done $0x0  }
0x6b: {  	[sflag:s5] =	ssyncadd.s32 $0xFFFFFEC0  }
0x6c: {  	_ =	swait.ge [sflag:s5], $0x140  }
0x6d: {  	[sflag:s5] =	ssyncset.done $0x0  }
0x6e: {  	[sflag:s5] =	ssyncadd.s32 $0xFFFFFEC0  }
0x6f: {  	_ =	swait.ge [sflag:s5], $0x140  }
0x70: {  	[sflag:s5] =	ssyncset.done $0x0  }
0x71: {  	[sflag:s5] =	ssyncadd.s32 $0xFFFFFEC0  }
0x72: {  	_ =	swait.ge [sflag:s5], $0x140  }
0x73: {  	[sflag:s5] =	ssyncset.done $0x0  }
0x74: {  	[sflag:s5] =	ssyncadd.s32 $0xFFFFFEC0  }
0x75: {  	_ =	swait.ge [sflag:s5], $0x140  }
0x76: {  	[sflag:s5] =	ssyncset.done $0x0  }
0x77: {  	[sflag:s5] =	ssyncadd.s32 $0xFFFFFEC0  }
0x78: {  	_ =	swait.ge [sflag:s5], $0x140  }
0x79: {  	[sflag:s5] =	ssyncset.done $0x0  }
0x7a: {  	[sflag:s5] =	ssyncadd.s32 $0xFFFFFEC0  }
0x7b: {  	_ =	swait.ge [sflag:s5], $0x140  }
0x7c: {  	[sflag:s5] =	ssyncset.done $0x0  }
0x7d: {  	[sflag:s5] =	ssyncadd.s32 $0xFFFFFEC0  }
0x7e: {  	_ =	swait.ge [sflag:s5], $0x140  }
0x7f: {  	[sflag:s5] =	ssyncset.done $0x0  }
0x80: {  	[sflag:s5] =	ssyncadd.s32 $0xFFFFFEC0  }
0x81: {  	_ =	swait.ge [sflag:s5], $0x140  }
0x82: {  	[sflag:s5] =	ssyncset.done $0x0  }
0x83: {  	[sflag:s5] =	ssyncadd.s32 $0xFFFFFEC0  }
0x84: {  	_ =	swait.ge [sflag:s5], $0x140  }
0x85: {  	[sflag:s5] =	ssyncset.done $0x0  }
0x86: {  	[sflag:s5] =	ssyncadd.s32 $0xFFFFFEC0  }
0x87: {  	_ =	swait.ge [sflag:s5], $0x140  }
0x88: {  	[sflag:s5] =	ssyncset.done $0x0  }
0x89: {  	[sflag:s5] =	ssyncadd.s32 $0xFFFFFEC0  }
0x8a: {  	_ =	swait.ge [sflag:s5], $0x140  }
0x8b: {  	[sflag:s5] =	ssyncset.done $0x0  }
0x8c: {  	[sflag:s5] =	ssyncadd.s32 $0xFFFFFEC0  }
0x8d: {  	_ =	swait.ge [sflag:s5], $0x140  }
0x8e: {  	[sflag:s5] =	ssyncset.done $0x0  }
0x8f: {  	[sflag:s5] =	ssyncadd.s32 $0xFFFFFEC0  }
0x90: {  	_ =	swait.ge [sflag:s5], $0x140  }
0x91: {  	[sflag:s5] =	ssyncset.done $0x0  }
0x92: {  	[sflag:s5] =	ssyncadd.s32 $0xFFFFFEC0  }
0x93: {  	_ =	swait.ge [sflag:s5], $0x140  }
0x94: {  	[sflag:s5] =	ssyncset.done $0x0  }
0x95: {  	[sflag:s5] =	ssyncadd.s32 $0xFFFFFEC0  }
0x96: {  	_ =	swait.ge [sflag:s5], $0x140  }
0x97: {  	[sflag:s5] =	ssyncset.done $0x0  }
0x98: {  	[sflag:s5] =	ssyncadd.s32 $0xFFFFFEC0  }
0x99: {  	_ =	swait.ge [sflag:s5], $0x140  }
0x9a: {  	[sflag:s5] =	ssyncset.done $0x0  }
0x9b: {  	[sflag:s5] =	ssyncadd.s32 $0xFFFFFEC0  }
0x9c: {  	_ =	swait.ge [sflag:s5], $0x140  }
0x9d: {  	[sflag:s5] =	ssyncset.done $0x0  }
0x9e: {  	[sflag:s5] =	ssyncadd.s32 $0xFFFFFEC0  }
0x9f: {  	_ =	swait.ge [sflag:s5], $0x140  }
0xa0: {  	[sflag:s5] =	ssyncset.done $0x0  }
0xa1: {  	[sflag:s5] =	ssyncadd.s32 $0xFFFFFEC0  }
0xa2: {  	_ =	swait.ge [sflag:s5], $0x140  }
0xa3: {  	[sflag:s5] =	ssyncset.done $0x0  }
0xa4: {  	[sflag:s5] =	ssyncadd.s32 $0xFFFFFEC0  }
0xa5: {  	_ =	swait.ge [sflag:s5], $0x140  }
0xa6: {  	[sflag:s5] =	ssyncset.done $0x0  }
0xa7: {  	[sflag:s5] =	ssyncadd.s32 $0xFFFFFEC0  }
0xa8: {  	_ =	swait.ge [sflag:s5], $0x140  }
0xa9: {  	[sflag:s5] =	ssyncset.done $0x0  }
0xaa: {  	[sflag:s5] =	ssyncadd.s32 $0xFFFFFEC0  }
0xab: {  	_ =	swait.ge [sflag:s5], $0x140  }
0xac: {  	[sflag:s5] =	ssyncset.done $0x0  }
0xad: {  	[sflag:s5] =	ssyncadd.s32 $0xFFFFFEC0  }
0xae: {  	_ =	swait.ge [sflag:s5], $0x140  }
0xaf: {  	[sflag:s5] =	ssyncset.done $0x0  }
0xb0: {  	s9 =	simm.s32 $0x0;
	s10 =	simm.s32 $0x200;
	[sflag:s5] =	ssyncadd.s32 $0xFFFFFEC0  }
.LBB2_2:
0xb1: {  	p0 =	sne.s32 s10, $0x27E00;
	[tilespmem:s9+$0x28F0] =	vst v0  }
0xb2: {  	[tilespmem:s9+$0x2880] =	vst v0  }
0xb3: {  	[tilespmem:s9+$0x2890] =	vst v0  }
.Ltmp0:
0xb4: {  	[tilespmem:s9+$0x28A0] =	vst v0;
	(pc) =	sbr.rel @p0 .LBB2_2-.Ltmp0, $4  }
0xb5: {  	[tilespmem:s9+$0x28B0] =	vst v0  }
0xb6: {  	[tilespmem:s9+$0x28C0] =	vst v0  }
0xb7: {  	[tilespmem:s9+$0x28D0] =	vst v0  }
0xb8: {  	[tilespmem:s9+$0x28E0] =	vst v0;
	s9 =	sshra.s32 s10, $0x2;
	s10 =	sadd.s32 $0x200, s10  }
0xb9: {  	[tilespmem:s9+$0x28F0] =	vst v0  }
0xba: {  	[tilespmem:s9+$0x2880] =	vst v0  }
0xbb: {  	[tilespmem:s9+$0x2890] =	vst v0  }
0xbc: {  	[tilespmem:s9+$0x28A0] =	vst v0  }
0xbd: {  	[tilespmem:s9+$0x28B0] =	vst v0  }
0xbe: {  	[tilespmem:s9+$0x28C0] =	vst v0  }
0xbf: {  	[tilespmem:s9+$0x28D0] =	vst v0  }
0xc0: {  	[tilespmem:s9+$0x28E0] =	vst v0;
	s10 =	simm.s32 $0x0  }
0xc1: {  	[tilespmem:s6], [sflag:$0x2] =	stream.indirect.gather.add.f32 [hbm:s31], $0x80, s10, s28, $0xb8;
	[tilespmem:$0x16880] =	vst v63  }
0xc2: {  	s10 =	simm.s32 $0x180  }
0xc3: {  	[tilespmem:s6], [sflag:$0x2] =	stream.indirect.gather.add.f32 [hbm:s31], $0x80, s10, s28, $0xb8;
	[tilespmem:$0x16880] =	vst v63  }
0xc4: {  	s10 =	simm.s32 $0x300  }
0xc5: {  	[tilespmem:s6], [sflag:$0x2] =	stream.indirect.gather.add.f32 [hbm:s31], $0x80, s10, s28, $0xb8;
	[tilespmem:$0x16880] =	vst v63  }
0xc6: {  	s10 =	simm.s32 $0x480  }
0xc7: {  	[tilespmem:s6], [sflag:$0x2] =	stream.indirect.gather.add.f32 [hbm:s31], $0x80, s10, s28, $0xb8;
	[tilespmem:$0x16880] =	vst v63  }
0xc8: {  	s10 =	simm.s32 $0x600  }
0xc9: {  	[tilespmem:s6], [sflag:$0x2] =	stream.indirect.gather.add.f32 [hbm:s31], $0x80, s10, s28, $0xb8;
	[tilespmem:$0x16880] =	vst v63  }
0xca: {  	s10 =	simm.s32 $0x780  }
0xcb: {  	[tilespmem:s6], [sflag:$0x2] =	stream.indirect.gather.add.f32 [hbm:s31], $0x80, s10, s28, $0xb8;
	[tilespmem:$0x16880] =	vst v63  }
0xcc: {  	s10 =	simm.s32 $0x900  }
0xcd: {  	[tilespmem:s6], [sflag:$0x2] =	stream.indirect.gather.add.f32 [hbm:s31], $0x80, s10, s28, $0xb8;
	[tilespmem:$0x16880] =	vst v63  }
0xce: {  	s10 =	simm.s32 $0xA80  }
0xcf: {  	[tilespmem:s6], [sflag:$0x2] =	stream.indirect.gather.add.f32 [hbm:s31], $0x80, s10, s28, $0xb8;
	[tilespmem:$0x16880] =	vst v63  }
0xd0: {  	s9 =	simm.s32 $0x0;
	s10 =	simm.s32 $0x200  }
.LBB2_4:
0xd1: {  	p0 =	sne.s32 s10, $0x27E00;
	[tilespmem:s9+$0xC8F0] =	vst v0  }
0xd2: {  	[tilespmem:s9+$0xC880] =	vst v0  }
0xd3: {  	[tilespmem:s9+$0xC890] =	vst v0  }
.Ltmp1:
0xd4: {  	[tilespmem:s9+$0xC8A0] =	vst v0;
	(pc) =	sbr.rel @p0 .LBB2_4-.Ltmp1, $4  }
0xd5: {  	[tilespmem:s9+$0xC8B0] =	vst v0  }
0xd6: {  	[tilespmem:s9+$0xC8C0] =	vst v0  }
0xd7: {  	[tilespmem:s9+$0xC8D0] =	vst v0  }
0xd8: {  	[tilespmem:s9+$0xC8E0] =	vst v0;
	s9 =	sshra.s32 s10, $0x2;
	s10 =	sadd.s32 $0x200, s10  }
0xd9: {  	[tilespmem:s9+$0xC8F0] =	vst v0  }
0xda: {  	[tilespmem:s9+$0xC880] =	vst v0  }
0xdb: {  	[tilespmem:s9+$0xC890] =	vst v0  }
0xdc: {  	[tilespmem:s9+$0xC8A0] =	vst v0  }
0xdd: {  	[tilespmem:s9+$0xC8B0] =	vst v0  }
0xde: {  	[tilespmem:s9+$0xC8C0] =	vst v0  }
0xdf: {  	[tilespmem:s9+$0xC8D0] =	vst v0  }
0xe0: {  	[tilespmem:s9+$0xC8E0] =	vst v0;
	s10 =	simm.s32 $0xC00  }
0xe1: {  	[tilespmem:s0], [sflag:$0x3] =	stream.indirect.gather.add.f32 [hbm:s31], $0x80, s10, s28, $0xb8;
	[tilespmem:$0x16880] =	vst v63  }
0xe2: {  	_ = 	snop  }
0xe3: {  	[tilespmem:s0], [sflag:$0x3] =	stream.indirect.gather.add.f32 [hbm:s31], $0x80, s12, s28, $0xb8;
	[tilespmem:$0x16880] =	vst v63  }
0xe4: {  	_ = 	snop  }
0xe5: {  	[tilespmem:s0], [sflag:$0x3] =	stream.indirect.gather.add.f32 [hbm:s31], $0x80, s13, s28, $0xb8;
	[tilespmem:$0x16880] =	vst v63  }
0xe6: {  	_ = 	snop  }
0xe7: {  	[tilespmem:s0], [sflag:$0x3] =	stream.indirect.gather.add.f32 [hbm:s31], $0x80, s14, s28, $0xb8;
	[tilespmem:$0x16880] =	vst v63  }
0xe8: {  	_ = 	snop  }
0xe9: {  	[tilespmem:s0], [sflag:$0x3] =	stream.indirect.gather.add.f32 [hbm:s31], $0x80, s15, s28, $0xb8;
	[tilespmem:$0x16880] =	vst v63  }
0xea: {  	_ = 	snop  }
0xeb: {  	[tilespmem:s0], [sflag:$0x3] =	stream.indirect.gather.add.f32 [hbm:s31], $0x80, s16, s28, $0xb8;
	[tilespmem:$0x16880] =	vst v63  }
0xec: {  	_ = 	snop  }
0xed: {  	[tilespmem:s0], [sflag:$0x3] =	stream.indirect.gather.add.f32 [hbm:s31], $0x80, s17, s28, $0xb8;
	[tilespmem:$0x16880] =	vst v63  }
0xee: {  	_ = 	snop  }
0xef: {  	[tilespmem:s0], [sflag:$0x3] =	stream.indirect.gather.add.f32 [hbm:s31], $0x80, s18, s28, $0xb8;
	[tilespmem:$0x16880] =	vst v63  }
0xf0: {  	_ = 	snop  }
0xf1: {  	[tilespmem:s0], [sflag:$0x3] =	stream.indirect.gather.add.f32 [hbm:s31], $0x80, s20, s28, $0xb8;
	[tilespmem:$0x16880] =	vst v63  }
0xf2: {  	_ =	swait.ge [sflag:s7], $0xA000  }
0xf3: {  	[sflag:s7] =	ssyncset.done $0x0  }
0xf4: {  	[sflag:s7] =	ssyncadd.s32 $0xFFFF6000  }
0xf5: {  	_ =	swait.ge [sflag:s7], $0xA000  }
0xf6: {  	[sflag:s7] =	ssyncset.done $0x0  }
0xf7: {  	[sflag:s7] =	ssyncadd.s32 $0xFFFF6000  }
0xf8: {  	_ =	swait.ge [sflag:s7], $0xA000  }
0xf9: {  	[sflag:s7] =	ssyncset.done $0x0  }
0xfa: {  	[sflag:s7] =	ssyncadd.s32 $0xFFFF6000  }
0xfb: {  	_ =	swait.ge [sflag:s7], $0xA000  }
0xfc: {  	[sflag:s7] =	ssyncset.done $0x0  }
0xfd: {  	[sflag:s7] =	ssyncadd.s32 $0xFFFF6000  }
0xfe: {  	_ =	swait.ge [sflag:s7], $0xA000  }
0xff: {  	[sflag:s7] =	ssyncset.done $0x0  }
0x100: {  	[sflag:s7] =	ssyncadd.s32 $0xFFFF6000  }
0x101: {  	_ =	swait.ge [sflag:s7], $0xA000  }
0x102: {  	[sflag:s7] =	ssyncset.done $0x0  }
0x103: {  	[sflag:s7] =	ssyncadd.s32 $0xFFFF6000  }
0x104: {  	_ =	swait.ge [sflag:s7], $0xA000  }
0x105: {  	[sflag:s7] =	ssyncset.done $0x0  }
0x106: {  	[sflag:s7] =	ssyncadd.s32 $0xFFFF6000  }
0x107: {  	_ =	swait.ge [sflag:s7], $0xA000  }
0x108: {  	[sflag:s7] =	ssyncset.done $0x0  }
0x109: {  	s9 =	simm.s32 $0x0;
	s10 =	rddreg [dreg:$0x1c];
	[sflag:s7] =	ssyncadd.s32 $0xFFFF6000  }
0x10a: {  	[hbm4b:s10+s9] =	stream.linear.scatter [tilespmem:s6], [sflag:$0x4], $0xA000, $0x38;
	[tilespmem:$0x16880] =	vst v63  }
0x10b: {  	_ =	swait.ge [sflag:s2], $0xA000  }
0x10c: {  	[sflag:s2] =	ssyncset.done $0x0  }
0x10d: {  	s9 =	simm.s32 $0x0;
	s10 =	simm.s32 $0x200;
	[sflag:s2] =	ssyncadd.s32 $0xFFFF6000  }
.LBB2_6:
0x10e: {  	p0 =	sne.s32 s10, $0x27E00;
	[tilespmem:s9+$0x28F0] =	vst v0  }
0x10f: {  	[tilespmem:s9+$0x2880] =	vst v0  }
0x110: {  	[tilespmem:s9+$0x2890] =	vst v0  }
.Ltmp2:
0x111: {  	[tilespmem:s9+$0x28A0] =	vst v0;
	(pc) =	sbr.rel @p0 .LBB2_6-.Ltmp2, $4  }
0x112: {  	[tilespmem:s9+$0x28B0] =	vst v0  }
0x113: {  	[tilespmem:s9+$0x28C0] =	vst v0  }
0x114: {  	[tilespmem:s9+$0x28D0] =	vst v0  }
0x115: {  	[tilespmem:s9+$0x28E0] =	vst v0;
	s9 =	sshra.s32 s10, $0x2;
	s10 =	sadd.s32 $0x200, s10  }
0x116: {  	[tilespmem:s9+$0x28F0] =	vst v0  }
0x117: {  	[tilespmem:s9+$0x2880] =	vst v0  }
0x118: {  	[tilespmem:s9+$0x2890] =	vst v0  }
0x119: {  	[tilespmem:s9+$0x28A0] =	vst v0  }
0x11a: {  	[tilespmem:s9+$0x28B0] =	vst v0  }
0x11b: {  	[tilespmem:s9+$0x28C0] =	vst v0  }
0x11c: {  	[tilespmem:s9+$0x28D0] =	vst v0  }
0x11d: {  	[tilespmem:s9+$0x28E0] =	vst v0  }
0x11e: {  	[tilespmem:s6], [sflag:$0x2] =	stream.indirect.gather.add.f32 [hbm:s31], $0x80, s21, s28, $0xb8;
	[tilespmem:$0x16880] =	vst v63  }
0x11f: {  	_ = 	snop  }
0x120: {  	[tilespmem:s6], [sflag:$0x2] =	stream.indirect.gather.add.f32 [hbm:s31], $0x80, s22, s28, $0xb8;
	[tilespmem:$0x16880] =	vst v63  }
0x121: {  	_ = 	snop  }
0x122: {  	[tilespmem:s6], [sflag:$0x2] =	stream.indirect.gather.add.f32 [hbm:s31], $0x80, s23, s28, $0xb8;
	[tilespmem:$0x16880] =	vst v63  }
0x123: {  	_ = 	snop  }
0x124: {  	[tilespmem:s6], [sflag:$0x2] =	stream.indirect.gather.add.f32 [hbm:s31], $0x80, s24, s28, $0xb8;
	[tilespmem:$0x16880] =	vst v63  }
0x125: {  	_ = 	snop  }
0x126: {  	[tilespmem:s6], [sflag:$0x2] =	stream.indirect.gather.add.f32 [hbm:s31], $0x80, s25, s28, $0xb8;
	[tilespmem:$0x16880] =	vst v63  }
0x127: {  	_ = 	snop  }
0x128: {  	[tilespmem:s6], [sflag:$0x2] =	stream.indirect.gather.add.f32 [hbm:s31], $0x80, s26, s28, $0xb8;
	[tilespmem:$0x16880] =	vst v63  }
0x129: {  	_ = 	snop  }
0x12a: {  	[tilespmem:s6], [sflag:$0x2] =	stream.indirect.gather.add.f32 [hbm:s31], $0x80, s29, s28, $0xb8;
	[tilespmem:$0x16880] =	vst v63  }
0x12b: {  	_ = 	snop  }
0x12c: {  	[tilespmem:s6], [sflag:$0x2] =	stream.indirect.gather.add.f32 [hbm:s31], $0x80, s30, s28, $0xb8;
	[tilespmem:$0x16880] =	vst v63  }
0x12d: {  	_ = 	snop  }
0x12e: {  	[tilespmem:s6], [sflag:$0x2] =	stream.indirect.gather.add.f32 [hbm:s31], $0x80, s19, s28, $0xb8;
	[tilespmem:$0x16880] =	vst v63  }
0x12f: {  	_ = 	snop  }
0x130: {  	[tilespmem:s6], [sflag:$0x2] =	stream.indirect.gather.add.f32 [hbm:s31], $0x80, s4, s28, $0xb8;
	[tilespmem:$0x16880] =	vst v63  }
0x131: {  	_ =	swait.ge [sflag:s8], $0xA000  }
0x132: {  	[sflag:s8] =	ssyncset.done $0x0  }
0x133: {  	[sflag:s8] =	ssyncadd.s32 $0xFFFF6000  }
0x134: {  	_ =	swait.ge [sflag:s8], $0xA000  }
0x135: {  	[sflag:s8] =	ssyncset.done $0x0  }
0x136: {  	[sflag:s8] =	ssyncadd.s32 $0xFFFF6000  }
0x137: {  	_ =	swait.ge [sflag:s8], $0xA000  }
0x138: {  	[sflag:s8] =	ssyncset.done $0x0  }
0x139: {  	[sflag:s8] =	ssyncadd.s32 $0xFFFF6000  }
0x13a: {  	_ =	swait.ge [sflag:s8], $0xA000  }
0x13b: {  	[sflag:s8] =	ssyncset.done $0x0  }
0x13c: {  	[sflag:s8] =	ssyncadd.s32 $0xFFFF6000  }
0x13d: {  	_ =	swait.ge [sflag:s8], $0xA000  }
0x13e: {  	[sflag:s8] =	ssyncset.done $0x0  }
0x13f: {  	[sflag:s8] =	ssyncadd.s32 $0xFFFF6000  }
0x140: {  	_ =	swait.ge [sflag:s8], $0xA000  }
0x141: {  	[sflag:s8] =	ssyncset.done $0x0  }
0x142: {  	[sflag:s8] =	ssyncadd.s32 $0xFFFF6000  }
0x143: {  	_ =	swait.ge [sflag:s8], $0xA000  }
0x144: {  	[sflag:s8] =	ssyncset.done $0x0  }
0x145: {  	[sflag:s8] =	ssyncadd.s32 $0xFFFF6000  }
0x146: {  	_ =	swait.ge [sflag:s8], $0xA000  }
0x147: {  	[sflag:s8] =	ssyncset.done $0x0  }
0x148: {  	[sflag:s8] =	ssyncadd.s32 $0xFFFF6000  }
0x149: {  	_ =	swait.ge [sflag:s8], $0xA000  }
0x14a: {  	[sflag:s8] =	ssyncset.done $0x0  }
0x14b: {  	s10 =	rddreg [dreg:$0x1d];
	[sflag:s8] =	ssyncadd.s32 $0xFFFF6000  }
0x14c: {  	[hbm4b:s10+s1] =	stream.linear.scatter [tilespmem:s0], [sflag:$0x4], $0xA000, $0x38;
	[tilespmem:$0x16880] =	vst v63  }
0x14d: {  	_ =	swait.ge [sflag:s2], $0xA000  }
0x14e: {  	[sflag:s2] =	ssyncset.done $0x0  }
0x14f: {  	[sflag:s2] =	ssyncadd.s32 $0xFFFF6000  }
0x150: {  	_ =	swait.ge [sflag:s7], $0xA000  }
0x151: {  	[sflag:s7] =	ssyncset.done $0x0  }
0x152: {  	[sflag:s7] =	ssyncadd.s32 $0xFFFF6000  }
0x153: {  	_ =	swait.ge [sflag:s7], $0xA000  }
0x154: {  	[sflag:s7] =	ssyncset.done $0x0  }
0x155: {  	[sflag:s7] =	ssyncadd.s32 $0xFFFF6000  }
0x156: {  	_ =	swait.ge [sflag:s7], $0xA000  }
0x157: {  	[sflag:s7] =	ssyncset.done $0x0  }
0x158: {  	[sflag:s7] =	ssyncadd.s32 $0xFFFF6000  }
0x159: {  	_ =	swait.ge [sflag:s7], $0xA000  }
0x15a: {  	[sflag:s7] =	ssyncset.done $0x0  }
0x15b: {  	[sflag:s7] =	ssyncadd.s32 $0xFFFF6000  }
0x15c: {  	_ =	swait.ge [sflag:s7], $0xA000  }
0x15d: {  	[sflag:s7] =	ssyncset.done $0x0  }
0x15e: {  	[sflag:s7] =	ssyncadd.s32 $0xFFFF6000  }
0x15f: {  	_ =	swait.ge [sflag:s7], $0xA000  }
0x160: {  	[sflag:s7] =	ssyncset.done $0x0  }
0x161: {  	[sflag:s7] =	ssyncadd.s32 $0xFFFF6000  }
0x162: {  	_ =	swait.ge [sflag:s7], $0xA000  }
0x163: {  	[sflag:s7] =	ssyncset.done $0x0  }
0x164: {  	[sflag:s7] =	ssyncadd.s32 $0xFFFF6000  }
0x165: {  	_ =	swait.ge [sflag:s7], $0xA000  }
0x166: {  	[sflag:s7] =	ssyncset.done $0x0  }
0x167: {  	[sflag:s7] =	ssyncadd.s32 $0xFFFF6000  }
0x168: {  	_ =	swait.ge [sflag:s7], $0xA000  }
0x169: {  	[sflag:s7] =	ssyncset.done $0x0  }
0x16a: {  	[sflag:s7] =	ssyncadd.s32 $0xFFFF6000  }
0x16b: {  	_ =	swait.ge [sflag:s7], $0xA000  }
0x16c: {  	[sflag:s7] =	ssyncset.done $0x0  }
0x16d: {  	s10 =	rddreg [dreg:$0x1e];
	[sflag:s7] =	ssyncadd.s32 $0xFFFF6000  }
0x16e: {  	[hbm4b:s10+s1] =	stream.linear.scatter [tilespmem:s6], [sflag:$0x4], $0xA000, $0x38;
	[tilespmem:$0x16880] =	vst v63  }
0x16f: {  	_ =	swait.ge [sflag:s2], $0xA000  }
0x170: {  	s3 =	sadd.s32 $0x1, s3;
	s10 =	rddreg [dreg:$0x1f]  }
0x171: {  	p0 =	sne.s32 s3, s10  }
.Ltmp3:
0x172: {  	_ = 	snop;
	(pc) =	sbr.rel @p0 .LBB2_1-.Ltmp3, $3  }
0x173: {  	_ =	sdelay $0x1  }
0x174: {  	[sflag:s2] =	ssyncset.done $0x0  }
0x175: {  	[sflag:s2] =	ssyncadd.s32 $0xFFFF6000  }
0x176: {  	_ =	sfence.sel $0x180000  }
0x177: {  	[bflag:$0x0] =	sbarrier.arrive $0xFFFF  }
0x178: {  	_ =	strace $0x9000004D  }
0x179: {  	s0 =	stileid.u32;
	[bflag:$0x2] =	sbarrier.arrive $0xFFFF  }
0x17a: {  	p0 =	sne.s32 s0, $0x0;
	s0 =	rddreg [dreg:$0x2]  }
0x17b: {  	s0 =	sadd.s32 @!p0 $0x100000, s0  }
0x17c: {  	[sflag:s0] =	ssyncadd.tile.s32 @!p0 $0x1;
	_ =	shalt  }
.Lfunc_end2:
_tile_overlayer_lowered:
.L_overlay_start_2:
0x17d: {  	(tag) =	ssettag $0x2  }
0x17e: {  	s0 =	rddreg [dreg:$0x0];
	s2 =	stileid.u32  }
0x17f: {  	s1 =	rddreg [dreg:$0x1];
	p0 =	sne.s32 s2, $0x0  }
0x180: {  	s3 =	rddreg [dreg:$0x2];
	[bflag:$0x3] =	sbarrier.arrive $0xFFFF;
	s2 =	simm.s32 @!p0 $0x1C04  }
0x181: {  	[timem:s3], [sflag:s2] =	dma.local @!p0 [hbm:s0], s1  }
0x182: {  	s0 =	simm.s32 @!p0 $0x4  }
0x183: {  	_ =	swait.ge @!p0 [sflag:s0], s1  }
0x184: {  	s1 =	ssub.s32 @!p0 $0x0, s1;
	[sflag:s0] =	ssyncset.done @!p0 $0x0  }
0x185: {  	[sflag:s0] =	ssyncadd.s32 @!p0 s1  }
0x186: {  	[bflag:$0x3] =	sbarrier.arrive $0xFFFF  }
0x187: {  	_ =	shalt  }

// kernel: kernel.8.cloned.1.call-start
scs
__scs_entry_jumppad:
0x0: {  	(pc) =	sbr.rel $0x88, $3  }
0x1: {  	(tag) =	ssettag $0x0;
	lr =	simm.s32 $0x1  }
0x2: {  	[smem:$0x3F94] =	sst lr;
	_ =	strace $0xD0000000  }
0x3: {  	_ = 	snop  }
0x4: {  	_ = 	snop  }
0x5: {  	_ = 	snop  }
0x6: {  	_ = 	snop  }
0x7: {  	_ = 	snop  }
__scs_overlays_trampoline_lowered:
0x8: {  	[smem:$0x3FA3] =	sst s0  }
0x9: {  	[smem:$0x3FA4] =	sst s1  }
0xa: {  	[smem:$0x3FA5] =	sst s2  }
0xb: {  	[smem:$0x3FA6] =	sst s3  }
0xc: {  	[smem:$0x3FA7] =	sst s4  }
0xd: {  	[smem:$0x3FA8] =	sst s5  }
0xe: {  	[smem:$0x3FA9] =	sst s6  }
0xf: {  	[smem:$0x3FAA] =	sst s7  }
0x10: {  	[smem:$0x3FAB] =	sst s8  }
0x11: {  	[smem:$0x3FAC] =	sst s9;
	s0 =	simm.s32 @!p0 $0x0  }
0x12: {  	s1 =	sld [smem:$0x3F92];
	s0 =	simm.s32 @p0 $0x1  }
0x13: {  	[smem:$0x3FAD] =	sst s0;
	s0 =	simm.s32 @!p1 $0x0  }
0x14: {  	s2 =	sld [smem:$0x3F91];
	s0 =	simm.s32 @p1 $0x1  }
0x15: {  	[smem:$0x3FAE] =	sst s0;
	s0 =	simm.s32 @!p2 $0x0  }
0x16: {  	s3 =	sld [smem:$0x3FDB];
	s0 =	simm.s32 @p2 $0x1  }
0x17: {  	s4 =	simm.s32 $0x1BF5;
	[smem:$0x3FB0] =	sst s0  }
0x18: {  	s0 =	sld [smem:$0x3F93];
	_ =	swait.ge [sflag:s4], $0x0  }
0x19: {  	s7 =	sld [smem:$0x3F94]  }
0x1a: {  	s8 =	sadd.s32 $0xFFFFE003, lr  }
0x1b: {  	s9 =	sadd.s32 $0xFFFFFEF7, lr;
	s5 =	simm.s32 $0xFFFFFFFF;
	p2 =	slt.u32 s8, $0xFFFFF086  }
0x1c: {  	p1 =	slt.u32 s9, $0xF7A;
	s5 =	simm.s32 @!p2 $0x0  }
0x1d: {  	s5 =	simm.s32 @p1 $0x1;
	p0 =	seq.s32 s7, s2  }
0x1e: {  	s7 =	smul.u32 @!p0 $0xF7A, s2;
	p2 =	seq.s32 @!p0 s5, $0x0  }
0x1f: {  	s9 =	smul.u32 $0xF7A, s1;
	s8 =	simm.s32 @!p0 $0x1BF5;
	p2 =	por !p2, p0  }
0x20: {  	[sflag:s8] =	ssyncset.s32 @!p0 $0xFFFFF086;
	s6 =	sadd.s32 @!p0 s3, s7;
	s7 =	simm.s32 @!p0 $0x108  }
0x21: {  	s3 =	sadd.s32 s3, s9;
	s6 =	sadd.s32 @!p0 $0x88, s6;
	s7 =	simm.s32 @p2 $0x1082  }
0x22: {  	[simem:s7], [sflag:s8] =	dma.local @!p0 [hbm:s6], $0xF7A  }
0x23: {  	s9 =	sor.u32 $0xD0000000, s2;
	s6 =	simm.s32 $0x108;
	_ =	swait.ge @!p0 [sflag:s8], $0x0  }
0x24: {  	s3 =	sadd.s32 $0x88, s3;
	s6 =	simm.s32 @!p1 $0x1082;
	[sflag:s4] =	ssyncset.s32 $0xFFFFF086  }
0x25: {  	[simem:s6], [sflag:s4] =	dma.local [hbm:s3], $0xF7A  }
0x26: {  	[smem:$0x3F94] =	sst s1;
	(tag) =	ssettag s2;
	_ =	strace s9  }
0x27: {  	s1 =	sld [smem:$0x3FA4]  }
0x28: {  	s2 =	sld [smem:$0x3FA5]  }
0x29: {  	s4 =	sld [smem:$0x3FA7]  }
0x2a: {  	p0 =	seq.s32 s5, $0x0;
	s5 =	sld [smem:$0x3FA8]  }
0x2b: {  	s6 =	sld [smem:$0x3FA9]  }
0x2c: {  	s7 =	sld [smem:$0x3FAA]  }
0x2d: {  	s3 =	simm.s32 $0x108;
	s8 =	sld [smem:$0x3FAB]  }
0x2e: {  	s3 =	simm.s32 @!p0 $0x1082;
	s9 =	sld [smem:$0x3FAC]  }
0x2f: {  	lr =	sadd.s32 s0, s3;
	s0 =	sld [smem:$0x3FA3]  }
0x30: {  	s3 =	sld [smem:$0x3FA6]  }
0x31: {  	[smem:$0x3FAF] =	sst s10  }
0x32: {  	s10 =	sld [smem:$0x3FAD];
	_ =	sdelay $0x3  }
0x33: {  	p0 =	seq.s32 s10, $0x1;
	s10 =	sld [smem:$0x3FAF];
	_ =	sdelay $0x3  }
0x34: {  	[smem:$0x3FAF] =	sst s10  }
0x35: {  	s10 =	sld [smem:$0x3FAE];
	_ =	sdelay $0x3  }
0x36: {  	p1 =	seq.s32 s10, $0x1;
	s10 =	sld [smem:$0x3FAF];
	_ =	sdelay $0x3  }
0x37: {  	[smem:$0x3FAF] =	sst s10  }
0x38: {  	s10 =	sld [smem:$0x3FB0]  }
0x39: {  	_ = 	snop;
	(pc) =	sbr.ind lr, $3  }
0x3a: {  	_ = 	snop  }
0x3b: {  	_ = 	snop  }
0x3c: {  	p2 =	seq.s32 s10, $0x1;
	s10 =	sld [smem:$0x3FAF]  }
0x3d: {  	_ =	shalt  }
0x3e: {  	_ =	shalt  }
0x3f: {  	_ =	shalt  }
0x40: {  	_ =	shalt  }
0x41: {  	_ =	shalt  }
0x42: {  	_ =	shalt  }
0x43: {  	_ =	shalt  }
0x44: {  	_ =	shalt  }
0x45: {  	_ =	shalt  }
0x46: {  	_ =	shalt  }
0x47: {  	_ =	shalt  }
0x48: {  	_ =	shalt  }
0x49: {  	_ =	shalt  }
0x4a: {  	_ =	shalt  }
0x4b: {  	_ =	shalt  }
0x4c: {  	_ =	shalt  }
0x4d: {  	_ =	shalt  }
0x4e: {  	_ =	shalt  }
0x4f: {  	_ =	shalt  }
0x50: {  	_ =	shalt  }
0x51: {  	_ =	shalt  }
0x52: {  	_ =	shalt  }
0x53: {  	_ =	shalt  }
0x54: {  	_ =	shalt  }
0x55: {  	_ =	shalt  }
0x56: {  	_ =	shalt  }
0x57: {  	_ =	shalt  }
0x58: {  	_ =	shalt  }
0x59: {  	_ =	shalt  }
0x5a: {  	_ =	shalt  }
0x5b: {  	_ =	shalt  }
0x5c: {  	_ =	shalt  }
0x5d: {  	_ =	shalt  }
0x5e: {  	_ =	shalt  }
0x5f: {  	_ =	shalt  }
0x60: {  	_ =	shalt  }
0x61: {  	_ =	shalt  }
0x62: {  	_ =	shalt  }
0x63: {  	_ =	shalt  }
0x64: {  	_ =	shalt  }
0x65: {  	_ =	shalt  }
0x66: {  	_ =	shalt  }
0x67: {  	_ =	shalt  }
0x68: {  	_ =	shalt  }
0x69: {  	_ =	shalt  }
0x6a: {  	_ =	shalt  }
0x6b: {  	_ =	shalt  }
0x6c: {  	_ =	shalt  }
0x6d: {  	_ =	shalt  }
0x6e: {  	_ =	shalt  }
0x6f: {  	_ =	shalt  }
0x70: {  	_ =	shalt  }
0x71: {  	_ =	shalt  }
0x72: {  	_ =	shalt  }
0x73: {  	_ =	shalt  }
0x74: {  	_ =	shalt  }
0x75: {  	_ =	shalt  }
0x76: {  	_ =	shalt  }
0x77: {  	_ =	shalt  }
0x78: {  	_ =	shalt  }
0x79: {  	_ =	shalt  }
0x7a: {  	_ =	shalt  }
0x7b: {  	_ =	shalt  }
0x7c: {  	_ =	shalt  }
0x7d: {  	_ =	shalt  }
0x7e: {  	_ =	shalt  }
0x7f: {  	_ =	shalt  }
0x80: {  	_ =	shalt  }
0x81: {  	_ =	shalt  }
0x82: {  	_ =	shalt  }
0x83: {  	_ =	shalt  }
0x84: {  	_ =	shalt  }
0x85: {  	_ =	shalt  }
0x86: {  	_ =	shalt  }
0x87: {  	_ =	shalt  }
.Lfunc_end0:
.L_simem_size_0:
called_computation_lowered:
.L_overlay_start_0:
0x88: {  	s2 =	sld [smem:$0x3FD9]  }
0x89: {  	s3 =	sld [smem:$0x3FFE];
	_ =	sdelay $0x1  }
0x8a: {  	s1 =	srdreg.scid  }
0x8b: {  	s0 =	sand.u32 $0x1, s1  }
0x8c: {  	s17 =	sshll.u32 s0, $0xA;
	s2 =	sadd.s32 s3, s2  }
0x8d: {  	s2 =	sadd.s32 s2, s17  }
0x8e: {  	[smem:$0x3FBB] =	sst s2  }
0x8f: {  	_ = 	snop  }
0x90: {  	s2 =	sld [smem:$0x3FC9]  }
0x91: {  	s18 =	sld [smem:$0x3FD0];
	(tm) =	ssettm $0x1  }
0x92: {  	s4 =	sld [smem:$0x3FFB];
	_ =	sdelay $0x3  }
0x93: {  	_ =	strace s4  }
0x94: {  	s4 =	sld [smem:$0x3FFC];
	_ =	sdelay $0x3  }
0x95: {  	_ =	strace s4  }
0x96: {  	s4 =	sld [smem:$0x3FFD];
	_ =	sdelay $0x3  }
0x97: {  	_ =	strace s4  }
0x98: {  	_ =	strace $0x8FFFFFFF  }
0x99: {  	s19 =	sld [smem:$0x3FDB];
	_ =	sdelay $0x1  }
0x9a: {  	s5 =	simm.s32 $_scs_section_size  }
0x9b: {  	s6 =	simm.s32 $_size__tile_overlayer_lowered;
	s7 =	simm.s32 $_tile_overlayer_lowered  }
0x9c: {  	s22 =	simm.s32 $0x1BFF;
	s21 =	sshll.u32 s7, $0x1;
	s4 =	sadd.s32 s5, s19  }
0x9d: {  	s8 =	simm.s32 $0x0;
	s20 =	sshll.u32 s6, $0x1;
	s6 =	sadd.s32 s21, s4  }
0x9e: {  	[timem:s8], [sflag:s22] =	dma.local [hbm:s6], s20  }
0x9f: {  	_ =	swait.ge [sflag:s22], s20  }
0xa0: {  	s5 =	ssub.s32 $0x0, s20;
	[sflag:s22] =	ssyncset.done $0x0  }
0xa1: {  	[sflag:s22] =	ssyncadd.s32 s5;
	_ =	sdelay $0x1  }
0xa2: {  	s23 =	simm.s32 $0x1B8B  }
0xa3: {  	_ =	swait.ge [sflag:s23], $0x1  }
0xa4: {  	[sflag:s23] =	ssyncset.done $0x0  }
0xa5: {  	s25 =	simm.s32 $0x1B8E;
	s24 =	sld [smem:$0x3FFE];
	[sflag:s23] =	ssyncadd.s32 $0xFFFFFFFF  }
0xa6: {  	s26 =	simm.s32 $execute0_lowered;
	[smem:$0x3FD2] =	sst s25  }
0xa7: {  	s6 =	sshll.u32 s26, $0x1;
	_ =	strace $0x80000046;
	[dreg:$0x1] =	wrdreg $0xFFFFFFFF  }
0xa8: {  	s28 =	simm.s32 $_size_execute0_lowered;
	s4 =	sadd.s32 s4, s6;
	[dreg:$0x0] =	wrdreg $0x0  }
0xa9: {  	s6 =	sshll.u32 s28, $0x1;
	[dreg:$0x2] =	wrdreg s4  }
0xaa: {  	[dreg:$0x3] =	wrdreg s6  }
0xab: {  	[dreg:$0x4] =	wrdreg $0xC0  }
0xac: {  	_ =	task [dreg:s8], $0x5FFFF  }
0xad: {  	[dreg:$0x1] =	wrdreg $0xFFFFFFFF  }
0xae: {  	[dreg:$0x0] =	wrdreg $0x60  }
0xaf: {  	[dreg:$0x2] =	wrdreg s2  }
0xb0: {  	[dreg:$0x3] =	wrdreg s24  }
0xb1: {  	[dreg:$0x4] =	wrdreg s18  }
0xb2: {  	[dreg:$0x5] =	wrdreg $0x9  }
0xb3: {  	_ =	task.clear_ibuf [dreg:s8], $0x6FFFF;
	_ =	strace $0x90000046  }
0xb4: {  	s29 =	simm.s32 $0x9;
	_ =	strace $0x80000048  }
0xb5: {  	_ =	swait.ge [sflag:s29], $0x1  }
0xb6: {  	[sflag:s29] =	ssyncadd.s32 $0xFFFFFFFF  }
0xb7: {  	_ =	strace $0x90000048  }
0xb8: {  	_ =	sfence  }
0xb9: {  	s30 =	sld [smem:$0x0];
	_ =	sdelay $0x2  }
0xba: {  	s31 =	sshll.u32 s1, $0xD;
	s1 =	sshrl.u32 s1, $0x2  }
0xbb: {  	s3 =	sand.u32 $0x4000, s31;
	s1 =	sadd.s32 s1, s30  }
0xbc: {  	s0 =	sor.u32 s3, s0;
	s1 =	sshll.u32 s1, $0x11  }
0xbd: {  	s0 =	sor.u32 s1, s0  }
0xbe: {  	s0 =	sadd.s32 $0x8F2B, s0  }
0xbf: {  	[sflag:s0] =	ssyncadd.remote.s32 $0x1  }
0xc0: {  	_ =	sfence.sel $0xFFFF  }
0xc1: {  	[dreg:$0x0] =	wrdreg $0xFFFFFFFF;
	(pc) =	sbr.abs _section_cstart, $3  }
0xc2: {  	[dreg:$0x1] =	wrdreg $0xFFFFFFFF  }
0xc3: {  	_ =	task.clear_ibuf [dreg:s8], $0x2FFFF;
	_ =	strace $0x9FFFFFFF  }
0xc4: {  	(tm) =	ssettm $0x7FFFFFFF  }
0xc5: {  	_ =	shalt  }
tec
execute0_lowered:
.L_overlay_start_1:
0x0: {  	(tag) =	ssettag $0x1  }
0x1: {  	s2 =	srdreg.scid;
	s1 =	rddreg [dreg:$0x0]  }
0x2: {  	s0 =	stileid.u32;
	s5 =	rddreg [dreg:$0x1]  }
0x3: {  	s12 =	rddreg [dreg:$0x2];
	s3 =	simm.s32 $0x0;
	s16 =	simm.s32 $0x480  }
0x4: {  	s17 =	simm.s32 $0x600;
	s18 =	simm.s32 $0x780;
	s19 =	simm.s32 $0x1  }
0x5: {  	s20 =	simm.s32 $0x140;
	s21 =	simm.s32 $0x900;
	s22 =	simm.s32 $0xA900  }
0x6: {  	s23 =	simm.s32 $0x2;
	s24 =	simm.s32 $0x4;
	s25 =	simm.s32 $0x3  }
0x7: {  	s4 =	sand.u32 $0x1, s2;
	s26 =	sshll.u32 s0, $0x1;
	s2 =	rddreg [dreg:$0x3]  }
0x8: {  	[smem:$0x7FF] =	sst s3;
	s8 =	sadd.s32 $0x3000, s5;
	s6 =	sor.u32 s4, s26  }
0x9: {  	s9 =	sadd.s32 $0x2000, s5;
	s4 =	ssub.s32 $0x2, s4;
	s10 =	smul.u32 $0x140, s6  }
0xa: {  	_ =	strace $0x80000047;
	p0 =	seq.s32 s6, $0x1F;
	s29 =	sshrl.u32 s4, $0x1  }
0xb: {  	s26 =	simm.s32 $0x0;
	s13 =	ssub.s32 s4, s29;
	s10 =	simm.s32 @p0 $0x25D0  }
0xc: {  	s13 =	smax.u32 s13, $0x1;
	s7 =	sshrl.u32 s10, $0x3;
	s11 =	sadd.s32 $0x2710, s10  }
0xd: {  	s15 =	sadd.s32 $0x4E20, s10;
	s10 =	sshll.u32 s10, $0x4;
	s28 =	sadd.s32 s7, s5  }
0xe: {  	s14 =	sshrl.u32 s11, $0x3;
	s5 =	sadd.s32 s8, s7;
	s7 =	sadd.s32 s9, s7  }
0xf: {  	s30 =	sshrl.u32 s15, $0x3;
	s11 =	sshll.u32 s11, $0x4;
	s10 =	sadd.s32 s12, s10  }
0x10: {  	s31 =	sshll.u32 s15, $0x4;
	s15 =	simm.s32 $0x300;
	s4 =	sadd.s32 $0x3A00, s28  }
0x11: {  	s6 =	sadd.s32 s8, s14;
	s8 =	sadd.s32 s9, s14;
	s9 =	sadd.s32 s9, s30  }
0x12: {  	v0 =	vimm.f32 $0.0e+00;
	s11 =	sadd.s32 s12, s11;
	s12 =	sadd.s32 s12, s31;
	s14 =	simm.s32 $0x180  }
.LBB2_1:
0x13: {  	[tilespmem:s3], [sflag:$0x1] =	stream.linear.gather [hbm4b:s4+s3], $0x140, $0x38;
	[tilespmem:$0x14900] =	vst v63  }
0x14: {  	_ = 	snop  }
0x15: {  	[tilespmem:s14], [sflag:$0x1] =	stream.linear.gather [hbm4b:s5+s3], $0x140, $0x38;
	[tilespmem:$0x14900] =	vst v63  }
0x16: {  	_ = 	snop  }
0x17: {  	[tilespmem:s15], [sflag:$0x1] =	stream.linear.gather [hbm4b:s6+s3], $0x140, $0x38;
	[tilespmem:$0x14900] =	vst v63  }
0x18: {  	_ = 	snop  }
0x19: {  	[tilespmem:s16], [sflag:$0x1] =	stream.linear.gather [hbm4b:s7+s3], $0x140, $0x38;
	[tilespmem:$0x14900] =	vst v63  }
0x1a: {  	_ = 	snop  }
0x1b: {  	[tilespmem:s17], [sflag:$0x1] =	stream.linear.gather [hbm4b:s8+s3], $0x140, $0x38;
	[tilespmem:$0x14900] =	vst v63  }
0x1c: {  	_ = 	snop  }
0x1d: {  	[tilespmem:s18], [sflag:$0x1] =	stream.linear.gather [hbm4b:s9+s3], $0x140, $0x38;
	[tilespmem:$0x14900] =	vst v63  }
0x1e: {  	_ =	swait.ge [sflag:s19], $0x140  }
0x1f: {  	[sflag:s19] =	ssyncset.done $0x0  }
0x20: {  	[sflag:s19] =	ssyncadd.s32 $0xFFFFFEC0  }
0x21: {  	_ =	swait.ge [sflag:s19], $0x140  }
0x22: {  	[sflag:s19] =	ssyncset.done $0x0  }
0x23: {  	[sflag:s19] =	ssyncadd.s32 $0xFFFFFEC0  }
0x24: {  	_ =	swait.ge [sflag:s19], $0x140  }
0x25: {  	[sflag:s19] =	ssyncset.done $0x0  }
0x26: {  	[sflag:s19] =	ssyncadd.s32 $0xFFFFFEC0  }
0x27: {  	_ =	swait.ge [sflag:s19], $0x140  }
0x28: {  	[sflag:s19] =	ssyncset.done $0x0  }
0x29: {  	[sflag:s19] =	ssyncadd.s32 $0xFFFFFEC0  }
0x2a: {  	_ =	swait.ge [sflag:s19], $0x140  }
0x2b: {  	[sflag:s19] =	ssyncset.done $0x0  }
0x2c: {  	[sflag:s19] =	ssyncadd.s32 $0xFFFFFEC0  }
0x2d: {  	_ =	swait.ge [sflag:s19], $0x140  }
0x2e: {  	[sflag:s19] =	ssyncset.done $0x0  }
0x2f: {  	s28 =	simm.s32 $0x0;
	s29 =	simm.s32 $0x200;
	[sflag:s19] =	ssyncadd.s32 $0xFFFFFEC0  }
.LBB2_2:
0x30: {  	p0 =	sne.s32 s29, $0x27E00;
	[tilespmem:s28+$0x970] =	vst v0  }
0x31: {  	[tilespmem:s28+$0x900] =	vst v0  }
0x32: {  	[tilespmem:s28+$0x910] =	vst v0  }
.Ltmp0:
0x33: {  	[tilespmem:s28+$0x920] =	vst v0;
	(pc) =	sbr.rel @p0 .LBB2_2-.Ltmp0, $4  }
0x34: {  	[tilespmem:s28+$0x930] =	vst v0  }
0x35: {  	[tilespmem:s28+$0x940] =	vst v0  }
0x36: {  	[tilespmem:s28+$0x950] =	vst v0  }
0x37: {  	[tilespmem:s28+$0x960] =	vst v0;
	s28 =	sshra.s32 s29, $0x2;
	s29 =	sadd.s32 $0x200, s29  }
0x38: {  	[tilespmem:s28+$0x970] =	vst v0  }
0x39: {  	[tilespmem:s28+$0x900] =	vst v0  }
0x3a: {  	[tilespmem:s28+$0x910] =	vst v0  }
0x3b: {  	[tilespmem:s28+$0x920] =	vst v0  }
0x3c: {  	[tilespmem:s28+$0x930] =	vst v0  }
0x3d: {  	[tilespmem:s28+$0x940] =	vst v0  }
0x3e: {  	[tilespmem:s28+$0x950] =	vst v0  }
0x3f: {  	[tilespmem:s28+$0x960] =	vst v0;
	s28 =	simm.s32 $0x0  }
0x40: {  	[tilespmem:s21], [sflag:$0x2] =	stream.indirect.gather.add.f32 [hbm:s1], $0x80, s28, s20, $0xb8;
	[tilespmem:$0x14900] =	vst v63  }
0x41: {  	s29 =	simm.s32 $0x200;
	s28 =	simm.s32 $0x0  }
.LBB2_4:
0x42: {  	p0 =	sne.s32 s29, $0x27E00;
	[tilespmem:s28+$0xA970] =	vst v0  }
0x43: {  	[tilespmem:s28+$0xA900] =	vst v0  }
0x44: {  	[tilespmem:s28+$0xA910] =	vst v0  }
.Ltmp1:
0x45: {  	[tilespmem:s28+$0xA920] =	vst v0;
	(pc) =	sbr.rel @p0 .LBB2_4-.Ltmp1, $4  }
0x46: {  	[tilespmem:s28+$0xA930] =	vst v0  }
0x47: {  	[tilespmem:s28+$0xA940] =	vst v0  }
0x48: {  	[tilespmem:s28+$0xA950] =	vst v0  }
0x49: {  	[tilespmem:s28+$0xA960] =	vst v0;
	s28 =	sshra.s32 s29, $0x2;
	s29 =	sadd.s32 $0x200, s29  }
0x4a: {  	[tilespmem:s28+$0xA970] =	vst v0  }
0x4b: {  	[tilespmem:s28+$0xA900] =	vst v0  }
0x4c: {  	[tilespmem:s28+$0xA910] =	vst v0  }
0x4d: {  	[tilespmem:s28+$0xA920] =	vst v0  }
0x4e: {  	[tilespmem:s28+$0xA930] =	vst v0  }
0x4f: {  	[tilespmem:s28+$0xA940] =	vst v0  }
0x50: {  	[tilespmem:s28+$0xA950] =	vst v0  }
0x51: {  	[tilespmem:s28+$0xA960] =	vst v0  }
0x52: {  	[tilespmem:s22], [sflag:$0x3] =	stream.indirect.gather.add.f32 [hbm:s1], $0x80, s14, s20, $0xb8;
	[tilespmem:$0x14900] =	vst v63  }
0x53: {  	_ = 	snop  }
0x54: {  	[tilespmem:s22], [sflag:$0x3] =	stream.indirect.gather.add.f32 [hbm:s1], $0x80, s15, s20, $0xb8;
	[tilespmem:$0x14900] =	vst v63  }
0x55: {  	_ =	swait.ge [sflag:s23], $0xA000  }
0x56: {  	[sflag:s23] =	ssyncset.done $0x0  }
0x57: {  	s28 =	simm.s32 $0x0;
	[sflag:s23] =	ssyncadd.s32 $0xFFFF6000  }
0x58: {  	[hbm4b:s10+s28] =	stream.linear.scatter [tilespmem:s21], [sflag:$0x4], $0xA000, $0x38;
	[tilespmem:$0x14900] =	vst v63  }
0x59: {  	_ =	swait.ge [sflag:s24], $0xA000  }
0x5a: {  	[sflag:s24] =	ssyncset.done $0x0  }
0x5b: {  	s29 =	simm.s32 $0x200;
	s28 =	simm.s32 $0x0;
	[sflag:s24] =	ssyncadd.s32 $0xFFFF6000  }
.LBB2_6:
0x5c: {  	p0 =	sne.s32 s29, $0x27E00;
	[tilespmem:s28+$0x970] =	vst v0  }
0x5d: {  	[tilespmem:s28+$0x900] =	vst v0  }
0x5e: {  	[tilespmem:s28+$0x910] =	vst v0  }
.Ltmp2:
0x5f: {  	[tilespmem:s28+$0x920] =	vst v0;
	(pc) =	sbr.rel @p0 .LBB2_6-.Ltmp2, $4  }
0x60: {  	[tilespmem:s28+$0x930] =	vst v0  }
0x61: {  	[tilespmem:s28+$0x940] =	vst v0  }
0x62: {  	[tilespmem:s28+$0x950] =	vst v0  }
0x63: {  	[tilespmem:s28+$0x960] =	vst v0;
	s28 =	sshra.s32 s29, $0x2;
	s29 =	sadd.s32 $0x200, s29  }
0x64: {  	[tilespmem:s28+$0x970] =	vst v0  }
0x65: {  	[tilespmem:s28+$0x900] =	vst v0  }
0x66: {  	[tilespmem:s28+$0x910] =	vst v0  }
0x67: {  	[tilespmem:s28+$0x920] =	vst v0  }
0x68: {  	[tilespmem:s28+$0x930] =	vst v0  }
0x69: {  	[tilespmem:s28+$0x940] =	vst v0  }
0x6a: {  	[tilespmem:s28+$0x950] =	vst v0  }
0x6b: {  	[tilespmem:s28+$0x960] =	vst v0  }
0x6c: {  	[tilespmem:s21], [sflag:$0x2] =	stream.indirect.gather.add.f32 [hbm:s1], $0x80, s16, s20, $0xb8;
	[tilespmem:$0x14900] =	vst v63  }
0x6d: {  	_ = 	snop  }
0x6e: {  	[tilespmem:s21], [sflag:$0x2] =	stream.indirect.gather.add.f32 [hbm:s1], $0x80, s17, s20, $0xb8;
	[tilespmem:$0x14900] =	vst v63  }
0x6f: {  	_ = 	snop  }
0x70: {  	[tilespmem:s21], [sflag:$0x2] =	stream.indirect.gather.add.f32 [hbm:s1], $0x80, s18, s20, $0xb8;
	[tilespmem:$0x14900] =	vst v63  }
0x71: {  	_ =	swait.ge [sflag:s25], $0xA000  }
0x72: {  	[sflag:s25] =	ssyncset.done $0x0  }
0x73: {  	[sflag:s25] =	ssyncadd.s32 $0xFFFF6000  }
0x74: {  	_ =	swait.ge [sflag:s25], $0xA000  }
0x75: {  	[sflag:s25] =	ssyncset.done $0x0  }
0x76: {  	[sflag:s25] =	ssyncadd.s32 $0xFFFF6000  }
0x77: {  	[hbm4b:s11+s3] =	stream.linear.scatter [tilespmem:s22], [sflag:$0x4], $0xA000, $0x38;
	[tilespmem:$0x14900] =	vst v63  }
0x78: {  	_ =	swait.ge [sflag:s24], $0xA000  }
0x79: {  	[sflag:s24] =	ssyncset.done $0x0  }
0x7a: {  	[sflag:s24] =	ssyncadd.s32 $0xFFFF6000  }
0x7b: {  	_ =	swait.ge [sflag:s23], $0xA000  }
0x7c: {  	[sflag:s23] =	ssyncset.done $0x0  }
0x7d: {  	[sflag:s23] =	ssyncadd.s32 $0xFFFF6000  }
0x7e: {  	_ =	swait.ge [sflag:s23], $0xA000  }
0x7f: {  	[sflag:s23] =	ssyncset.done $0x0  }
0x80: {  	[sflag:s23] =	ssyncadd.s32 $0xFFFF6000  }
0x81: {  	s26 =	sadd.s32 $0x1, s26;
	_ =	swait.ge [sflag:s23], $0xA000  }
0x82: {  	p0 =	sne.s32 s26, s13;
	[sflag:s23] =	ssyncset.done $0x0  }
.Ltmp3:
0x83: {  	[sflag:s23] =	ssyncadd.s32 $0xFFFF6000;
	(pc) =	sbr.rel @p0 .LBB2_1-.Ltmp3, $4  }
0x84: {  	[hbm4b:s12+s3] =	stream.linear.scatter [tilespmem:s21], [sflag:$0x4], $0xA000, $0x38;
	[tilespmem:$0x14900] =	vst v63  }
0x85: {  	_ =	swait.ge [sflag:s24], $0xA000  }
0x86: {  	[sflag:s24] =	ssyncset.done $0x0  }
0x87: {  	[sflag:s24] =	ssyncadd.s32 $0xFFFF6000  }
0x88: {  	_ =	sfence.sel $0x180000  }
0x89: {  	[bflag:$0x0] =	sbarrier.arrive $0xFFFF  }
0x8a: {  	p0 =	sne.s32 s0, $0x0;
	_ =	strace $0x90000047  }
0x8b: {  	s0 =	sadd.s32 @!p0 $0x100000, s2;
	[bflag:$0x2] =	sbarrier.arrive $0xFFFF  }
0x8c: {  	[sflag:s0] =	ssyncadd.tile.s32 @!p0 $0x1;
	_ =	shalt  }
.Lfunc_end2:
_tile_overlayer_lowered:
.L_overlay_start_2:
0x8d: {  	(tag) =	ssettag $0x2  }
0x8e: {  	s0 =	rddreg [dreg:$0x0];
	s2 =	stileid.u32  }
0x8f: {  	s1 =	rddreg [dreg:$0x1];
	p0 =	sne.s32 s2, $0x0  }
0x90: {  	s3 =	rddreg [dreg:$0x2];
	[bflag:$0x3] =	sbarrier.arrive $0xFFFF;
	s2 =	simm.s32 @!p0 $0x1C04  }
0x91: {  	[timem:s3], [sflag:s2] =	dma.local @!p0 [hbm:s0], s1  }
0x92: {  	s0 =	simm.s32 @!p0 $0x4  }
0x93: {  	_ =	swait.ge @!p0 [sflag:s0], s1  }
0x94: {  	s1 =	ssub.s32 @!p0 $0x0, s1;
	[sflag:s0] =	ssyncset.done @!p0 $0x0  }
0x95: {  	[sflag:s0] =	ssyncadd.s32 @!p0 s1  }
0x96: {  	[bflag:$0x3] =	sbarrier.arrive $0xFFFF  }
0x97: {  	_ =	shalt  }

</sc_bundles>
